<compile_context>
chip_gen: v7x
topology: tpu7x:2x2x1
jax: 0.10.2.dev20260603
libtpu: 0.0.44.dev20260713+nightly
codegen_flags: <defaults>
</compile_context>

<pallas_src>
import functools

import jax
import jax.numpy as jnp
from jax import lax
from jax.experimental import pallas as pl
from jax.experimental.pallas import tpu as pltpu
from jax.experimental.pallas import tpu_sc as plsc

B = 8
L = 512
H = 16
NUM_EMB = 514
SUPER = NUM_EMB - 1
TS = 520
R = 4
IPB = L // R
ITEM = R * L
N_ITEMS = B * IPB
CHUNKS = ITEM // 16
CPR = L // 16


def _sc_lookup(edge_flat, wt_flat, n_workers):
    per_w = N_ITEMS // n_workers

    @functools.partial(
        pl.kernel,
        mesh=plsc.VectorSubcoreMesh(core_axis_name="c", subcore_axis_name="s"),
        compiler_params=pltpu.CompilerParams(needs_layout_passes=False),
        out_type=jax.ShapeDtypeStruct((B * H, L * L), jnp.float32),
        scratch_types=[
            pltpu.VMEM((H * TS,), jnp.float32),
            pltpu.VMEM((ITEM,), jnp.int32),
            pltpu.VMEM((ITEM,), jnp.int32),
            pltpu.VMEM((H, ITEM), jnp.float32),
            pltpu.VMEM((H, ITEM), jnp.float32),
            pltpu.SemaphoreType.DMA,
            pltpu.SemaphoreType.DMA,
            pltpu.SemaphoreType.DMA,
            pltpu.SemaphoreType.DMA,
        ],
    )
    def k(edge_hbm, wt_hbm, out_hbm, wt_v, ib0, ib1, ob0, ob1,
          si0, si1, so0, so1):
        nc = 2
        wid = lax.axis_index("s") * nc + lax.axis_index("c")
        base_item = wid * per_w
        lane0 = lax.iota(jnp.int32, 16) == 0
        super_vec = jnp.full((16,), SUPER, jnp.int32)

        def in_copy(it, buf, sem):
            item = base_item + it
            return pltpu.make_async_copy(
                edge_hbm.at[pl.ds(item * ITEM, ITEM)], buf, sem)

        def out_copy(it, buf, sem):
            item = base_item + it
            b = item // IPB
            blk = item % IPB
            return pltpu.make_async_copy(
                buf,
                out_hbm.at[pl.ds(b * H, H), pl.ds(blk * ITEM, ITEM)],
                sem)

        def compute(it, ibuf, obuf):
            item = base_item + it

            for r in range(R):
                v = ibuf[pl.ds(r * L, 16)]
                ibuf[pl.ds(r * L, 16)] = jnp.where(lane0, SUPER, v)

            @pl.when((item % IPB) == 0)
            def _():
                @plsc.parallel_loop(0, CPR, unroll=4)
                def _(c):
                    ibuf[pl.ds(c * 16, 16)] = super_vec

            @plsc.parallel_loop(0, CHUNKS, unroll=4)
            def _(c):
                pos = ibuf[pl.ds(c * 16, 16)]
                for h in range(H):
                    obuf[h, pl.ds(c * 16, 16)] = plsc.load_gather(
                        wt_v, [pos + h * TS])

        def step(it, ibuf, obuf, si, so, first=False, prefetch=True):
            in_copy(it, ibuf, si).wait()
            if not first:
                out_copy(it - 2, obuf, so).wait()
            compute(it, ibuf, obuf)
            out_copy(it, obuf, so).start()
            if prefetch:
                in_copy(it + 2, ibuf, si).start()

        pltpu.sync_copy(wt_hbm, wt_v)
        in_copy(0, ib0, si0).start()
        in_copy(1, ib1, si1).start()

        step(0, ib0, ob0, si0, so0, first=True)
        step(1, ib1, ob1, si1, so1, first=True)

        def loop_body(t, carry):
            step(2 * t, ib0, ob0, si0, so0)
            step(2 * t + 1, ib1, ob1, si1, so1)
            return carry

        lax.fori_loop(1, per_w // 2 - 1, loop_body, 0)

        step(per_w - 2, ib0, ob0, si0, so0, prefetch=False)
        step(per_w - 1, ib1, ob1, si1, so1, prefetch=False)

        out_copy(per_w - 2, ob0, so0).wait()
        out_copy(per_w - 1, ob1, so1).wait()

    return k(edge_flat, wt_flat)


def kernel(edge_dist, W):
    info = plsc.get_sparse_core_info()
    n_workers = info.num_cores * info.num_subcores
    wt = jnp.zeros((H, TS), jnp.float32).at[:, :NUM_EMB].set(W.T)
    out2 = _sc_lookup(edge_dist.reshape(-1), wt.reshape(-1), n_workers)
    return out2.reshape(B, H, L, L)

# --- scband reference (transcript-rebuilt; emitter-appended) ---
"""Pipeline reference for scband-graph-attn-edge-bias-74981539054036 (READ-ONLY COPY).

The authoritative reference and input builder live on the scoring server;
editing this copy changes nothing except your own understanding.
"""

import jax, jax.numpy as jnp
import numpy as np

NUM_HEADS = 16
NUM_EDGES = 512
NUM_EMB = NUM_EDGES + 1 + 1  # +1 padding, +1 super-node
B, L = 8, 512


def setup_inputs(seed: int = 0) -> dict:
    key = jax.random.key(seed)
    k1, k2 = jax.random.split(key)
    edge_dist = jax.random.randint(k1, (B, L, L), 0, NUM_EDGES)
    # xavier_uniform init for embedding table [NUM_EMB, NUM_HEADS]
    bound = float(np.sqrt(6.0 / (NUM_EMB + NUM_HEADS)))
    W = jax.random.uniform(k2, (NUM_EMB, NUM_HEADS), minval=-bound, maxval=bound, dtype=jnp.float32)
    return {"edge_dist": edge_dist, "W": W}


def reference(edge_dist, W):
    # _prepare_edge_dist: pos is already 3D [B, L, L]
    pos = edge_dist
    # edge_type == 'simple' -> no clamp
    # _inject_super_node_index: row 0 and col 0 map to super-node index
    mask = jnp.zeros(pos.shape, dtype=bool)
    mask = mask.at[:, 0, :].set(True)
    mask = mask.at[:, :, 0].set(True)
    super_idx = NUM_EMB - 1
    pos = jnp.where(mask, super_idx, pos)
    # embedding lookup: gather rows of W -> [B, L, L, H]
    bias = jnp.take(W, pos, axis=0)
    # permute(0, 3, 1, 2) -> [B, H, L, L]
    return jnp.transpose(bias, (0, 3, 1, 2))

if __name__ == "__main__":
    import jax
    _d = setup_inputs()
    print(jax.jit(kernel)(*tuple(_d.values())))

</pallas_src>

<mosaic_0001>
#map = affine_map<(d0, d1) -> (0)>
#map1 = affine_map<(d0, d1) -> (0, 0)>
module attributes {stable_mosaic.version = 14 : i64} {
  func.func @k(%arg0: i32, %arg1: i32, %arg2: memref<2097152xi32, #tpu.memory_space<hbm>>, %arg3: memref<8320xf32, #tpu.memory_space<hbm>>, %arg4: memref<128x262144xf32, #tpu.memory_space<hbm>>, %arg5: memref<8320xf32, #tpu.memory_space<vmem>>, %arg6: memref<2048xi32, #tpu.memory_space<vmem>>, %arg7: memref<2048xi32, #tpu.memory_space<vmem>>, %arg8: memref<16x2048xf32, #tpu.memory_space<vmem>>, %arg9: memref<16x2048xf32, #tpu.memory_space<vmem>>, %arg10: memref<!tpu.dma_semaphore, #tpu.memory_space<semaphore_mem>>, %arg11: memref<!tpu.dma_semaphore, #tpu.memory_space<semaphore_mem>>, %arg12: memref<!tpu.dma_semaphore, #tpu.memory_space<semaphore_mem>>, %arg13: memref<!tpu.dma_semaphore, #tpu.memory_space<semaphore_mem>>) attributes {dimension_semantics = [#tpu.dimension_semantics<core_parallel>, #tpu.dimension_semantics<subcore_parallel>], iteration_bounds = array<i64: 2, 16>, scalar_prefetch = 0 : i64, scratch_operands = 9 : i64, tpu.core_type = #tpu.core_type<sc_vector_subcore>, window_params = [{transform_indices = #map}, {transform_indices = #map}, {transform_indices = #map1}]} {
    %mul3A = arith.constant 2 : i32
    %mul3A_0 = arith.muli %arg1, %mul3A : i32
    %add3A = arith.addi %mul3A_0, %arg0 : i32
    %mul3A_1 = arith.constant 32 : i32
    %mul3A_2 = arith.muli %add3A, %mul3A_1 : i32
    %iota3A = tpu.iota {dimensions = array<i32: 0>} : vector<16xi32>
    %eq3A = arith.constant 0 : i32
    %eq3A_3 = vector.broadcast %eq3A : i32 to vector<16xi32>
    %eq3A_4 = arith.cmpi eq, %iota3A, %eq3A_3 : vector<16xi32>
    %broadcast_in_dim3A = arith.constant 513 : i32
    %broadcast_in_dim3A_5 = vector.broadcast %broadcast_in_dim3A : i32 to vector<16xi32>
    "tpu.region"() ({
      %run_scoped3A = tpu.sem_alloc : memref<!tpu.dma_semaphore, #tpu.memory_space<semaphore_mem>>
      tpu.enqueue_dma source(%arg3 : memref<8320xf32, #tpu.memory_space<hbm>>) target(%arg5 : memref<8320xf32, #tpu.memory_space<vmem>>) target_semaphore(%run_scoped3A : memref<!tpu.dma_semaphore, #tpu.memory_space<semaphore_mem>>)
      tpu.wait_dma2 semaphore(%run_scoped3A : memref<!tpu.dma_semaphore, #tpu.memory_space<semaphore_mem>>) src(%arg3 : memref<8320xf32, #tpu.memory_space<hbm>>) dst(%arg5 : memref<8320xf32, #tpu.memory_space<vmem>>)
      tpu.yield
    }) : () -> ()
    %add3A_6 = arith.constant 0 : i32
    %add3A_7 = arith.addi %mul3A_2, %add3A_6 : i32
    %mul3A_8 = arith.constant 2048 : i32
    %mul3A_9 = arith.muli %add3A_7, %mul3A_8 : i32
    %dma_start3A = tpu.memref_slice %arg2[%mul3A_9] : memref<2097152xi32, #tpu.memory_space<hbm>> -> memref<2048xi32, #tpu.memory_space<hbm>>
    %dma_start3A_10 = tpu.memref_slice %arg2[%mul3A_9] : memref<2097152xi32, #tpu.memory_space<hbm>> -> memref<2048xi32, #tpu.memory_space<hbm>>
    tpu.enqueue_dma source(%dma_start3A_10 : memref<2048xi32, #tpu.memory_space<hbm>>) target(%arg6 : memref<2048xi32, #tpu.memory_space<vmem>>) target_semaphore(%arg10 : memref<!tpu.dma_semaphore, #tpu.memory_space<semaphore_mem>>)
    %add3A_11 = arith.constant 1 : i32
    %add3A_12 = arith.addi %mul3A_2, %add3A_11 : i32
    %mul3A_13 = arith.constant 2048 : i32
    %mul3A_14 = arith.muli %add3A_12, %mul3A_13 : i32
    %dma_start3A_15 = tpu.memref_slice %arg2[%mul3A_14] : memref<2097152xi32, #tpu.memory_space<hbm>> -> memref<2048xi32, #tpu.memory_space<hbm>>
    %dma_start3A_16 = tpu.memref_slice %arg2[%mul3A_14] : memref<2097152xi32, #tpu.memory_space<hbm>> -> memref<2048xi32, #tpu.memory_space<hbm>>
    tpu.enqueue_dma source(%dma_start3A_16 : memref<2048xi32, #tpu.memory_space<hbm>>) target(%arg7 : memref<2048xi32, #tpu.memory_space<vmem>>) target_semaphore(%arg11 : memref<!tpu.dma_semaphore, #tpu.memory_space<semaphore_mem>>)
    %add3A_17 = arith.constant 0 : i32
    %add3A_18 = arith.addi %mul3A_2, %add3A_17 : i32
    %mul3A_19 = arith.constant 2048 : i32
    %mul3A_20 = arith.muli %add3A_18, %mul3A_19 : i32
    %dma_wait3A = tpu.memref_slice %arg2[%mul3A_20] : memref<2097152xi32, #tpu.memory_space<hbm>> -> memref<2048xi32, #tpu.memory_space<hbm>>
    %dma_wait3A_21 = tpu.memref_slice %arg2[%mul3A_20] : memref<2097152xi32, #tpu.memory_space<hbm>> -> memref<2048xi32, #tpu.memory_space<hbm>>
    tpu.wait_dma2 semaphore(%arg10 : memref<!tpu.dma_semaphore, #tpu.memory_space<semaphore_mem>>) src(%dma_wait3A_21 : memref<2048xi32, #tpu.memory_space<hbm>>) dst(%arg6 : memref<2048xi32, #tpu.memory_space<vmem>>)
    %add3A_22 = arith.constant 0 : i32
    %add3A_23 = arith.addi %mul3A_2, %add3A_22 : i32
    %get3A = arith.constant 0 : index
    %get3A_24 = tpu.vector_load %arg6[%get3A] {strides = array<i32>} : memref<2048xi32, #tpu.memory_space<vmem>>, vector<16xi32>,
    %jit3A = arith.constant 513 : i32
    %broadcast_in_dim3A_25 = vector.broadcast %jit3A : i32 to vector<16xi32>
    %select_n3A = arith.select %eq3A_4, %broadcast_in_dim3A_25, %get3A_24 : vector<16xi1>, vector<16xi32>
    %swap3A = arith.constant 0 : index
    %swap3A_26 = tpu.vector_load %arg6[%swap3A] {strides = array<i32>} : memref<2048xi32, #tpu.memory_space<vmem>>, vector<16xi32>,
    tpu.vector_store %arg6[%swap3A], %select_n3A {strides = array<i32>} : memref<2048xi32, #tpu.memory_space<vmem>>, vector<16xi32>,
    %get3A_27 = arith.constant 512 : index
    %get3A_28 = tpu.vector_load %arg6[%get3A_27] {strides = array<i32>} : memref<2048xi32, #tpu.memory_space<vmem>>, vector<16xi32>,
    %jit3A_29 = arith.constant 513 : i32
    %broadcast_in_dim3A_30 = vector.broadcast %jit3A_29 : i32 to vector<16xi32>
    %select_n3A_31 = arith.select %eq3A_4, %broadcast_in_dim3A_30, %get3A_28 : vector<16xi1>, vector<16xi32>
    %swap3A_32 = arith.constant 512 : index
    %swap3A_33 = tpu.vector_load %arg6[%swap3A_32] {strides = array<i32>} : memref<2048xi32, #tpu.memory_space<vmem>>, vector<16xi32>,
    tpu.vector_store %arg6[%swap3A_32], %select_n3A_31 {strides = array<i32>} : memref<2048xi32, #tpu.memory_space<vmem>>, vector<16xi32>,
    %get3A_34 = arith.constant 1024 : index
    %get3A_35 = tpu.vector_load %arg6[%get3A_34] {strides = array<i32>} : memref<2048xi32, #tpu.memory_space<vmem>>, vector<16xi32>,
    %jit3A_36 = arith.constant 513 : i32
    %broadcast_in_dim3A_37 = vector.broadcast %jit3A_36 : i32 to vector<16xi32>
    %select_n3A_38 = arith.select %eq3A_4, %broadcast_in_dim3A_37, %get3A_35 : vector<16xi1>, vector<16xi32>
    %swap3A_39 = arith.constant 1024 : index
    %swap3A_40 = tpu.vector_load %arg6[%swap3A_39] {strides = array<i32>} : memref<2048xi32, #tpu.memory_space<vmem>>, vector<16xi32>,
    tpu.vector_store %arg6[%swap3A_39], %select_n3A_38 {strides = array<i32>} : memref<2048xi32, #tpu.memory_space<vmem>>, vector<16xi32>,
    %get3A_41 = arith.constant 1536 : index
    %get3A_42 = tpu.vector_load %arg6[%get3A_41] {strides = array<i32>} : memref<2048xi32, #tpu.memory_space<vmem>>, vector<16xi32>,
    %jit3A_43 = arith.constant 513 : i32
    %broadcast_in_dim3A_44 = vector.broadcast %jit3A_43 : i32 to vector<16xi32>
    %select_n3A_45 = arith.select %eq3A_4, %broadcast_in_dim3A_44, %get3A_42 : vector<16xi1>, vector<16xi32>
    %swap3A_46 = arith.constant 1536 : index
    %swap3A_47 = tpu.vector_load %arg6[%swap3A_46] {strides = array<i32>} : memref<2048xi32, #tpu.memory_space<vmem>>, vector<16xi32>,
    tpu.vector_store %arg6[%swap3A_46], %select_n3A_45 {strides = array<i32>} : memref<2048xi32, #tpu.memory_space<vmem>>, vector<16xi32>,
    %jit3A_48 = arith.constant 128 : i32
    %eq3A_49 = arith.constant 0 : i32
    %eq3A_50 = arith.cmpi eq, %jit3A_48, %eq3A_49 : i32
    %jit3A_51 = arith.constant 1 : i32
    %select_n3A_52 = arith.select %eq3A_50, %jit3A_51, %jit3A_48 : i32
    %rem3A = arith.remsi %add3A_23, %select_n3A_52 : i32
    %ne3A = arith.constant 0 : i32
    %ne3A_53 = arith.cmpi ne, %rem3A, %ne3A : i32
    %lt3A = arith.constant 0 : i32
    %lt3A_54 = arith.cmpi slt, %rem3A, %lt3A : i32
    %lt3A_55 = arith.constant 0 : i32
    %lt3A_56 = arith.cmpi slt, %select_n3A_52, %lt3A_55 : i32
    %ne3A_57 = arith.xori %lt3A_54, %lt3A_56 : i1
    %and3A = arith.andi %ne3A_57, %ne3A_53 : i1
    %add3A_58 = arith.addi %rem3A, %select_n3A_52 : i32
    %select_n3A_59 = arith.select %and3A, %add3A_58, %rem3A : i32
    %eq3A_60 = arith.constant 0 : i32
    %eq3A_61 = arith.cmpi eq, %select_n3A_59, %eq3A_60 : i32
    %convert_element_type3A = arith.extui %eq3A_61 : i1 to i32
    %cond3A = arith.constant 0 : i32
    %cond3A_62 = arith.cmpi ne, %convert_element_type3A, %cond3A : i32
    scf.if %cond3A_62 {
      %parallel_loop3A_643 = arith.constant 0 : i32
      %parallel_loop3A_644 = arith.constant 32 : i32
      %parallel_loop3A_645 = arith.constant 1 : i32
      scf.for %parallel_loop3A_646 = %parallel_loop3A_643 to %parallel_loop3A_644 step %parallel_loop3A_645  : i32 {
        %parallel_loop3A_647 = arith.constant 16 : i32
        %parallel_loop3A_648 = arith.muli %parallel_loop3A_646, %parallel_loop3A_647 : i32
        %parallel_loop3A_649 = arith.index_cast %parallel_loop3A_648 : i32 to index
        %parallel_loop3A_650 = tpu.vector_load %arg6[%parallel_loop3A_649] {strides = array<i32>} : memref<2048xi32, #tpu.memory_space<vmem>>, vector<16xi32>,
        tpu.vector_store %arg6[%parallel_loop3A_649], %broadcast_in_dim3A_5 {strides = array<i32>} : memref<2048xi32, #tpu.memory_space<vmem>>, vector<16xi32>,
      } {sc.loop_unroll_factor = 4 : i64, sc.parallel_access}
    } else {
    }
    %parallel_loop3A = arith.constant 0 : i32
    %parallel_loop3A_63 = arith.constant 128 : i32
    %parallel_loop3A_64 = arith.constant 1 : i32
    scf.for %parallel_loop3A_643 = %parallel_loop3A to %parallel_loop3A_63 step %parallel_loop3A_64  : i32 {
      %parallel_loop3A_644 = arith.constant 16 : i32
      %parallel_loop3A_645 = arith.muli %parallel_loop3A_643, %parallel_loop3A_644 : i32
      %parallel_loop3A_646 = arith.index_cast %parallel_loop3A_645 : i32 to index
      %parallel_loop3A_647 = tpu.vector_load %arg6[%parallel_loop3A_646] {strides = array<i32>} : memref<2048xi32, #tpu.memory_space<vmem>>, vector<16xi32>,
      %parallel_loop3A_648 = arith.constant 0 : i32
      %parallel_loop3A_649 = vector.broadcast %parallel_loop3A_648 : i32 to vector<16xi32>
      %parallel_loop3A_650 = arith.addi %parallel_loop3A_647, %parallel_loop3A_649 : vector<16xi32>
      %parallel_loop3A_651 = tpu.vector_load_idx %arg5[%parallel_loop3A_650] : memref<8320xf32, #tpu.memory_space<vmem>>[vector<16xi32>], vector<16xf32>,
      %parallel_loop3A_652 = arith.constant 16 : i32
      %parallel_loop3A_653 = arith.muli %parallel_loop3A_643, %parallel_loop3A_652 : i32
      %parallel_loop3A_654 = arith.constant 0 : i32
      %parallel_loop3A_655 = arith.index_cast %parallel_loop3A_654 : i32 to index
      %parallel_loop3A_656 = arith.index_cast %parallel_loop3A_653 : i32 to index
      %parallel_loop3A_657 = tpu.vector_load %arg8[%parallel_loop3A_655, %parallel_loop3A_656] {strides = array<i32>} : memref<16x2048xf32, #tpu.memory_space<vmem>>, vector<16xf32>,
      tpu.vector_store %arg8[%parallel_loop3A_655, %parallel_loop3A_656], %parallel_loop3A_651 {strides = array<i32>} : memref<16x2048xf32, #tpu.memory_space<vmem>>, vector<16xf32>,
      %parallel_loop3A_658 = arith.constant 520 : i32
      %parallel_loop3A_659 = vector.broadcast %parallel_loop3A_658 : i32 to vector<16xi32>
      %parallel_loop3A_660 = arith.addi %parallel_loop3A_647, %parallel_loop3A_659 : vector<16xi32>
      %parallel_loop3A_661 = tpu.vector_load_idx %arg5[%parallel_loop3A_660] : memref<8320xf32, #tpu.memory_space<vmem>>[vector<16xi32>], vector<16xf32>,
      %parallel_loop3A_662 = arith.constant 16 : i32
      %parallel_loop3A_663 = arith.muli %parallel_loop3A_643, %parallel_loop3A_662 : i32
      %parallel_loop3A_664 = arith.constant 1 : i32
      %parallel_loop3A_665 = arith.index_cast %parallel_loop3A_664 : i32 to index
      %parallel_loop3A_666 = arith.index_cast %parallel_loop3A_663 : i32 to index
      %parallel_loop3A_667 = tpu.vector_load %arg8[%parallel_loop3A_665, %parallel_loop3A_666] {strides = array<i32>} : memref<16x2048xf32, #tpu.memory_space<vmem>>, vector<16xf32>,
      tpu.vector_store %arg8[%parallel_loop3A_665, %parallel_loop3A_666], %parallel_loop3A_661 {strides = array<i32>} : memref<16x2048xf32, #tpu.memory_space<vmem>>, vector<16xf32>,
      %parallel_loop3A_668 = arith.constant 1040 : i32
      %parallel_loop3A_669 = vector.broadcast %parallel_loop3A_668 : i32 to vector<16xi32>
      %parallel_loop3A_670 = arith.addi %parallel_loop3A_647, %parallel_loop3A_669 : vector<16xi32>
      %parallel_loop3A_671 = tpu.vector_load_idx %arg5[%parallel_loop3A_670] : memref<8320xf32, #tpu.memory_space<vmem>>[vector<16xi32>], vector<16xf32>,
      %parallel_loop3A_672 = arith.constant 16 : i32
      %parallel_loop3A_673 = arith.muli %parallel_loop3A_643, %parallel_loop3A_672 : i32
      %parallel_loop3A_674 = arith.constant 2 : i32
      %parallel_loop3A_675 = arith.index_cast %parallel_loop3A_674 : i32 to index
      %parallel_loop3A_676 = arith.index_cast %parallel_loop3A_673 : i32 to index
      %parallel_loop3A_677 = tpu.vector_load %arg8[%parallel_loop3A_675, %parallel_loop3A_676] {strides = array<i32>} : memref<16x2048xf32, #tpu.memory_space<vmem>>, vector<16xf32>,
      tpu.vector_store %arg8[%parallel_loop3A_675, %parallel_loop3A_676], %parallel_loop3A_671 {strides = array<i32>} : memref<16x2048xf32, #tpu.memory_space<vmem>>, vector<16xf32>,
      %parallel_loop3A_678 = arith.constant 1560 : i32
      %parallel_loop3A_679 = vector.broadcast %parallel_loop3A_678 : i32 to vector<16xi32>
      %parallel_loop3A_680 = arith.addi %parallel_loop3A_647, %parallel_loop3A_679 : vector<16xi32>
      %parallel_loop3A_681 = tpu.vector_load_idx %arg5[%parallel_loop3A_680] : memref<8320xf32, #tpu.memory_space<vmem>>[vector<16xi32>], vector<16xf32>,
      %parallel_loop3A_682 = arith.constant 16 : i32
      %parallel_loop3A_683 = arith.muli %parallel_loop3A_643, %parallel_loop3A_682 : i32
      %parallel_loop3A_684 = arith.constant 3 : i32
      %parallel_loop3A_685 = arith.index_cast %parallel_loop3A_684 : i32 to index
      %parallel_loop3A_686 = arith.index_cast %parallel_loop3A_683 : i32 to index
      %parallel_loop3A_687 = tpu.vector_load %arg8[%parallel_loop3A_685, %parallel_loop3A_686] {strides = array<i32>} : memref<16x2048xf32, #tpu.memory_space<vmem>>, vector<16xf32>,
      tpu.vector_store %arg8[%parallel_loop3A_685, %parallel_loop3A_686], %parallel_loop3A_681 {strides = array<i32>} : memref<16x2048xf32, #tpu.memory_space<vmem>>, vector<16xf32>,
      %parallel_loop3A_688 = arith.constant 2080 : i32
      %parallel_loop3A_689 = vector.broadcast %parallel_loop3A_688 : i32 to vector<16xi32>
      %parallel_loop3A_690 = arith.addi %parallel_loop3A_647, %parallel_loop3A_689 : vector<16xi32>
      %parallel_loop3A_691 = tpu.vector_load_idx %arg5[%parallel_loop3A_690] : memref<8320xf32, #tpu.memory_space<vmem>>[vector<16xi32>], vector<16xf32>,
      %parallel_loop3A_692 = arith.constant 16 : i32
      %parallel_loop3A_693 = arith.muli %parallel_loop3A_643, %parallel_loop3A_692 : i32
      %parallel_loop3A_694 = arith.constant 4 : i32
      %parallel_loop3A_695 = arith.index_cast %parallel_loop3A_694 : i32 to index
      %parallel_loop3A_696 = arith.index_cast %parallel_loop3A_693 : i32 to index
      %parallel_loop3A_697 = tpu.vector_load %arg8[%parallel_loop3A_695, %parallel_loop3A_696] {strides = array<i32>} : memref<16x2048xf32, #tpu.memory_space<vmem>>, vector<16xf32>,
      tpu.vector_store %arg8[%parallel_loop3A_695, %parallel_loop3A_696], %parallel_loop3A_691 {strides = array<i32>} : memref<16x2048xf32, #tpu.memory_space<vmem>>, vector<16xf32>,
      %parallel_loop3A_698 = arith.constant 2600 : i32
      %parallel_loop3A_699 = vector.broadcast %parallel_loop3A_698 : i32 to vector<16xi32>
      %parallel_loop3A_700 = arith.addi %parallel_loop3A_647, %parallel_loop3A_699 : vector<16xi32>
      %parallel_loop3A_701 = tpu.vector_load_idx %arg5[%parallel_loop3A_700] : memref<8320xf32, #tpu.memory_space<vmem>>[vector<16xi32>], vector<16xf32>,
      %parallel_loop3A_702 = arith.constant 16 : i32
      %parallel_loop3A_703 = arith.muli %parallel_loop3A_643, %parallel_loop3A_702 : i32
      %parallel_loop3A_704 = arith.constant 5 : i32
      %parallel_loop3A_705 = arith.index_cast %parallel_loop3A_704 : i32 to index
      %parallel_loop3A_706 = arith.index_cast %parallel_loop3A_703 : i32 to index
      %parallel_loop3A_707 = tpu.vector_load %arg8[%parallel_loop3A_705, %parallel_loop3A_706] {strides = array<i32>} : memref<16x2048xf32, #tpu.memory_space<vmem>>, vector<16xf32>,
      tpu.vector_store %arg8[%parallel_loop3A_705, %parallel_loop3A_706], %parallel_loop3A_701 {strides = array<i32>} : memref<16x2048xf32, #tpu.memory_space<vmem>>, vector<16xf32>,
      %parallel_loop3A_708 = arith.constant 3120 : i32
      %parallel_loop3A_709 = vector.broadcast %parallel_loop3A_708 : i32 to vector<16xi32>
      %parallel_loop3A_710 = arith.addi %parallel_loop3A_647, %parallel_loop3A_709 : vector<16xi32>
      %parallel_loop3A_711 = tpu.vector_load_idx %arg5[%parallel_loop3A_710] : memref<8320xf32, #tpu.memory_space<vmem>>[vector<16xi32>], vector<16xf32>,
      %parallel_loop3A_712 = arith.constant 16 : i32
      %parallel_loop3A_713 = arith.muli %parallel_loop3A_643, %parallel_loop3A_712 : i32
      %parallel_loop3A_714 = arith.constant 6 : i32
      %parallel_loop3A_715 = arith.index_cast %parallel_loop3A_714 : i32 to index
      %parallel_loop3A_716 = arith.index_cast %parallel_loop3A_713 : i32 to index
      %parallel_loop3A_717 = tpu.vector_load %arg8[%parallel_loop3A_715, %parallel_loop3A_716] {strides = array<i32>} : memref<16x2048xf32, #tpu.memory_space<vmem>>, vector<16xf32>,
      tpu.vector_store %arg8[%parallel_loop3A_715, %parallel_loop3A_716], %parallel_loop3A_711 {strides = array<i32>} : memref<16x2048xf32, #tpu.memory_space<vmem>>, vector<16xf32>,
      %parallel_loop3A_718 = arith.constant 3640 : i32
      %parallel_loop3A_719 = vector.broadcast %parallel_loop3A_718 : i32 to vector<16xi32>
      %parallel_loop3A_720 = arith.addi %parallel_loop3A_647, %parallel_loop3A_719 : vector<16xi32>
      %parallel_loop3A_721 = tpu.vector_load_idx %arg5[%parallel_loop3A_720] : memref<8320xf32, #tpu.memory_space<vmem>>[vector<16xi32>], vector<16xf32>,
      %parallel_loop3A_722 = arith.constant 16 : i32
      %parallel_loop3A_723 = arith.muli %parallel_loop3A_643, %parallel_loop3A_722 : i32
      %parallel_loop3A_724 = arith.constant 7 : i32
      %parallel_loop3A_725 = arith.index_cast %parallel_loop3A_724 : i32 to index
      %parallel_loop3A_726 = arith.index_cast %parallel_loop3A_723 : i32 to index
      %parallel_loop3A_727 = tpu.vector_load %arg8[%parallel_loop3A_725, %parallel_loop3A_726] {strides = array<i32>} : memref<16x2048xf32, #tpu.memory_space<vmem>>, vector<16xf32>,
      tpu.vector_store %arg8[%parallel_loop3A_725, %parallel_loop3A_726], %parallel_loop3A_721 {strides = array<i32>} : memref<16x2048xf32, #tpu.memory_space<vmem>>, vector<16xf32>,
      %parallel_loop3A_728 = arith.constant 4160 : i32
      %parallel_loop3A_729 = vector.broadcast %parallel_loop3A_728 : i32 to vector<16xi32>
      %parallel_loop3A_730 = arith.addi %parallel_loop3A_647, %parallel_loop3A_729 : vector<16xi32>
      %parallel_loop3A_731 = tpu.vector_load_idx %arg5[%parallel_loop3A_730] : memref<8320xf32, #tpu.memory_space<vmem>>[vector<16xi32>], vector<16xf32>,
      %parallel_loop3A_732 = arith.constant 16 : i32
      %parallel_loop3A_733 = arith.muli %parallel_loop3A_643, %parallel_loop3A_732 : i32
      %parallel_loop3A_734 = arith.constant 8 : i32
      %parallel_loop3A_735 = arith.index_cast %parallel_loop3A_734 : i32 to index
      %parallel_loop3A_736 = arith.index_cast %parallel_loop3A_733 : i32 to index
      %parallel_loop3A_737 = tpu.vector_load %arg8[%parallel_loop3A_735, %parallel_loop3A_736] {strides = array<i32>} : memref<16x2048xf32, #tpu.memory_space<vmem>>, vector<16xf32>,
      tpu.vector_store %arg8[%parallel_loop3A_735, %parallel_loop3A_736], %parallel_loop3A_731 {strides = array<i32>} : memref<16x2048xf32, #tpu.memory_space<vmem>>, vector<16xf32>,
      %parallel_loop3A_738 = arith.constant 4680 : i32
      %parallel_loop3A_739 = vector.broadcast %parallel_loop3A_738 : i32 to vector<16xi32>
      %parallel_loop3A_740 = arith.addi %parallel_loop3A_647, %parallel_loop3A_739 : vector<16xi32>
      %parallel_loop3A_741 = tpu.vector_load_idx %arg5[%parallel_loop3A_740] : memref<8320xf32, #tpu.memory_space<vmem>>[vector<16xi32>], vector<16xf32>,
      %parallel_loop3A_742 = arith.constant 16 : i32
      %parallel_loop3A_743 = arith.muli %parallel_loop3A_643, %parallel_loop3A_742 : i32
      %parallel_loop3A_744 = arith.constant 9 : i32
      %parallel_loop3A_745 = arith.index_cast %parallel_loop3A_744 : i32 to index
      %parallel_loop3A_746 = arith.index_cast %parallel_loop3A_743 : i32 to index
      %parallel_loop3A_747 = tpu.vector_load %arg8[%parallel_loop3A_745, %parallel_loop3A_746] {strides = array<i32>} : memref<16x2048xf32, #tpu.memory_space<vmem>>, vector<16xf32>,
      tpu.vector_store %arg8[%parallel_loop3A_745, %parallel_loop3A_746], %parallel_loop3A_741 {strides = array<i32>} : memref<16x2048xf32, #tpu.memory_space<vmem>>, vector<16xf32>,
      %parallel_loop3A_748 = arith.constant 5200 : i32
      %parallel_loop3A_749 = vector.broadcast %parallel_loop3A_748 : i32 to vector<16xi32>
      %parallel_loop3A_750 = arith.addi %parallel_loop3A_647, %parallel_loop3A_749 : vector<16xi32>
      %parallel_loop3A_751 = tpu.vector_load_idx %arg5[%parallel_loop3A_750] : memref<8320xf32, #tpu.memory_space<vmem>>[vector<16xi32>], vector<16xf32>,
      %parallel_loop3A_752 = arith.constant 16 : i32
      %parallel_loop3A_753 = arith.muli %parallel_loop3A_643, %parallel_loop3A_752 : i32
      %parallel_loop3A_754 = arith.constant 10 : i32
      %parallel_loop3A_755 = arith.index_cast %parallel_loop3A_754 : i32 to index
      %parallel_loop3A_756 = arith.index_cast %parallel_loop3A_753 : i32 to index
      %parallel_loop3A_757 = tpu.vector_load %arg8[%parallel_loop3A_755, %parallel_loop3A_756] {strides = array<i32>} : memref<16x2048xf32, #tpu.memory_space<vmem>>, vector<16xf32>,
      tpu.vector_store %arg8[%parallel_loop3A_755, %parallel_loop3A_756], %parallel_loop3A_751 {strides = array<i32>} : memref<16x2048xf32, #tpu.memory_space<vmem>>, vector<16xf32>,
      %parallel_loop3A_758 = arith.constant 5720 : i32
      %parallel_loop3A_759 = vector.broadcast %parallel_loop3A_758 : i32 to vector<16xi32>
      %parallel_loop3A_760 = arith.addi %parallel_loop3A_647, %parallel_loop3A_759 : vector<16xi32>
      %parallel_loop3A_761 = tpu.vector_load_idx %arg5[%parallel_loop3A_760] : memref<8320xf32, #tpu.memory_space<vmem>>[vector<16xi32>], vector<16xf32>,
      %parallel_loop3A_762 = arith.constant 16 : i32
      %parallel_loop3A_763 = arith.muli %parallel_loop3A_643, %parallel_loop3A_762 : i32
      %parallel_loop3A_764 = arith.constant 11 : i32
      %parallel_loop3A_765 = arith.index_cast %parallel_loop3A_764 : i32 to index
      %parallel_loop3A_766 = arith.index_cast %parallel_loop3A_763 : i32 to index
      %parallel_loop3A_767 = tpu.vector_load %arg8[%parallel_loop3A_765, %parallel_loop3A_766] {strides = array<i32>} : memref<16x2048xf32, #tpu.memory_space<vmem>>, vector<16xf32>,
      tpu.vector_store %arg8[%parallel_loop3A_765, %parallel_loop3A_766], %parallel_loop3A_761 {strides = array<i32>} : memref<16x2048xf32, #tpu.memory_space<vmem>>, vector<16xf32>,
      %parallel_loop3A_768 = arith.constant 6240 : i32
      %parallel_loop3A_769 = vector.broadcast %parallel_loop3A_768 : i32 to vector<16xi32>
      %parallel_loop3A_770 = arith.addi %parallel_loop3A_647, %parallel_loop3A_769 : vector<16xi32>
      %parallel_loop3A_771 = tpu.vector_load_idx %arg5[%parallel_loop3A_770] : memref<8320xf32, #tpu.memory_space<vmem>>[vector<16xi32>], vector<16xf32>,
      %parallel_loop3A_772 = arith.constant 16 : i32
      %parallel_loop3A_773 = arith.muli %parallel_loop3A_643, %parallel_loop3A_772 : i32
      %parallel_loop3A_774 = arith.constant 12 : i32
      %parallel_loop3A_775 = arith.index_cast %parallel_loop3A_774 : i32 to index
      %parallel_loop3A_776 = arith.index_cast %parallel_loop3A_773 : i32 to index
      %parallel_loop3A_777 = tpu.vector_load %arg8[%parallel_loop3A_775, %parallel_loop3A_776] {strides = array<i32>} : memref<16x2048xf32, #tpu.memory_space<vmem>>, vector<16xf32>,
      tpu.vector_store %arg8[%parallel_loop3A_775, %parallel_loop3A_776], %parallel_loop3A_771 {strides = array<i32>} : memref<16x2048xf32, #tpu.memory_space<vmem>>, vector<16xf32>,
      %parallel_loop3A_778 = arith.constant 6760 : i32
      %parallel_loop3A_779 = vector.broadcast %parallel_loop3A_778 : i32 to vector<16xi32>
      %parallel_loop3A_780 = arith.addi %parallel_loop3A_647, %parallel_loop3A_779 : vector<16xi32>
      %parallel_loop3A_781 = tpu.vector_load_idx %arg5[%parallel_loop3A_780] : memref<8320xf32, #tpu.memory_space<vmem>>[vector<16xi32>], vector<16xf32>,
      %parallel_loop3A_782 = arith.constant 16 : i32
      %parallel_loop3A_783 = arith.muli %parallel_loop3A_643, %parallel_loop3A_782 : i32
      %parallel_loop3A_784 = arith.constant 13 : i32
      %parallel_loop3A_785 = arith.index_cast %parallel_loop3A_784 : i32 to index
      %parallel_loop3A_786 = arith.index_cast %parallel_loop3A_783 : i32 to index
      %parallel_loop3A_787 = tpu.vector_load %arg8[%parallel_loop3A_785, %parallel_loop3A_786] {strides = array<i32>} : memref<16x2048xf32, #tpu.memory_space<vmem>>, vector<16xf32>,
      tpu.vector_store %arg8[%parallel_loop3A_785, %parallel_loop3A_786], %parallel_loop3A_781 {strides = array<i32>} : memref<16x2048xf32, #tpu.memory_space<vmem>>, vector<16xf32>,
      %parallel_loop3A_788 = arith.constant 7280 : i32
      %parallel_loop3A_789 = vector.broadcast %parallel_loop3A_788 : i32 to vector<16xi32>
      %parallel_loop3A_790 = arith.addi %parallel_loop3A_647, %parallel_loop3A_789 : vector<16xi32>
      %parallel_loop3A_791 = tpu.vector_load_idx %arg5[%parallel_loop3A_790] : memref<8320xf32, #tpu.memory_space<vmem>>[vector<16xi32>], vector<16xf32>,
      %parallel_loop3A_792 = arith.constant 16 : i32
      %parallel_loop3A_793 = arith.muli %parallel_loop3A_643, %parallel_loop3A_792 : i32
      %parallel_loop3A_794 = arith.constant 14 : i32
      %parallel_loop3A_795 = arith.index_cast %parallel_loop3A_794 : i32 to index
      %parallel_loop3A_796 = arith.index_cast %parallel_loop3A_793 : i32 to index
      %parallel_loop3A_797 = tpu.vector_load %arg8[%parallel_loop3A_795, %parallel_loop3A_796] {strides = array<i32>} : memref<16x2048xf32, #tpu.memory_space<vmem>>, vector<16xf32>,
      tpu.vector_store %arg8[%parallel_loop3A_795, %parallel_loop3A_796], %parallel_loop3A_791 {strides = array<i32>} : memref<16x2048xf32, #tpu.memory_space<vmem>>, vector<16xf32>,
      %parallel_loop3A_798 = arith.constant 7800 : i32
      %parallel_loop3A_799 = vector.broadcast %parallel_loop3A_798 : i32 to vector<16xi32>
      %parallel_loop3A_800 = arith.addi %parallel_loop3A_647, %parallel_loop3A_799 : vector<16xi32>
      %parallel_loop3A_801 = tpu.vector_load_idx %arg5[%parallel_loop3A_800] : memref<8320xf32, #tpu.memory_space<vmem>>[vector<16xi32>], vector<16xf32>,
      %parallel_loop3A_802 = arith.constant 16 : i32
      %parallel_loop3A_803 = arith.muli %parallel_loop3A_643, %parallel_loop3A_802 : i32
      %parallel_loop3A_804 = arith.constant 15 : i32
      %parallel_loop3A_805 = arith.index_cast %parallel_loop3A_804 : i32 to index
      %parallel_loop3A_806 = arith.index_cast %parallel_loop3A_803 : i32 to index
      %parallel_loop3A_807 = tpu.vector_load %arg8[%parallel_loop3A_805, %parallel_loop3A_806] {strides = array<i32>} : memref<16x2048xf32, #tpu.memory_space<vmem>>, vector<16xf32>,
      tpu.vector_store %arg8[%parallel_loop3A_805, %parallel_loop3A_806], %parallel_loop3A_801 {strides = array<i32>} : memref<16x2048xf32, #tpu.memory_space<vmem>>, vector<16xf32>,
    } {sc.loop_unroll_factor = 4 : i64, sc.parallel_access}
    %add3A_65 = arith.constant 0 : i32
    %add3A_66 = arith.addi %mul3A_2, %add3A_65 : i32
    %jit3A_67 = arith.constant 128 : i32
    %div3A = arith.divsi %add3A_66, %jit3A_67 : i32
    %sign3A = arith.constant 0 : i32
    %sign3A_68 = arith.cmpi sgt, %add3A_66, %sign3A : i32
    %sign3A_69 = arith.extui %sign3A_68 : i1 to i32
    %sign3A_70 = arith.constant 0 : i32
    %sign3A_71 = arith.cmpi slt, %add3A_66, %sign3A_70 : i32
    %sign3A_72 = arith.extui %sign3A_71 : i1 to i32
    %sign3A_73 = arith.subi %sign3A_69, %sign3A_72 : i32
    %sign3A_74 = arith.constant 0 : i32
    %sign3A_75 = arith.cmpi sgt, %jit3A_67, %sign3A_74 : i32
    %sign3A_76 = arith.extui %sign3A_75 : i1 to i32
    %sign3A_77 = arith.constant 0 : i32
    %sign3A_78 = arith.cmpi slt, %jit3A_67, %sign3A_77 : i32
    %sign3A_79 = arith.extui %sign3A_78 : i1 to i32
    %sign3A_80 = arith.subi %sign3A_76, %sign3A_79 : i32
    %ne3A_81 = arith.cmpi ne, %sign3A_73, %sign3A_80 : i32
    %rem3A_82 = arith.remsi %add3A_66, %jit3A_67 : i32
    %ne3A_83 = arith.constant 0 : i32
    %ne3A_84 = arith.cmpi ne, %rem3A_82, %ne3A_83 : i32
    %and3A_85 = arith.andi %ne3A_81, %ne3A_84 : i1
    %sub3A = arith.constant 1 : i32
    %sub3A_86 = arith.subi %div3A, %sub3A : i32
    %select_n3A_87 = arith.select %and3A_85, %sub3A_86, %div3A : i32
    %jit3A_88 = arith.constant 128 : i32
    %eq3A_89 = arith.constant 0 : i32
    %eq3A_90 = arith.cmpi eq, %jit3A_88, %eq3A_89 : i32
    %jit3A_91 = arith.constant 1 : i32
    %select_n3A_92 = arith.select %eq3A_90, %jit3A_91, %jit3A_88 : i32
    %rem3A_93 = arith.remsi %add3A_66, %select_n3A_92 : i32
    %ne3A_94 = arith.constant 0 : i32
    %ne3A_95 = arith.cmpi ne, %rem3A_93, %ne3A_94 : i32
    %lt3A_96 = arith.constant 0 : i32
    %lt3A_97 = arith.cmpi slt, %rem3A_93, %lt3A_96 : i32
    %lt3A_98 = arith.constant 0 : i32
    %lt3A_99 = arith.cmpi slt, %select_n3A_92, %lt3A_98 : i32
    %ne3A_100 = arith.xori %lt3A_97, %lt3A_99 : i1
    %and3A_101 = arith.andi %ne3A_100, %ne3A_95 : i1
    %add3A_102 = arith.addi %rem3A_93, %select_n3A_92 : i32
    %select_n3A_103 = arith.select %and3A_101, %add3A_102, %rem3A_93 : i32
    %mul3A_104 = arith.constant 16 : i32
    %mul3A_105 = arith.muli %select_n3A_87, %mul3A_104 : i32
    %mul3A_106 = arith.constant 2048 : i32
    %mul3A_107 = arith.muli %select_n3A_103, %mul3A_106 : i32
    %dma_start3A_108 = tpu.memref_slice %arg4[%mul3A_105, %mul3A_107] : memref<128x262144xf32, #tpu.memory_space<hbm>> -> memref<16x2048xf32, #tpu.memory_space<hbm>>
    %dma_start3A_109 = tpu.memref_slice %arg4[%mul3A_105, %mul3A_107] : memref<128x262144xf32, #tpu.memory_space<hbm>> -> memref<16x2048xf32, #tpu.memory_space<hbm>>
    tpu.enqueue_dma source(%arg8 : memref<16x2048xf32, #tpu.memory_space<vmem>>) target(%dma_start3A_109 : memref<16x2048xf32, #tpu.memory_space<hbm>>) target_semaphore(%arg12 : memref<!tpu.dma_semaphore, #tpu.memory_space<semaphore_mem>>)
    %add3A_110 = arith.constant 2 : i32
    %add3A_111 = arith.addi %mul3A_2, %add3A_110 : i32
    %mul3A_112 = arith.constant 2048 : i32
    %mul3A_113 = arith.muli %add3A_111, %mul3A_112 : i32
    %dma_start3A_114 = tpu.memref_slice %arg2[%mul3A_113] : memref<2097152xi32, #tpu.memory_space<hbm>> -> memref<2048xi32, #tpu.memory_space<hbm>>
    %dma_start3A_115 = tpu.memref_slice %arg2[%mul3A_113] : memref<2097152xi32, #tpu.memory_space<hbm>> -> memref<2048xi32, #tpu.memory_space<hbm>>
    tpu.enqueue_dma source(%dma_start3A_115 : memref<2048xi32, #tpu.memory_space<hbm>>) target(%arg6 : memref<2048xi32, #tpu.memory_space<vmem>>) target_semaphore(%arg10 : memref<!tpu.dma_semaphore, #tpu.memory_space<semaphore_mem>>)
    %add3A_116 = arith.constant 1 : i32
    %add3A_117 = arith.addi %mul3A_2, %add3A_116 : i32
    %mul3A_118 = arith.constant 2048 : i32
    %mul3A_119 = arith.muli %add3A_117, %mul3A_118 : i32
    %dma_wait3A_120 = tpu.memref_slice %arg2[%mul3A_119] : memref<2097152xi32, #tpu.memory_space<hbm>> -> memref<2048xi32, #tpu.memory_space<hbm>>
    %dma_wait3A_121 = tpu.memref_slice %arg2[%mul3A_119] : memref<2097152xi32, #tpu.memory_space<hbm>> -> memref<2048xi32, #tpu.memory_space<hbm>>
    tpu.wait_dma2 semaphore(%arg11 : memref<!tpu.dma_semaphore, #tpu.memory_space<semaphore_mem>>) src(%dma_wait3A_121 : memref<2048xi32, #tpu.memory_space<hbm>>) dst(%arg7 : memref<2048xi32, #tpu.memory_space<vmem>>)
    %add3A_122 = arith.constant 1 : i32
    %add3A_123 = arith.addi %mul3A_2, %add3A_122 : i32
    %get3A_124 = arith.constant 0 : index
    %get3A_125 = tpu.vector_load %arg7[%get3A_124] {strides = array<i32>} : memref<2048xi32, #tpu.memory_space<vmem>>, vector<16xi32>,
    %jit3A_126 = arith.constant 513 : i32
    %broadcast_in_dim3A_127 = vector.broadcast %jit3A_126 : i32 to vector<16xi32>
    %select_n3A_128 = arith.select %eq3A_4, %broadcast_in_dim3A_127, %get3A_125 : vector<16xi1>, vector<16xi32>
    %swap3A_129 = arith.constant 0 : index
    %swap3A_130 = tpu.vector_load %arg7[%swap3A_129] {strides = array<i32>} : memref<2048xi32, #tpu.memory_space<vmem>>, vector<16xi32>,
    tpu.vector_store %arg7[%swap3A_129], %select_n3A_128 {strides = array<i32>} : memref<2048xi32, #tpu.memory_space<vmem>>, vector<16xi32>,
    %get3A_131 = arith.constant 512 : index
    %get3A_132 = tpu.vector_load %arg7[%get3A_131] {strides = array<i32>} : memref<2048xi32, #tpu.memory_space<vmem>>, vector<16xi32>,
    %jit3A_133 = arith.constant 513 : i32
    %broadcast_in_dim3A_134 = vector.broadcast %jit3A_133 : i32 to vector<16xi32>
    %select_n3A_135 = arith.select %eq3A_4, %broadcast_in_dim3A_134, %get3A_132 : vector<16xi1>, vector<16xi32>
    %swap3A_136 = arith.constant 512 : index
    %swap3A_137 = tpu.vector_load %arg7[%swap3A_136] {strides = array<i32>} : memref<2048xi32, #tpu.memory_space<vmem>>, vector<16xi32>,
    tpu.vector_store %arg7[%swap3A_136], %select_n3A_135 {strides = array<i32>} : memref<2048xi32, #tpu.memory_space<vmem>>, vector<16xi32>,
    %get3A_138 = arith.constant 1024 : index
    %get3A_139 = tpu.vector_load %arg7[%get3A_138] {strides = array<i32>} : memref<2048xi32, #tpu.memory_space<vmem>>, vector<16xi32>,
    %jit3A_140 = arith.constant 513 : i32
    %broadcast_in_dim3A_141 = vector.broadcast %jit3A_140 : i32 to vector<16xi32>
    %select_n3A_142 = arith.select %eq3A_4, %broadcast_in_dim3A_141, %get3A_139 : vector<16xi1>, vector<16xi32>
    %swap3A_143 = arith.constant 1024 : index
    %swap3A_144 = tpu.vector_load %arg7[%swap3A_143] {strides = array<i32>} : memref<2048xi32, #tpu.memory_space<vmem>>, vector<16xi32>,
    tpu.vector_store %arg7[%swap3A_143], %select_n3A_142 {strides = array<i32>} : memref<2048xi32, #tpu.memory_space<vmem>>, vector<16xi32>,
    %get3A_145 = arith.constant 1536 : index
    %get3A_146 = tpu.vector_load %arg7[%get3A_145] {strides = array<i32>} : memref<2048xi32, #tpu.memory_space<vmem>>, vector<16xi32>,
    %jit3A_147 = arith.constant 513 : i32
    %broadcast_in_dim3A_148 = vector.broadcast %jit3A_147 : i32 to vector<16xi32>
    %select_n3A_149 = arith.select %eq3A_4, %broadcast_in_dim3A_148, %get3A_146 : vector<16xi1>, vector<16xi32>
    %swap3A_150 = arith.constant 1536 : index
    %swap3A_151 = tpu.vector_load %arg7[%swap3A_150] {strides = array<i32>} : memref<2048xi32, #tpu.memory_space<vmem>>, vector<16xi32>,
    tpu.vector_store %arg7[%swap3A_150], %select_n3A_149 {strides = array<i32>} : memref<2048xi32, #tpu.memory_space<vmem>>, vector<16xi32>,
    %jit3A_152 = arith.constant 128 : i32
    %eq3A_153 = arith.constant 0 : i32
    %eq3A_154 = arith.cmpi eq, %jit3A_152, %eq3A_153 : i32
    %jit3A_155 = arith.constant 1 : i32
    %select_n3A_156 = arith.select %eq3A_154, %jit3A_155, %jit3A_152 : i32
    %rem3A_157 = arith.remsi %add3A_123, %select_n3A_156 : i32
    %ne3A_158 = arith.constant 0 : i32
    %ne3A_159 = arith.cmpi ne, %rem3A_157, %ne3A_158 : i32
    %lt3A_160 = arith.constant 0 : i32
    %lt3A_161 = arith.cmpi slt, %rem3A_157, %lt3A_160 : i32
    %lt3A_162 = arith.constant 0 : i32
    %lt3A_163 = arith.cmpi slt, %select_n3A_156, %lt3A_162 : i32
    %ne3A_164 = arith.xori %lt3A_161, %lt3A_163 : i1
    %and3A_165 = arith.andi %ne3A_164, %ne3A_159 : i1
    %add3A_166 = arith.addi %rem3A_157, %select_n3A_156 : i32
    %select_n3A_167 = arith.select %and3A_165, %add3A_166, %rem3A_157 : i32
    %eq3A_168 = arith.constant 0 : i32
    %eq3A_169 = arith.cmpi eq, %select_n3A_167, %eq3A_168 : i32
    %convert_element_type3A_170 = arith.extui %eq3A_169 : i1 to i32
    %cond3A_171 = arith.constant 0 : i32
    %cond3A_172 = arith.cmpi ne, %convert_element_type3A_170, %cond3A_171 : i32
    scf.if %cond3A_172 {
      %parallel_loop3A_643 = arith.constant 0 : i32
      %parallel_loop3A_644 = arith.constant 32 : i32
      %parallel_loop3A_645 = arith.constant 1 : i32
      scf.for %parallel_loop3A_646 = %parallel_loop3A_643 to %parallel_loop3A_644 step %parallel_loop3A_645  : i32 {
        %parallel_loop3A_647 = arith.constant 16 : i32
        %parallel_loop3A_648 = arith.muli %parallel_loop3A_646, %parallel_loop3A_647 : i32
        %parallel_loop3A_649 = arith.index_cast %parallel_loop3A_648 : i32 to index
        %parallel_loop3A_650 = tpu.vector_load %arg7[%parallel_loop3A_649] {strides = array<i32>} : memref<2048xi32, #tpu.memory_space<vmem>>, vector<16xi32>,
        tpu.vector_store %arg7[%parallel_loop3A_649], %broadcast_in_dim3A_5 {strides = array<i32>} : memref<2048xi32, #tpu.memory_space<vmem>>, vector<16xi32>,
      } {sc.loop_unroll_factor = 4 : i64, sc.parallel_access}
    } else {
    }
    %parallel_loop3A_173 = arith.constant 0 : i32
    %parallel_loop3A_174 = arith.constant 128 : i32
    %parallel_loop3A_175 = arith.constant 1 : i32
    scf.for %parallel_loop3A_643 = %parallel_loop3A_173 to %parallel_loop3A_174 step %parallel_loop3A_175  : i32 {
      %parallel_loop3A_644 = arith.constant 16 : i32
      %parallel_loop3A_645 = arith.muli %parallel_loop3A_643, %parallel_loop3A_644 : i32
      %parallel_loop3A_646 = arith.index_cast %parallel_loop3A_645 : i32 to index
      %parallel_loop3A_647 = tpu.vector_load %arg7[%parallel_loop3A_646] {strides = array<i32>} : memref<2048xi32, #tpu.memory_space<vmem>>, vector<16xi32>,
      %parallel_loop3A_648 = arith.constant 0 : i32
      %parallel_loop3A_649 = vector.broadcast %parallel_loop3A_648 : i32 to vector<16xi32>
      %parallel_loop3A_650 = arith.addi %parallel_loop3A_647, %parallel_loop3A_649 : vector<16xi32>
      %parallel_loop3A_651 = tpu.vector_load_idx %arg5[%parallel_loop3A_650] : memref<8320xf32, #tpu.memory_space<vmem>>[vector<16xi32>], vector<16xf32>,
      %parallel_loop3A_652 = arith.constant 16 : i32
      %parallel_loop3A_653 = arith.muli %parallel_loop3A_643, %parallel_loop3A_652 : i32
      %parallel_loop3A_654 = arith.constant 0 : i32
      %parallel_loop3A_655 = arith.index_cast %parallel_loop3A_654 : i32 to index
      %parallel_loop3A_656 = arith.index_cast %parallel_loop3A_653 : i32 to index
      %parallel_loop3A_657 = tpu.vector_load %arg9[%parallel_loop3A_655, %parallel_loop3A_656] {strides = array<i32>} : memref<16x2048xf32, #tpu.memory_space<vmem>>, vector<16xf32>,
      tpu.vector_store %arg9[%parallel_loop3A_655, %parallel_loop3A_656], %parallel_loop3A_651 {strides = array<i32>} : memref<16x2048xf32, #tpu.memory_space<vmem>>, vector<16xf32>,
      %parallel_loop3A_658 = arith.constant 520 : i32
      %parallel_loop3A_659 = vector.broadcast %parallel_loop3A_658 : i32 to vector<16xi32>
      %parallel_loop3A_660 = arith.addi %parallel_loop3A_647, %parallel_loop3A_659 : vector<16xi32>
      %parallel_loop3A_661 = tpu.vector_load_idx %arg5[%parallel_loop3A_660] : memref<8320xf32, #tpu.memory_space<vmem>>[vector<16xi32>], vector<16xf32>,
      %parallel_loop3A_662 = arith.constant 16 : i32
      %parallel_loop3A_663 = arith.muli %parallel_loop3A_643, %parallel_loop3A_662 : i32
      %parallel_loop3A_664 = arith.constant 1 : i32
      %parallel_loop3A_665 = arith.index_cast %parallel_loop3A_664 : i32 to index
      %parallel_loop3A_666 = arith.index_cast %parallel_loop3A_663 : i32 to index
      %parallel_loop3A_667 = tpu.vector_load %arg9[%parallel_loop3A_665, %parallel_loop3A_666] {strides = array<i32>} : memref<16x2048xf32, #tpu.memory_space<vmem>>, vector<16xf32>,
      tpu.vector_store %arg9[%parallel_loop3A_665, %parallel_loop3A_666], %parallel_loop3A_661 {strides = array<i32>} : memref<16x2048xf32, #tpu.memory_space<vmem>>, vector<16xf32>,
      %parallel_loop3A_668 = arith.constant 1040 : i32
      %parallel_loop3A_669 = vector.broadcast %parallel_loop3A_668 : i32 to vector<16xi32>
      %parallel_loop3A_670 = arith.addi %parallel_loop3A_647, %parallel_loop3A_669 : vector<16xi32>
      %parallel_loop3A_671 = tpu.vector_load_idx %arg5[%parallel_loop3A_670] : memref<8320xf32, #tpu.memory_space<vmem>>[vector<16xi32>], vector<16xf32>,
      %parallel_loop3A_672 = arith.constant 16 : i32
      %parallel_loop3A_673 = arith.muli %parallel_loop3A_643, %parallel_loop3A_672 : i32
      %parallel_loop3A_674 = arith.constant 2 : i32
      %parallel_loop3A_675 = arith.index_cast %parallel_loop3A_674 : i32 to index
      %parallel_loop3A_676 = arith.index_cast %parallel_loop3A_673 : i32 to index
      %parallel_loop3A_677 = tpu.vector_load %arg9[%parallel_loop3A_675, %parallel_loop3A_676] {strides = array<i32>} : memref<16x2048xf32, #tpu.memory_space<vmem>>, vector<16xf32>,
      tpu.vector_store %arg9[%parallel_loop3A_675, %parallel_loop3A_676], %parallel_loop3A_671 {strides = array<i32>} : memref<16x2048xf32, #tpu.memory_space<vmem>>, vector<16xf32>,
      %parallel_loop3A_678 = arith.constant 1560 : i32
      %parallel_loop3A_679 = vector.broadcast %parallel_loop3A_678 : i32 to vector<16xi32>
      %parallel_loop3A_680 = arith.addi %parallel_loop3A_647, %parallel_loop3A_679 : vector<16xi32>
      %parallel_loop3A_681 = tpu.vector_load_idx %arg5[%parallel_loop3A_680] : memref<8320xf32, #tpu.memory_space<vmem>>[vector<16xi32>], vector<16xf32>,
      %parallel_loop3A_682 = arith.constant 16 : i32
      %parallel_loop3A_683 = arith.muli %parallel_loop3A_643, %parallel_loop3A_682 : i32
      %parallel_loop3A_684 = arith.constant 3 : i32
      %parallel_loop3A_685 = arith.index_cast %parallel_loop3A_684 : i32 to index
      %parallel_loop3A_686 = arith.index_cast %parallel_loop3A_683 : i32 to index
      %parallel_loop3A_687 = tpu.vector_load %arg9[%parallel_loop3A_685, %parallel_loop3A_686] {strides = array<i32>} : memref<16x2048xf32, #tpu.memory_space<vmem>>, vector<16xf32>,
      tpu.vector_store %arg9[%parallel_loop3A_685, %parallel_loop3A_686], %parallel_loop3A_681 {strides = array<i32>} : memref<16x2048xf32, #tpu.memory_space<vmem>>, vector<16xf32>,
      %parallel_loop3A_688 = arith.constant 2080 : i32
      %parallel_loop3A_689 = vector.broadcast %parallel_loop3A_688 : i32 to vector<16xi32>
      %parallel_loop3A_690 = arith.addi %parallel_loop3A_647, %parallel_loop3A_689 : vector<16xi32>
      %parallel_loop3A_691 = tpu.vector_load_idx %arg5[%parallel_loop3A_690] : memref<8320xf32, #tpu.memory_space<vmem>>[vector<16xi32>], vector<16xf32>,
      %parallel_loop3A_692 = arith.constant 16 : i32
      %parallel_loop3A_693 = arith.muli %parallel_loop3A_643, %parallel_loop3A_692 : i32
      %parallel_loop3A_694 = arith.constant 4 : i32
      %parallel_loop3A_695 = arith.index_cast %parallel_loop3A_694 : i32 to index
      %parallel_loop3A_696 = arith.index_cast %parallel_loop3A_693 : i32 to index
      %parallel_loop3A_697 = tpu.vector_load %arg9[%parallel_loop3A_695, %parallel_loop3A_696] {strides = array<i32>} : memref<16x2048xf32, #tpu.memory_space<vmem>>, vector<16xf32>,
      tpu.vector_store %arg9[%parallel_loop3A_695, %parallel_loop3A_696], %parallel_loop3A_691 {strides = array<i32>} : memref<16x2048xf32, #tpu.memory_space<vmem>>, vector<16xf32>,
      %parallel_loop3A_698 = arith.constant 2600 : i32
      %parallel_loop3A_699 = vector.broadcast %parallel_loop3A_698 : i32 to vector<16xi32>
      %parallel_loop3A_700 = arith.addi %parallel_loop3A_647, %parallel_loop3A_699 : vector<16xi32>
      %parallel_loop3A_701 = tpu.vector_load_idx %arg5[%parallel_loop3A_700] : memref<8320xf32, #tpu.memory_space<vmem>>[vector<16xi32>], vector<16xf32>,
      %parallel_loop3A_702 = arith.constant 16 : i32
      %parallel_loop3A_703 = arith.muli %parallel_loop3A_643, %parallel_loop3A_702 : i32
      %parallel_loop3A_704 = arith.constant 5 : i32
      %parallel_loop3A_705 = arith.index_cast %parallel_loop3A_704 : i32 to index
      %parallel_loop3A_706 = arith.index_cast %parallel_loop3A_703 : i32 to index
      %parallel_loop3A_707 = tpu.vector_load %arg9[%parallel_loop3A_705, %parallel_loop3A_706] {strides = array<i32>} : memref<16x2048xf32, #tpu.memory_space<vmem>>, vector<16xf32>,
      tpu.vector_store %arg9[%parallel_loop3A_705, %parallel_loop3A_706], %parallel_loop3A_701 {strides = array<i32>} : memref<16x2048xf32, #tpu.memory_space<vmem>>, vector<16xf32>,
      %parallel_loop3A_708 = arith.constant 3120 : i32
      %parallel_loop3A_709 = vector.broadcast %parallel_loop3A_708 : i32 to vector<16xi32>
      %parallel_loop3A_710 = arith.addi %parallel_loop3A_647, %parallel_loop3A_709 : vector<16xi32>
      %parallel_loop3A_711 = tpu.vector_load_idx %arg5[%parallel_loop3A_710] : memref<8320xf32, #tpu.memory_space<vmem>>[vector<16xi32>], vector<16xf32>,
      %parallel_loop3A_712 = arith.constant 16 : i32
      %parallel_loop3A_713 = arith.muli %parallel_loop3A_643, %parallel_loop3A_712 : i32
      %parallel_loop3A_714 = arith.constant 6 : i32
      %parallel_loop3A_715 = arith.index_cast %parallel_loop3A_714 : i32 to index
      %parallel_loop3A_716 = arith.index_cast %parallel_loop3A_713 : i32 to index
      %parallel_loop3A_717 = tpu.vector_load %arg9[%parallel_loop3A_715, %parallel_loop3A_716] {strides = array<i32>} : memref<16x2048xf32, #tpu.memory_space<vmem>>, vector<16xf32>,
      tpu.vector_store %arg9[%parallel_loop3A_715, %parallel_loop3A_716], %parallel_loop3A_711 {strides = array<i32>} : memref<16x2048xf32, #tpu.memory_space<vmem>>, vector<16xf32>,
      %parallel_loop3A_718 = arith.constant 3640 : i32
      %parallel_loop3A_719 = vector.broadcast %parallel_loop3A_718 : i32 to vector<16xi32>
      %parallel_loop3A_720 = arith.addi %parallel_loop3A_647, %parallel_loop3A_719 : vector<16xi32>
      %parallel_loop3A_721 = tpu.vector_load_idx %arg5[%parallel_loop3A_720] : memref<8320xf32, #tpu.memory_space<vmem>>[vector<16xi32>], vector<16xf32>,
      %parallel_loop3A_722 = arith.constant 16 : i32
      %parallel_loop3A_723 = arith.muli %parallel_loop3A_643, %parallel_loop3A_722 : i32
      %parallel_loop3A_724 = arith.constant 7 : i32
      %parallel_loop3A_725 = arith.index_cast %parallel_loop3A_724 : i32 to index
      %parallel_loop3A_726 = arith.index_cast %parallel_loop3A_723 : i32 to index
      %parallel_loop3A_727 = tpu.vector_load %arg9[%parallel_loop3A_725, %parallel_loop3A_726] {strides = array<i32>} : memref<16x2048xf32, #tpu.memory_space<vmem>>, vector<16xf32>,
      tpu.vector_store %arg9[%parallel_loop3A_725, %parallel_loop3A_726], %parallel_loop3A_721 {strides = array<i32>} : memref<16x2048xf32, #tpu.memory_space<vmem>>, vector<16xf32>,
      %parallel_loop3A_728 = arith.constant 4160 : i32
      %parallel_loop3A_729 = vector.broadcast %parallel_loop3A_728 : i32 to vector<16xi32>
      %parallel_loop3A_730 = arith.addi %parallel_loop3A_647, %parallel_loop3A_729 : vector<16xi32>
      %parallel_loop3A_731 = tpu.vector_load_idx %arg5[%parallel_loop3A_730] : memref<8320xf32, #tpu.memory_space<vmem>>[vector<16xi32>], vector<16xf32>,
      %parallel_loop3A_732 = arith.constant 16 : i32
      %parallel_loop3A_733 = arith.muli %parallel_loop3A_643, %parallel_loop3A_732 : i32
      %parallel_loop3A_734 = arith.constant 8 : i32
      %parallel_loop3A_735 = arith.index_cast %parallel_loop3A_734 : i32 to index
      %parallel_loop3A_736 = arith.index_cast %parallel_loop3A_733 : i32 to index
      %parallel_loop3A_737 = tpu.vector_load %arg9[%parallel_loop3A_735, %parallel_loop3A_736] {strides = array<i32>} : memref<16x2048xf32, #tpu.memory_space<vmem>>, vector<16xf32>,
      tpu.vector_store %arg9[%parallel_loop3A_735, %parallel_loop3A_736], %parallel_loop3A_731 {strides = array<i32>} : memref<16x2048xf32, #tpu.memory_space<vmem>>, vector<16xf32>,
      %parallel_loop3A_738 = arith.constant 4680 : i32
      %parallel_loop3A_739 = vector.broadcast %parallel_loop3A_738 : i32 to vector<16xi32>
      %parallel_loop3A_740 = arith.addi %parallel_loop3A_647, %parallel_loop3A_739 : vector<16xi32>
      %parallel_loop3A_741 = tpu.vector_load_idx %arg5[%parallel_loop3A_740] : memref<8320xf32, #tpu.memory_space<vmem>>[vector<16xi32>], vector<16xf32>,
      %parallel_loop3A_742 = arith.constant 16 : i32
      %parallel_loop3A_743 = arith.muli %parallel_loop3A_643, %parallel_loop3A_742 : i32
      %parallel_loop3A_744 = arith.constant 9 : i32
      %parallel_loop3A_745 = arith.index_cast %parallel_loop3A_744 : i32 to index
      %parallel_loop3A_746 = arith.index_cast %parallel_loop3A_743 : i32 to index
      %parallel_loop3A_747 = tpu.vector_load %arg9[%parallel_loop3A_745, %parallel_loop3A_746] {strides = array<i32>} : memref<16x2048xf32, #tpu.memory_space<vmem>>, vector<16xf32>,
      tpu.vector_store %arg9[%parallel_loop3A_745, %parallel_loop3A_746], %parallel_loop3A_741 {strides = array<i32>} : memref<16x2048xf32, #tpu.memory_space<vmem>>, vector<16xf32>,
      %parallel_loop3A_748 = arith.constant 5200 : i32
      %parallel_loop3A_749 = vector.broadcast %parallel_loop3A_748 : i32 to vector<16xi32>
      %parallel_loop3A_750 = arith.addi %parallel_loop3A_647, %parallel_loop3A_749 : vector<16xi32>
      %parallel_loop3A_751 = tpu.vector_load_idx %arg5[%parallel_loop3A_750] : memref<8320xf32, #tpu.memory_space<vmem>>[vector<16xi32>], vector<16xf32>,
      %parallel_loop3A_752 = arith.constant 16 : i32
      %parallel_loop3A_753 = arith.muli %parallel_loop3A_643, %parallel_loop3A_752 : i32
      %parallel_loop3A_754 = arith.constant 10 : i32
      %parallel_loop3A_755 = arith.index_cast %parallel_loop3A_754 : i32 to index
      %parallel_loop3A_756 = arith.index_cast %parallel_loop3A_753 : i32 to index
      %parallel_loop3A_757 = tpu.vector_load %arg9[%parallel_loop3A_755, %parallel_loop3A_756] {strides = array<i32>} : memref<16x2048xf32, #tpu.memory_space<vmem>>, vector<16xf32>,
      tpu.vector_store %arg9[%parallel_loop3A_755, %parallel_loop3A_756], %parallel_loop3A_751 {strides = array<i32>} : memref<16x2048xf32, #tpu.memory_space<vmem>>, vector<16xf32>,
      %parallel_loop3A_758 = arith.constant 5720 : i32
      %parallel_loop3A_759 = vector.broadcast %parallel_loop3A_758 : i32 to vector<16xi32>
      %parallel_loop3A_760 = arith.addi %parallel_loop3A_647, %parallel_loop3A_759 : vector<16xi32>
      %parallel_loop3A_761 = tpu.vector_load_idx %arg5[%parallel_loop3A_760] : memref<8320xf32, #tpu.memory_space<vmem>>[vector<16xi32>], vector<16xf32>,
      %parallel_loop3A_762 = arith.constant 16 : i32
      %parallel_loop3A_763 = arith.muli %parallel_loop3A_643, %parallel_loop3A_762 : i32
      %parallel_loop3A_764 = arith.constant 11 : i32
      %parallel_loop3A_765 = arith.index_cast %parallel_loop3A_764 : i32 to index
      %parallel_loop3A_766 = arith.index_cast %parallel_loop3A_763 : i32 to index
      %parallel_loop3A_767 = tpu.vector_load %arg9[%parallel_loop3A_765, %parallel_loop3A_766] {strides = array<i32>} : memref<16x2048xf32, #tpu.memory_space<vmem>>, vector<16xf32>,
      tpu.vector_store %arg9[%parallel_loop3A_765, %parallel_loop3A_766], %parallel_loop3A_761 {strides = array<i32>} : memref<16x2048xf32, #tpu.memory_space<vmem>>, vector<16xf32>,
      %parallel_loop3A_768 = arith.constant 6240 : i32
      %parallel_loop3A_769 = vector.broadcast %parallel_loop3A_768 : i32 to vector<16xi32>
      %parallel_loop3A_770 = arith.addi %parallel_loop3A_647, %parallel_loop3A_769 : vector<16xi32>
      %parallel_loop3A_771 = tpu.vector_load_idx %arg5[%parallel_loop3A_770] : memref<8320xf32, #tpu.memory_space<vmem>>[vector<16xi32>], vector<16xf32>,
      %parallel_loop3A_772 = arith.constant 16 : i32
      %parallel_loop3A_773 = arith.muli %parallel_loop3A_643, %parallel_loop3A_772 : i32
      %parallel_loop3A_774 = arith.constant 12 : i32
      %parallel_loop3A_775 = arith.index_cast %parallel_loop3A_774 : i32 to index
      %parallel_loop3A_776 = arith.index_cast %parallel_loop3A_773 : i32 to index
      %parallel_loop3A_777 = tpu.vector_load %arg9[%parallel_loop3A_775, %parallel_loop3A_776] {strides = array<i32>} : memref<16x2048xf32, #tpu.memory_space<vmem>>, vector<16xf32>,
      tpu.vector_store %arg9[%parallel_loop3A_775, %parallel_loop3A_776], %parallel_loop3A_771 {strides = array<i32>} : memref<16x2048xf32, #tpu.memory_space<vmem>>, vector<16xf32>,
      %parallel_loop3A_778 = arith.constant 6760 : i32
      %parallel_loop3A_779 = vector.broadcast %parallel_loop3A_778 : i32 to vector<16xi32>
      %parallel_loop3A_780 = arith.addi %parallel_loop3A_647, %parallel_loop3A_779 : vector<16xi32>
      %parallel_loop3A_781 = tpu.vector_load_idx %arg5[%parallel_loop3A_780] : memref<8320xf32, #tpu.memory_space<vmem>>[vector<16xi32>], vector<16xf32>,
      %parallel_loop3A_782 = arith.constant 16 : i32
      %parallel_loop3A_783 = arith.muli %parallel_loop3A_643, %parallel_loop3A_782 : i32
      %parallel_loop3A_784 = arith.constant 13 : i32
      %parallel_loop3A_785 = arith.index_cast %parallel_loop3A_784 : i32 to index
      %parallel_loop3A_786 = arith.index_cast %parallel_loop3A_783 : i32 to index
      %parallel_loop3A_787 = tpu.vector_load %arg9[%parallel_loop3A_785, %parallel_loop3A_786] {strides = array<i32>} : memref<16x2048xf32, #tpu.memory_space<vmem>>, vector<16xf32>,
      tpu.vector_store %arg9[%parallel_loop3A_785, %parallel_loop3A_786], %parallel_loop3A_781 {strides = array<i32>} : memref<16x2048xf32, #tpu.memory_space<vmem>>, vector<16xf32>,
      %parallel_loop3A_788 = arith.constant 7280 : i32
      %parallel_loop3A_789 = vector.broadcast %parallel_loop3A_788 : i32 to vector<16xi32>
      %parallel_loop3A_790 = arith.addi %parallel_loop3A_647, %parallel_loop3A_789 : vector<16xi32>
      %parallel_loop3A_791 = tpu.vector_load_idx %arg5[%parallel_loop3A_790] : memref<8320xf32, #tpu.memory_space<vmem>>[vector<16xi32>], vector<16xf32>,
      %parallel_loop3A_792 = arith.constant 16 : i32
      %parallel_loop3A_793 = arith.muli %parallel_loop3A_643, %parallel_loop3A_792 : i32
      %parallel_loop3A_794 = arith.constant 14 : i32
      %parallel_loop3A_795 = arith.index_cast %parallel_loop3A_794 : i32 to index
      %parallel_loop3A_796 = arith.index_cast %parallel_loop3A_793 : i32 to index
      %parallel_loop3A_797 = tpu.vector_load %arg9[%parallel_loop3A_795, %parallel_loop3A_796] {strides = array<i32>} : memref<16x2048xf32, #tpu.memory_space<vmem>>, vector<16xf32>,
      tpu.vector_store %arg9[%parallel_loop3A_795, %parallel_loop3A_796], %parallel_loop3A_791 {strides = array<i32>} : memref<16x2048xf32, #tpu.memory_space<vmem>>, vector<16xf32>,
      %parallel_loop3A_798 = arith.constant 7800 : i32
      %parallel_loop3A_799 = vector.broadcast %parallel_loop3A_798 : i32 to vector<16xi32>
      %parallel_loop3A_800 = arith.addi %parallel_loop3A_647, %parallel_loop3A_799 : vector<16xi32>
      %parallel_loop3A_801 = tpu.vector_load_idx %arg5[%parallel_loop3A_800] : memref<8320xf32, #tpu.memory_space<vmem>>[vector<16xi32>], vector<16xf32>,
      %parallel_loop3A_802 = arith.constant 16 : i32
      %parallel_loop3A_803 = arith.muli %parallel_loop3A_643, %parallel_loop3A_802 : i32
      %parallel_loop3A_804 = arith.constant 15 : i32
      %parallel_loop3A_805 = arith.index_cast %parallel_loop3A_804 : i32 to index
      %parallel_loop3A_806 = arith.index_cast %parallel_loop3A_803 : i32 to index
      %parallel_loop3A_807 = tpu.vector_load %arg9[%parallel_loop3A_805, %parallel_loop3A_806] {strides = array<i32>} : memref<16x2048xf32, #tpu.memory_space<vmem>>, vector<16xf32>,
      tpu.vector_store %arg9[%parallel_loop3A_805, %parallel_loop3A_806], %parallel_loop3A_801 {strides = array<i32>} : memref<16x2048xf32, #tpu.memory_space<vmem>>, vector<16xf32>,
    } {sc.loop_unroll_factor = 4 : i64, sc.parallel_access}
    %add3A_176 = arith.constant 1 : i32
    %add3A_177 = arith.addi %mul3A_2, %add3A_176 : i32
    %jit3A_178 = arith.constant 128 : i32
    %div3A_179 = arith.divsi %add3A_177, %jit3A_178 : i32
    %sign3A_180 = arith.constant 0 : i32
    %sign3A_181 = arith.cmpi sgt, %add3A_177, %sign3A_180 : i32
    %sign3A_182 = arith.extui %sign3A_181 : i1 to i32
    %sign3A_183 = arith.constant 0 : i32
    %sign3A_184 = arith.cmpi slt, %add3A_177, %sign3A_183 : i32
    %sign3A_185 = arith.extui %sign3A_184 : i1 to i32
    %sign3A_186 = arith.subi %sign3A_182, %sign3A_185 : i32
    %sign3A_187 = arith.constant 0 : i32
    %sign3A_188 = arith.cmpi sgt, %jit3A_178, %sign3A_187 : i32
    %sign3A_189 = arith.extui %sign3A_188 : i1 to i32
    %sign3A_190 = arith.constant 0 : i32
    %sign3A_191 = arith.cmpi slt, %jit3A_178, %sign3A_190 : i32
    %sign3A_192 = arith.extui %sign3A_191 : i1 to i32
    %sign3A_193 = arith.subi %sign3A_189, %sign3A_192 : i32
    %ne3A_194 = arith.cmpi ne, %sign3A_186, %sign3A_193 : i32
    %rem3A_195 = arith.remsi %add3A_177, %jit3A_178 : i32
    %ne3A_196 = arith.constant 0 : i32
    %ne3A_197 = arith.cmpi ne, %rem3A_195, %ne3A_196 : i32
    %and3A_198 = arith.andi %ne3A_194, %ne3A_197 : i1
    %sub3A_199 = arith.constant 1 : i32
    %sub3A_200 = arith.subi %div3A_179, %sub3A_199 : i32
    %select_n3A_201 = arith.select %and3A_198, %sub3A_200, %div3A_179 : i32
    %jit3A_202 = arith.constant 128 : i32
    %eq3A_203 = arith.constant 0 : i32
    %eq3A_204 = arith.cmpi eq, %jit3A_202, %eq3A_203 : i32
    %jit3A_205 = arith.constant 1 : i32
    %select_n3A_206 = arith.select %eq3A_204, %jit3A_205, %jit3A_202 : i32
    %rem3A_207 = arith.remsi %add3A_177, %select_n3A_206 : i32
    %ne3A_208 = arith.constant 0 : i32
    %ne3A_209 = arith.cmpi ne, %rem3A_207, %ne3A_208 : i32
    %lt3A_210 = arith.constant 0 : i32
    %lt3A_211 = arith.cmpi slt, %rem3A_207, %lt3A_210 : i32
    %lt3A_212 = arith.constant 0 : i32
    %lt3A_213 = arith.cmpi slt, %select_n3A_206, %lt3A_212 : i32
    %ne3A_214 = arith.xori %lt3A_211, %lt3A_213 : i1
    %and3A_215 = arith.andi %ne3A_214, %ne3A_209 : i1
    %add3A_216 = arith.addi %rem3A_207, %select_n3A_206 : i32
    %select_n3A_217 = arith.select %and3A_215, %add3A_216, %rem3A_207 : i32
    %mul3A_218 = arith.constant 16 : i32
    %mul3A_219 = arith.muli %select_n3A_201, %mul3A_218 : i32
    %mul3A_220 = arith.constant 2048 : i32
    %mul3A_221 = arith.muli %select_n3A_217, %mul3A_220 : i32
    %dma_start3A_222 = tpu.memref_slice %arg4[%mul3A_219, %mul3A_221] : memref<128x262144xf32, #tpu.memory_space<hbm>> -> memref<16x2048xf32, #tpu.memory_space<hbm>>
    %dma_start3A_223 = tpu.memref_slice %arg4[%mul3A_219, %mul3A_221] : memref<128x262144xf32, #tpu.memory_space<hbm>> -> memref<16x2048xf32, #tpu.memory_space<hbm>>
    tpu.enqueue_dma source(%arg9 : memref<16x2048xf32, #tpu.memory_space<vmem>>) target(%dma_start3A_223 : memref<16x2048xf32, #tpu.memory_space<hbm>>) target_semaphore(%arg13 : memref<!tpu.dma_semaphore, #tpu.memory_space<semaphore_mem>>)
    %add3A_224 = arith.constant 3 : i32
    %add3A_225 = arith.addi %mul3A_2, %add3A_224 : i32
    %mul3A_226 = arith.constant 2048 : i32
    %mul3A_227 = arith.muli %add3A_225, %mul3A_226 : i32
    %dma_start3A_228 = tpu.memref_slice %arg2[%mul3A_227] : memref<2097152xi32, #tpu.memory_space<hbm>> -> memref<2048xi32, #tpu.memory_space<hbm>>
    %dma_start3A_229 = tpu.memref_slice %arg2[%mul3A_227] : memref<2097152xi32, #tpu.memory_space<hbm>> -> memref<2048xi32, #tpu.memory_space<hbm>>
    tpu.enqueue_dma source(%dma_start3A_229 : memref<2048xi32, #tpu.memory_space<hbm>>) target(%arg7 : memref<2048xi32, #tpu.memory_space<vmem>>) target_semaphore(%arg11 : memref<!tpu.dma_semaphore, #tpu.memory_space<semaphore_mem>>)
    %scan3A = arith.constant 0 : i32
    %scan3A_230 = arith.constant 1 : i32
    %scan3A_231 = arith.constant 14 : i32
    %scan3A_232 = arith.addi %scan3A_230, %scan3A_231 : i32
    %scan3A_233 = arith.constant 1 : i32
    scf.for %scan3A_643 = %scan3A_230 to %scan3A_232 step %scan3A_233  : i32 {
      %mul3A_644 = arith.constant 2 : i32
      %mul3A_645 = arith.muli %mul3A_644, %scan3A_643 : i32
      %add3A_646 = arith.addi %mul3A_2, %mul3A_645 : i32
      %mul3A_647 = arith.constant 2048 : i32
      %mul3A_648 = arith.muli %add3A_646, %mul3A_647 : i32
      %dma_wait3A_649 = tpu.memref_slice %arg2[%mul3A_648] : memref<2097152xi32, #tpu.memory_space<hbm>> -> memref<2048xi32, #tpu.memory_space<hbm>>
      %dma_wait3A_650 = tpu.memref_slice %arg2[%mul3A_648] : memref<2097152xi32, #tpu.memory_space<hbm>> -> memref<2048xi32, #tpu.memory_space<hbm>>
      tpu.wait_dma2 semaphore(%arg10 : memref<!tpu.dma_semaphore, #tpu.memory_space<semaphore_mem>>) src(%dma_wait3A_650 : memref<2048xi32, #tpu.memory_space<hbm>>) dst(%arg6 : memref<2048xi32, #tpu.memory_space<vmem>>)
      %sub3A_651 = arith.constant 2 : i32
      %sub3A_652 = arith.subi %mul3A_645, %sub3A_651 : i32
      %add3A_653 = arith.addi %mul3A_2, %sub3A_652 : i32
      %jit3A_654 = arith.constant 128 : i32
      %div3A_655 = arith.divsi %add3A_653, %jit3A_654 : i32
      %sign3A_656 = arith.constant 0 : i32
      %sign3A_657 = arith.cmpi sgt, %add3A_653, %sign3A_656 : i32
      %sign3A_658 = arith.extui %sign3A_657 : i1 to i32
      %sign3A_659 = arith.constant 0 : i32
      %sign3A_660 = arith.cmpi slt, %add3A_653, %sign3A_659 : i32
      %sign3A_661 = arith.extui %sign3A_660 : i1 to i32
      %sign3A_662 = arith.subi %sign3A_658, %sign3A_661 : i32
      %sign3A_663 = arith.constant 0 : i32
      %sign3A_664 = arith.cmpi sgt, %jit3A_654, %sign3A_663 : i32
      %sign3A_665 = arith.extui %sign3A_664 : i1 to i32
      %sign3A_666 = arith.constant 0 : i32
      %sign3A_667 = arith.cmpi slt, %jit3A_654, %sign3A_666 : i32
      %sign3A_668 = arith.extui %sign3A_667 : i1 to i32
      %sign3A_669 = arith.subi %sign3A_665, %sign3A_668 : i32
      %ne3A_670 = arith.cmpi ne, %sign3A_662, %sign3A_669 : i32
      %rem3A_671 = arith.remsi %add3A_653, %jit3A_654 : i32
      %ne3A_672 = arith.constant 0 : i32
      %ne3A_673 = arith.cmpi ne, %rem3A_671, %ne3A_672 : i32
      %and3A_674 = arith.andi %ne3A_670, %ne3A_673 : i1
      %sub3A_675 = arith.constant 1 : i32
      %sub3A_676 = arith.subi %div3A_655, %sub3A_675 : i32
      %select_n3A_677 = arith.select %and3A_674, %sub3A_676, %div3A_655 : i32
      %jit3A_678 = arith.constant 128 : i32
      %eq3A_679 = arith.constant 0 : i32
      %eq3A_680 = arith.cmpi eq, %jit3A_678, %eq3A_679 : i32
      %jit3A_681 = arith.constant 1 : i32
      %select_n3A_682 = arith.select %eq3A_680, %jit3A_681, %jit3A_678 : i32
      %rem3A_683 = arith.remsi %add3A_653, %select_n3A_682 : i32
      %ne3A_684 = arith.constant 0 : i32
      %ne3A_685 = arith.cmpi ne, %rem3A_683, %ne3A_684 : i32
      %lt3A_686 = arith.constant 0 : i32
      %lt3A_687 = arith.cmpi slt, %rem3A_683, %lt3A_686 : i32
      %lt3A_688 = arith.constant 0 : i32
      %lt3A_689 = arith.cmpi slt, %select_n3A_682, %lt3A_688 : i32
      %ne3A_690 = arith.xori %lt3A_687, %lt3A_689 : i1
      %and3A_691 = arith.andi %ne3A_690, %ne3A_685 : i1
      %add3A_692 = arith.addi %rem3A_683, %select_n3A_682 : i32
      %select_n3A_693 = arith.select %and3A_691, %add3A_692, %rem3A_683 : i32
      %mul3A_694 = arith.constant 16 : i32
      %mul3A_695 = arith.muli %select_n3A_677, %mul3A_694 : i32
      %mul3A_696 = arith.constant 2048 : i32
      %mul3A_697 = arith.muli %select_n3A_693, %mul3A_696 : i32
      %dma_wait3A_698 = tpu.memref_slice %arg4[%mul3A_695, %mul3A_697] : memref<128x262144xf32, #tpu.memory_space<hbm>> -> memref<16x2048xf32, #tpu.memory_space<hbm>>
      %dma_wait3A_699 = tpu.memref_slice %arg4[%mul3A_695, %mul3A_697] : memref<128x262144xf32, #tpu.memory_space<hbm>> -> memref<16x2048xf32, #tpu.memory_space<hbm>>
      tpu.wait_dma2 semaphore(%arg12 : memref<!tpu.dma_semaphore, #tpu.memory_space<semaphore_mem>>) src(%arg8 : memref<16x2048xf32, #tpu.memory_space<vmem>>) dst(%dma_wait3A_699 : memref<16x2048xf32, #tpu.memory_space<hbm>>)
      %add3A_700 = arith.addi %mul3A_2, %mul3A_645 : i32
      %get3A_701 = arith.constant 0 : index
      %get3A_702 = tpu.vector_load %arg6[%get3A_701] {strides = array<i32>} : memref<2048xi32, #tpu.memory_space<vmem>>, vector<16xi32>,
      %jit3A_703 = arith.constant 513 : i32
      %broadcast_in_dim3A_704 = vector.broadcast %jit3A_703 : i32 to vector<16xi32>
      %select_n3A_705 = arith.select %eq3A_4, %broadcast_in_dim3A_704, %get3A_702 : vector<16xi1>, vector<16xi32>
      %swap3A_706 = arith.constant 0 : index
      %swap3A_707 = tpu.vector_load %arg6[%swap3A_706] {strides = array<i32>} : memref<2048xi32, #tpu.memory_space<vmem>>, vector<16xi32>,
      tpu.vector_store %arg6[%swap3A_706], %select_n3A_705 {strides = array<i32>} : memref<2048xi32, #tpu.memory_space<vmem>>, vector<16xi32>,
      %get3A_708 = arith.constant 512 : index
      %get3A_709 = tpu.vector_load %arg6[%get3A_708] {strides = array<i32>} : memref<2048xi32, #tpu.memory_space<vmem>>, vector<16xi32>,
      %jit3A_710 = arith.constant 513 : i32
      %broadcast_in_dim3A_711 = vector.broadcast %jit3A_710 : i32 to vector<16xi32>
      %select_n3A_712 = arith.select %eq3A_4, %broadcast_in_dim3A_711, %get3A_709 : vector<16xi1>, vector<16xi32>
      %swap3A_713 = arith.constant 512 : index
      %swap3A_714 = tpu.vector_load %arg6[%swap3A_713] {strides = array<i32>} : memref<2048xi32, #tpu.memory_space<vmem>>, vector<16xi32>,
      tpu.vector_store %arg6[%swap3A_713], %select_n3A_712 {strides = array<i32>} : memref<2048xi32, #tpu.memory_space<vmem>>, vector<16xi32>,
      %get3A_715 = arith.constant 1024 : index
      %get3A_716 = tpu.vector_load %arg6[%get3A_715] {strides = array<i32>} : memref<2048xi32, #tpu.memory_space<vmem>>, vector<16xi32>,
      %jit3A_717 = arith.constant 513 : i32
      %broadcast_in_dim3A_718 = vector.broadcast %jit3A_717 : i32 to vector<16xi32>
      %select_n3A_719 = arith.select %eq3A_4, %broadcast_in_dim3A_718, %get3A_716 : vector<16xi1>, vector<16xi32>
      %swap3A_720 = arith.constant 1024 : index
      %swap3A_721 = tpu.vector_load %arg6[%swap3A_720] {strides = array<i32>} : memref<2048xi32, #tpu.memory_space<vmem>>, vector<16xi32>,
      tpu.vector_store %arg6[%swap3A_720], %select_n3A_719 {strides = array<i32>} : memref<2048xi32, #tpu.memory_space<vmem>>, vector<16xi32>,
      %get3A_722 = arith.constant 1536 : index
      %get3A_723 = tpu.vector_load %arg6[%get3A_722] {strides = array<i32>} : memref<2048xi32, #tpu.memory_space<vmem>>, vector<16xi32>,
      %jit3A_724 = arith.constant 513 : i32
      %broadcast_in_dim3A_725 = vector.broadcast %jit3A_724 : i32 to vector<16xi32>
      %select_n3A_726 = arith.select %eq3A_4, %broadcast_in_dim3A_725, %get3A_723 : vector<16xi1>, vector<16xi32>
      %swap3A_727 = arith.constant 1536 : index
      %swap3A_728 = tpu.vector_load %arg6[%swap3A_727] {strides = array<i32>} : memref<2048xi32, #tpu.memory_space<vmem>>, vector<16xi32>,
      tpu.vector_store %arg6[%swap3A_727], %select_n3A_726 {strides = array<i32>} : memref<2048xi32, #tpu.memory_space<vmem>>, vector<16xi32>,
      %jit3A_729 = arith.constant 128 : i32
      %eq3A_730 = arith.constant 0 : i32
      %eq3A_731 = arith.cmpi eq, %jit3A_729, %eq3A_730 : i32
      %jit3A_732 = arith.constant 1 : i32
      %select_n3A_733 = arith.select %eq3A_731, %jit3A_732, %jit3A_729 : i32
      %rem3A_734 = arith.remsi %add3A_700, %select_n3A_733 : i32
      %ne3A_735 = arith.constant 0 : i32
      %ne3A_736 = arith.cmpi ne, %rem3A_734, %ne3A_735 : i32
      %lt3A_737 = arith.constant 0 : i32
      %lt3A_738 = arith.cmpi slt, %rem3A_734, %lt3A_737 : i32
      %lt3A_739 = arith.constant 0 : i32
      %lt3A_740 = arith.cmpi slt, %select_n3A_733, %lt3A_739 : i32
      %ne3A_741 = arith.xori %lt3A_738, %lt3A_740 : i1
      %and3A_742 = arith.andi %ne3A_741, %ne3A_736 : i1
      %add3A_743 = arith.addi %rem3A_734, %select_n3A_733 : i32
      %select_n3A_744 = arith.select %and3A_742, %add3A_743, %rem3A_734 : i32
      %eq3A_745 = arith.constant 0 : i32
      %eq3A_746 = arith.cmpi eq, %select_n3A_744, %eq3A_745 : i32
      %convert_element_type3A_747 = arith.extui %eq3A_746 : i1 to i32
      %cond3A_748 = arith.constant 0 : i32
      %cond3A_749 = arith.cmpi ne, %convert_element_type3A_747, %cond3A_748 : i32
      scf.if %cond3A_749 {
        %parallel_loop3A_972 = arith.constant 0 : i32
        %parallel_loop3A_973 = arith.constant 32 : i32
        %parallel_loop3A_974 = arith.constant 1 : i32
        scf.for %parallel_loop3A_975 = %parallel_loop3A_972 to %parallel_loop3A_973 step %parallel_loop3A_974  : i32 {
          %parallel_loop3A_976 = arith.constant 16 : i32
          %parallel_loop3A_977 = arith.muli %parallel_loop3A_975, %parallel_loop3A_976 : i32
          %parallel_loop3A_978 = arith.index_cast %parallel_loop3A_977 : i32 to index
          %parallel_loop3A_979 = tpu.vector_load %arg6[%parallel_loop3A_978] {strides = array<i32>} : memref<2048xi32, #tpu.memory_space<vmem>>, vector<16xi32>,
          tpu.vector_store %arg6[%parallel_loop3A_978], %broadcast_in_dim3A_5 {strides = array<i32>} : memref<2048xi32, #tpu.memory_space<vmem>>, vector<16xi32>,
        } {sc.loop_unroll_factor = 4 : i64, sc.parallel_access}
      } else {
      }
      %parallel_loop3A_750 = arith.constant 0 : i32
      %parallel_loop3A_751 = arith.constant 128 : i32
      %parallel_loop3A_752 = arith.constant 1 : i32
      scf.for %parallel_loop3A_972 = %parallel_loop3A_750 to %parallel_loop3A_751 step %parallel_loop3A_752  : i32 {
        %parallel_loop3A_973 = arith.constant 16 : i32
        %parallel_loop3A_974 = arith.muli %parallel_loop3A_972, %parallel_loop3A_973 : i32
        %parallel_loop3A_975 = arith.index_cast %parallel_loop3A_974 : i32 to index
        %parallel_loop3A_976 = tpu.vector_load %arg6[%parallel_loop3A_975] {strides = array<i32>} : memref<2048xi32, #tpu.memory_space<vmem>>, vector<16xi32>,
        %parallel_loop3A_977 = arith.constant 0 : i32
        %parallel_loop3A_978 = vector.broadcast %parallel_loop3A_977 : i32 to vector<16xi32>
        %parallel_loop3A_979 = arith.addi %parallel_loop3A_976, %parallel_loop3A_978 : vector<16xi32>
        %parallel_loop3A_980 = tpu.vector_load_idx %arg5[%parallel_loop3A_979] : memref<8320xf32, #tpu.memory_space<vmem>>[vector<16xi32>], vector<16xf32>,
        %parallel_loop3A_981 = arith.constant 16 : i32
        %parallel_loop3A_982 = arith.muli %parallel_loop3A_972, %parallel_loop3A_981 : i32
        %parallel_loop3A_983 = arith.constant 0 : i32
        %parallel_loop3A_984 = arith.index_cast %parallel_loop3A_983 : i32 to index
        %parallel_loop3A_985 = arith.index_cast %parallel_loop3A_982 : i32 to index
        %parallel_loop3A_986 = tpu.vector_load %arg8[%parallel_loop3A_984, %parallel_loop3A_985] {strides = array<i32>} : memref<16x2048xf32, #tpu.memory_space<vmem>>, vector<16xf32>,
        tpu.vector_store %arg8[%parallel_loop3A_984, %parallel_loop3A_985], %parallel_loop3A_980 {strides = array<i32>} : memref<16x2048xf32, #tpu.memory_space<vmem>>, vector<16xf32>,
        %parallel_loop3A_987 = arith.constant 520 : i32
        %parallel_loop3A_988 = vector.broadcast %parallel_loop3A_987 : i32 to vector<16xi32>
        %parallel_loop3A_989 = arith.addi %parallel_loop3A_976, %parallel_loop3A_988 : vector<16xi32>
        %parallel_loop3A_990 = tpu.vector_load_idx %arg5[%parallel_loop3A_989] : memref<8320xf32, #tpu.memory_space<vmem>>[vector<16xi32>], vector<16xf32>,
        %parallel_loop3A_991 = arith.constant 16 : i32
        %parallel_loop3A_992 = arith.muli %parallel_loop3A_972, %parallel_loop3A_991 : i32
        %parallel_loop3A_993 = arith.constant 1 : i32
        %parallel_loop3A_994 = arith.index_cast %parallel_loop3A_993 : i32 to index
        %parallel_loop3A_995 = arith.index_cast %parallel_loop3A_992 : i32 to index
        %parallel_loop3A_996 = tpu.vector_load %arg8[%parallel_loop3A_994, %parallel_loop3A_995] {strides = array<i32>} : memref<16x2048xf32, #tpu.memory_space<vmem>>, vector<16xf32>,
        tpu.vector_store %arg8[%parallel_loop3A_994, %parallel_loop3A_995], %parallel_loop3A_990 {strides = array<i32>} : memref<16x2048xf32, #tpu.memory_space<vmem>>, vector<16xf32>,
        %parallel_loop3A_997 = arith.constant 1040 : i32
        %parallel_loop3A_998 = vector.broadcast %parallel_loop3A_997 : i32 to vector<16xi32>
        %parallel_loop3A_999 = arith.addi %parallel_loop3A_976, %parallel_loop3A_998 : vector<16xi32>
        %parallel_loop3A_1000 = tpu.vector_load_idx %arg5[%parallel_loop3A_999] : memref<8320xf32, #tpu.memory_space<vmem>>[vector<16xi32>], vector<16xf32>,
        %parallel_loop3A_1001 = arith.constant 16 : i32
        %parallel_loop3A_1002 = arith.muli %parallel_loop3A_972, %parallel_loop3A_1001 : i32
        %parallel_loop3A_1003 = arith.constant 2 : i32
        %parallel_loop3A_1004 = arith.index_cast %parallel_loop3A_1003 : i32 to index
        %parallel_loop3A_1005 = arith.index_cast %parallel_loop3A_1002 : i32 to index
        %parallel_loop3A_1006 = tpu.vector_load %arg8[%parallel_loop3A_1004, %parallel_loop3A_1005] {strides = array<i32>} : memref<16x2048xf32, #tpu.memory_space<vmem>>, vector<16xf32>,
        tpu.vector_store %arg8[%parallel_loop3A_1004, %parallel_loop3A_1005], %parallel_loop3A_1000 {strides = array<i32>} : memref<16x2048xf32, #tpu.memory_space<vmem>>, vector<16xf32>,
        %parallel_loop3A_1007 = arith.constant 1560 : i32
        %parallel_loop3A_1008 = vector.broadcast %parallel_loop3A_1007 : i32 to vector<16xi32>
        %parallel_loop3A_1009 = arith.addi %parallel_loop3A_976, %parallel_loop3A_1008 : vector<16xi32>
        %parallel_loop3A_1010 = tpu.vector_load_idx %arg5[%parallel_loop3A_1009] : memref<8320xf32, #tpu.memory_space<vmem>>[vector<16xi32>], vector<16xf32>,
        %parallel_loop3A_1011 = arith.constant 16 : i32
        %parallel_loop3A_1012 = arith.muli %parallel_loop3A_972, %parallel_loop3A_1011 : i32
        %parallel_loop3A_1013 = arith.constant 3 : i32
        %parallel_loop3A_1014 = arith.index_cast %parallel_loop3A_1013 : i32 to index
        %parallel_loop3A_1015 = arith.index_cast %parallel_loop3A_1012 : i32 to index
        %parallel_loop3A_1016 = tpu.vector_load %arg8[%parallel_loop3A_1014, %parallel_loop3A_1015] {strides = array<i32>} : memref<16x2048xf32, #tpu.memory_space<vmem>>, vector<16xf32>,
        tpu.vector_store %arg8[%parallel_loop3A_1014, %parallel_loop3A_1015], %parallel_loop3A_1010 {strides = array<i32>} : memref<16x2048xf32, #tpu.memory_space<vmem>>, vector<16xf32>,
        %parallel_loop3A_1017 = arith.constant 2080 : i32
        %parallel_loop3A_1018 = vector.broadcast %parallel_loop3A_1017 : i32 to vector<16xi32>
        %parallel_loop3A_1019 = arith.addi %parallel_loop3A_976, %parallel_loop3A_1018 : vector<16xi32>
        %parallel_loop3A_1020 = tpu.vector_load_idx %arg5[%parallel_loop3A_1019] : memref<8320xf32, #tpu.memory_space<vmem>>[vector<16xi32>], vector<16xf32>,
        %parallel_loop3A_1021 = arith.constant 16 : i32
        %parallel_loop3A_1022 = arith.muli %parallel_loop3A_972, %parallel_loop3A_1021 : i32
        %parallel_loop3A_1023 = arith.constant 4 : i32
        %parallel_loop3A_1024 = arith.index_cast %parallel_loop3A_1023 : i32 to index
        %parallel_loop3A_1025 = arith.index_cast %parallel_loop3A_1022 : i32 to index
        %parallel_loop3A_1026 = tpu.vector_load %arg8[%parallel_loop3A_1024, %parallel_loop3A_1025] {strides = array<i32>} : memref<16x2048xf32, #tpu.memory_space<vmem>>, vector<16xf32>,
        tpu.vector_store %arg8[%parallel_loop3A_1024, %parallel_loop3A_1025], %parallel_loop3A_1020 {strides = array<i32>} : memref<16x2048xf32, #tpu.memory_space<vmem>>, vector<16xf32>,
        %parallel_loop3A_1027 = arith.constant 2600 : i32
        %parallel_loop3A_1028 = vector.broadcast %parallel_loop3A_1027 : i32 to vector<16xi32>
        %parallel_loop3A_1029 = arith.addi %parallel_loop3A_976, %parallel_loop3A_1028 : vector<16xi32>
        %parallel_loop3A_1030 = tpu.vector_load_idx %arg5[%parallel_loop3A_1029] : memref<8320xf32, #tpu.memory_space<vmem>>[vector<16xi32>], vector<16xf32>,
        %parallel_loop3A_1031 = arith.constant 16 : i32
        %parallel_loop3A_1032 = arith.muli %parallel_loop3A_972, %parallel_loop3A_1031 : i32
        %parallel_loop3A_1033 = arith.constant 5 : i32
        %parallel_loop3A_1034 = arith.index_cast %parallel_loop3A_1033 : i32 to index
        %parallel_loop3A_1035 = arith.index_cast %parallel_loop3A_1032 : i32 to index
        %parallel_loop3A_1036 = tpu.vector_load %arg8[%parallel_loop3A_1034, %parallel_loop3A_1035] {strides = array<i32>} : memref<16x2048xf32, #tpu.memory_space<vmem>>, vector<16xf32>,
        tpu.vector_store %arg8[%parallel_loop3A_1034, %parallel_loop3A_1035], %parallel_loop3A_1030 {strides = array<i32>} : memref<16x2048xf32, #tpu.memory_space<vmem>>, vector<16xf32>,
        %parallel_loop3A_1037 = arith.constant 3120 : i32
        %parallel_loop3A_1038 = vector.broadcast %parallel_loop3A_1037 : i32 to vector<16xi32>
        %parallel_loop3A_1039 = arith.addi %parallel_loop3A_976, %parallel_loop3A_1038 : vector<16xi32>
        %parallel_loop3A_1040 = tpu.vector_load_idx %arg5[%parallel_loop3A_1039] : memref<8320xf32, #tpu.memory_space<vmem>>[vector<16xi32>], vector<16xf32>,
        %parallel_loop3A_1041 = arith.constant 16 : i32
        %parallel_loop3A_1042 = arith.muli %parallel_loop3A_972, %parallel_loop3A_1041 : i32
        %parallel_loop3A_1043 = arith.constant 6 : i32
        %parallel_loop3A_1044 = arith.index_cast %parallel_loop3A_1043 : i32 to index
        %parallel_loop3A_1045 = arith.index_cast %parallel_loop3A_1042 : i32 to index
        %parallel_loop3A_1046 = tpu.vector_load %arg8[%parallel_loop3A_1044, %parallel_loop3A_1045] {strides = array<i32>} : memref<16x2048xf32, #tpu.memory_space<vmem>>, vector<16xf32>,
        tpu.vector_store %arg8[%parallel_loop3A_1044, %parallel_loop3A_1045], %parallel_loop3A_1040 {strides = array<i32>} : memref<16x2048xf32, #tpu.memory_space<vmem>>, vector<16xf32>,
        %parallel_loop3A_1047 = arith.constant 3640 : i32
        %parallel_loop3A_1048 = vector.broadcast %parallel_loop3A_1047 : i32 to vector<16xi32>
        %parallel_loop3A_1049 = arith.addi %parallel_loop3A_976, %parallel_loop3A_1048 : vector<16xi32>
        %parallel_loop3A_1050 = tpu.vector_load_idx %arg5[%parallel_loop3A_1049] : memref<8320xf32, #tpu.memory_space<vmem>>[vector<16xi32>], vector<16xf32>,
        %parallel_loop3A_1051 = arith.constant 16 : i32
        %parallel_loop3A_1052 = arith.muli %parallel_loop3A_972, %parallel_loop3A_1051 : i32
        %parallel_loop3A_1053 = arith.constant 7 : i32
        %parallel_loop3A_1054 = arith.index_cast %parallel_loop3A_1053 : i32 to index
        %parallel_loop3A_1055 = arith.index_cast %parallel_loop3A_1052 : i32 to index
        %parallel_loop3A_1056 = tpu.vector_load %arg8[%parallel_loop3A_1054, %parallel_loop3A_1055] {strides = array<i32>} : memref<16x2048xf32, #tpu.memory_space<vmem>>, vector<16xf32>,
        tpu.vector_store %arg8[%parallel_loop3A_1054, %parallel_loop3A_1055], %parallel_loop3A_1050 {strides = array<i32>} : memref<16x2048xf32, #tpu.memory_space<vmem>>, vector<16xf32>,
        %parallel_loop3A_1057 = arith.constant 4160 : i32
        %parallel_loop3A_1058 = vector.broadcast %parallel_loop3A_1057 : i32 to vector<16xi32>
        %parallel_loop3A_1059 = arith.addi %parallel_loop3A_976, %parallel_loop3A_1058 : vector<16xi32>
        %parallel_loop3A_1060 = tpu.vector_load_idx %arg5[%parallel_loop3A_1059] : memref<8320xf32, #tpu.memory_space<vmem>>[vector<16xi32>], vector<16xf32>,
        %parallel_loop3A_1061 = arith.constant 16 : i32
        %parallel_loop3A_1062 = arith.muli %parallel_loop3A_972, %parallel_loop3A_1061 : i32
        %parallel_loop3A_1063 = arith.constant 8 : i32
        %parallel_loop3A_1064 = arith.index_cast %parallel_loop3A_1063 : i32 to index
        %parallel_loop3A_1065 = arith.index_cast %parallel_loop3A_1062 : i32 to index
        %parallel_loop3A_1066 = tpu.vector_load %arg8[%parallel_loop3A_1064, %parallel_loop3A_1065] {strides = array<i32>} : memref<16x2048xf32, #tpu.memory_space<vmem>>, vector<16xf32>,
        tpu.vector_store %arg8[%parallel_loop3A_1064, %parallel_loop3A_1065], %parallel_loop3A_1060 {strides = array<i32>} : memref<16x2048xf32, #tpu.memory_space<vmem>>, vector<16xf32>,
        %parallel_loop3A_1067 = arith.constant 4680 : i32
        %parallel_loop3A_1068 = vector.broadcast %parallel_loop3A_1067 : i32 to vector<16xi32>
        %parallel_loop3A_1069 = arith.addi %parallel_loop3A_976, %parallel_loop3A_1068 : vector<16xi32>
        %parallel_loop3A_1070 = tpu.vector_load_idx %arg5[%parallel_loop3A_1069] : memref<8320xf32, #tpu.memory_space<vmem>>[vector<16xi32>], vector<16xf32>,
        %parallel_loop3A_1071 = arith.constant 16 : i32
        %parallel_loop3A_1072 = arith.muli %parallel_loop3A_972, %parallel_loop3A_1071 : i32
        %parallel_loop3A_1073 = arith.constant 9 : i32
        %parallel_loop3A_1074 = arith.index_cast %parallel_loop3A_1073 : i32 to index
        %parallel_loop3A_1075 = arith.index_cast %parallel_loop3A_1072 : i32 to index
        %parallel_loop3A_1076 = tpu.vector_load %arg8[%parallel_loop3A_1074, %parallel_loop3A_1075] {strides = array<i32>} : memref<16x2048xf32, #tpu.memory_space<vmem>>, vector<16xf32>,
        tpu.vector_store %arg8[%parallel_loop3A_1074, %parallel_loop3A_1075], %parallel_loop3A_1070 {strides = array<i32>} : memref<16x2048xf32, #tpu.memory_space<vmem>>, vector<16xf32>,
        %parallel_loop3A_1077 = arith.constant 5200 : i32
        %parallel_loop3A_1078 = vector.broadcast %parallel_loop3A_1077 : i32 to vector<16xi32>
        %parallel_loop3A_1079 = arith.addi %parallel_loop3A_976, %parallel_loop3A_1078 : vector<16xi32>
        %parallel_loop3A_1080 = tpu.vector_load_idx %arg5[%parallel_loop3A_1079] : memref<8320xf32, #tpu.memory_space<vmem>>[vector<16xi32>], vector<16xf32>,
        %parallel_loop3A_1081 = arith.constant 16 : i32
        %parallel_loop3A_1082 = arith.muli %parallel_loop3A_972, %parallel_loop3A_1081 : i32
        %parallel_loop3A_1083 = arith.constant 10 : i32
        %parallel_loop3A_1084 = arith.index_cast %parallel_loop3A_1083 : i32 to index
        %parallel_loop3A_1085 = arith.index_cast %parallel_loop3A_1082 : i32 to index
        %parallel_loop3A_1086 = tpu.vector_load %arg8[%parallel_loop3A_1084, %parallel_loop3A_1085] {strides = array<i32>} : memref<16x2048xf32, #tpu.memory_space<vmem>>, vector<16xf32>,
        tpu.vector_store %arg8[%parallel_loop3A_1084, %parallel_loop3A_1085], %parallel_loop3A_1080 {strides = array<i32>} : memref<16x2048xf32, #tpu.memory_space<vmem>>, vector<16xf32>,
        %parallel_loop3A_1087 = arith.constant 5720 : i32
        %parallel_loop3A_1088 = vector.broadcast %parallel_loop3A_1087 : i32 to vector<16xi32>
        %parallel_loop3A_1089 = arith.addi %parallel_loop3A_976, %parallel_loop3A_1088 : vector<16xi32>
        %parallel_loop3A_1090 = tpu.vector_load_idx %arg5[%parallel_loop3A_1089] : memref<8320xf32, #tpu.memory_space<vmem>>[vector<16xi32>], vector<16xf32>,
        %parallel_loop3A_1091 = arith.constant 16 : i32
        %parallel_loop3A_1092 = arith.muli %parallel_loop3A_972, %parallel_loop3A_1091 : i32
        %parallel_loop3A_1093 = arith.constant 11 : i32
        %parallel_loop3A_1094 = arith.index_cast %parallel_loop3A_1093 : i32 to index
        %parallel_loop3A_1095 = arith.index_cast %parallel_loop3A_1092 : i32 to index
        %parallel_loop3A_1096 = tpu.vector_load %arg8[%parallel_loop3A_1094, %parallel_loop3A_1095] {strides = array<i32>} : memref<16x2048xf32, #tpu.memory_space<vmem>>, vector<16xf32>,
        tpu.vector_store %arg8[%parallel_loop3A_1094, %parallel_loop3A_1095], %parallel_loop3A_1090 {strides = array<i32>} : memref<16x2048xf32, #tpu.memory_space<vmem>>, vector<16xf32>,
        %parallel_loop3A_1097 = arith.constant 6240 : i32
        %parallel_loop3A_1098 = vector.broadcast %parallel_loop3A_1097 : i32 to vector<16xi32>
        %parallel_loop3A_1099 = arith.addi %parallel_loop3A_976, %parallel_loop3A_1098 : vector<16xi32>
        %parallel_loop3A_1100 = tpu.vector_load_idx %arg5[%parallel_loop3A_1099] : memref<8320xf32, #tpu.memory_space<vmem>>[vector<16xi32>], vector<16xf32>,
        %parallel_loop3A_1101 = arith.constant 16 : i32
        %parallel_loop3A_1102 = arith.muli %parallel_loop3A_972, %parallel_loop3A_1101 : i32
        %parallel_loop3A_1103 = arith.constant 12 : i32
        %parallel_loop3A_1104 = arith.index_cast %parallel_loop3A_1103 : i32 to index
        %parallel_loop3A_1105 = arith.index_cast %parallel_loop3A_1102 : i32 to index
        %parallel_loop3A_1106 = tpu.vector_load %arg8[%parallel_loop3A_1104, %parallel_loop3A_1105] {strides = array<i32>} : memref<16x2048xf32, #tpu.memory_space<vmem>>, vector<16xf32>,
        tpu.vector_store %arg8[%parallel_loop3A_1104, %parallel_loop3A_1105], %parallel_loop3A_1100 {strides = array<i32>} : memref<16x2048xf32, #tpu.memory_space<vmem>>, vector<16xf32>,
        %parallel_loop3A_1107 = arith.constant 6760 : i32
        %parallel_loop3A_1108 = vector.broadcast %parallel_loop3A_1107 : i32 to vector<16xi32>
        %parallel_loop3A_1109 = arith.addi %parallel_loop3A_976, %parallel_loop3A_1108 : vector<16xi32>
        %parallel_loop3A_1110 = tpu.vector_load_idx %arg5[%parallel_loop3A_1109] : memref<8320xf32, #tpu.memory_space<vmem>>[vector<16xi32>], vector<16xf32>,
        %parallel_loop3A_1111 = arith.constant 16 : i32
        %parallel_loop3A_1112 = arith.muli %parallel_loop3A_972, %parallel_loop3A_1111 : i32
        %parallel_loop3A_1113 = arith.constant 13 : i32
        %parallel_loop3A_1114 = arith.index_cast %parallel_loop3A_1113 : i32 to index
        %parallel_loop3A_1115 = arith.index_cast %parallel_loop3A_1112 : i32 to index
        %parallel_loop3A_1116 = tpu.vector_load %arg8[%parallel_loop3A_1114, %parallel_loop3A_1115] {strides = array<i32>} : memref<16x2048xf32, #tpu.memory_space<vmem>>, vector<16xf32>,
        tpu.vector_store %arg8[%parallel_loop3A_1114, %parallel_loop3A_1115], %parallel_loop3A_1110 {strides = array<i32>} : memref<16x2048xf32, #tpu.memory_space<vmem>>, vector<16xf32>,
        %parallel_loop3A_1117 = arith.constant 7280 : i32
        %parallel_loop3A_1118 = vector.broadcast %parallel_loop3A_1117 : i32 to vector<16xi32>
        %parallel_loop3A_1119 = arith.addi %parallel_loop3A_976, %parallel_loop3A_1118 : vector<16xi32>
        %parallel_loop3A_1120 = tpu.vector_load_idx %arg5[%parallel_loop3A_1119] : memref<8320xf32, #tpu.memory_space<vmem>>[vector<16xi32>], vector<16xf32>,
        %parallel_loop3A_1121 = arith.constant 16 : i32
        %parallel_loop3A_1122 = arith.muli %parallel_loop3A_972, %parallel_loop3A_1121 : i32
        %parallel_loop3A_1123 = arith.constant 14 : i32
        %parallel_loop3A_1124 = arith.index_cast %parallel_loop3A_1123 : i32 to index
        %parallel_loop3A_1125 = arith.index_cast %parallel_loop3A_1122 : i32 to index
        %parallel_loop3A_1126 = tpu.vector_load %arg8[%parallel_loop3A_1124, %parallel_loop3A_1125] {strides = array<i32>} : memref<16x2048xf32, #tpu.memory_space<vmem>>, vector<16xf32>,
        tpu.vector_store %arg8[%parallel_loop3A_1124, %parallel_loop3A_1125], %parallel_loop3A_1120 {strides = array<i32>} : memref<16x2048xf32, #tpu.memory_space<vmem>>, vector<16xf32>,
        %parallel_loop3A_1127 = arith.constant 7800 : i32
        %parallel_loop3A_1128 = vector.broadcast %parallel_loop3A_1127 : i32 to vector<16xi32>
        %parallel_loop3A_1129 = arith.addi %parallel_loop3A_976, %parallel_loop3A_1128 : vector<16xi32>
        %parallel_loop3A_1130 = tpu.vector_load_idx %arg5[%parallel_loop3A_1129] : memref<8320xf32, #tpu.memory_space<vmem>>[vector<16xi32>], vector<16xf32>,
        %parallel_loop3A_1131 = arith.constant 16 : i32
        %parallel_loop3A_1132 = arith.muli %parallel_loop3A_972, %parallel_loop3A_1131 : i32
        %parallel_loop3A_1133 = arith.constant 15 : i32
        %parallel_loop3A_1134 = arith.index_cast %parallel_loop3A_1133 : i32 to index
        %parallel_loop3A_1135 = arith.index_cast %parallel_loop3A_1132 : i32 to index
        %parallel_loop3A_1136 = tpu.vector_load %arg8[%parallel_loop3A_1134, %parallel_loop3A_1135] {strides = array<i32>} : memref<16x2048xf32, #tpu.memory_space<vmem>>, vector<16xf32>,
        tpu.vector_store %arg8[%parallel_loop3A_1134, %parallel_loop3A_1135], %parallel_loop3A_1130 {strides = array<i32>} : memref<16x2048xf32, #tpu.memory_space<vmem>>, vector<16xf32>,
      } {sc.loop_unroll_factor = 4 : i64, sc.parallel_access}
      %add3A_753 = arith.addi %mul3A_2, %mul3A_645 : i32
      %jit3A_754 = arith.constant 128 : i32
      %div3A_755 = arith.divsi %add3A_753, %jit3A_754 : i32
      %sign3A_756 = arith.constant 0 : i32
      %sign3A_757 = arith.cmpi sgt, %add3A_753, %sign3A_756 : i32
      %sign3A_758 = arith.extui %sign3A_757 : i1 to i32
      %sign3A_759 = arith.constant 0 : i32
      %sign3A_760 = arith.cmpi slt, %add3A_753, %sign3A_759 : i32
      %sign3A_761 = arith.extui %sign3A_760 : i1 to i32
      %sign3A_762 = arith.subi %sign3A_758, %sign3A_761 : i32
      %sign3A_763 = arith.constant 0 : i32
      %sign3A_764 = arith.cmpi sgt, %jit3A_754, %sign3A_763 : i32
      %sign3A_765 = arith.extui %sign3A_764 : i1 to i32
      %sign3A_766 = arith.constant 0 : i32
      %sign3A_767 = arith.cmpi slt, %jit3A_754, %sign3A_766 : i32
      %sign3A_768 = arith.extui %sign3A_767 : i1 to i32
      %sign3A_769 = arith.subi %sign3A_765, %sign3A_768 : i32
      %ne3A_770 = arith.cmpi ne, %sign3A_762, %sign3A_769 : i32
      %rem3A_771 = arith.remsi %add3A_753, %jit3A_754 : i32
      %ne3A_772 = arith.constant 0 : i32
      %ne3A_773 = arith.cmpi ne, %rem3A_771, %ne3A_772 : i32
      %and3A_774 = arith.andi %ne3A_770, %ne3A_773 : i1
      %sub3A_775 = arith.constant 1 : i32
      %sub3A_776 = arith.subi %div3A_755, %sub3A_775 : i32
      %select_n3A_777 = arith.select %and3A_774, %sub3A_776, %div3A_755 : i32
      %jit3A_778 = arith.constant 128 : i32
      %eq3A_779 = arith.constant 0 : i32
      %eq3A_780 = arith.cmpi eq, %jit3A_778, %eq3A_779 : i32
      %jit3A_781 = arith.constant 1 : i32
      %select_n3A_782 = arith.select %eq3A_780, %jit3A_781, %jit3A_778 : i32
      %rem3A_783 = arith.remsi %add3A_753, %select_n3A_782 : i32
      %ne3A_784 = arith.constant 0 : i32
      %ne3A_785 = arith.cmpi ne, %rem3A_783, %ne3A_784 : i32
      %lt3A_786 = arith.constant 0 : i32
      %lt3A_787 = arith.cmpi slt, %rem3A_783, %lt3A_786 : i32
      %lt3A_788 = arith.constant 0 : i32
      %lt3A_789 = arith.cmpi slt, %select_n3A_782, %lt3A_788 : i32
      %ne3A_790 = arith.xori %lt3A_787, %lt3A_789 : i1
      %and3A_791 = arith.andi %ne3A_790, %ne3A_785 : i1
      %add3A_792 = arith.addi %rem3A_783, %select_n3A_782 : i32
      %select_n3A_793 = arith.select %and3A_791, %add3A_792, %rem3A_783 : i32
      %mul3A_794 = arith.constant 16 : i32
      %mul3A_795 = arith.muli %select_n3A_777, %mul3A_794 : i32
      %mul3A_796 = arith.constant 2048 : i32
      %mul3A_797 = arith.muli %select_n3A_793, %mul3A_796 : i32
      %dma_start3A_798 = tpu.memref_slice %arg4[%mul3A_795, %mul3A_797] : memref<128x262144xf32, #tpu.memory_space<hbm>> -> memref<16x2048xf32, #tpu.memory_space<hbm>>
      %dma_start3A_799 = tpu.memref_slice %arg4[%mul3A_795, %mul3A_797] : memref<128x262144xf32, #tpu.memory_space<hbm>> -> memref<16x2048xf32, #tpu.memory_space<hbm>>
      tpu.enqueue_dma source(%arg8 : memref<16x2048xf32, #tpu.memory_space<vmem>>) target(%dma_start3A_799 : memref<16x2048xf32, #tpu.memory_space<hbm>>) target_semaphore(%arg12 : memref<!tpu.dma_semaphore, #tpu.memory_space<semaphore_mem>>)
      %add3A_800 = arith.constant 2 : i32
      %add3A_801 = arith.addi %mul3A_645, %add3A_800 : i32
      %add3A_802 = arith.addi %mul3A_2, %add3A_801 : i32
      %mul3A_803 = arith.constant 2048 : i32
      %mul3A_804 = arith.muli %add3A_802, %mul3A_803 : i32
      %dma_start3A_805 = tpu.memref_slice %arg2[%mul3A_804] : memref<2097152xi32, #tpu.memory_space<hbm>> -> memref<2048xi32, #tpu.memory_space<hbm>>
      %dma_start3A_806 = tpu.memref_slice %arg2[%mul3A_804] : memref<2097152xi32, #tpu.memory_space<hbm>> -> memref<2048xi32, #tpu.memory_space<hbm>>
      tpu.enqueue_dma source(%dma_start3A_806 : memref<2048xi32, #tpu.memory_space<hbm>>) target(%arg6 : memref<2048xi32, #tpu.memory_space<vmem>>) target_semaphore(%arg10 : memref<!tpu.dma_semaphore, #tpu.memory_space<semaphore_mem>>)
      %mul3A_807 = arith.constant 2 : i32
      %mul3A_808 = arith.muli %mul3A_807, %scan3A_643 : i32
      %add3A_809 = arith.constant 1 : i32
      %add3A_810 = arith.addi %mul3A_808, %add3A_809 : i32
      %add3A_811 = arith.addi %mul3A_2, %add3A_810 : i32
      %mul3A_812 = arith.constant 2048 : i32
      %mul3A_813 = arith.muli %add3A_811, %mul3A_812 : i32
      %dma_wait3A_814 = tpu.memref_slice %arg2[%mul3A_813] : memref<2097152xi32, #tpu.memory_space<hbm>> -> memref<2048xi32, #tpu.memory_space<hbm>>
      %dma_wait3A_815 = tpu.memref_slice %arg2[%mul3A_813] : memref<2097152xi32, #tpu.memory_space<hbm>> -> memref<2048xi32, #tpu.memory_space<hbm>>
      tpu.wait_dma2 semaphore(%arg11 : memref<!tpu.dma_semaphore, #tpu.memory_space<semaphore_mem>>) src(%dma_wait3A_815 : memref<2048xi32, #tpu.memory_space<hbm>>) dst(%arg7 : memref<2048xi32, #tpu.memory_space<vmem>>)
      %sub3A_816 = arith.constant 2 : i32
      %sub3A_817 = arith.subi %add3A_810, %sub3A_816 : i32
      %add3A_818 = arith.addi %mul3A_2, %sub3A_817 : i32
      %jit3A_819 = arith.constant 128 : i32
      %div3A_820 = arith.divsi %add3A_818, %jit3A_819 : i32
      %sign3A_821 = arith.constant 0 : i32
      %sign3A_822 = arith.cmpi sgt, %add3A_818, %sign3A_821 : i32
      %sign3A_823 = arith.extui %sign3A_822 : i1 to i32
      %sign3A_824 = arith.constant 0 : i32
      %sign3A_825 = arith.cmpi slt, %add3A_818, %sign3A_824 : i32
      %sign3A_826 = arith.extui %sign3A_825 : i1 to i32
      %sign3A_827 = arith.subi %sign3A_823, %sign3A_826 : i32
      %sign3A_828 = arith.constant 0 : i32
      %sign3A_829 = arith.cmpi sgt, %jit3A_819, %sign3A_828 : i32
      %sign3A_830 = arith.extui %sign3A_829 : i1 to i32
      %sign3A_831 = arith.constant 0 : i32
      %sign3A_832 = arith.cmpi slt, %jit3A_819, %sign3A_831 : i32
      %sign3A_833 = arith.extui %sign3A_832 : i1 to i32
      %sign3A_834 = arith.subi %sign3A_830, %sign3A_833 : i32
      %ne3A_835 = arith.cmpi ne, %sign3A_827, %sign3A_834 : i32
      %rem3A_836 = arith.remsi %add3A_818, %jit3A_819 : i32
      %ne3A_837 = arith.constant 0 : i32
      %ne3A_838 = arith.cmpi ne, %rem3A_836, %ne3A_837 : i32
      %and3A_839 = arith.andi %ne3A_835, %ne3A_838 : i1
      %sub3A_840 = arith.constant 1 : i32
      %sub3A_841 = arith.subi %div3A_820, %sub3A_840 : i32
      %select_n3A_842 = arith.select %and3A_839, %sub3A_841, %div3A_820 : i32
      %jit3A_843 = arith.constant 128 : i32
      %eq3A_844 = arith.constant 0 : i32
      %eq3A_845 = arith.cmpi eq, %jit3A_843, %eq3A_844 : i32
      %jit3A_846 = arith.constant 1 : i32
      %select_n3A_847 = arith.select %eq3A_845, %jit3A_846, %jit3A_843 : i32
      %rem3A_848 = arith.remsi %add3A_818, %select_n3A_847 : i32
      %ne3A_849 = arith.constant 0 : i32
      %ne3A_850 = arith.cmpi ne, %rem3A_848, %ne3A_849 : i32
      %lt3A_851 = arith.constant 0 : i32
      %lt3A_852 = arith.cmpi slt, %rem3A_848, %lt3A_851 : i32
      %lt3A_853 = arith.constant 0 : i32
      %lt3A_854 = arith.cmpi slt, %select_n3A_847, %lt3A_853 : i32
      %ne3A_855 = arith.xori %lt3A_852, %lt3A_854 : i1
      %and3A_856 = arith.andi %ne3A_855, %ne3A_850 : i1
      %add3A_857 = arith.addi %rem3A_848, %select_n3A_847 : i32
      %select_n3A_858 = arith.select %and3A_856, %add3A_857, %rem3A_848 : i32
      %mul3A_859 = arith.constant 16 : i32
      %mul3A_860 = arith.muli %select_n3A_842, %mul3A_859 : i32
      %mul3A_861 = arith.constant 2048 : i32
      %mul3A_862 = arith.muli %select_n3A_858, %mul3A_861 : i32
      %dma_wait3A_863 = tpu.memref_slice %arg4[%mul3A_860, %mul3A_862] : memref<128x262144xf32, #tpu.memory_space<hbm>> -> memref<16x2048xf32, #tpu.memory_space<hbm>>
      %dma_wait3A_864 = tpu.memref_slice %arg4[%mul3A_860, %mul3A_862] : memref<128x262144xf32, #tpu.memory_space<hbm>> -> memref<16x2048xf32, #tpu.memory_space<hbm>>
      tpu.wait_dma2 semaphore(%arg13 : memref<!tpu.dma_semaphore, #tpu.memory_space<semaphore_mem>>) src(%arg9 : memref<16x2048xf32, #tpu.memory_space<vmem>>) dst(%dma_wait3A_864 : memref<16x2048xf32, #tpu.memory_space<hbm>>)
      %add3A_865 = arith.addi %mul3A_2, %add3A_810 : i32
      %get3A_866 = arith.constant 0 : index
      %get3A_867 = tpu.vector_load %arg7[%get3A_866] {strides = array<i32>} : memref<2048xi32, #tpu.memory_space<vmem>>, vector<16xi32>,
      %jit3A_868 = arith.constant 513 : i32
      %broadcast_in_dim3A_869 = vector.broadcast %jit3A_868 : i32 to vector<16xi32>
      %select_n3A_870 = arith.select %eq3A_4, %broadcast_in_dim3A_869, %get3A_867 : vector<16xi1>, vector<16xi32>
      %swap3A_871 = arith.constant 0 : index
      %swap3A_872 = tpu.vector_load %arg7[%swap3A_871] {strides = array<i32>} : memref<2048xi32, #tpu.memory_space<vmem>>, vector<16xi32>,
      tpu.vector_store %arg7[%swap3A_871], %select_n3A_870 {strides = array<i32>} : memref<2048xi32, #tpu.memory_space<vmem>>, vector<16xi32>,
      %get3A_873 = arith.constant 512 : index
      %get3A_874 = tpu.vector_load %arg7[%get3A_873] {strides = array<i32>} : memref<2048xi32, #tpu.memory_space<vmem>>, vector<16xi32>,
      %jit3A_875 = arith.constant 513 : i32
      %broadcast_in_dim3A_876 = vector.broadcast %jit3A_875 : i32 to vector<16xi32>
      %select_n3A_877 = arith.select %eq3A_4, %broadcast_in_dim3A_876, %get3A_874 : vector<16xi1>, vector<16xi32>
      %swap3A_878 = arith.constant 512 : index
      %swap3A_879 = tpu.vector_load %arg7[%swap3A_878] {strides = array<i32>} : memref<2048xi32, #tpu.memory_space<vmem>>, vector<16xi32>,
      tpu.vector_store %arg7[%swap3A_878], %select_n3A_877 {strides = array<i32>} : memref<2048xi32, #tpu.memory_space<vmem>>, vector<16xi32>,
      %get3A_880 = arith.constant 1024 : index
      %get3A_881 = tpu.vector_load %arg7[%get3A_880] {strides = array<i32>} : memref<2048xi32, #tpu.memory_space<vmem>>, vector<16xi32>,
      %jit3A_882 = arith.constant 513 : i32
      %broadcast_in_dim3A_883 = vector.broadcast %jit3A_882 : i32 to vector<16xi32>
      %select_n3A_884 = arith.select %eq3A_4, %broadcast_in_dim3A_883, %get3A_881 : vector<16xi1>, vector<16xi32>
      %swap3A_885 = arith.constant 1024 : index
      %swap3A_886 = tpu.vector_load %arg7[%swap3A_885] {strides = array<i32>} : memref<2048xi32, #tpu.memory_space<vmem>>, vector<16xi32>,
      tpu.vector_store %arg7[%swap3A_885], %select_n3A_884 {strides = array<i32>} : memref<2048xi32, #tpu.memory_space<vmem>>, vector<16xi32>,
      %get3A_887 = arith.constant 1536 : index
      %get3A_888 = tpu.vector_load %arg7[%get3A_887] {strides = array<i32>} : memref<2048xi32, #tpu.memory_space<vmem>>, vector<16xi32>,
      %jit3A_889 = arith.constant 513 : i32
      %broadcast_in_dim3A_890 = vector.broadcast %jit3A_889 : i32 to vector<16xi32>
      %select_n3A_891 = arith.select %eq3A_4, %broadcast_in_dim3A_890, %get3A_888 : vector<16xi1>, vector<16xi32>
      %swap3A_892 = arith.constant 1536 : index
      %swap3A_893 = tpu.vector_load %arg7[%swap3A_892] {strides = array<i32>} : memref<2048xi32, #tpu.memory_space<vmem>>, vector<16xi32>,
      tpu.vector_store %arg7[%swap3A_892], %select_n3A_891 {strides = array<i32>} : memref<2048xi32, #tpu.memory_space<vmem>>, vector<16xi32>,
      %jit3A_894 = arith.constant 128 : i32
      %eq3A_895 = arith.constant 0 : i32
      %eq3A_896 = arith.cmpi eq, %jit3A_894, %eq3A_895 : i32
      %jit3A_897 = arith.constant 1 : i32
      %select_n3A_898 = arith.select %eq3A_896, %jit3A_897, %jit3A_894 : i32
      %rem3A_899 = arith.remsi %add3A_865, %select_n3A_898 : i32
      %ne3A_900 = arith.constant 0 : i32
      %ne3A_901 = arith.cmpi ne, %rem3A_899, %ne3A_900 : i32
      %lt3A_902 = arith.constant 0 : i32
      %lt3A_903 = arith.cmpi slt, %rem3A_899, %lt3A_902 : i32
      %lt3A_904 = arith.constant 0 : i32
      %lt3A_905 = arith.cmpi slt, %select_n3A_898, %lt3A_904 : i32
      %ne3A_906 = arith.xori %lt3A_903, %lt3A_905 : i1
      %and3A_907 = arith.andi %ne3A_906, %ne3A_901 : i1
      %add3A_908 = arith.addi %rem3A_899, %select_n3A_898 : i32
      %select_n3A_909 = arith.select %and3A_907, %add3A_908, %rem3A_899 : i32
      %eq3A_910 = arith.constant 0 : i32
      %eq3A_911 = arith.cmpi eq, %select_n3A_909, %eq3A_910 : i32
      %convert_element_type3A_912 = arith.extui %eq3A_911 : i1 to i32
      %cond3A_913 = arith.constant 0 : i32
      %cond3A_914 = arith.cmpi ne, %convert_element_type3A_912, %cond3A_913 : i32
      scf.if %cond3A_914 {
        %parallel_loop3A_972 = arith.constant 0 : i32
        %parallel_loop3A_973 = arith.constant 32 : i32
        %parallel_loop3A_974 = arith.constant 1 : i32
        scf.for %parallel_loop3A_975 = %parallel_loop3A_972 to %parallel_loop3A_973 step %parallel_loop3A_974  : i32 {
          %parallel_loop3A_976 = arith.constant 16 : i32
          %parallel_loop3A_977 = arith.muli %parallel_loop3A_975, %parallel_loop3A_976 : i32
          %parallel_loop3A_978 = arith.index_cast %parallel_loop3A_977 : i32 to index
          %parallel_loop3A_979 = tpu.vector_load %arg7[%parallel_loop3A_978] {strides = array<i32>} : memref<2048xi32, #tpu.memory_space<vmem>>, vector<16xi32>,
          tpu.vector_store %arg7[%parallel_loop3A_978], %broadcast_in_dim3A_5 {strides = array<i32>} : memref<2048xi32, #tpu.memory_space<vmem>>, vector<16xi32>,
        } {sc.loop_unroll_factor = 4 : i64, sc.parallel_access}
      } else {
      }
      %parallel_loop3A_915 = arith.constant 0 : i32
      %parallel_loop3A_916 = arith.constant 128 : i32
      %parallel_loop3A_917 = arith.constant 1 : i32
      scf.for %parallel_loop3A_972 = %parallel_loop3A_915 to %parallel_loop3A_916 step %parallel_loop3A_917  : i32 {
        %parallel_loop3A_973 = arith.constant 16 : i32
        %parallel_loop3A_974 = arith.muli %parallel_loop3A_972, %parallel_loop3A_973 : i32
        %parallel_loop3A_975 = arith.index_cast %parallel_loop3A_974 : i32 to index
        %parallel_loop3A_976 = tpu.vector_load %arg7[%parallel_loop3A_975] {strides = array<i32>} : memref<2048xi32, #tpu.memory_space<vmem>>, vector<16xi32>,
        %parallel_loop3A_977 = arith.constant 0 : i32
        %parallel_loop3A_978 = vector.broadcast %parallel_loop3A_977 : i32 to vector<16xi32>
        %parallel_loop3A_979 = arith.addi %parallel_loop3A_976, %parallel_loop3A_978 : vector<16xi32>
        %parallel_loop3A_980 = tpu.vector_load_idx %arg5[%parallel_loop3A_979] : memref<8320xf32, #tpu.memory_space<vmem>>[vector<16xi32>], vector<16xf32>,
        %parallel_loop3A_981 = arith.constant 16 : i32
        %parallel_loop3A_982 = arith.muli %parallel_loop3A_972, %parallel_loop3A_981 : i32
        %parallel_loop3A_983 = arith.constant 0 : i32
        %parallel_loop3A_984 = arith.index_cast %parallel_loop3A_983 : i32 to index
        %parallel_loop3A_985 = arith.index_cast %parallel_loop3A_982 : i32 to index
        %parallel_loop3A_986 = tpu.vector_load %arg9[%parallel_loop3A_984, %parallel_loop3A_985] {strides = array<i32>} : memref<16x2048xf32, #tpu.memory_space<vmem>>, vector<16xf32>,
        tpu.vector_store %arg9[%parallel_loop3A_984, %parallel_loop3A_985], %parallel_loop3A_980 {strides = array<i32>} : memref<16x2048xf32, #tpu.memory_space<vmem>>, vector<16xf32>,
        %parallel_loop3A_987 = arith.constant 520 : i32
        %parallel_loop3A_988 = vector.broadcast %parallel_loop3A_987 : i32 to vector<16xi32>
        %parallel_loop3A_989 = arith.addi %parallel_loop3A_976, %parallel_loop3A_988 : vector<16xi32>
        %parallel_loop3A_990 = tpu.vector_load_idx %arg5[%parallel_loop3A_989] : memref<8320xf32, #tpu.memory_space<vmem>>[vector<16xi32>], vector<16xf32>,
        %parallel_loop3A_991 = arith.constant 16 : i32
        %parallel_loop3A_992 = arith.muli %parallel_loop3A_972, %parallel_loop3A_991 : i32
        %parallel_loop3A_993 = arith.constant 1 : i32
        %parallel_loop3A_994 = arith.index_cast %parallel_loop3A_993 : i32 to index
        %parallel_loop3A_995 = arith.index_cast %parallel_loop3A_992 : i32 to index
        %parallel_loop3A_996 = tpu.vector_load %arg9[%parallel_loop3A_994, %parallel_loop3A_995] {strides = array<i32>} : memref<16x2048xf32, #tpu.memory_space<vmem>>, vector<16xf32>,
        tpu.vector_store %arg9[%parallel_loop3A_994, %parallel_loop3A_995], %parallel_loop3A_990 {strides = array<i32>} : memref<16x2048xf32, #tpu.memory_space<vmem>>, vector<16xf32>,
        %parallel_loop3A_997 = arith.constant 1040 : i32
        %parallel_loop3A_998 = vector.broadcast %parallel_loop3A_997 : i32 to vector<16xi32>
        %parallel_loop3A_999 = arith.addi %parallel_loop3A_976, %parallel_loop3A_998 : vector<16xi32>
        %parallel_loop3A_1000 = tpu.vector_load_idx %arg5[%parallel_loop3A_999] : memref<8320xf32, #tpu.memory_space<vmem>>[vector<16xi32>], vector<16xf32>,
        %parallel_loop3A_1001 = arith.constant 16 : i32
        %parallel_loop3A_1002 = arith.muli %parallel_loop3A_972, %parallel_loop3A_1001 : i32
        %parallel_loop3A_1003 = arith.constant 2 : i32
        %parallel_loop3A_1004 = arith.index_cast %parallel_loop3A_1003 : i32 to index
        %parallel_loop3A_1005 = arith.index_cast %parallel_loop3A_1002 : i32 to index
        %parallel_loop3A_1006 = tpu.vector_load %arg9[%parallel_loop3A_1004, %parallel_loop3A_1005] {strides = array<i32>} : memref<16x2048xf32, #tpu.memory_space<vmem>>, vector<16xf32>,
        tpu.vector_store %arg9[%parallel_loop3A_1004, %parallel_loop3A_1005], %parallel_loop3A_1000 {strides = array<i32>} : memref<16x2048xf32, #tpu.memory_space<vmem>>, vector<16xf32>,
        %parallel_loop3A_1007 = arith.constant 1560 : i32
        %parallel_loop3A_1008 = vector.broadcast %parallel_loop3A_1007 : i32 to vector<16xi32>
        %parallel_loop3A_1009 = arith.addi %parallel_loop3A_976, %parallel_loop3A_1008 : vector<16xi32>
        %parallel_loop3A_1010 = tpu.vector_load_idx %arg5[%parallel_loop3A_1009] : memref<8320xf32, #tpu.memory_space<vmem>>[vector<16xi32>], vector<16xf32>,
        %parallel_loop3A_1011 = arith.constant 16 : i32
        %parallel_loop3A_1012 = arith.muli %parallel_loop3A_972, %parallel_loop3A_1011 : i32
        %parallel_loop3A_1013 = arith.constant 3 : i32
        %parallel_loop3A_1014 = arith.index_cast %parallel_loop3A_1013 : i32 to index
        %parallel_loop3A_1015 = arith.index_cast %parallel_loop3A_1012 : i32 to index
        %parallel_loop3A_1016 = tpu.vector_load %arg9[%parallel_loop3A_1014, %parallel_loop3A_1015] {strides = array<i32>} : memref<16x2048xf32, #tpu.memory_space<vmem>>, vector<16xf32>,
        tpu.vector_store %arg9[%parallel_loop3A_1014, %parallel_loop3A_1015], %parallel_loop3A_1010 {strides = array<i32>} : memref<16x2048xf32, #tpu.memory_space<vmem>>, vector<16xf32>,
        %parallel_loop3A_1017 = arith.constant 2080 : i32
        %parallel_loop3A_1018 = vector.broadcast %parallel_loop3A_1017 : i32 to vector<16xi32>
        %parallel_loop3A_1019 = arith.addi %parallel_loop3A_976, %parallel_loop3A_1018 : vector<16xi32>
        %parallel_loop3A_1020 = tpu.vector_load_idx %arg5[%parallel_loop3A_1019] : memref<8320xf32, #tpu.memory_space<vmem>>[vector<16xi32>], vector<16xf32>,
        %parallel_loop3A_1021 = arith.constant 16 : i32
        %parallel_loop3A_1022 = arith.muli %parallel_loop3A_972, %parallel_loop3A_1021 : i32
        %parallel_loop3A_1023 = arith.constant 4 : i32
        %parallel_loop3A_1024 = arith.index_cast %parallel_loop3A_1023 : i32 to index
        %parallel_loop3A_1025 = arith.index_cast %parallel_loop3A_1022 : i32 to index
        %parallel_loop3A_1026 = tpu.vector_load %arg9[%parallel_loop3A_1024, %parallel_loop3A_1025] {strides = array<i32>} : memref<16x2048xf32, #tpu.memory_space<vmem>>, vector<16xf32>,
        tpu.vector_store %arg9[%parallel_loop3A_1024, %parallel_loop3A_1025], %parallel_loop3A_1020 {strides = array<i32>} : memref<16x2048xf32, #tpu.memory_space<vmem>>, vector<16xf32>,
        %parallel_loop3A_1027 = arith.constant 2600 : i32
        %parallel_loop3A_1028 = vector.broadcast %parallel_loop3A_1027 : i32 to vector<16xi32>
        %parallel_loop3A_1029 = arith.addi %parallel_loop3A_976, %parallel_loop3A_1028 : vector<16xi32>
        %parallel_loop3A_1030 = tpu.vector_load_idx %arg5[%parallel_loop3A_1029] : memref<8320xf32, #tpu.memory_space<vmem>>[vector<16xi32>], vector<16xf32>,
        %parallel_loop3A_1031 = arith.constant 16 : i32
        %parallel_loop3A_1032 = arith.muli %parallel_loop3A_972, %parallel_loop3A_1031 : i32
        %parallel_loop3A_1033 = arith.constant 5 : i32
        %parallel_loop3A_1034 = arith.index_cast %parallel_loop3A_1033 : i32 to index
        %parallel_loop3A_1035 = arith.index_cast %parallel_loop3A_1032 : i32 to index
        %parallel_loop3A_1036 = tpu.vector_load %arg9[%parallel_loop3A_1034, %parallel_loop3A_1035] {strides = array<i32>} : memref<16x2048xf32, #tpu.memory_space<vmem>>, vector<16xf32>,
        tpu.vector_store %arg9[%parallel_loop3A_1034, %parallel_loop3A_1035], %parallel_loop3A_1030 {strides = array<i32>} : memref<16x2048xf32, #tpu.memory_space<vmem>>, vector<16xf32>,
        %parallel_loop3A_1037 = arith.constant 3120 : i32
        %parallel_loop3A_1038 = vector.broadcast %parallel_loop3A_1037 : i32 to vector<16xi32>
        %parallel_loop3A_1039 = arith.addi %parallel_loop3A_976, %parallel_loop3A_1038 : vector<16xi32>
        %parallel_loop3A_1040 = tpu.vector_load_idx %arg5[%parallel_loop3A_1039] : memref<8320xf32, #tpu.memory_space<vmem>>[vector<16xi32>], vector<16xf32>,
        %parallel_loop3A_1041 = arith.constant 16 : i32
        %parallel_loop3A_1042 = arith.muli %parallel_loop3A_972, %parallel_loop3A_1041 : i32
        %parallel_loop3A_1043 = arith.constant 6 : i32
        %parallel_loop3A_1044 = arith.index_cast %parallel_loop3A_1043 : i32 to index
        %parallel_loop3A_1045 = arith.index_cast %parallel_loop3A_1042 : i32 to index
        %parallel_loop3A_1046 = tpu.vector_load %arg9[%parallel_loop3A_1044, %parallel_loop3A_1045] {strides = array<i32>} : memref<16x2048xf32, #tpu.memory_space<vmem>>, vector<16xf32>,
        tpu.vector_store %arg9[%parallel_loop3A_1044, %parallel_loop3A_1045], %parallel_loop3A_1040 {strides = array<i32>} : memref<16x2048xf32, #tpu.memory_space<vmem>>, vector<16xf32>,
        %parallel_loop3A_1047 = arith.constant 3640 : i32
        %parallel_loop3A_1048 = vector.broadcast %parallel_loop3A_1047 : i32 to vector<16xi32>
        %parallel_loop3A_1049 = arith.addi %parallel_loop3A_976, %parallel_loop3A_1048 : vector<16xi32>
        %parallel_loop3A_1050 = tpu.vector_load_idx %arg5[%parallel_loop3A_1049] : memref<8320xf32, #tpu.memory_space<vmem>>[vector<16xi32>], vector<16xf32>,
        %parallel_loop3A_1051 = arith.constant 16 : i32
        %parallel_loop3A_1052 = arith.muli %parallel_loop3A_972, %parallel_loop3A_1051 : i32
        %parallel_loop3A_1053 = arith.constant 7 : i32
        %parallel_loop3A_1054 = arith.index_cast %parallel_loop3A_1053 : i32 to index
        %parallel_loop3A_1055 = arith.index_cast %parallel_loop3A_1052 : i32 to index
        %parallel_loop3A_1056 = tpu.vector_load %arg9[%parallel_loop3A_1054, %parallel_loop3A_1055] {strides = array<i32>} : memref<16x2048xf32, #tpu.memory_space<vmem>>, vector<16xf32>,
        tpu.vector_store %arg9[%parallel_loop3A_1054, %parallel_loop3A_1055], %parallel_loop3A_1050 {strides = array<i32>} : memref<16x2048xf32, #tpu.memory_space<vmem>>, vector<16xf32>,
        %parallel_loop3A_1057 = arith.constant 4160 : i32
        %parallel_loop3A_1058 = vector.broadcast %parallel_loop3A_1057 : i32 to vector<16xi32>
        %parallel_loop3A_1059 = arith.addi %parallel_loop3A_976, %parallel_loop3A_1058 : vector<16xi32>
        %parallel_loop3A_1060 = tpu.vector_load_idx %arg5[%parallel_loop3A_1059] : memref<8320xf32, #tpu.memory_space<vmem>>[vector<16xi32>], vector<16xf32>,
        %parallel_loop3A_1061 = arith.constant 16 : i32
        %parallel_loop3A_1062 = arith.muli %parallel_loop3A_972, %parallel_loop3A_1061 : i32
        %parallel_loop3A_1063 = arith.constant 8 : i32
        %parallel_loop3A_1064 = arith.index_cast %parallel_loop3A_1063 : i32 to index
        %parallel_loop3A_1065 = arith.index_cast %parallel_loop3A_1062 : i32 to index
        %parallel_loop3A_1066 = tpu.vector_load %arg9[%parallel_loop3A_1064, %parallel_loop3A_1065] {strides = array<i32>} : memref<16x2048xf32, #tpu.memory_space<vmem>>, vector<16xf32>,
        tpu.vector_store %arg9[%parallel_loop3A_1064, %parallel_loop3A_1065], %parallel_loop3A_1060 {strides = array<i32>} : memref<16x2048xf32, #tpu.memory_space<vmem>>, vector<16xf32>,
        %parallel_loop3A_1067 = arith.constant 4680 : i32
        %parallel_loop3A_1068 = vector.broadcast %parallel_loop3A_1067 : i32 to vector<16xi32>
        %parallel_loop3A_1069 = arith.addi %parallel_loop3A_976, %parallel_loop3A_1068 : vector<16xi32>
        %parallel_loop3A_1070 = tpu.vector_load_idx %arg5[%parallel_loop3A_1069] : memref<8320xf32, #tpu.memory_space<vmem>>[vector<16xi32>], vector<16xf32>,
        %parallel_loop3A_1071 = arith.constant 16 : i32
        %parallel_loop3A_1072 = arith.muli %parallel_loop3A_972, %parallel_loop3A_1071 : i32
        %parallel_loop3A_1073 = arith.constant 9 : i32
        %parallel_loop3A_1074 = arith.index_cast %parallel_loop3A_1073 : i32 to index
        %parallel_loop3A_1075 = arith.index_cast %parallel_loop3A_1072 : i32 to index
        %parallel_loop3A_1076 = tpu.vector_load %arg9[%parallel_loop3A_1074, %parallel_loop3A_1075] {strides = array<i32>} : memref<16x2048xf32, #tpu.memory_space<vmem>>, vector<16xf32>,
        tpu.vector_store %arg9[%parallel_loop3A_1074, %parallel_loop3A_1075], %parallel_loop3A_1070 {strides = array<i32>} : memref<16x2048xf32, #tpu.memory_space<vmem>>, vector<16xf32>,
        %parallel_loop3A_1077 = arith.constant 5200 : i32
        %parallel_loop3A_1078 = vector.broadcast %parallel_loop3A_1077 : i32 to vector<16xi32>
        %parallel_loop3A_1079 = arith.addi %parallel_loop3A_976, %parallel_loop3A_1078 : vector<16xi32>
        %parallel_loop3A_1080 = tpu.vector_load_idx %arg5[%parallel_loop3A_1079] : memref<8320xf32, #tpu.memory_space<vmem>>[vector<16xi32>], vector<16xf32>,
        %parallel_loop3A_1081 = arith.constant 16 : i32
        %parallel_loop3A_1082 = arith.muli %parallel_loop3A_972, %parallel_loop3A_1081 : i32
        %parallel_loop3A_1083 = arith.constant 10 : i32
        %parallel_loop3A_1084 = arith.index_cast %parallel_loop3A_1083 : i32 to index
        %parallel_loop3A_1085 = arith.index_cast %parallel_loop3A_1082 : i32 to index
        %parallel_loop3A_1086 = tpu.vector_load %arg9[%parallel_loop3A_1084, %parallel_loop3A_1085] {strides = array<i32>} : memref<16x2048xf32, #tpu.memory_space<vmem>>, vector<16xf32>,
        tpu.vector_store %arg9[%parallel_loop3A_1084, %parallel_loop3A_1085], %parallel_loop3A_1080 {strides = array<i32>} : memref<16x2048xf32, #tpu.memory_space<vmem>>, vector<16xf32>,
        %parallel_loop3A_1087 = arith.constant 5720 : i32
        %parallel_loop3A_1088 = vector.broadcast %parallel_loop3A_1087 : i32 to vector<16xi32>
        %parallel_loop3A_1089 = arith.addi %parallel_loop3A_976, %parallel_loop3A_1088 : vector<16xi32>
        %parallel_loop3A_1090 = tpu.vector_load_idx %arg5[%parallel_loop3A_1089] : memref<8320xf32, #tpu.memory_space<vmem>>[vector<16xi32>], vector<16xf32>,
        %parallel_loop3A_1091 = arith.constant 16 : i32
        %parallel_loop3A_1092 = arith.muli %parallel_loop3A_972, %parallel_loop3A_1091 : i32
        %parallel_loop3A_1093 = arith.constant 11 : i32
        %parallel_loop3A_1094 = arith.index_cast %parallel_loop3A_1093 : i32 to index
        %parallel_loop3A_1095 = arith.index_cast %parallel_loop3A_1092 : i32 to index
        %parallel_loop3A_1096 = tpu.vector_load %arg9[%parallel_loop3A_1094, %parallel_loop3A_1095] {strides = array<i32>} : memref<16x2048xf32, #tpu.memory_space<vmem>>, vector<16xf32>,
        tpu.vector_store %arg9[%parallel_loop3A_1094, %parallel_loop3A_1095], %parallel_loop3A_1090 {strides = array<i32>} : memref<16x2048xf32, #tpu.memory_space<vmem>>, vector<16xf32>,
        %parallel_loop3A_1097 = arith.constant 6240 : i32
        %parallel_loop3A_1098 = vector.broadcast %parallel_loop3A_1097 : i32 to vector<16xi32>
        %parallel_loop3A_1099 = arith.addi %parallel_loop3A_976, %parallel_loop3A_1098 : vector<16xi32>
        %parallel_loop3A_1100 = tpu.vector_load_idx %arg5[%parallel_loop3A_1099] : memref<8320xf32, #tpu.memory_space<vmem>>[vector<16xi32>], vector<16xf32>,
        %parallel_loop3A_1101 = arith.constant 16 : i32
        %parallel_loop3A_1102 = arith.muli %parallel_loop3A_972, %parallel_loop3A_1101 : i32
        %parallel_loop3A_1103 = arith.constant 12 : i32
        %parallel_loop3A_1104 = arith.index_cast %parallel_loop3A_1103 : i32 to index
        %parallel_loop3A_1105 = arith.index_cast %parallel_loop3A_1102 : i32 to index
        %parallel_loop3A_1106 = tpu.vector_load %arg9[%parallel_loop3A_1104, %parallel_loop3A_1105] {strides = array<i32>} : memref<16x2048xf32, #tpu.memory_space<vmem>>, vector<16xf32>,
        tpu.vector_store %arg9[%parallel_loop3A_1104, %parallel_loop3A_1105], %parallel_loop3A_1100 {strides = array<i32>} : memref<16x2048xf32, #tpu.memory_space<vmem>>, vector<16xf32>,
        %parallel_loop3A_1107 = arith.constant 6760 : i32
        %parallel_loop3A_1108 = vector.broadcast %parallel_loop3A_1107 : i32 to vector<16xi32>
        %parallel_loop3A_1109 = arith.addi %parallel_loop3A_976, %parallel_loop3A_1108 : vector<16xi32>
        %parallel_loop3A_1110 = tpu.vector_load_idx %arg5[%parallel_loop3A_1109] : memref<8320xf32, #tpu.memory_space<vmem>>[vector<16xi32>], vector<16xf32>,
        %parallel_loop3A_1111 = arith.constant 16 : i32
        %parallel_loop3A_1112 = arith.muli %parallel_loop3A_972, %parallel_loop3A_1111 : i32
        %parallel_loop3A_1113 = arith.constant 13 : i32
        %parallel_loop3A_1114 = arith.index_cast %parallel_loop3A_1113 : i32 to index
        %parallel_loop3A_1115 = arith.index_cast %parallel_loop3A_1112 : i32 to index
        %parallel_loop3A_1116 = tpu.vector_load %arg9[%parallel_loop3A_1114, %parallel_loop3A_1115] {strides = array<i32>} : memref<16x2048xf32, #tpu.memory_space<vmem>>, vector<16xf32>,
        tpu.vector_store %arg9[%parallel_loop3A_1114, %parallel_loop3A_1115], %parallel_loop3A_1110 {strides = array<i32>} : memref<16x2048xf32, #tpu.memory_space<vmem>>, vector<16xf32>,
        %parallel_loop3A_1117 = arith.constant 7280 : i32
        %parallel_loop3A_1118 = vector.broadcast %parallel_loop3A_1117 : i32 to vector<16xi32>
        %parallel_loop3A_1119 = arith.addi %parallel_loop3A_976, %parallel_loop3A_1118 : vector<16xi32>
        %parallel_loop3A_1120 = tpu.vector_load_idx %arg5[%parallel_loop3A_1119] : memref<8320xf32, #tpu.memory_space<vmem>>[vector<16xi32>], vector<16xf32>,
        %parallel_loop3A_1121 = arith.constant 16 : i32
        %parallel_loop3A_1122 = arith.muli %parallel_loop3A_972, %parallel_loop3A_1121 : i32
        %parallel_loop3A_1123 = arith.constant 14 : i32
        %parallel_loop3A_1124 = arith.index_cast %parallel_loop3A_1123 : i32 to index
        %parallel_loop3A_1125 = arith.index_cast %parallel_loop3A_1122 : i32 to index
        %parallel_loop3A_1126 = tpu.vector_load %arg9[%parallel_loop3A_1124, %parallel_loop3A_1125] {strides = array<i32>} : memref<16x2048xf32, #tpu.memory_space<vmem>>, vector<16xf32>,
        tpu.vector_store %arg9[%parallel_loop3A_1124, %parallel_loop3A_1125], %parallel_loop3A_1120 {strides = array<i32>} : memref<16x2048xf32, #tpu.memory_space<vmem>>, vector<16xf32>,
        %parallel_loop3A_1127 = arith.constant 7800 : i32
        %parallel_loop3A_1128 = vector.broadcast %parallel_loop3A_1127 : i32 to vector<16xi32>
        %parallel_loop3A_1129 = arith.addi %parallel_loop3A_976, %parallel_loop3A_1128 : vector<16xi32>
        %parallel_loop3A_1130 = tpu.vector_load_idx %arg5[%parallel_loop3A_1129] : memref<8320xf32, #tpu.memory_space<vmem>>[vector<16xi32>], vector<16xf32>,
        %parallel_loop3A_1131 = arith.constant 16 : i32
        %parallel_loop3A_1132 = arith.muli %parallel_loop3A_972, %parallel_loop3A_1131 : i32
        %parallel_loop3A_1133 = arith.constant 15 : i32
        %parallel_loop3A_1134 = arith.index_cast %parallel_loop3A_1133 : i32 to index
        %parallel_loop3A_1135 = arith.index_cast %parallel_loop3A_1132 : i32 to index
        %parallel_loop3A_1136 = tpu.vector_load %arg9[%parallel_loop3A_1134, %parallel_loop3A_1135] {strides = array<i32>} : memref<16x2048xf32, #tpu.memory_space<vmem>>, vector<16xf32>,
        tpu.vector_store %arg9[%parallel_loop3A_1134, %parallel_loop3A_1135], %parallel_loop3A_1130 {strides = array<i32>} : memref<16x2048xf32, #tpu.memory_space<vmem>>, vector<16xf32>,
      } {sc.loop_unroll_factor = 4 : i64, sc.parallel_access}
      %add3A_918 = arith.addi %mul3A_2, %add3A_810 : i32
      %jit3A_919 = arith.constant 128 : i32
      %div3A_920 = arith.divsi %add3A_918, %jit3A_919 : i32
      %sign3A_921 = arith.constant 0 : i32
      %sign3A_922 = arith.cmpi sgt, %add3A_918, %sign3A_921 : i32
      %sign3A_923 = arith.extui %sign3A_922 : i1 to i32
      %sign3A_924 = arith.constant 0 : i32
      %sign3A_925 = arith.cmpi slt, %add3A_918, %sign3A_924 : i32
      %sign3A_926 = arith.extui %sign3A_925 : i1 to i32
      %sign3A_927 = arith.subi %sign3A_923, %sign3A_926 : i32
      %sign3A_928 = arith.constant 0 : i32
      %sign3A_929 = arith.cmpi sgt, %jit3A_919, %sign3A_928 : i32
      %sign3A_930 = arith.extui %sign3A_929 : i1 to i32
      %sign3A_931 = arith.constant 0 : i32
      %sign3A_932 = arith.cmpi slt, %jit3A_919, %sign3A_931 : i32
      %sign3A_933 = arith.extui %sign3A_932 : i1 to i32
      %sign3A_934 = arith.subi %sign3A_930, %sign3A_933 : i32
      %ne3A_935 = arith.cmpi ne, %sign3A_927, %sign3A_934 : i32
      %rem3A_936 = arith.remsi %add3A_918, %jit3A_919 : i32
      %ne3A_937 = arith.constant 0 : i32
      %ne3A_938 = arith.cmpi ne, %rem3A_936, %ne3A_937 : i32
      %and3A_939 = arith.andi %ne3A_935, %ne3A_938 : i1
      %sub3A_940 = arith.constant 1 : i32
      %sub3A_941 = arith.subi %div3A_920, %sub3A_940 : i32
      %select_n3A_942 = arith.select %and3A_939, %sub3A_941, %div3A_920 : i32
      %jit3A_943 = arith.constant 128 : i32
      %eq3A_944 = arith.constant 0 : i32
      %eq3A_945 = arith.cmpi eq, %jit3A_943, %eq3A_944 : i32
      %jit3A_946 = arith.constant 1 : i32
      %select_n3A_947 = arith.select %eq3A_945, %jit3A_946, %jit3A_943 : i32
      %rem3A_948 = arith.remsi %add3A_918, %select_n3A_947 : i32
      %ne3A_949 = arith.constant 0 : i32
      %ne3A_950 = arith.cmpi ne, %rem3A_948, %ne3A_949 : i32
      %lt3A_951 = arith.constant 0 : i32
      %lt3A_952 = arith.cmpi slt, %rem3A_948, %lt3A_951 : i32
      %lt3A_953 = arith.constant 0 : i32
      %lt3A_954 = arith.cmpi slt, %select_n3A_947, %lt3A_953 : i32
      %ne3A_955 = arith.xori %lt3A_952, %lt3A_954 : i1
      %and3A_956 = arith.andi %ne3A_955, %ne3A_950 : i1
      %add3A_957 = arith.addi %rem3A_948, %select_n3A_947 : i32
      %select_n3A_958 = arith.select %and3A_956, %add3A_957, %rem3A_948 : i32
      %mul3A_959 = arith.constant 16 : i32
      %mul3A_960 = arith.muli %select_n3A_942, %mul3A_959 : i32
      %mul3A_961 = arith.constant 2048 : i32
      %mul3A_962 = arith.muli %select_n3A_958, %mul3A_961 : i32
      %dma_start3A_963 = tpu.memref_slice %arg4[%mul3A_960, %mul3A_962] : memref<128x262144xf32, #tpu.memory_space<hbm>> -> memref<16x2048xf32, #tpu.memory_space<hbm>>
      %dma_start3A_964 = tpu.memref_slice %arg4[%mul3A_960, %mul3A_962] : memref<128x262144xf32, #tpu.memory_space<hbm>> -> memref<16x2048xf32, #tpu.memory_space<hbm>>
      tpu.enqueue_dma source(%arg9 : memref<16x2048xf32, #tpu.memory_space<vmem>>) target(%dma_start3A_964 : memref<16x2048xf32, #tpu.memory_space<hbm>>) target_semaphore(%arg13 : memref<!tpu.dma_semaphore, #tpu.memory_space<semaphore_mem>>)
      %add3A_965 = arith.constant 2 : i32
      %add3A_966 = arith.addi %add3A_810, %add3A_965 : i32
      %add3A_967 = arith.addi %mul3A_2, %add3A_966 : i32
      %mul3A_968 = arith.constant 2048 : i32
      %mul3A_969 = arith.muli %add3A_967, %mul3A_968 : i32
      %dma_start3A_970 = tpu.memref_slice %arg2[%mul3A_969] : memref<2097152xi32, #tpu.memory_space<hbm>> -> memref<2048xi32, #tpu.memory_space<hbm>>
      %dma_start3A_971 = tpu.memref_slice %arg2[%mul3A_969] : memref<2097152xi32, #tpu.memory_space<hbm>> -> memref<2048xi32, #tpu.memory_space<hbm>>
      tpu.enqueue_dma source(%dma_start3A_971 : memref<2048xi32, #tpu.memory_space<hbm>>) target(%arg7 : memref<2048xi32, #tpu.memory_space<vmem>>) target_semaphore(%arg11 : memref<!tpu.dma_semaphore, #tpu.memory_space<semaphore_mem>>)
    }
    %scan3A_234 = arith.constant 14 : i32
    %add3A_235 = arith.constant 30 : i32
    %add3A_236 = arith.addi %mul3A_2, %add3A_235 : i32
    %mul3A_237 = arith.constant 2048 : i32
    %mul3A_238 = arith.muli %add3A_236, %mul3A_237 : i32
    %dma_wait3A_239 = tpu.memref_slice %arg2[%mul3A_238] : memref<2097152xi32, #tpu.memory_space<hbm>> -> memref<2048xi32, #tpu.memory_space<hbm>>
    %dma_wait3A_240 = tpu.memref_slice %arg2[%mul3A_238] : memref<2097152xi32, #tpu.memory_space<hbm>> -> memref<2048xi32, #tpu.memory_space<hbm>>
    tpu.wait_dma2 semaphore(%arg10 : memref<!tpu.dma_semaphore, #tpu.memory_space<semaphore_mem>>) src(%dma_wait3A_240 : memref<2048xi32, #tpu.memory_space<hbm>>) dst(%arg6 : memref<2048xi32, #tpu.memory_space<vmem>>)
    %add3A_241 = arith.constant 28 : i32
    %add3A_242 = arith.addi %mul3A_2, %add3A_241 : i32
    %jit3A_243 = arith.constant 128 : i32
    %div3A_244 = arith.divsi %add3A_242, %jit3A_243 : i32
    %sign3A_245 = arith.constant 0 : i32
    %sign3A_246 = arith.cmpi sgt, %add3A_242, %sign3A_245 : i32
    %sign3A_247 = arith.extui %sign3A_246 : i1 to i32
    %sign3A_248 = arith.constant 0 : i32
    %sign3A_249 = arith.cmpi slt, %add3A_242, %sign3A_248 : i32
    %sign3A_250 = arith.extui %sign3A_249 : i1 to i32
    %sign3A_251 = arith.subi %sign3A_247, %sign3A_250 : i32
    %sign3A_252 = arith.constant 0 : i32
    %sign3A_253 = arith.cmpi sgt, %jit3A_243, %sign3A_252 : i32
    %sign3A_254 = arith.extui %sign3A_253 : i1 to i32
    %sign3A_255 = arith.constant 0 : i32
    %sign3A_256 = arith.cmpi slt, %jit3A_243, %sign3A_255 : i32
    %sign3A_257 = arith.extui %sign3A_256 : i1 to i32
    %sign3A_258 = arith.subi %sign3A_254, %sign3A_257 : i32
    %ne3A_259 = arith.cmpi ne, %sign3A_251, %sign3A_258 : i32
    %rem3A_260 = arith.remsi %add3A_242, %jit3A_243 : i32
    %ne3A_261 = arith.constant 0 : i32
    %ne3A_262 = arith.cmpi ne, %rem3A_260, %ne3A_261 : i32
    %and3A_263 = arith.andi %ne3A_259, %ne3A_262 : i1
    %sub3A_264 = arith.constant 1 : i32
    %sub3A_265 = arith.subi %div3A_244, %sub3A_264 : i32
    %select_n3A_266 = arith.select %and3A_263, %sub3A_265, %div3A_244 : i32
    %jit3A_267 = arith.constant 128 : i32
    %eq3A_268 = arith.constant 0 : i32
    %eq3A_269 = arith.cmpi eq, %jit3A_267, %eq3A_268 : i32
    %jit3A_270 = arith.constant 1 : i32
    %select_n3A_271 = arith.select %eq3A_269, %jit3A_270, %jit3A_267 : i32
    %rem3A_272 = arith.remsi %add3A_242, %select_n3A_271 : i32
    %ne3A_273 = arith.constant 0 : i32
    %ne3A_274 = arith.cmpi ne, %rem3A_272, %ne3A_273 : i32
    %lt3A_275 = arith.constant 0 : i32
    %lt3A_276 = arith.cmpi slt, %rem3A_272, %lt3A_275 : i32
    %lt3A_277 = arith.constant 0 : i32
    %lt3A_278 = arith.cmpi slt, %select_n3A_271, %lt3A_277 : i32
    %ne3A_279 = arith.xori %lt3A_276, %lt3A_278 : i1
    %and3A_280 = arith.andi %ne3A_279, %ne3A_274 : i1
    %add3A_281 = arith.addi %rem3A_272, %select_n3A_271 : i32
    %select_n3A_282 = arith.select %and3A_280, %add3A_281, %rem3A_272 : i32
    %mul3A_283 = arith.constant 16 : i32
    %mul3A_284 = arith.muli %select_n3A_266, %mul3A_283 : i32
    %mul3A_285 = arith.constant 2048 : i32
    %mul3A_286 = arith.muli %select_n3A_282, %mul3A_285 : i32
    %dma_wait3A_287 = tpu.memref_slice %arg4[%mul3A_284, %mul3A_286] : memref<128x262144xf32, #tpu.memory_space<hbm>> -> memref<16x2048xf32, #tpu.memory_space<hbm>>
    %dma_wait3A_288 = tpu.memref_slice %arg4[%mul3A_284, %mul3A_286] : memref<128x262144xf32, #tpu.memory_space<hbm>> -> memref<16x2048xf32, #tpu.memory_space<hbm>>
    tpu.wait_dma2 semaphore(%arg12 : memref<!tpu.dma_semaphore, #tpu.memory_space<semaphore_mem>>) src(%arg8 : memref<16x2048xf32, #tpu.memory_space<vmem>>) dst(%dma_wait3A_288 : memref<16x2048xf32, #tpu.memory_space<hbm>>)
    %add3A_289 = arith.constant 30 : i32
    %add3A_290 = arith.addi %mul3A_2, %add3A_289 : i32
    %get3A_291 = arith.constant 0 : index
    %get3A_292 = tpu.vector_load %arg6[%get3A_291] {strides = array<i32>} : memref<2048xi32, #tpu.memory_space<vmem>>, vector<16xi32>,
    %jit3A_293 = arith.constant 513 : i32
    %broadcast_in_dim3A_294 = vector.broadcast %jit3A_293 : i32 to vector<16xi32>
    %select_n3A_295 = arith.select %eq3A_4, %broadcast_in_dim3A_294, %get3A_292 : vector<16xi1>, vector<16xi32>
    %swap3A_296 = arith.constant 0 : index
    %swap3A_297 = tpu.vector_load %arg6[%swap3A_296] {strides = array<i32>} : memref<2048xi32, #tpu.memory_space<vmem>>, vector<16xi32>,
    tpu.vector_store %arg6[%swap3A_296], %select_n3A_295 {strides = array<i32>} : memref<2048xi32, #tpu.memory_space<vmem>>, vector<16xi32>,
    %get3A_298 = arith.constant 512 : index
    %get3A_299 = tpu.vector_load %arg6[%get3A_298] {strides = array<i32>} : memref<2048xi32, #tpu.memory_space<vmem>>, vector<16xi32>,
    %jit3A_300 = arith.constant 513 : i32
    %broadcast_in_dim3A_301 = vector.broadcast %jit3A_300 : i32 to vector<16xi32>
    %select_n3A_302 = arith.select %eq3A_4, %broadcast_in_dim3A_301, %get3A_299 : vector<16xi1>, vector<16xi32>
    %swap3A_303 = arith.constant 512 : index
    %swap3A_304 = tpu.vector_load %arg6[%swap3A_303] {strides = array<i32>} : memref<2048xi32, #tpu.memory_space<vmem>>, vector<16xi32>,
    tpu.vector_store %arg6[%swap3A_303], %select_n3A_302 {strides = array<i32>} : memref<2048xi32, #tpu.memory_space<vmem>>, vector<16xi32>,
    %get3A_305 = arith.constant 1024 : index
    %get3A_306 = tpu.vector_load %arg6[%get3A_305] {strides = array<i32>} : memref<2048xi32, #tpu.memory_space<vmem>>, vector<16xi32>,
    %jit3A_307 = arith.constant 513 : i32
    %broadcast_in_dim3A_308 = vector.broadcast %jit3A_307 : i32 to vector<16xi32>
    %select_n3A_309 = arith.select %eq3A_4, %broadcast_in_dim3A_308, %get3A_306 : vector<16xi1>, vector<16xi32>
    %swap3A_310 = arith.constant 1024 : index
    %swap3A_311 = tpu.vector_load %arg6[%swap3A_310] {strides = array<i32>} : memref<2048xi32, #tpu.memory_space<vmem>>, vector<16xi32>,
    tpu.vector_store %arg6[%swap3A_310], %select_n3A_309 {strides = array<i32>} : memref<2048xi32, #tpu.memory_space<vmem>>, vector<16xi32>,
    %get3A_312 = arith.constant 1536 : index
    %get3A_313 = tpu.vector_load %arg6[%get3A_312] {strides = array<i32>} : memref<2048xi32, #tpu.memory_space<vmem>>, vector<16xi32>,
    %jit3A_314 = arith.constant 513 : i32
    %broadcast_in_dim3A_315 = vector.broadcast %jit3A_314 : i32 to vector<16xi32>
    %select_n3A_316 = arith.select %eq3A_4, %broadcast_in_dim3A_315, %get3A_313 : vector<16xi1>, vector<16xi32>
    %swap3A_317 = arith.constant 1536 : index
    %swap3A_318 = tpu.vector_load %arg6[%swap3A_317] {strides = array<i32>} : memref<2048xi32, #tpu.memory_space<vmem>>, vector<16xi32>,
    tpu.vector_store %arg6[%swap3A_317], %select_n3A_316 {strides = array<i32>} : memref<2048xi32, #tpu.memory_space<vmem>>, vector<16xi32>,
    %jit3A_319 = arith.constant 128 : i32
    %eq3A_320 = arith.constant 0 : i32
    %eq3A_321 = arith.cmpi eq, %jit3A_319, %eq3A_320 : i32
    %jit3A_322 = arith.constant 1 : i32
    %select_n3A_323 = arith.select %eq3A_321, %jit3A_322, %jit3A_319 : i32
    %rem3A_324 = arith.remsi %add3A_290, %select_n3A_323 : i32
    %ne3A_325 = arith.constant 0 : i32
    %ne3A_326 = arith.cmpi ne, %rem3A_324, %ne3A_325 : i32
    %lt3A_327 = arith.constant 0 : i32
    %lt3A_328 = arith.cmpi slt, %rem3A_324, %lt3A_327 : i32
    %lt3A_329 = arith.constant 0 : i32
    %lt3A_330 = arith.cmpi slt, %select_n3A_323, %lt3A_329 : i32
    %ne3A_331 = arith.xori %lt3A_328, %lt3A_330 : i1
    %and3A_332 = arith.andi %ne3A_331, %ne3A_326 : i1
    %add3A_333 = arith.addi %rem3A_324, %select_n3A_323 : i32
    %select_n3A_334 = arith.select %and3A_332, %add3A_333, %rem3A_324 : i32
    %eq3A_335 = arith.constant 0 : i32
    %eq3A_336 = arith.cmpi eq, %select_n3A_334, %eq3A_335 : i32
    %convert_element_type3A_337 = arith.extui %eq3A_336 : i1 to i32
    %cond3A_338 = arith.constant 0 : i32
    %cond3A_339 = arith.cmpi ne, %convert_element_type3A_337, %cond3A_338 : i32
    scf.if %cond3A_339 {
      %parallel_loop3A_643 = arith.constant 0 : i32
      %parallel_loop3A_644 = arith.constant 32 : i32
      %parallel_loop3A_645 = arith.constant 1 : i32
      scf.for %parallel_loop3A_646 = %parallel_loop3A_643 to %parallel_loop3A_644 step %parallel_loop3A_645  : i32 {
        %parallel_loop3A_647 = arith.constant 16 : i32
        %parallel_loop3A_648 = arith.muli %parallel_loop3A_646, %parallel_loop3A_647 : i32
        %parallel_loop3A_649 = arith.index_cast %parallel_loop3A_648 : i32 to index
        %parallel_loop3A_650 = tpu.vector_load %arg6[%parallel_loop3A_649] {strides = array<i32>} : memref<2048xi32, #tpu.memory_space<vmem>>, vector<16xi32>,
        tpu.vector_store %arg6[%parallel_loop3A_649], %broadcast_in_dim3A_5 {strides = array<i32>} : memref<2048xi32, #tpu.memory_space<vmem>>, vector<16xi32>,
      } {sc.loop_unroll_factor = 4 : i64, sc.parallel_access}
    } else {
    }
    %parallel_loop3A_340 = arith.constant 0 : i32
    %parallel_loop3A_341 = arith.constant 128 : i32
    %parallel_loop3A_342 = arith.constant 1 : i32
    scf.for %parallel_loop3A_643 = %parallel_loop3A_340 to %parallel_loop3A_341 step %parallel_loop3A_342  : i32 {
      %parallel_loop3A_644 = arith.constant 16 : i32
      %parallel_loop3A_645 = arith.muli %parallel_loop3A_643, %parallel_loop3A_644 : i32
      %parallel_loop3A_646 = arith.index_cast %parallel_loop3A_645 : i32 to index
      %parallel_loop3A_647 = tpu.vector_load %arg6[%parallel_loop3A_646] {strides = array<i32>} : memref<2048xi32, #tpu.memory_space<vmem>>, vector<16xi32>,
      %parallel_loop3A_648 = arith.constant 0 : i32
      %parallel_loop3A_649 = vector.broadcast %parallel_loop3A_648 : i32 to vector<16xi32>
      %parallel_loop3A_650 = arith.addi %parallel_loop3A_647, %parallel_loop3A_649 : vector<16xi32>
      %parallel_loop3A_651 = tpu.vector_load_idx %arg5[%parallel_loop3A_650] : memref<8320xf32, #tpu.memory_space<vmem>>[vector<16xi32>], vector<16xf32>,
      %parallel_loop3A_652 = arith.constant 16 : i32
      %parallel_loop3A_653 = arith.muli %parallel_loop3A_643, %parallel_loop3A_652 : i32
      %parallel_loop3A_654 = arith.constant 0 : i32
      %parallel_loop3A_655 = arith.index_cast %parallel_loop3A_654 : i32 to index
      %parallel_loop3A_656 = arith.index_cast %parallel_loop3A_653 : i32 to index
      %parallel_loop3A_657 = tpu.vector_load %arg8[%parallel_loop3A_655, %parallel_loop3A_656] {strides = array<i32>} : memref<16x2048xf32, #tpu.memory_space<vmem>>, vector<16xf32>,
      tpu.vector_store %arg8[%parallel_loop3A_655, %parallel_loop3A_656], %parallel_loop3A_651 {strides = array<i32>} : memref<16x2048xf32, #tpu.memory_space<vmem>>, vector<16xf32>,
      %parallel_loop3A_658 = arith.constant 520 : i32
      %parallel_loop3A_659 = vector.broadcast %parallel_loop3A_658 : i32 to vector<16xi32>
      %parallel_loop3A_660 = arith.addi %parallel_loop3A_647, %parallel_loop3A_659 : vector<16xi32>
      %parallel_loop3A_661 = tpu.vector_load_idx %arg5[%parallel_loop3A_660] : memref<8320xf32, #tpu.memory_space<vmem>>[vector<16xi32>], vector<16xf32>,
      %parallel_loop3A_662 = arith.constant 16 : i32
      %parallel_loop3A_663 = arith.muli %parallel_loop3A_643, %parallel_loop3A_662 : i32
      %parallel_loop3A_664 = arith.constant 1 : i32
      %parallel_loop3A_665 = arith.index_cast %parallel_loop3A_664 : i32 to index
      %parallel_loop3A_666 = arith.index_cast %parallel_loop3A_663 : i32 to index
      %parallel_loop3A_667 = tpu.vector_load %arg8[%parallel_loop3A_665, %parallel_loop3A_666] {strides = array<i32>} : memref<16x2048xf32, #tpu.memory_space<vmem>>, vector<16xf32>,
      tpu.vector_store %arg8[%parallel_loop3A_665, %parallel_loop3A_666], %parallel_loop3A_661 {strides = array<i32>} : memref<16x2048xf32, #tpu.memory_space<vmem>>, vector<16xf32>,
      %parallel_loop3A_668 = arith.constant 1040 : i32
      %parallel_loop3A_669 = vector.broadcast %parallel_loop3A_668 : i32 to vector<16xi32>
      %parallel_loop3A_670 = arith.addi %parallel_loop3A_647, %parallel_loop3A_669 : vector<16xi32>
      %parallel_loop3A_671 = tpu.vector_load_idx %arg5[%parallel_loop3A_670] : memref<8320xf32, #tpu.memory_space<vmem>>[vector<16xi32>], vector<16xf32>,
      %parallel_loop3A_672 = arith.constant 16 : i32
      %parallel_loop3A_673 = arith.muli %parallel_loop3A_643, %parallel_loop3A_672 : i32
      %parallel_loop3A_674 = arith.constant 2 : i32
      %parallel_loop3A_675 = arith.index_cast %parallel_loop3A_674 : i32 to index
      %parallel_loop3A_676 = arith.index_cast %parallel_loop3A_673 : i32 to index
      %parallel_loop3A_677 = tpu.vector_load %arg8[%parallel_loop3A_675, %parallel_loop3A_676] {strides = array<i32>} : memref<16x2048xf32, #tpu.memory_space<vmem>>, vector<16xf32>,
      tpu.vector_store %arg8[%parallel_loop3A_675, %parallel_loop3A_676], %parallel_loop3A_671 {strides = array<i32>} : memref<16x2048xf32, #tpu.memory_space<vmem>>, vector<16xf32>,
      %parallel_loop3A_678 = arith.constant 1560 : i32
      %parallel_loop3A_679 = vector.broadcast %parallel_loop3A_678 : i32 to vector<16xi32>
      %parallel_loop3A_680 = arith.addi %parallel_loop3A_647, %parallel_loop3A_679 : vector<16xi32>
      %parallel_loop3A_681 = tpu.vector_load_idx %arg5[%parallel_loop3A_680] : memref<8320xf32, #tpu.memory_space<vmem>>[vector<16xi32>], vector<16xf32>,
      %parallel_loop3A_682 = arith.constant 16 : i32
      %parallel_loop3A_683 = arith.muli %parallel_loop3A_643, %parallel_loop3A_682 : i32
      %parallel_loop3A_684 = arith.constant 3 : i32
      %parallel_loop3A_685 = arith.index_cast %parallel_loop3A_684 : i32 to index
      %parallel_loop3A_686 = arith.index_cast %parallel_loop3A_683 : i32 to index
      %parallel_loop3A_687 = tpu.vector_load %arg8[%parallel_loop3A_685, %parallel_loop3A_686] {strides = array<i32>} : memref<16x2048xf32, #tpu.memory_space<vmem>>, vector<16xf32>,
      tpu.vector_store %arg8[%parallel_loop3A_685, %parallel_loop3A_686], %parallel_loop3A_681 {strides = array<i32>} : memref<16x2048xf32, #tpu.memory_space<vmem>>, vector<16xf32>,
      %parallel_loop3A_688 = arith.constant 2080 : i32
      %parallel_loop3A_689 = vector.broadcast %parallel_loop3A_688 : i32 to vector<16xi32>
      %parallel_loop3A_690 = arith.addi %parallel_loop3A_647, %parallel_loop3A_689 : vector<16xi32>
      %parallel_loop3A_691 = tpu.vector_load_idx %arg5[%parallel_loop3A_690] : memref<8320xf32, #tpu.memory_space<vmem>>[vector<16xi32>], vector<16xf32>,
      %parallel_loop3A_692 = arith.constant 16 : i32
      %parallel_loop3A_693 = arith.muli %parallel_loop3A_643, %parallel_loop3A_692 : i32
      %parallel_loop3A_694 = arith.constant 4 : i32
      %parallel_loop3A_695 = arith.index_cast %parallel_loop3A_694 : i32 to index
      %parallel_loop3A_696 = arith.index_cast %parallel_loop3A_693 : i32 to index
      %parallel_loop3A_697 = tpu.vector_load %arg8[%parallel_loop3A_695, %parallel_loop3A_696] {strides = array<i32>} : memref<16x2048xf32, #tpu.memory_space<vmem>>, vector<16xf32>,
      tpu.vector_store %arg8[%parallel_loop3A_695, %parallel_loop3A_696], %parallel_loop3A_691 {strides = array<i32>} : memref<16x2048xf32, #tpu.memory_space<vmem>>, vector<16xf32>,
      %parallel_loop3A_698 = arith.constant 2600 : i32
      %parallel_loop3A_699 = vector.broadcast %parallel_loop3A_698 : i32 to vector<16xi32>
      %parallel_loop3A_700 = arith.addi %parallel_loop3A_647, %parallel_loop3A_699 : vector<16xi32>
      %parallel_loop3A_701 = tpu.vector_load_idx %arg5[%parallel_loop3A_700] : memref<8320xf32, #tpu.memory_space<vmem>>[vector<16xi32>], vector<16xf32>,
      %parallel_loop3A_702 = arith.constant 16 : i32
      %parallel_loop3A_703 = arith.muli %parallel_loop3A_643, %parallel_loop3A_702 : i32
      %parallel_loop3A_704 = arith.constant 5 : i32
      %parallel_loop3A_705 = arith.index_cast %parallel_loop3A_704 : i32 to index
      %parallel_loop3A_706 = arith.index_cast %parallel_loop3A_703 : i32 to index
      %parallel_loop3A_707 = tpu.vector_load %arg8[%parallel_loop3A_705, %parallel_loop3A_706] {strides = array<i32>} : memref<16x2048xf32, #tpu.memory_space<vmem>>, vector<16xf32>,
      tpu.vector_store %arg8[%parallel_loop3A_705, %parallel_loop3A_706], %parallel_loop3A_701 {strides = array<i32>} : memref<16x2048xf32, #tpu.memory_space<vmem>>, vector<16xf32>,
      %parallel_loop3A_708 = arith.constant 3120 : i32
      %parallel_loop3A_709 = vector.broadcast %parallel_loop3A_708 : i32 to vector<16xi32>
      %parallel_loop3A_710 = arith.addi %parallel_loop3A_647, %parallel_loop3A_709 : vector<16xi32>
      %parallel_loop3A_711 = tpu.vector_load_idx %arg5[%parallel_loop3A_710] : memref<8320xf32, #tpu.memory_space<vmem>>[vector<16xi32>], vector<16xf32>,
      %parallel_loop3A_712 = arith.constant 16 : i32
      %parallel_loop3A_713 = arith.muli %parallel_loop3A_643, %parallel_loop3A_712 : i32
      %parallel_loop3A_714 = arith.constant 6 : i32
      %parallel_loop3A_715 = arith.index_cast %parallel_loop3A_714 : i32 to index
      %parallel_loop3A_716 = arith.index_cast %parallel_loop3A_713 : i32 to index
      %parallel_loop3A_717 = tpu.vector_load %arg8[%parallel_loop3A_715, %parallel_loop3A_716] {strides = array<i32>} : memref<16x2048xf32, #tpu.memory_space<vmem>>, vector<16xf32>,
      tpu.vector_store %arg8[%parallel_loop3A_715, %parallel_loop3A_716], %parallel_loop3A_711 {strides = array<i32>} : memref<16x2048xf32, #tpu.memory_space<vmem>>, vector<16xf32>,
      %parallel_loop3A_718 = arith.constant 3640 : i32
      %parallel_loop3A_719 = vector.broadcast %parallel_loop3A_718 : i32 to vector<16xi32>
      %parallel_loop3A_720 = arith.addi %parallel_loop3A_647, %parallel_loop3A_719 : vector<16xi32>
      %parallel_loop3A_721 = tpu.vector_load_idx %arg5[%parallel_loop3A_720] : memref<8320xf32, #tpu.memory_space<vmem>>[vector<16xi32>], vector<16xf32>,
      %parallel_loop3A_722 = arith.constant 16 : i32
      %parallel_loop3A_723 = arith.muli %parallel_loop3A_643, %parallel_loop3A_722 : i32
      %parallel_loop3A_724 = arith.constant 7 : i32
      %parallel_loop3A_725 = arith.index_cast %parallel_loop3A_724 : i32 to index
      %parallel_loop3A_726 = arith.index_cast %parallel_loop3A_723 : i32 to index
      %parallel_loop3A_727 = tpu.vector_load %arg8[%parallel_loop3A_725, %parallel_loop3A_726] {strides = array<i32>} : memref<16x2048xf32, #tpu.memory_space<vmem>>, vector<16xf32>,
      tpu.vector_store %arg8[%parallel_loop3A_725, %parallel_loop3A_726], %parallel_loop3A_721 {strides = array<i32>} : memref<16x2048xf32, #tpu.memory_space<vmem>>, vector<16xf32>,
      %parallel_loop3A_728 = arith.constant 4160 : i32
      %parallel_loop3A_729 = vector.broadcast %parallel_loop3A_728 : i32 to vector<16xi32>
      %parallel_loop3A_730 = arith.addi %parallel_loop3A_647, %parallel_loop3A_729 : vector<16xi32>
      %parallel_loop3A_731 = tpu.vector_load_idx %arg5[%parallel_loop3A_730] : memref<8320xf32, #tpu.memory_space<vmem>>[vector<16xi32>], vector<16xf32>,
      %parallel_loop3A_732 = arith.constant 16 : i32
      %parallel_loop3A_733 = arith.muli %parallel_loop3A_643, %parallel_loop3A_732 : i32
      %parallel_loop3A_734 = arith.constant 8 : i32
      %parallel_loop3A_735 = arith.index_cast %parallel_loop3A_734 : i32 to index
      %parallel_loop3A_736 = arith.index_cast %parallel_loop3A_733 : i32 to index
      %parallel_loop3A_737 = tpu.vector_load %arg8[%parallel_loop3A_735, %parallel_loop3A_736] {strides = array<i32>} : memref<16x2048xf32, #tpu.memory_space<vmem>>, vector<16xf32>,
      tpu.vector_store %arg8[%parallel_loop3A_735, %parallel_loop3A_736], %parallel_loop3A_731 {strides = array<i32>} : memref<16x2048xf32, #tpu.memory_space<vmem>>, vector<16xf32>,
      %parallel_loop3A_738 = arith.constant 4680 : i32
      %parallel_loop3A_739 = vector.broadcast %parallel_loop3A_738 : i32 to vector<16xi32>
      %parallel_loop3A_740 = arith.addi %parallel_loop3A_647, %parallel_loop3A_739 : vector<16xi32>
      %parallel_loop3A_741 = tpu.vector_load_idx %arg5[%parallel_loop3A_740] : memref<8320xf32, #tpu.memory_space<vmem>>[vector<16xi32>], vector<16xf32>,
      %parallel_loop3A_742 = arith.constant 16 : i32
      %parallel_loop3A_743 = arith.muli %parallel_loop3A_643, %parallel_loop3A_742 : i32
      %parallel_loop3A_744 = arith.constant 9 : i32
      %parallel_loop3A_745 = arith.index_cast %parallel_loop3A_744 : i32 to index
      %parallel_loop3A_746 = arith.index_cast %parallel_loop3A_743 : i32 to index
      %parallel_loop3A_747 = tpu.vector_load %arg8[%parallel_loop3A_745, %parallel_loop3A_746] {strides = array<i32>} : memref<16x2048xf32, #tpu.memory_space<vmem>>, vector<16xf32>,
      tpu.vector_store %arg8[%parallel_loop3A_745, %parallel_loop3A_746], %parallel_loop3A_741 {strides = array<i32>} : memref<16x2048xf32, #tpu.memory_space<vmem>>, vector<16xf32>,
      %parallel_loop3A_748 = arith.constant 5200 : i32
      %parallel_loop3A_749 = vector.broadcast %parallel_loop3A_748 : i32 to vector<16xi32>
      %parallel_loop3A_750 = arith.addi %parallel_loop3A_647, %parallel_loop3A_749 : vector<16xi32>
      %parallel_loop3A_751 = tpu.vector_load_idx %arg5[%parallel_loop3A_750] : memref<8320xf32, #tpu.memory_space<vmem>>[vector<16xi32>], vector<16xf32>,
      %parallel_loop3A_752 = arith.constant 16 : i32
      %parallel_loop3A_753 = arith.muli %parallel_loop3A_643, %parallel_loop3A_752 : i32
      %parallel_loop3A_754 = arith.constant 10 : i32
      %parallel_loop3A_755 = arith.index_cast %parallel_loop3A_754 : i32 to index
      %parallel_loop3A_756 = arith.index_cast %parallel_loop3A_753 : i32 to index
      %parallel_loop3A_757 = tpu.vector_load %arg8[%parallel_loop3A_755, %parallel_loop3A_756] {strides = array<i32>} : memref<16x2048xf32, #tpu.memory_space<vmem>>, vector<16xf32>,
      tpu.vector_store %arg8[%parallel_loop3A_755, %parallel_loop3A_756], %parallel_loop3A_751 {strides = array<i32>} : memref<16x2048xf32, #tpu.memory_space<vmem>>, vector<16xf32>,
      %parallel_loop3A_758 = arith.constant 5720 : i32
      %parallel_loop3A_759 = vector.broadcast %parallel_loop3A_758 : i32 to vector<16xi32>
      %parallel_loop3A_760 = arith.addi %parallel_loop3A_647, %parallel_loop3A_759 : vector<16xi32>
      %parallel_loop3A_761 = tpu.vector_load_idx %arg5[%parallel_loop3A_760] : memref<8320xf32, #tpu.memory_space<vmem>>[vector<16xi32>], vector<16xf32>,
      %parallel_loop3A_762 = arith.constant 16 : i32
      %parallel_loop3A_763 = arith.muli %parallel_loop3A_643, %parallel_loop3A_762 : i32
      %parallel_loop3A_764 = arith.constant 11 : i32
      %parallel_loop3A_765 = arith.index_cast %parallel_loop3A_764 : i32 to index
      %parallel_loop3A_766 = arith.index_cast %parallel_loop3A_763 : i32 to index
      %parallel_loop3A_767 = tpu.vector_load %arg8[%parallel_loop3A_765, %parallel_loop3A_766] {strides = array<i32>} : memref<16x2048xf32, #tpu.memory_space<vmem>>, vector<16xf32>,
      tpu.vector_store %arg8[%parallel_loop3A_765, %parallel_loop3A_766], %parallel_loop3A_761 {strides = array<i32>} : memref<16x2048xf32, #tpu.memory_space<vmem>>, vector<16xf32>,
      %parallel_loop3A_768 = arith.constant 6240 : i32
      %parallel_loop3A_769 = vector.broadcast %parallel_loop3A_768 : i32 to vector<16xi32>
      %parallel_loop3A_770 = arith.addi %parallel_loop3A_647, %parallel_loop3A_769 : vector<16xi32>
      %parallel_loop3A_771 = tpu.vector_load_idx %arg5[%parallel_loop3A_770] : memref<8320xf32, #tpu.memory_space<vmem>>[vector<16xi32>], vector<16xf32>,
      %parallel_loop3A_772 = arith.constant 16 : i32
      %parallel_loop3A_773 = arith.muli %parallel_loop3A_643, %parallel_loop3A_772 : i32
      %parallel_loop3A_774 = arith.constant 12 : i32
      %parallel_loop3A_775 = arith.index_cast %parallel_loop3A_774 : i32 to index
      %parallel_loop3A_776 = arith.index_cast %parallel_loop3A_773 : i32 to index
      %parallel_loop3A_777 = tpu.vector_load %arg8[%parallel_loop3A_775, %parallel_loop3A_776] {strides = array<i32>} : memref<16x2048xf32, #tpu.memory_space<vmem>>, vector<16xf32>,
      tpu.vector_store %arg8[%parallel_loop3A_775, %parallel_loop3A_776], %parallel_loop3A_771 {strides = array<i32>} : memref<16x2048xf32, #tpu.memory_space<vmem>>, vector<16xf32>,
      %parallel_loop3A_778 = arith.constant 6760 : i32
      %parallel_loop3A_779 = vector.broadcast %parallel_loop3A_778 : i32 to vector<16xi32>
      %parallel_loop3A_780 = arith.addi %parallel_loop3A_647, %parallel_loop3A_779 : vector<16xi32>
      %parallel_loop3A_781 = tpu.vector_load_idx %arg5[%parallel_loop3A_780] : memref<8320xf32, #tpu.memory_space<vmem>>[vector<16xi32>], vector<16xf32>,
      %parallel_loop3A_782 = arith.constant 16 : i32
      %parallel_loop3A_783 = arith.muli %parallel_loop3A_643, %parallel_loop3A_782 : i32
      %parallel_loop3A_784 = arith.constant 13 : i32
      %parallel_loop3A_785 = arith.index_cast %parallel_loop3A_784 : i32 to index
      %parallel_loop3A_786 = arith.index_cast %parallel_loop3A_783 : i32 to index
      %parallel_loop3A_787 = tpu.vector_load %arg8[%parallel_loop3A_785, %parallel_loop3A_786] {strides = array<i32>} : memref<16x2048xf32, #tpu.memory_space<vmem>>, vector<16xf32>,
      tpu.vector_store %arg8[%parallel_loop3A_785, %parallel_loop3A_786], %parallel_loop3A_781 {strides = array<i32>} : memref<16x2048xf32, #tpu.memory_space<vmem>>, vector<16xf32>,
      %parallel_loop3A_788 = arith.constant 7280 : i32
      %parallel_loop3A_789 = vector.broadcast %parallel_loop3A_788 : i32 to vector<16xi32>
      %parallel_loop3A_790 = arith.addi %parallel_loop3A_647, %parallel_loop3A_789 : vector<16xi32>
      %parallel_loop3A_791 = tpu.vector_load_idx %arg5[%parallel_loop3A_790] : memref<8320xf32, #tpu.memory_space<vmem>>[vector<16xi32>], vector<16xf32>,
      %parallel_loop3A_792 = arith.constant 16 : i32
      %parallel_loop3A_793 = arith.muli %parallel_loop3A_643, %parallel_loop3A_792 : i32
      %parallel_loop3A_794 = arith.constant 14 : i32
      %parallel_loop3A_795 = arith.index_cast %parallel_loop3A_794 : i32 to index
      %parallel_loop3A_796 = arith.index_cast %parallel_loop3A_793 : i32 to index
      %parallel_loop3A_797 = tpu.vector_load %arg8[%parallel_loop3A_795, %parallel_loop3A_796] {strides = array<i32>} : memref<16x2048xf32, #tpu.memory_space<vmem>>, vector<16xf32>,
      tpu.vector_store %arg8[%parallel_loop3A_795, %parallel_loop3A_796], %parallel_loop3A_791 {strides = array<i32>} : memref<16x2048xf32, #tpu.memory_space<vmem>>, vector<16xf32>,
      %parallel_loop3A_798 = arith.constant 7800 : i32
      %parallel_loop3A_799 = vector.broadcast %parallel_loop3A_798 : i32 to vector<16xi32>
      %parallel_loop3A_800 = arith.addi %parallel_loop3A_647, %parallel_loop3A_799 : vector<16xi32>
      %parallel_loop3A_801 = tpu.vector_load_idx %arg5[%parallel_loop3A_800] : memref<8320xf32, #tpu.memory_space<vmem>>[vector<16xi32>], vector<16xf32>,
      %parallel_loop3A_802 = arith.constant 16 : i32
      %parallel_loop3A_803 = arith.muli %parallel_loop3A_643, %parallel_loop3A_802 : i32
      %parallel_loop3A_804 = arith.constant 15 : i32
      %parallel_loop3A_805 = arith.index_cast %parallel_loop3A_804 : i32 to index
      %parallel_loop3A_806 = arith.index_cast %parallel_loop3A_803 : i32 to index
      %parallel_loop3A_807 = tpu.vector_load %arg8[%parallel_loop3A_805, %parallel_loop3A_806] {strides = array<i32>} : memref<16x2048xf32, #tpu.memory_space<vmem>>, vector<16xf32>,
      tpu.vector_store %arg8[%parallel_loop3A_805, %parallel_loop3A_806], %parallel_loop3A_801 {strides = array<i32>} : memref<16x2048xf32, #tpu.memory_space<vmem>>, vector<16xf32>,
    } {sc.loop_unroll_factor = 4 : i64, sc.parallel_access}
    %add3A_343 = arith.constant 30 : i32
    %add3A_344 = arith.addi %mul3A_2, %add3A_343 : i32
    %jit3A_345 = arith.constant 128 : i32
    %div3A_346 = arith.divsi %add3A_344, %jit3A_345 : i32
    %sign3A_347 = arith.constant 0 : i32
    %sign3A_348 = arith.cmpi sgt, %add3A_344, %sign3A_347 : i32
    %sign3A_349 = arith.extui %sign3A_348 : i1 to i32
    %sign3A_350 = arith.constant 0 : i32
    %sign3A_351 = arith.cmpi slt, %add3A_344, %sign3A_350 : i32
    %sign3A_352 = arith.extui %sign3A_351 : i1 to i32
    %sign3A_353 = arith.subi %sign3A_349, %sign3A_352 : i32
    %sign3A_354 = arith.constant 0 : i32
    %sign3A_355 = arith.cmpi sgt, %jit3A_345, %sign3A_354 : i32
    %sign3A_356 = arith.extui %sign3A_355 : i1 to i32
    %sign3A_357 = arith.constant 0 : i32
    %sign3A_358 = arith.cmpi slt, %jit3A_345, %sign3A_357 : i32
    %sign3A_359 = arith.extui %sign3A_358 : i1 to i32
    %sign3A_360 = arith.subi %sign3A_356, %sign3A_359 : i32
    %ne3A_361 = arith.cmpi ne, %sign3A_353, %sign3A_360 : i32
    %rem3A_362 = arith.remsi %add3A_344, %jit3A_345 : i32
    %ne3A_363 = arith.constant 0 : i32
    %ne3A_364 = arith.cmpi ne, %rem3A_362, %ne3A_363 : i32
    %and3A_365 = arith.andi %ne3A_361, %ne3A_364 : i1
    %sub3A_366 = arith.constant 1 : i32
    %sub3A_367 = arith.subi %div3A_346, %sub3A_366 : i32
    %select_n3A_368 = arith.select %and3A_365, %sub3A_367, %div3A_346 : i32
    %jit3A_369 = arith.constant 128 : i32
    %eq3A_370 = arith.constant 0 : i32
    %eq3A_371 = arith.cmpi eq, %jit3A_369, %eq3A_370 : i32
    %jit3A_372 = arith.constant 1 : i32
    %select_n3A_373 = arith.select %eq3A_371, %jit3A_372, %jit3A_369 : i32
    %rem3A_374 = arith.remsi %add3A_344, %select_n3A_373 : i32
    %ne3A_375 = arith.constant 0 : i32
    %ne3A_376 = arith.cmpi ne, %rem3A_374, %ne3A_375 : i32
    %lt3A_377 = arith.constant 0 : i32
    %lt3A_378 = arith.cmpi slt, %rem3A_374, %lt3A_377 : i32
    %lt3A_379 = arith.constant 0 : i32
    %lt3A_380 = arith.cmpi slt, %select_n3A_373, %lt3A_379 : i32
    %ne3A_381 = arith.xori %lt3A_378, %lt3A_380 : i1
    %and3A_382 = arith.andi %ne3A_381, %ne3A_376 : i1
    %add3A_383 = arith.addi %rem3A_374, %select_n3A_373 : i32
    %select_n3A_384 = arith.select %and3A_382, %add3A_383, %rem3A_374 : i32
    %mul3A_385 = arith.constant 16 : i32
    %mul3A_386 = arith.muli %select_n3A_368, %mul3A_385 : i32
    %mul3A_387 = arith.constant 2048 : i32
    %mul3A_388 = arith.muli %select_n3A_384, %mul3A_387 : i32
    %dma_start3A_389 = tpu.memref_slice %arg4[%mul3A_386, %mul3A_388] : memref<128x262144xf32, #tpu.memory_space<hbm>> -> memref<16x2048xf32, #tpu.memory_space<hbm>>
    %dma_start3A_390 = tpu.memref_slice %arg4[%mul3A_386, %mul3A_388] : memref<128x262144xf32, #tpu.memory_space<hbm>> -> memref<16x2048xf32, #tpu.memory_space<hbm>>
    tpu.enqueue_dma source(%arg8 : memref<16x2048xf32, #tpu.memory_space<vmem>>) target(%dma_start3A_390 : memref<16x2048xf32, #tpu.memory_space<hbm>>) target_semaphore(%arg12 : memref<!tpu.dma_semaphore, #tpu.memory_space<semaphore_mem>>)
    %add3A_391 = arith.constant 31 : i32
    %add3A_392 = arith.addi %mul3A_2, %add3A_391 : i32
    %mul3A_393 = arith.constant 2048 : i32
    %mul3A_394 = arith.muli %add3A_392, %mul3A_393 : i32
    %dma_wait3A_395 = tpu.memref_slice %arg2[%mul3A_394] : memref<2097152xi32, #tpu.memory_space<hbm>> -> memref<2048xi32, #tpu.memory_space<hbm>>
    %dma_wait3A_396 = tpu.memref_slice %arg2[%mul3A_394] : memref<2097152xi32, #tpu.memory_space<hbm>> -> memref<2048xi32, #tpu.memory_space<hbm>>
    tpu.wait_dma2 semaphore(%arg11 : memref<!tpu.dma_semaphore, #tpu.memory_space<semaphore_mem>>) src(%dma_wait3A_396 : memref<2048xi32, #tpu.memory_space<hbm>>) dst(%arg7 : memref<2048xi32, #tpu.memory_space<vmem>>)
    %add3A_397 = arith.constant 29 : i32
    %add3A_398 = arith.addi %mul3A_2, %add3A_397 : i32
    %jit3A_399 = arith.constant 128 : i32
    %div3A_400 = arith.divsi %add3A_398, %jit3A_399 : i32
    %sign3A_401 = arith.constant 0 : i32
    %sign3A_402 = arith.cmpi sgt, %add3A_398, %sign3A_401 : i32
    %sign3A_403 = arith.extui %sign3A_402 : i1 to i32
    %sign3A_404 = arith.constant 0 : i32
    %sign3A_405 = arith.cmpi slt, %add3A_398, %sign3A_404 : i32
    %sign3A_406 = arith.extui %sign3A_405 : i1 to i32
    %sign3A_407 = arith.subi %sign3A_403, %sign3A_406 : i32
    %sign3A_408 = arith.constant 0 : i32
    %sign3A_409 = arith.cmpi sgt, %jit3A_399, %sign3A_408 : i32
    %sign3A_410 = arith.extui %sign3A_409 : i1 to i32
    %sign3A_411 = arith.constant 0 : i32
    %sign3A_412 = arith.cmpi slt, %jit3A_399, %sign3A_411 : i32
    %sign3A_413 = arith.extui %sign3A_412 : i1 to i32
    %sign3A_414 = arith.subi %sign3A_410, %sign3A_413 : i32
    %ne3A_415 = arith.cmpi ne, %sign3A_407, %sign3A_414 : i32
    %rem3A_416 = arith.remsi %add3A_398, %jit3A_399 : i32
    %ne3A_417 = arith.constant 0 : i32
    %ne3A_418 = arith.cmpi ne, %rem3A_416, %ne3A_417 : i32
    %and3A_419 = arith.andi %ne3A_415, %ne3A_418 : i1
    %sub3A_420 = arith.constant 1 : i32
    %sub3A_421 = arith.subi %div3A_400, %sub3A_420 : i32
    %select_n3A_422 = arith.select %and3A_419, %sub3A_421, %div3A_400 : i32
    %jit3A_423 = arith.constant 128 : i32
    %eq3A_424 = arith.constant 0 : i32
    %eq3A_425 = arith.cmpi eq, %jit3A_423, %eq3A_424 : i32
    %jit3A_426 = arith.constant 1 : i32
    %select_n3A_427 = arith.select %eq3A_425, %jit3A_426, %jit3A_423 : i32
    %rem3A_428 = arith.remsi %add3A_398, %select_n3A_427 : i32
    %ne3A_429 = arith.constant 0 : i32
    %ne3A_430 = arith.cmpi ne, %rem3A_428, %ne3A_429 : i32
    %lt3A_431 = arith.constant 0 : i32
    %lt3A_432 = arith.cmpi slt, %rem3A_428, %lt3A_431 : i32
    %lt3A_433 = arith.constant 0 : i32
    %lt3A_434 = arith.cmpi slt, %select_n3A_427, %lt3A_433 : i32
    %ne3A_435 = arith.xori %lt3A_432, %lt3A_434 : i1
    %and3A_436 = arith.andi %ne3A_435, %ne3A_430 : i1
    %add3A_437 = arith.addi %rem3A_428, %select_n3A_427 : i32
    %select_n3A_438 = arith.select %and3A_436, %add3A_437, %rem3A_428 : i32
    %mul3A_439 = arith.constant 16 : i32
    %mul3A_440 = arith.muli %select_n3A_422, %mul3A_439 : i32
    %mul3A_441 = arith.constant 2048 : i32
    %mul3A_442 = arith.muli %select_n3A_438, %mul3A_441 : i32
    %dma_wait3A_443 = tpu.memref_slice %arg4[%mul3A_440, %mul3A_442] : memref<128x262144xf32, #tpu.memory_space<hbm>> -> memref<16x2048xf32, #tpu.memory_space<hbm>>
    %dma_wait3A_444 = tpu.memref_slice %arg4[%mul3A_440, %mul3A_442] : memref<128x262144xf32, #tpu.memory_space<hbm>> -> memref<16x2048xf32, #tpu.memory_space<hbm>>
    tpu.wait_dma2 semaphore(%arg13 : memref<!tpu.dma_semaphore, #tpu.memory_space<semaphore_mem>>) src(%arg9 : memref<16x2048xf32, #tpu.memory_space<vmem>>) dst(%dma_wait3A_444 : memref<16x2048xf32, #tpu.memory_space<hbm>>)
    %add3A_445 = arith.constant 31 : i32
    %add3A_446 = arith.addi %mul3A_2, %add3A_445 : i32
    %get3A_447 = arith.constant 0 : index
    %get3A_448 = tpu.vector_load %arg7[%get3A_447] {strides = array<i32>} : memref<2048xi32, #tpu.memory_space<vmem>>, vector<16xi32>,
    %jit3A_449 = arith.constant 513 : i32
    %broadcast_in_dim3A_450 = vector.broadcast %jit3A_449 : i32 to vector<16xi32>
    %select_n3A_451 = arith.select %eq3A_4, %broadcast_in_dim3A_450, %get3A_448 : vector<16xi1>, vector<16xi32>
    %swap3A_452 = arith.constant 0 : index
    %swap3A_453 = tpu.vector_load %arg7[%swap3A_452] {strides = array<i32>} : memref<2048xi32, #tpu.memory_space<vmem>>, vector<16xi32>,
    tpu.vector_store %arg7[%swap3A_452], %select_n3A_451 {strides = array<i32>} : memref<2048xi32, #tpu.memory_space<vmem>>, vector<16xi32>,
    %get3A_454 = arith.constant 512 : index
    %get3A_455 = tpu.vector_load %arg7[%get3A_454] {strides = array<i32>} : memref<2048xi32, #tpu.memory_space<vmem>>, vector<16xi32>,
    %jit3A_456 = arith.constant 513 : i32
    %broadcast_in_dim3A_457 = vector.broadcast %jit3A_456 : i32 to vector<16xi32>
    %select_n3A_458 = arith.select %eq3A_4, %broadcast_in_dim3A_457, %get3A_455 : vector<16xi1>, vector<16xi32>
    %swap3A_459 = arith.constant 512 : index
    %swap3A_460 = tpu.vector_load %arg7[%swap3A_459] {strides = array<i32>} : memref<2048xi32, #tpu.memory_space<vmem>>, vector<16xi32>,
    tpu.vector_store %arg7[%swap3A_459], %select_n3A_458 {strides = array<i32>} : memref<2048xi32, #tpu.memory_space<vmem>>, vector<16xi32>,
    %get3A_461 = arith.constant 1024 : index
    %get3A_462 = tpu.vector_load %arg7[%get3A_461] {strides = array<i32>} : memref<2048xi32, #tpu.memory_space<vmem>>, vector<16xi32>,
    %jit3A_463 = arith.constant 513 : i32
    %broadcast_in_dim3A_464 = vector.broadcast %jit3A_463 : i32 to vector<16xi32>
    %select_n3A_465 = arith.select %eq3A_4, %broadcast_in_dim3A_464, %get3A_462 : vector<16xi1>, vector<16xi32>
    %swap3A_466 = arith.constant 1024 : index
    %swap3A_467 = tpu.vector_load %arg7[%swap3A_466] {strides = array<i32>} : memref<2048xi32, #tpu.memory_space<vmem>>, vector<16xi32>,
    tpu.vector_store %arg7[%swap3A_466], %select_n3A_465 {strides = array<i32>} : memref<2048xi32, #tpu.memory_space<vmem>>, vector<16xi32>,
    %get3A_468 = arith.constant 1536 : index
    %get3A_469 = tpu.vector_load %arg7[%get3A_468] {strides = array<i32>} : memref<2048xi32, #tpu.memory_space<vmem>>, vector<16xi32>,
    %jit3A_470 = arith.constant 513 : i32
    %broadcast_in_dim3A_471 = vector.broadcast %jit3A_470 : i32 to vector<16xi32>
    %select_n3A_472 = arith.select %eq3A_4, %broadcast_in_dim3A_471, %get3A_469 : vector<16xi1>, vector<16xi32>
    %swap3A_473 = arith.constant 1536 : index
    %swap3A_474 = tpu.vector_load %arg7[%swap3A_473] {strides = array<i32>} : memref<2048xi32, #tpu.memory_space<vmem>>, vector<16xi32>,
    tpu.vector_store %arg7[%swap3A_473], %select_n3A_472 {strides = array<i32>} : memref<2048xi32, #tpu.memory_space<vmem>>, vector<16xi32>,
    %jit3A_475 = arith.constant 128 : i32
    %eq3A_476 = arith.constant 0 : i32
    %eq3A_477 = arith.cmpi eq, %jit3A_475, %eq3A_476 : i32
    %jit3A_478 = arith.constant 1 : i32
    %select_n3A_479 = arith.select %eq3A_477, %jit3A_478, %jit3A_475 : i32
    %rem3A_480 = arith.remsi %add3A_446, %select_n3A_479 : i32
    %ne3A_481 = arith.constant 0 : i32
    %ne3A_482 = arith.cmpi ne, %rem3A_480, %ne3A_481 : i32
    %lt3A_483 = arith.constant 0 : i32
    %lt3A_484 = arith.cmpi slt, %rem3A_480, %lt3A_483 : i32
    %lt3A_485 = arith.constant 0 : i32
    %lt3A_486 = arith.cmpi slt, %select_n3A_479, %lt3A_485 : i32
    %ne3A_487 = arith.xori %lt3A_484, %lt3A_486 : i1
    %and3A_488 = arith.andi %ne3A_487, %ne3A_482 : i1
    %add3A_489 = arith.addi %rem3A_480, %select_n3A_479 : i32
    %select_n3A_490 = arith.select %and3A_488, %add3A_489, %rem3A_480 : i32
    %eq3A_491 = arith.constant 0 : i32
    %eq3A_492 = arith.cmpi eq, %select_n3A_490, %eq3A_491 : i32
    %convert_element_type3A_493 = arith.extui %eq3A_492 : i1 to i32
    %cond3A_494 = arith.constant 0 : i32
    %cond3A_495 = arith.cmpi ne, %convert_element_type3A_493, %cond3A_494 : i32
    scf.if %cond3A_495 {
      %parallel_loop3A_643 = arith.constant 0 : i32
      %parallel_loop3A_644 = arith.constant 32 : i32
      %parallel_loop3A_645 = arith.constant 1 : i32
      scf.for %parallel_loop3A_646 = %parallel_loop3A_643 to %parallel_loop3A_644 step %parallel_loop3A_645  : i32 {
        %parallel_loop3A_647 = arith.constant 16 : i32
        %parallel_loop3A_648 = arith.muli %parallel_loop3A_646, %parallel_loop3A_647 : i32
        %parallel_loop3A_649 = arith.index_cast %parallel_loop3A_648 : i32 to index
        %parallel_loop3A_650 = tpu.vector_load %arg7[%parallel_loop3A_649] {strides = array<i32>} : memref<2048xi32, #tpu.memory_space<vmem>>, vector<16xi32>,
        tpu.vector_store %arg7[%parallel_loop3A_649], %broadcast_in_dim3A_5 {strides = array<i32>} : memref<2048xi32, #tpu.memory_space<vmem>>, vector<16xi32>,
      } {sc.loop_unroll_factor = 4 : i64, sc.parallel_access}
    } else {
    }
    %parallel_loop3A_496 = arith.constant 0 : i32
    %parallel_loop3A_497 = arith.constant 128 : i32
    %parallel_loop3A_498 = arith.constant 1 : i32
    scf.for %parallel_loop3A_643 = %parallel_loop3A_496 to %parallel_loop3A_497 step %parallel_loop3A_498  : i32 {
      %parallel_loop3A_644 = arith.constant 16 : i32
      %parallel_loop3A_645 = arith.muli %parallel_loop3A_643, %parallel_loop3A_644 : i32
      %parallel_loop3A_646 = arith.index_cast %parallel_loop3A_645 : i32 to index
      %parallel_loop3A_647 = tpu.vector_load %arg7[%parallel_loop3A_646] {strides = array<i32>} : memref<2048xi32, #tpu.memory_space<vmem>>, vector<16xi32>,
      %parallel_loop3A_648 = arith.constant 0 : i32
      %parallel_loop3A_649 = vector.broadcast %parallel_loop3A_648 : i32 to vector<16xi32>
      %parallel_loop3A_650 = arith.addi %parallel_loop3A_647, %parallel_loop3A_649 : vector<16xi32>
      %parallel_loop3A_651 = tpu.vector_load_idx %arg5[%parallel_loop3A_650] : memref<8320xf32, #tpu.memory_space<vmem>>[vector<16xi32>], vector<16xf32>,
      %parallel_loop3A_652 = arith.constant 16 : i32
      %parallel_loop3A_653 = arith.muli %parallel_loop3A_643, %parallel_loop3A_652 : i32
      %parallel_loop3A_654 = arith.constant 0 : i32
      %parallel_loop3A_655 = arith.index_cast %parallel_loop3A_654 : i32 to index
      %parallel_loop3A_656 = arith.index_cast %parallel_loop3A_653 : i32 to index
      %parallel_loop3A_657 = tpu.vector_load %arg9[%parallel_loop3A_655, %parallel_loop3A_656] {strides = array<i32>} : memref<16x2048xf32, #tpu.memory_space<vmem>>, vector<16xf32>,
      tpu.vector_store %arg9[%parallel_loop3A_655, %parallel_loop3A_656], %parallel_loop3A_651 {strides = array<i32>} : memref<16x2048xf32, #tpu.memory_space<vmem>>, vector<16xf32>,
      %parallel_loop3A_658 = arith.constant 520 : i32
      %parallel_loop3A_659 = vector.broadcast %parallel_loop3A_658 : i32 to vector<16xi32>
      %parallel_loop3A_660 = arith.addi %parallel_loop3A_647, %parallel_loop3A_659 : vector<16xi32>
      %parallel_loop3A_661 = tpu.vector_load_idx %arg5[%parallel_loop3A_660] : memref<8320xf32, #tpu.memory_space<vmem>>[vector<16xi32>], vector<16xf32>,
      %parallel_loop3A_662 = arith.constant 16 : i32
      %parallel_loop3A_663 = arith.muli %parallel_loop3A_643, %parallel_loop3A_662 : i32
      %parallel_loop3A_664 = arith.constant 1 : i32
      %parallel_loop3A_665 = arith.index_cast %parallel_loop3A_664 : i32 to index
      %parallel_loop3A_666 = arith.index_cast %parallel_loop3A_663 : i32 to index
      %parallel_loop3A_667 = tpu.vector_load %arg9[%parallel_loop3A_665, %parallel_loop3A_666] {strides = array<i32>} : memref<16x2048xf32, #tpu.memory_space<vmem>>, vector<16xf32>,
      tpu.vector_store %arg9[%parallel_loop3A_665, %parallel_loop3A_666], %parallel_loop3A_661 {strides = array<i32>} : memref<16x2048xf32, #tpu.memory_space<vmem>>, vector<16xf32>,
      %parallel_loop3A_668 = arith.constant 1040 : i32
      %parallel_loop3A_669 = vector.broadcast %parallel_loop3A_668 : i32 to vector<16xi32>
      %parallel_loop3A_670 = arith.addi %parallel_loop3A_647, %parallel_loop3A_669 : vector<16xi32>
      %parallel_loop3A_671 = tpu.vector_load_idx %arg5[%parallel_loop3A_670] : memref<8320xf32, #tpu.memory_space<vmem>>[vector<16xi32>], vector<16xf32>,
      %parallel_loop3A_672 = arith.constant 16 : i32
      %parallel_loop3A_673 = arith.muli %parallel_loop3A_643, %parallel_loop3A_672 : i32
      %parallel_loop3A_674 = arith.constant 2 : i32
      %parallel_loop3A_675 = arith.index_cast %parallel_loop3A_674 : i32 to index
      %parallel_loop3A_676 = arith.index_cast %parallel_loop3A_673 : i32 to index
      %parallel_loop3A_677 = tpu.vector_load %arg9[%parallel_loop3A_675, %parallel_loop3A_676] {strides = array<i32>} : memref<16x2048xf32, #tpu.memory_space<vmem>>, vector<16xf32>,
      tpu.vector_store %arg9[%parallel_loop3A_675, %parallel_loop3A_676], %parallel_loop3A_671 {strides = array<i32>} : memref<16x2048xf32, #tpu.memory_space<vmem>>, vector<16xf32>,
      %parallel_loop3A_678 = arith.constant 1560 : i32
      %parallel_loop3A_679 = vector.broadcast %parallel_loop3A_678 : i32 to vector<16xi32>
      %parallel_loop3A_680 = arith.addi %parallel_loop3A_647, %parallel_loop3A_679 : vector<16xi32>
      %parallel_loop3A_681 = tpu.vector_load_idx %arg5[%parallel_loop3A_680] : memref<8320xf32, #tpu.memory_space<vmem>>[vector<16xi32>], vector<16xf32>,
      %parallel_loop3A_682 = arith.constant 16 : i32
      %parallel_loop3A_683 = arith.muli %parallel_loop3A_643, %parallel_loop3A_682 : i32
      %parallel_loop3A_684 = arith.constant 3 : i32
      %parallel_loop3A_685 = arith.index_cast %parallel_loop3A_684 : i32 to index
      %parallel_loop3A_686 = arith.index_cast %parallel_loop3A_683 : i32 to index
      %parallel_loop3A_687 = tpu.vector_load %arg9[%parallel_loop3A_685, %parallel_loop3A_686] {strides = array<i32>} : memref<16x2048xf32, #tpu.memory_space<vmem>>, vector<16xf32>,
      tpu.vector_store %arg9[%parallel_loop3A_685, %parallel_loop3A_686], %parallel_loop3A_681 {strides = array<i32>} : memref<16x2048xf32, #tpu.memory_space<vmem>>, vector<16xf32>,
      %parallel_loop3A_688 = arith.constant 2080 : i32
      %parallel_loop3A_689 = vector.broadcast %parallel_loop3A_688 : i32 to vector<16xi32>
      %parallel_loop3A_690 = arith.addi %parallel_loop3A_647, %parallel_loop3A_689 : vector<16xi32>
      %parallel_loop3A_691 = tpu.vector_load_idx %arg5[%parallel_loop3A_690] : memref<8320xf32, #tpu.memory_space<vmem>>[vector<16xi32>], vector<16xf32>,
      %parallel_loop3A_692 = arith.constant 16 : i32
      %parallel_loop3A_693 = arith.muli %parallel_loop3A_643, %parallel_loop3A_692 : i32
      %parallel_loop3A_694 = arith.constant 4 : i32
      %parallel_loop3A_695 = arith.index_cast %parallel_loop3A_694 : i32 to index
      %parallel_loop3A_696 = arith.index_cast %parallel_loop3A_693 : i32 to index
      %parallel_loop3A_697 = tpu.vector_load %arg9[%parallel_loop3A_695, %parallel_loop3A_696] {strides = array<i32>} : memref<16x2048xf32, #tpu.memory_space<vmem>>, vector<16xf32>,
      tpu.vector_store %arg9[%parallel_loop3A_695, %parallel_loop3A_696], %parallel_loop3A_691 {strides = array<i32>} : memref<16x2048xf32, #tpu.memory_space<vmem>>, vector<16xf32>,
      %parallel_loop3A_698 = arith.constant 2600 : i32
      %parallel_loop3A_699 = vector.broadcast %parallel_loop3A_698 : i32 to vector<16xi32>
      %parallel_loop3A_700 = arith.addi %parallel_loop3A_647, %parallel_loop3A_699 : vector<16xi32>
      %parallel_loop3A_701 = tpu.vector_load_idx %arg5[%parallel_loop3A_700] : memref<8320xf32, #tpu.memory_space<vmem>>[vector<16xi32>], vector<16xf32>,
      %parallel_loop3A_702 = arith.constant 16 : i32
      %parallel_loop3A_703 = arith.muli %parallel_loop3A_643, %parallel_loop3A_702 : i32
      %parallel_loop3A_704 = arith.constant 5 : i32
      %parallel_loop3A_705 = arith.index_cast %parallel_loop3A_704 : i32 to index
      %parallel_loop3A_706 = arith.index_cast %parallel_loop3A_703 : i32 to index
      %parallel_loop3A_707 = tpu.vector_load %arg9[%parallel_loop3A_705, %parallel_loop3A_706] {strides = array<i32>} : memref<16x2048xf32, #tpu.memory_space<vmem>>, vector<16xf32>,
      tpu.vector_store %arg9[%parallel_loop3A_705, %parallel_loop3A_706], %parallel_loop3A_701 {strides = array<i32>} : memref<16x2048xf32, #tpu.memory_space<vmem>>, vector<16xf32>,
      %parallel_loop3A_708 = arith.constant 3120 : i32
      %parallel_loop3A_709 = vector.broadcast %parallel_loop3A_708 : i32 to vector<16xi32>
      %parallel_loop3A_710 = arith.addi %parallel_loop3A_647, %parallel_loop3A_709 : vector<16xi32>
      %parallel_loop3A_711 = tpu.vector_load_idx %arg5[%parallel_loop3A_710] : memref<8320xf32, #tpu.memory_space<vmem>>[vector<16xi32>], vector<16xf32>,
      %parallel_loop3A_712 = arith.constant 16 : i32
      %parallel_loop3A_713 = arith.muli %parallel_loop3A_643, %parallel_loop3A_712 : i32
      %parallel_loop3A_714 = arith.constant 6 : i32
      %parallel_loop3A_715 = arith.index_cast %parallel_loop3A_714 : i32 to index
      %parallel_loop3A_716 = arith.index_cast %parallel_loop3A_713 : i32 to index
      %parallel_loop3A_717 = tpu.vector_load %arg9[%parallel_loop3A_715, %parallel_loop3A_716] {strides = array<i32>} : memref<16x2048xf32, #tpu.memory_space<vmem>>, vector<16xf32>,
      tpu.vector_store %arg9[%parallel_loop3A_715, %parallel_loop3A_716], %parallel_loop3A_711 {strides = array<i32>} : memref<16x2048xf32, #tpu.memory_space<vmem>>, vector<16xf32>,
      %parallel_loop3A_718 = arith.constant 3640 : i32
      %parallel_loop3A_719 = vector.broadcast %parallel_loop3A_718 : i32 to vector<16xi32>
      %parallel_loop3A_720 = arith.addi %parallel_loop3A_647, %parallel_loop3A_719 : vector<16xi32>
      %parallel_loop3A_721 = tpu.vector_load_idx %arg5[%parallel_loop3A_720] : memref<8320xf32, #tpu.memory_space<vmem>>[vector<16xi32>], vector<16xf32>,
      %parallel_loop3A_722 = arith.constant 16 : i32
      %parallel_loop3A_723 = arith.muli %parallel_loop3A_643, %parallel_loop3A_722 : i32
      %parallel_loop3A_724 = arith.constant 7 : i32
      %parallel_loop3A_725 = arith.index_cast %parallel_loop3A_724 : i32 to index
      %parallel_loop3A_726 = arith.index_cast %parallel_loop3A_723 : i32 to index
      %parallel_loop3A_727 = tpu.vector_load %arg9[%parallel_loop3A_725, %parallel_loop3A_726] {strides = array<i32>} : memref<16x2048xf32, #tpu.memory_space<vmem>>, vector<16xf32>,
      tpu.vector_store %arg9[%parallel_loop3A_725, %parallel_loop3A_726], %parallel_loop3A_721 {strides = array<i32>} : memref<16x2048xf32, #tpu.memory_space<vmem>>, vector<16xf32>,
      %parallel_loop3A_728 = arith.constant 4160 : i32
      %parallel_loop3A_729 = vector.broadcast %parallel_loop3A_728 : i32 to vector<16xi32>
      %parallel_loop3A_730 = arith.addi %parallel_loop3A_647, %parallel_loop3A_729 : vector<16xi32>
      %parallel_loop3A_731 = tpu.vector_load_idx %arg5[%parallel_loop3A_730] : memref<8320xf32, #tpu.memory_space<vmem>>[vector<16xi32>], vector<16xf32>,
      %parallel_loop3A_732 = arith.constant 16 : i32
      %parallel_loop3A_733 = arith.muli %parallel_loop3A_643, %parallel_loop3A_732 : i32
      %parallel_loop3A_734 = arith.constant 8 : i32
      %parallel_loop3A_735 = arith.index_cast %parallel_loop3A_734 : i32 to index
      %parallel_loop3A_736 = arith.index_cast %parallel_loop3A_733 : i32 to index
      %parallel_loop3A_737 = tpu.vector_load %arg9[%parallel_loop3A_735, %parallel_loop3A_736] {strides = array<i32>} : memref<16x2048xf32, #tpu.memory_space<vmem>>, vector<16xf32>,
      tpu.vector_store %arg9[%parallel_loop3A_735, %parallel_loop3A_736], %parallel_loop3A_731 {strides = array<i32>} : memref<16x2048xf32, #tpu.memory_space<vmem>>, vector<16xf32>,
      %parallel_loop3A_738 = arith.constant 4680 : i32
      %parallel_loop3A_739 = vector.broadcast %parallel_loop3A_738 : i32 to vector<16xi32>
      %parallel_loop3A_740 = arith.addi %parallel_loop3A_647, %parallel_loop3A_739 : vector<16xi32>
      %parallel_loop3A_741 = tpu.vector_load_idx %arg5[%parallel_loop3A_740] : memref<8320xf32, #tpu.memory_space<vmem>>[vector<16xi32>], vector<16xf32>,
      %parallel_loop3A_742 = arith.constant 16 : i32
      %parallel_loop3A_743 = arith.muli %parallel_loop3A_643, %parallel_loop3A_742 : i32
      %parallel_loop3A_744 = arith.constant 9 : i32
      %parallel_loop3A_745 = arith.index_cast %parallel_loop3A_744 : i32 to index
      %parallel_loop3A_746 = arith.index_cast %parallel_loop3A_743 : i32 to index
      %parallel_loop3A_747 = tpu.vector_load %arg9[%parallel_loop3A_745, %parallel_loop3A_746] {strides = array<i32>} : memref<16x2048xf32, #tpu.memory_space<vmem>>, vector<16xf32>,
      tpu.vector_store %arg9[%parallel_loop3A_745, %parallel_loop3A_746], %parallel_loop3A_741 {strides = array<i32>} : memref<16x2048xf32, #tpu.memory_space<vmem>>, vector<16xf32>,
      %parallel_loop3A_748 = arith.constant 5200 : i32
      %parallel_loop3A_749 = vector.broadcast %parallel_loop3A_748 : i32 to vector<16xi32>
      %parallel_loop3A_750 = arith.addi %parallel_loop3A_647, %parallel_loop3A_749 : vector<16xi32>
      %parallel_loop3A_751 = tpu.vector_load_idx %arg5[%parallel_loop3A_750] : memref<8320xf32, #tpu.memory_space<vmem>>[vector<16xi32>], vector<16xf32>,
      %parallel_loop3A_752 = arith.constant 16 : i32
      %parallel_loop3A_753 = arith.muli %parallel_loop3A_643, %parallel_loop3A_752 : i32
      %parallel_loop3A_754 = arith.constant 10 : i32
      %parallel_loop3A_755 = arith.index_cast %parallel_loop3A_754 : i32 to index
      %parallel_loop3A_756 = arith.index_cast %parallel_loop3A_753 : i32 to index
      %parallel_loop3A_757 = tpu.vector_load %arg9[%parallel_loop3A_755, %parallel_loop3A_756] {strides = array<i32>} : memref<16x2048xf32, #tpu.memory_space<vmem>>, vector<16xf32>,
      tpu.vector_store %arg9[%parallel_loop3A_755, %parallel_loop3A_756], %parallel_loop3A_751 {strides = array<i32>} : memref<16x2048xf32, #tpu.memory_space<vmem>>, vector<16xf32>,
      %parallel_loop3A_758 = arith.constant 5720 : i32
      %parallel_loop3A_759 = vector.broadcast %parallel_loop3A_758 : i32 to vector<16xi32>
      %parallel_loop3A_760 = arith.addi %parallel_loop3A_647, %parallel_loop3A_759 : vector<16xi32>
      %parallel_loop3A_761 = tpu.vector_load_idx %arg5[%parallel_loop3A_760] : memref<8320xf32, #tpu.memory_space<vmem>>[vector<16xi32>], vector<16xf32>,
      %parallel_loop3A_762 = arith.constant 16 : i32
      %parallel_loop3A_763 = arith.muli %parallel_loop3A_643, %parallel_loop3A_762 : i32
      %parallel_loop3A_764 = arith.constant 11 : i32
      %parallel_loop3A_765 = arith.index_cast %parallel_loop3A_764 : i32 to index
      %parallel_loop3A_766 = arith.index_cast %parallel_loop3A_763 : i32 to index
      %parallel_loop3A_767 = tpu.vector_load %arg9[%parallel_loop3A_765, %parallel_loop3A_766] {strides = array<i32>} : memref<16x2048xf32, #tpu.memory_space<vmem>>, vector<16xf32>,
      tpu.vector_store %arg9[%parallel_loop3A_765, %parallel_loop3A_766], %parallel_loop3A_761 {strides = array<i32>} : memref<16x2048xf32, #tpu.memory_space<vmem>>, vector<16xf32>,
      %parallel_loop3A_768 = arith.constant 6240 : i32
      %parallel_loop3A_769 = vector.broadcast %parallel_loop3A_768 : i32 to vector<16xi32>
      %parallel_loop3A_770 = arith.addi %parallel_loop3A_647, %parallel_loop3A_769 : vector<16xi32>
      %parallel_loop3A_771 = tpu.vector_load_idx %arg5[%parallel_loop3A_770] : memref<8320xf32, #tpu.memory_space<vmem>>[vector<16xi32>], vector<16xf32>,
      %parallel_loop3A_772 = arith.constant 16 : i32
      %parallel_loop3A_773 = arith.muli %parallel_loop3A_643, %parallel_loop3A_772 : i32
      %parallel_loop3A_774 = arith.constant 12 : i32
      %parallel_loop3A_775 = arith.index_cast %parallel_loop3A_774 : i32 to index
      %parallel_loop3A_776 = arith.index_cast %parallel_loop3A_773 : i32 to index
      %parallel_loop3A_777 = tpu.vector_load %arg9[%parallel_loop3A_775, %parallel_loop3A_776] {strides = array<i32>} : memref<16x2048xf32, #tpu.memory_space<vmem>>, vector<16xf32>,
      tpu.vector_store %arg9[%parallel_loop3A_775, %parallel_loop3A_776], %parallel_loop3A_771 {strides = array<i32>} : memref<16x2048xf32, #tpu.memory_space<vmem>>, vector<16xf32>,
      %parallel_loop3A_778 = arith.constant 6760 : i32
      %parallel_loop3A_779 = vector.broadcast %parallel_loop3A_778 : i32 to vector<16xi32>
      %parallel_loop3A_780 = arith.addi %parallel_loop3A_647, %parallel_loop3A_779 : vector<16xi32>
      %parallel_loop3A_781 = tpu.vector_load_idx %arg5[%parallel_loop3A_780] : memref<8320xf32, #tpu.memory_space<vmem>>[vector<16xi32>], vector<16xf32>,
      %parallel_loop3A_782 = arith.constant 16 : i32
      %parallel_loop3A_783 = arith.muli %parallel_loop3A_643, %parallel_loop3A_782 : i32
      %parallel_loop3A_784 = arith.constant 13 : i32
      %parallel_loop3A_785 = arith.index_cast %parallel_loop3A_784 : i32 to index
      %parallel_loop3A_786 = arith.index_cast %parallel_loop3A_783 : i32 to index
      %parallel_loop3A_787 = tpu.vector_load %arg9[%parallel_loop3A_785, %parallel_loop3A_786] {strides = array<i32>} : memref<16x2048xf32, #tpu.memory_space<vmem>>, vector<16xf32>,
      tpu.vector_store %arg9[%parallel_loop3A_785, %parallel_loop3A_786], %parallel_loop3A_781 {strides = array<i32>} : memref<16x2048xf32, #tpu.memory_space<vmem>>, vector<16xf32>,
      %parallel_loop3A_788 = arith.constant 7280 : i32
      %parallel_loop3A_789 = vector.broadcast %parallel_loop3A_788 : i32 to vector<16xi32>
      %parallel_loop3A_790 = arith.addi %parallel_loop3A_647, %parallel_loop3A_789 : vector<16xi32>
      %parallel_loop3A_791 = tpu.vector_load_idx %arg5[%parallel_loop3A_790] : memref<8320xf32, #tpu.memory_space<vmem>>[vector<16xi32>], vector<16xf32>,
      %parallel_loop3A_792 = arith.constant 16 : i32
      %parallel_loop3A_793 = arith.muli %parallel_loop3A_643, %parallel_loop3A_792 : i32
      %parallel_loop3A_794 = arith.constant 14 : i32
      %parallel_loop3A_795 = arith.index_cast %parallel_loop3A_794 : i32 to index
      %parallel_loop3A_796 = arith.index_cast %parallel_loop3A_793 : i32 to index
      %parallel_loop3A_797 = tpu.vector_load %arg9[%parallel_loop3A_795, %parallel_loop3A_796] {strides = array<i32>} : memref<16x2048xf32, #tpu.memory_space<vmem>>, vector<16xf32>,
      tpu.vector_store %arg9[%parallel_loop3A_795, %parallel_loop3A_796], %parallel_loop3A_791 {strides = array<i32>} : memref<16x2048xf32, #tpu.memory_space<vmem>>, vector<16xf32>,
      %parallel_loop3A_798 = arith.constant 7800 : i32
      %parallel_loop3A_799 = vector.broadcast %parallel_loop3A_798 : i32 to vector<16xi32>
      %parallel_loop3A_800 = arith.addi %parallel_loop3A_647, %parallel_loop3A_799 : vector<16xi32>
      %parallel_loop3A_801 = tpu.vector_load_idx %arg5[%parallel_loop3A_800] : memref<8320xf32, #tpu.memory_space<vmem>>[vector<16xi32>], vector<16xf32>,
      %parallel_loop3A_802 = arith.constant 16 : i32
      %parallel_loop3A_803 = arith.muli %parallel_loop3A_643, %parallel_loop3A_802 : i32
      %parallel_loop3A_804 = arith.constant 15 : i32
      %parallel_loop3A_805 = arith.index_cast %parallel_loop3A_804 : i32 to index
      %parallel_loop3A_806 = arith.index_cast %parallel_loop3A_803 : i32 to index
      %parallel_loop3A_807 = tpu.vector_load %arg9[%parallel_loop3A_805, %parallel_loop3A_806] {strides = array<i32>} : memref<16x2048xf32, #tpu.memory_space<vmem>>, vector<16xf32>,
      tpu.vector_store %arg9[%parallel_loop3A_805, %parallel_loop3A_806], %parallel_loop3A_801 {strides = array<i32>} : memref<16x2048xf32, #tpu.memory_space<vmem>>, vector<16xf32>,
    } {sc.loop_unroll_factor = 4 : i64, sc.parallel_access}
    %add3A_499 = arith.constant 31 : i32
    %add3A_500 = arith.addi %mul3A_2, %add3A_499 : i32
    %jit3A_501 = arith.constant 128 : i32
    %div3A_502 = arith.divsi %add3A_500, %jit3A_501 : i32
    %sign3A_503 = arith.constant 0 : i32
    %sign3A_504 = arith.cmpi sgt, %add3A_500, %sign3A_503 : i32
    %sign3A_505 = arith.extui %sign3A_504 : i1 to i32
    %sign3A_506 = arith.constant 0 : i32
    %sign3A_507 = arith.cmpi slt, %add3A_500, %sign3A_506 : i32
    %sign3A_508 = arith.extui %sign3A_507 : i1 to i32
    %sign3A_509 = arith.subi %sign3A_505, %sign3A_508 : i32
    %sign3A_510 = arith.constant 0 : i32
    %sign3A_511 = arith.cmpi sgt, %jit3A_501, %sign3A_510 : i32
    %sign3A_512 = arith.extui %sign3A_511 : i1 to i32
    %sign3A_513 = arith.constant 0 : i32
    %sign3A_514 = arith.cmpi slt, %jit3A_501, %sign3A_513 : i32
    %sign3A_515 = arith.extui %sign3A_514 : i1 to i32
    %sign3A_516 = arith.subi %sign3A_512, %sign3A_515 : i32
    %ne3A_517 = arith.cmpi ne, %sign3A_509, %sign3A_516 : i32
    %rem3A_518 = arith.remsi %add3A_500, %jit3A_501 : i32
    %ne3A_519 = arith.constant 0 : i32
    %ne3A_520 = arith.cmpi ne, %rem3A_518, %ne3A_519 : i32
    %and3A_521 = arith.andi %ne3A_517, %ne3A_520 : i1
    %sub3A_522 = arith.constant 1 : i32
    %sub3A_523 = arith.subi %div3A_502, %sub3A_522 : i32
    %select_n3A_524 = arith.select %and3A_521, %sub3A_523, %div3A_502 : i32
    %jit3A_525 = arith.constant 128 : i32
    %eq3A_526 = arith.constant 0 : i32
    %eq3A_527 = arith.cmpi eq, %jit3A_525, %eq3A_526 : i32
    %jit3A_528 = arith.constant 1 : i32
    %select_n3A_529 = arith.select %eq3A_527, %jit3A_528, %jit3A_525 : i32
    %rem3A_530 = arith.remsi %add3A_500, %select_n3A_529 : i32
    %ne3A_531 = arith.constant 0 : i32
    %ne3A_532 = arith.cmpi ne, %rem3A_530, %ne3A_531 : i32
    %lt3A_533 = arith.constant 0 : i32
    %lt3A_534 = arith.cmpi slt, %rem3A_530, %lt3A_533 : i32
    %lt3A_535 = arith.constant 0 : i32
    %lt3A_536 = arith.cmpi slt, %select_n3A_529, %lt3A_535 : i32
    %ne3A_537 = arith.xori %lt3A_534, %lt3A_536 : i1
    %and3A_538 = arith.andi %ne3A_537, %ne3A_532 : i1
    %add3A_539 = arith.addi %rem3A_530, %select_n3A_529 : i32
    %select_n3A_540 = arith.select %and3A_538, %add3A_539, %rem3A_530 : i32
    %mul3A_541 = arith.constant 16 : i32
    %mul3A_542 = arith.muli %select_n3A_524, %mul3A_541 : i32
    %mul3A_543 = arith.constant 2048 : i32
    %mul3A_544 = arith.muli %select_n3A_540, %mul3A_543 : i32
    %dma_start3A_545 = tpu.memref_slice %arg4[%mul3A_542, %mul3A_544] : memref<128x262144xf32, #tpu.memory_space<hbm>> -> memref<16x2048xf32, #tpu.memory_space<hbm>>
    %dma_start3A_546 = tpu.memref_slice %arg4[%mul3A_542, %mul3A_544] : memref<128x262144xf32, #tpu.memory_space<hbm>> -> memref<16x2048xf32, #tpu.memory_space<hbm>>
    tpu.enqueue_dma source(%arg9 : memref<16x2048xf32, #tpu.memory_space<vmem>>) target(%dma_start3A_546 : memref<16x2048xf32, #tpu.memory_space<hbm>>) target_semaphore(%arg13 : memref<!tpu.dma_semaphore, #tpu.memory_space<semaphore_mem>>)
    %add3A_547 = arith.constant 30 : i32
    %add3A_548 = arith.addi %mul3A_2, %add3A_547 : i32
    %jit3A_549 = arith.constant 128 : i32
    %div3A_550 = arith.divsi %add3A_548, %jit3A_549 : i32
    %sign3A_551 = arith.constant 0 : i32
    %sign3A_552 = arith.cmpi sgt, %add3A_548, %sign3A_551 : i32
    %sign3A_553 = arith.extui %sign3A_552 : i1 to i32
    %sign3A_554 = arith.constant 0 : i32
    %sign3A_555 = arith.cmpi slt, %add3A_548, %sign3A_554 : i32
    %sign3A_556 = arith.extui %sign3A_555 : i1 to i32
    %sign3A_557 = arith.subi %sign3A_553, %sign3A_556 : i32
    %sign3A_558 = arith.constant 0 : i32
    %sign3A_559 = arith.cmpi sgt, %jit3A_549, %sign3A_558 : i32
    %sign3A_560 = arith.extui %sign3A_559 : i1 to i32
    %sign3A_561 = arith.constant 0 : i32
    %sign3A_562 = arith.cmpi slt, %jit3A_549, %sign3A_561 : i32
    %sign3A_563 = arith.extui %sign3A_562 : i1 to i32
    %sign3A_564 = arith.subi %sign3A_560, %sign3A_563 : i32
    %ne3A_565 = arith.cmpi ne, %sign3A_557, %sign3A_564 : i32
    %rem3A_566 = arith.remsi %add3A_548, %jit3A_549 : i32
    %ne3A_567 = arith.constant 0 : i32
    %ne3A_568 = arith.cmpi ne, %rem3A_566, %ne3A_567 : i32
    %and3A_569 = arith.andi %ne3A_565, %ne3A_568 : i1
    %sub3A_570 = arith.constant 1 : i32
    %sub3A_571 = arith.subi %div3A_550, %sub3A_570 : i32
    %select_n3A_572 = arith.select %and3A_569, %sub3A_571, %div3A_550 : i32
    %jit3A_573 = arith.constant 128 : i32
    %eq3A_574 = arith.constant 0 : i32
    %eq3A_575 = arith.cmpi eq, %jit3A_573, %eq3A_574 : i32
    %jit3A_576 = arith.constant 1 : i32
    %select_n3A_577 = arith.select %eq3A_575, %jit3A_576, %jit3A_573 : i32
    %rem3A_578 = arith.remsi %add3A_548, %select_n3A_577 : i32
    %ne3A_579 = arith.constant 0 : i32
    %ne3A_580 = arith.cmpi ne, %rem3A_578, %ne3A_579 : i32
    %lt3A_581 = arith.constant 0 : i32
    %lt3A_582 = arith.cmpi slt, %rem3A_578, %lt3A_581 : i32
    %lt3A_583 = arith.constant 0 : i32
    %lt3A_584 = arith.cmpi slt, %select_n3A_577, %lt3A_583 : i32
    %ne3A_585 = arith.xori %lt3A_582, %lt3A_584 : i1
    %and3A_586 = arith.andi %ne3A_585, %ne3A_580 : i1
    %add3A_587 = arith.addi %rem3A_578, %select_n3A_577 : i32
    %select_n3A_588 = arith.select %and3A_586, %add3A_587, %rem3A_578 : i32
    %mul3A_589 = arith.constant 16 : i32
    %mul3A_590 = arith.muli %select_n3A_572, %mul3A_589 : i32
    %mul3A_591 = arith.constant 2048 : i32
    %mul3A_592 = arith.muli %select_n3A_588, %mul3A_591 : i32
    %dma_wait3A_593 = tpu.memref_slice %arg4[%mul3A_590, %mul3A_592] : memref<128x262144xf32, #tpu.memory_space<hbm>> -> memref<16x2048xf32, #tpu.memory_space<hbm>>
    %dma_wait3A_594 = tpu.memref_slice %arg4[%mul3A_590, %mul3A_592] : memref<128x262144xf32, #tpu.memory_space<hbm>> -> memref<16x2048xf32, #tpu.memory_space<hbm>>
    tpu.wait_dma2 semaphore(%arg12 : memref<!tpu.dma_semaphore, #tpu.memory_space<semaphore_mem>>) src(%arg8 : memref<16x2048xf32, #tpu.memory_space<vmem>>) dst(%dma_wait3A_594 : memref<16x2048xf32, #tpu.memory_space<hbm>>)
    %add3A_595 = arith.constant 31 : i32
    %add3A_596 = arith.addi %mul3A_2, %add3A_595 : i32
    %jit3A_597 = arith.constant 128 : i32
    %div3A_598 = arith.divsi %add3A_596, %jit3A_597 : i32
    %sign3A_599 = arith.constant 0 : i32
    %sign3A_600 = arith.cmpi sgt, %add3A_596, %sign3A_599 : i32
    %sign3A_601 = arith.extui %sign3A_600 : i1 to i32
    %sign3A_602 = arith.constant 0 : i32
    %sign3A_603 = arith.cmpi slt, %add3A_596, %sign3A_602 : i32
    %sign3A_604 = arith.extui %sign3A_603 : i1 to i32
    %sign3A_605 = arith.subi %sign3A_601, %sign3A_604 : i32
    %sign3A_606 = arith.constant 0 : i32
    %sign3A_607 = arith.cmpi sgt, %jit3A_597, %sign3A_606 : i32
    %sign3A_608 = arith.extui %sign3A_607 : i1 to i32
    %sign3A_609 = arith.constant 0 : i32
    %sign3A_610 = arith.cmpi slt, %jit3A_597, %sign3A_609 : i32
    %sign3A_611 = arith.extui %sign3A_610 : i1 to i32
    %sign3A_612 = arith.subi %sign3A_608, %sign3A_611 : i32
    %ne3A_613 = arith.cmpi ne, %sign3A_605, %sign3A_612 : i32
    %rem3A_614 = arith.remsi %add3A_596, %jit3A_597 : i32
    %ne3A_615 = arith.constant 0 : i32
    %ne3A_616 = arith.cmpi ne, %rem3A_614, %ne3A_615 : i32
    %and3A_617 = arith.andi %ne3A_613, %ne3A_616 : i1
    %sub3A_618 = arith.constant 1 : i32
    %sub3A_619 = arith.subi %div3A_598, %sub3A_618 : i32
    %select_n3A_620 = arith.select %and3A_617, %sub3A_619, %div3A_598 : i32
    %jit3A_621 = arith.constant 128 : i32
    %eq3A_622 = arith.constant 0 : i32
    %eq3A_623 = arith.cmpi eq, %jit3A_621, %eq3A_622 : i32
    %jit3A_624 = arith.constant 1 : i32
    %select_n3A_625 = arith.select %eq3A_623, %jit3A_624, %jit3A_621 : i32
    %rem3A_626 = arith.remsi %add3A_596, %select_n3A_625 : i32
    %ne3A_627 = arith.constant 0 : i32
    %ne3A_628 = arith.cmpi ne, %rem3A_626, %ne3A_627 : i32
    %lt3A_629 = arith.constant 0 : i32
    %lt3A_630 = arith.cmpi slt, %rem3A_626, %lt3A_629 : i32
    %lt3A_631 = arith.constant 0 : i32
    %lt3A_632 = arith.cmpi slt, %select_n3A_625, %lt3A_631 : i32
    %ne3A_633 = arith.xori %lt3A_630, %lt3A_632 : i1
    %and3A_634 = arith.andi %ne3A_633, %ne3A_628 : i1
    %add3A_635 = arith.addi %rem3A_626, %select_n3A_625 : i32
    %select_n3A_636 = arith.select %and3A_634, %add3A_635, %rem3A_626 : i32
    %mul3A_637 = arith.constant 16 : i32
    %mul3A_638 = arith.muli %select_n3A_620, %mul3A_637 : i32
    %mul3A_639 = arith.constant 2048 : i32
    %mul3A_640 = arith.muli %select_n3A_636, %mul3A_639 : i32
    %dma_wait3A_641 = tpu.memref_slice %arg4[%mul3A_638, %mul3A_640] : memref<128x262144xf32, #tpu.memory_space<hbm>> -> memref<16x2048xf32, #tpu.memory_space<hbm>>
    %dma_wait3A_642 = tpu.memref_slice %arg4[%mul3A_638, %mul3A_640] : memref<128x262144xf32, #tpu.memory_space<hbm>> -> memref<16x2048xf32, #tpu.memory_space<hbm>>
    tpu.wait_dma2 semaphore(%arg13 : memref<!tpu.dma_semaphore, #tpu.memory_space<semaphore_mem>>) src(%arg9 : memref<16x2048xf32, #tpu.memory_space<vmem>>) dst(%dma_wait3A_642 : memref<16x2048xf32, #tpu.memory_space<hbm>>)
    return
  }
}

</mosaic_0001>

<sc_bundles>
// kernel: kernel.3.cloned.1.call-start
scs
__scs_entry_jumppad:
0x0: {  	(pc) =	sbr.rel $0x88, $3  }
0x1: {  	(tag) =	ssettag $0x0;
	lr =	simm.s32 $0x1  }
0x2: {  	[smem:$0x3F9F] =	sst lr;
	_ =	strace $0xD0000000  }
0x3: {  	_ = 	snop  }
0x4: {  	_ = 	snop  }
0x5: {  	_ = 	snop  }
0x6: {  	_ = 	snop  }
0x7: {  	_ = 	snop  }
__scs_overlays_trampoline_lowered:
0x8: {  	[smem:$0x3FAE] =	sst s0  }
0x9: {  	[smem:$0x3FAF] =	sst s1  }
0xa: {  	[smem:$0x3FB0] =	sst s2  }
0xb: {  	[smem:$0x3FB1] =	sst s3  }
0xc: {  	[smem:$0x3FB2] =	sst s4  }
0xd: {  	[smem:$0x3FB3] =	sst s5  }
0xe: {  	[smem:$0x3FB4] =	sst s6  }
0xf: {  	[smem:$0x3FB5] =	sst s7  }
0x10: {  	[smem:$0x3FB6] =	sst s8  }
0x11: {  	[smem:$0x3FB7] =	sst s9;
	s0 =	simm.s32 @!p0 $0x0  }
0x12: {  	s1 =	sld [smem:$0x3F9D];
	s0 =	simm.s32 @p0 $0x1  }
0x13: {  	[smem:$0x3FB8] =	sst s0;
	s0 =	simm.s32 @!p1 $0x0  }
0x14: {  	s2 =	sld [smem:$0x3F9C];
	s0 =	simm.s32 @p1 $0x1  }
0x15: {  	[smem:$0x3FB9] =	sst s0;
	s0 =	simm.s32 @!p2 $0x0  }
0x16: {  	s3 =	sld [smem:$0x3FDB];
	s0 =	simm.s32 @p2 $0x1  }
0x17: {  	s4 =	simm.s32 $0x1BF5;
	[smem:$0x3FBB] =	sst s0  }
0x18: {  	s0 =	sld [smem:$0x3F9E];
	_ =	swait.ge [sflag:s4], $0x0  }
0x19: {  	s7 =	sld [smem:$0x3F9F]  }
0x1a: {  	s8 =	sadd.s32 $0xFFFFE003, lr  }
0x1b: {  	s9 =	sadd.s32 $0xFFFFFEF7, lr;
	s5 =	simm.s32 $0xFFFFFFFF;
	p2 =	slt.u32 s8, $0xFFFFF086  }
0x1c: {  	p1 =	slt.u32 s9, $0xF7A;
	s5 =	simm.s32 @!p2 $0x0  }
0x1d: {  	s5 =	simm.s32 @p1 $0x1;
	p0 =	seq.s32 s7, s2  }
0x1e: {  	s7 =	smul.u32 @!p0 $0xF7A, s2;
	p2 =	seq.s32 @!p0 s5, $0x0  }
0x1f: {  	s9 =	smul.u32 $0xF7A, s1;
	s8 =	simm.s32 @!p0 $0x1BF5;
	p2 =	por !p2, p0  }
0x20: {  	[sflag:s8] =	ssyncset.s32 @!p0 $0xFFFFF086;
	s6 =	sadd.s32 @!p0 s3, s7;
	s7 =	simm.s32 @!p0 $0x108  }
0x21: {  	s3 =	sadd.s32 s3, s9;
	s6 =	sadd.s32 @!p0 $0x88, s6;
	s7 =	simm.s32 @p2 $0x1082  }
0x22: {  	[simem:s7], [sflag:s8] =	dma.local @!p0 [hbm:s6], $0xF7A  }
0x23: {  	s9 =	sor.u32 $0xD0000000, s2;
	s6 =	simm.s32 $0x108;
	_ =	swait.ge @!p0 [sflag:s8], $0x0  }
0x24: {  	s3 =	sadd.s32 $0x88, s3;
	s6 =	simm.s32 @!p1 $0x1082;
	[sflag:s4] =	ssyncset.s32 $0xFFFFF086  }
0x25: {  	[simem:s6], [sflag:s4] =	dma.local [hbm:s3], $0xF7A  }
0x26: {  	[smem:$0x3F9F] =	sst s1;
	(tag) =	ssettag s2;
	_ =	strace s9  }
0x27: {  	s1 =	sld [smem:$0x3FAF]  }
0x28: {  	s2 =	sld [smem:$0x3FB0]  }
0x29: {  	s4 =	sld [smem:$0x3FB2]  }
0x2a: {  	p0 =	seq.s32 s5, $0x0;
	s5 =	sld [smem:$0x3FB3]  }
0x2b: {  	s6 =	sld [smem:$0x3FB4]  }
0x2c: {  	s7 =	sld [smem:$0x3FB5]  }
0x2d: {  	s3 =	simm.s32 $0x108;
	s8 =	sld [smem:$0x3FB6]  }
0x2e: {  	s3 =	simm.s32 @!p0 $0x1082;
	s9 =	sld [smem:$0x3FB7]  }
0x2f: {  	lr =	sadd.s32 s0, s3;
	s0 =	sld [smem:$0x3FAE]  }
0x30: {  	s3 =	sld [smem:$0x3FB1]  }
0x31: {  	[smem:$0x3FBA] =	sst s10  }
0x32: {  	s10 =	sld [smem:$0x3FB8];
	_ =	sdelay $0x3  }
0x33: {  	p0 =	seq.s32 s10, $0x1;
	s10 =	sld [smem:$0x3FBA];
	_ =	sdelay $0x3  }
0x34: {  	[smem:$0x3FBA] =	sst s10  }
0x35: {  	s10 =	sld [smem:$0x3FB9];
	_ =	sdelay $0x3  }
0x36: {  	p1 =	seq.s32 s10, $0x1;
	s10 =	sld [smem:$0x3FBA];
	_ =	sdelay $0x3  }
0x37: {  	[smem:$0x3FBA] =	sst s10  }
0x38: {  	s10 =	sld [smem:$0x3FBB]  }
0x39: {  	_ = 	snop;
	(pc) =	sbr.ind lr, $3  }
0x3a: {  	_ = 	snop  }
0x3b: {  	_ = 	snop  }
0x3c: {  	p2 =	seq.s32 s10, $0x1;
	s10 =	sld [smem:$0x3FBA]  }
0x3d: {  	_ =	shalt  }
0x3e: {  	_ =	shalt  }
0x3f: {  	_ =	shalt  }
0x40: {  	_ =	shalt  }
0x41: {  	_ =	shalt  }
0x42: {  	_ =	shalt  }
0x43: {  	_ =	shalt  }
0x44: {  	_ =	shalt  }
0x45: {  	_ =	shalt  }
0x46: {  	_ =	shalt  }
0x47: {  	_ =	shalt  }
0x48: {  	_ =	shalt  }
0x49: {  	_ =	shalt  }
0x4a: {  	_ =	shalt  }
0x4b: {  	_ =	shalt  }
0x4c: {  	_ =	shalt  }
0x4d: {  	_ =	shalt  }
0x4e: {  	_ =	shalt  }
0x4f: {  	_ =	shalt  }
0x50: {  	_ =	shalt  }
0x51: {  	_ =	shalt  }
0x52: {  	_ =	shalt  }
0x53: {  	_ =	shalt  }
0x54: {  	_ =	shalt  }
0x55: {  	_ =	shalt  }
0x56: {  	_ =	shalt  }
0x57: {  	_ =	shalt  }
0x58: {  	_ =	shalt  }
0x59: {  	_ =	shalt  }
0x5a: {  	_ =	shalt  }
0x5b: {  	_ =	shalt  }
0x5c: {  	_ =	shalt  }
0x5d: {  	_ =	shalt  }
0x5e: {  	_ =	shalt  }
0x5f: {  	_ =	shalt  }
0x60: {  	_ =	shalt  }
0x61: {  	_ =	shalt  }
0x62: {  	_ =	shalt  }
0x63: {  	_ =	shalt  }
0x64: {  	_ =	shalt  }
0x65: {  	_ =	shalt  }
0x66: {  	_ =	shalt  }
0x67: {  	_ =	shalt  }
0x68: {  	_ =	shalt  }
0x69: {  	_ =	shalt  }
0x6a: {  	_ =	shalt  }
0x6b: {  	_ =	shalt  }
0x6c: {  	_ =	shalt  }
0x6d: {  	_ =	shalt  }
0x6e: {  	_ =	shalt  }
0x6f: {  	_ =	shalt  }
0x70: {  	_ =	shalt  }
0x71: {  	_ =	shalt  }
0x72: {  	_ =	shalt  }
0x73: {  	_ =	shalt  }
0x74: {  	_ =	shalt  }
0x75: {  	_ =	shalt  }
0x76: {  	_ =	shalt  }
0x77: {  	_ =	shalt  }
0x78: {  	_ =	shalt  }
0x79: {  	_ =	shalt  }
0x7a: {  	_ =	shalt  }
0x7b: {  	_ =	shalt  }
0x7c: {  	_ =	shalt  }
0x7d: {  	_ =	shalt  }
0x7e: {  	_ =	shalt  }
0x7f: {  	_ =	shalt  }
0x80: {  	_ =	shalt  }
0x81: {  	_ =	shalt  }
0x82: {  	_ =	shalt  }
0x83: {  	_ =	shalt  }
0x84: {  	_ =	shalt  }
0x85: {  	_ =	shalt  }
0x86: {  	_ =	shalt  }
0x87: {  	_ =	shalt  }
.Lfunc_end0:
.L_simem_size_0:
called_computation.1_lowered:
.L_overlay_start_0:
0x88: {  	s2 =	sld [smem:$0x3FD9]  }
0x89: {  	s3 =	sld [smem:$0x3FFE];
	_ =	sdelay $0x1  }
0x8a: {  	s1 =	srdreg.scid  }
0x8b: {  	s0 =	sand.u32 $0x1, s1  }
0x8c: {  	s17 =	sshll.u32 s0, $0xA;
	s2 =	sadd.s32 s3, s2  }
0x8d: {  	s2 =	sadd.s32 s2, s17  }
0x8e: {  	[smem:$0x3FC6] =	sst s2  }
0x8f: {  	_ = 	snop  }
0x90: {  	s2 =	sld [smem:$0x3FD0];
	(tm) =	ssettm $0x1  }
0x91: {  	s18 =	sld [smem:$0x3FFB];
	_ =	sdelay $0x3  }
0x92: {  	_ =	strace s18  }
0x93: {  	s3 =	sld [smem:$0x3FFC];
	_ =	sdelay $0x3  }
0x94: {  	_ =	strace s3  }
0x95: {  	s3 =	sld [smem:$0x3FFD];
	_ =	sdelay $0x3  }
0x96: {  	_ =	strace s3  }
0x97: {  	_ =	strace $0x8FFFFFFF  }
0x98: {  	s19 =	sld [smem:$0x3FDB];
	_ =	sdelay $0x1  }
0x99: {  	s4 =	simm.s32 $_scs_section_size  }
0x9a: {  	s5 =	simm.s32 $_size__tile_overlayer_lowered;
	s6 =	simm.s32 $_tile_overlayer_lowered  }
0x9b: {  	s22 =	simm.s32 $0x1BFF;
	s21 =	sshll.u32 s6, $0x1;
	s3 =	sadd.s32 s4, s19  }
0x9c: {  	s7 =	simm.s32 $0x0;
	s20 =	sshll.u32 s5, $0x1;
	s5 =	sadd.s32 s21, s3  }
0x9d: {  	[timem:s7], [sflag:s22] =	dma.local [hbm:s5], s20  }
0x9e: {  	_ =	swait.ge [sflag:s22], s20  }
0x9f: {  	s4 =	ssub.s32 $0x0, s20;
	[sflag:s22] =	ssyncset.done $0x0  }
0xa0: {  	[sflag:s22] =	ssyncadd.s32 s4;
	_ =	sdelay $0x1  }
0xa1: {  	s23 =	simm.s32 $0x1B8B  }
0xa2: {  	_ =	swait.ge [sflag:s23], $0x1  }
0xa3: {  	[sflag:s23] =	ssyncset.done $0x0  }
0xa4: {  	s25 =	simm.s32 $0x1B8E;
	s24 =	sld [smem:$0x3FFE];
	[sflag:s23] =	ssyncadd.s32 $0xFFFFFFFF  }
0xa5: {  	s26 =	simm.s32 $execute0_lowered;
	[smem:$0x3FD2] =	sst s25  }
0xa6: {  	s5 =	sshll.u32 s26, $0x1;
	_ =	strace $0x80000046;
	[dreg:$0x1] =	wrdreg $0xFFFFFFFF  }
0xa7: {  	s28 =	simm.s32 $_size_execute0_lowered;
	s3 =	sadd.s32 s3, s5;
	[dreg:$0x0] =	wrdreg $0x0  }
0xa8: {  	s5 =	sshll.u32 s28, $0x1;
	[dreg:$0x2] =	wrdreg s3  }
0xa9: {  	[dreg:$0x3] =	wrdreg s5  }
0xaa: {  	[dreg:$0x4] =	wrdreg $0xC0  }
0xab: {  	_ =	task [dreg:s7], $0x5FFFF  }
0xac: {  	[dreg:$0x1] =	wrdreg $0xFFFFFFFF  }
0xad: {  	[dreg:$0x0] =	wrdreg $0x60  }
0xae: {  	[dreg:$0x2] =	wrdreg s2  }
0xaf: {  	[dreg:$0x3] =	wrdreg s24  }
0xb0: {  	[dreg:$0x4] =	wrdreg $0x9  }
0xb1: {  	_ =	task.clear_ibuf [dreg:s7], $0x5FFFF;
	_ =	strace $0x90000046  }
0xb2: {  	s29 =	simm.s32 $0x9;
	_ =	strace $0x80000048  }
0xb3: {  	_ =	swait.ge [sflag:s29], $0x1  }
0xb4: {  	[sflag:s29] =	ssyncadd.s32 $0xFFFFFFFF  }
0xb5: {  	_ =	strace $0x90000048  }
0xb6: {  	_ =	sfence  }
0xb7: {  	s30 =	sld [smem:$0x0];
	_ =	sdelay $0x2  }
0xb8: {  	s31 =	sshll.u32 s1, $0xD;
	s1 =	sshrl.u32 s1, $0x2  }
0xb9: {  	s3 =	sand.u32 $0x4000, s31;
	s1 =	sadd.s32 s1, s30  }
0xba: {  	s0 =	sor.u32 s3, s0;
	s1 =	sshll.u32 s1, $0x11  }
0xbb: {  	s0 =	sor.u32 s1, s0  }
0xbc: {  	s0 =	sadd.s32 $0x8F2B, s0  }
0xbd: {  	[sflag:s0] =	ssyncadd.remote.s32 $0x1  }
0xbe: {  	_ =	sfence.sel $0xFFFF  }
0xbf: {  	[dreg:$0x0] =	wrdreg $0xFFFFFFFF;
	(pc) =	sbr.abs _section_cstart, $3  }
0xc0: {  	[dreg:$0x1] =	wrdreg $0xFFFFFFFF  }
0xc1: {  	_ =	task.clear_ibuf [dreg:s7], $0x2FFFF;
	_ =	strace $0x9FFFFFFF  }
0xc2: {  	(tm) =	ssettm $0x7FFFFFFF  }
0xc3: {  	_ =	shalt  }
tec
execute0_lowered:
.L_overlay_start_1:
0x0: {  	(tag) =	ssettag $0x1  }
0x1: {  	s3 =	rddreg [dreg:$0x0]  }
0x2: {  	s0 =	rddreg [dreg:$0x1];
	s2 =	simm.s32 $0x0;
	s1 =	srdreg.scid  }
0x3: {  	s8 =	stileid.u32;
	[smem:$0x7FF] =	sst s2;
	s1 =	sand.u32 $0x1, s1  }
0x4: {  	s4 =	sshll.u32 s8, $0x1;
	s5 =	sadd.s32 $0x400, s0;
	s0 =	sadd.s32 $0xA00, s0  }
0x5: {  	s19 =	sshll.u32 s8, $0x15;
	s24 =	sshll.u32 s8, $0x12;
	_ =	strace $0x80000047  }
0x6: {  	s17 =	ssub.s32 $0x2, s1;
	[dreg:$0x1a] =	wrdreg s5;
	s1 =	sor.u32 s1, s4  }
0x7: {  	s5 =	sand.u32 $0x1C00000, s19;
	s25 =	sand.u32 $0x380000, s24;
	s18 =	sshrl.u32 s17, $0x1  }
0x8: {  	s9 =	sshll.u32 s1, $0x5;
	s4 =	sshll.u32 s1, $0xD;
	s1 =	sshll.u32 s1, $0x13  }
0x9: {  	s2 =	ssub.s32 s17, s18;
	s10 =	sand.u32 $0x60, s9;
	s6 =	sor.u32 $0x1, s9  }
0xa: {  	s11 =	sadd.s32 s3, s4;
	s1 =	sand.u32 $0x180000, s1;
	[dreg:$0x1b] =	wrdreg s9  }
0xb: {  	s28 =	sor.u32 $0x2, s9;
	s29 =	sor.u32 $0x3, s9;
	[dreg:$0x1d] =	wrdreg s11  }
0xc: {  	s7 =	sshll.u32 s10, $0xE;
	s20 =	sshll.u32 s6, $0x8;
	[smem:$0x7F9] =	sst s28  }
0xd: {  	s6 =	sshll.u32 s6, $0xE;
	s23 =	sadd.s32 $0x200, s11;
	[smem:$0x7FA] =	sst s29  }
0xe: {  	s1 =	sor.u32 s1, s5;
	[dreg:$0x1c] =	wrdreg s10;
	s7 =	sor.u32 s5, s7  }
0xf: {  	s26 =	sadd.s32 $0x300, s11;
	[smem:$0x7F5] =	sst s23;
	s21 =	sshrl.u32 s7, $0x3  }
0x10: {  	s22 =	sand.u32 $0x184000, s6;
	[smem:$0x7F7] =	sst s26;
	s4 =	sadd.s32 s0, s21  }
0x11: {  	s31 =	smax.u32 s2, $0x1;
	[dreg:$0x1f] =	wrdreg s4;
	s4 =	sor.u32 s5, s22  }
0x12: {  	s3 =	sadd.s32 s3, s20;
	[smem:$0x7FD] =	sst s31;
	s4 =	sshrl.u32 s4, $0x3  }
0x13: {  	s1 =	sshrl.u32 s1, $0x3;
	[dreg:$0x1e] =	wrdreg s3;
	s4 =	sadd.s32 s0, s4  }
0x14: {  	[smem:$0x7F6] =	sst s4;
	s4 =	sadd.s32 s0, s25;
	s0 =	sadd.s32 s1, s0  }
0x15: {  	[smem:$0x7F8] =	sst s4;
	s30 =	sadd.s32 $0xF000, s0  }
0x16: {  	p0 =	sne.s32 s10, $0x0;
	s0 =	sadd.s32 $0xF800, s0;
	[smem:$0x7FB] =	sst s30  }
0x17: {  	v0 =	vlaneseq.u32;
	v1 =	vimm.s32 $0x201;
	s2 =	simm.s32 $0x0;
	s3 =	simm.s32 $0x0;
	[smem:$0x7FC] =	sst s0  }
.LBB2_1:
0x18: {  	s0 =	rddreg [dreg:$0x1a];
	s26 =	simm.s32 $0x5  }
0x19: {  	[tilespmem:s3], [sflag:$0x5] =	stream.linear.gather [hbm4b:s0+s3], $0x2080, $0x38;
	[tilespmem:$0x13080] =	vst v63  }
0x1a: {  	_ =	swait.ge [sflag:s26], $0x2080  }
0x1b: {  	[sflag:s26] =	ssyncset.done $0x0  }
0x1c: {  	s1 =	simm.s32 $0x2080;
	s28 =	rddreg [dreg:$0x1d];
	[sflag:s26] =	ssyncadd.s32 $0xFFFFDF80  }
0x1d: {  	[tilespmem:s1], [sflag:$0x1] =	stream.linear.gather [hbm4b:s28+s3], $0x800, $0x38;
	[tilespmem:$0x13080] =	vst v63  }
0x1e: {  	s30 =	simm.s32 $0x2880;
	s31 =	simm.s32 $0x1;
	s29 =	rddreg [dreg:$0x1e]  }
0x1f: {  	[tilespmem:s30], [sflag:$0x2] =	stream.linear.gather [hbm4b:s29+s3], $0x800, $0x38;
	[tilespmem:$0x13080] =	vst v63  }
0x20: {  	_ =	swait.ge [sflag:s31], $0x800  }
0x21: {  	[sflag:s31] =	ssyncset.done $0x0  }
0x22: {  	[sflag:s31] =	ssyncadd.s32 $0xFFFFF800  }
0x23: {  	v2 =	vld [tilespmem:$0x2080]  }
0x24: {  	v3 =	vld [tilespmem:$0x2280]  }
0x25: {  	v4 =	vld [tilespmem:$0x2480]  }
0x26: {  	v5 =	vld [tilespmem:$0x2680]  }
0x27: {  	vm0 =	veq.s32 v0, $0x0  }
.Ltmp0:
0x28: {  	v2 =	vsel vm0, $0x201, v2;
	(pc) =	sbr.rel @p0 .LBB2_5-.Ltmp0, $4  }
0x29: {  	[tilespmem:$0x2080] =	vst v2;
	v2 =	vsel vm0, $0x201, v3  }
0x2a: {  	[tilespmem:$0x2280] =	vst v2;
	v2 =	vsel vm0, $0x201, v4  }
0x2b: {  	[tilespmem:$0x2480] =	vst v2;
	v2 =	vsel vm0, $0x201, v5  }
0x2c: {  	[tilespmem:$0x2680] =	vst v2  }
0x2d: {  	s0 =	simm.s32 $0x20A0  }
0x2e: {  	[tilespmem:s0+$0xFFFFFFE0] =	vst v1  }
0x2f: {  	[tilespmem:s0+$0x10] =	vst v1  }
0x30: {  	s1 =	simm.s32 $0x0;
	[tilespmem:s0+$0x0] =	vst v1  }
.LBB2_3:
0x31: {  	s1 =	sadd.s32 $0x4, s1  }
0x32: {  	[tilespmem:s0+$0xFFFFFFF0] =	vst v1;
	s0 =	sadd.s32 $0x40, s0;
	p1 =	slt.u32 s1, $0x1C  }
.Ltmp1:
0x33: {  	[tilespmem:s0+$0xFFFFFFE0] =	vst v1;
	(pc) =	sbr.rel @p1 .LBB2_3-.Ltmp1, $3  }
0x34: {  	_ =	sdelay $0x1  }
0x35: {  	[tilespmem:s0+$0x10] =	vst v1  }
0x36: {  	[tilespmem:s0+$0x0] =	vst v1  }
0x37: {  	[tilespmem:s0+$0xFFFFFFF0] =	vst v1  }
.LBB2_5:
0x38: {  	s0 =	simm.s32 $0x0  }
0x39: {  	s7 =	sand.u32 $0x40, s0;
	s1 =	sand.u32 $0x780, s0  }
0x3a: {  	s1 =	sadd.s32 $0x2080, s1;
	s16 =	sor.u32 $0x30, s7  }
0x3b: {  	[smem:$0x7F4] =	sst s2;
	s18 =	sor.u32 $0x10, s7;
	s31 =	sor.u32 s16, s1  }
0x3c: {  	s4 =	sor.u32 s18, s1;
	v7 =	vld [tilespmem:s31+$0x0]  }
0x3d: {  	s17 =	sor.u32 $0x20, s7;
	v6 =	vld [tilespmem:s4+$0x0]  }
0x3e: {  	s1 =	sor.u32 s17, s1  }
0x3f: {  	v5 =	vld [tilespmem:s1+$0x0]  }
0x40: {  	s2 =	simm.s32 $0x2080  }
0x41: {  	v2 =	vld [tilespmem:s2+$0x0];
	_ =	sdelay $0x2  }
0x42: {  	v3 =	vld.idx.msk [tilespmem:v7+s3+$0x0], $0xffff  }
0x43: {  	v8 =	vadd.s32 $0x208, v7;
	v4 =	vld.idx.msk [tilespmem:v6+s3+$0x0], $0xffff  }
0x44: {  	s19 =	sand.u32 $0x3C00, s0;
	v9 =	vadd.s32 $0x208, v6  }
0x45: {  	s0 =	sadd.s32 $0x3080, s19;
	v10 =	vld.idx.msk [tilespmem:v5+s3+$0x0], $0xffff  }
0x46: {  	s4 =	sor.u32 s16, s0;
	v11 =	vadd.s32 $0x208, v5  }
0x47: {  	s5 =	sor.u32 s18, s0;
	v12 =	vld.idx.msk [tilespmem:v2+s3+$0x0], $0xffff;
	[tilespmem:s4+$0x0] =	vst v3  }
0x48: {  	v3 =	vadd.s32 $0x208, v2;
	[tilespmem:s5+$0x0] =	vst v4;
	v4 =	vld.idx.msk [tilespmem:v8+s3+$0x0], $0xffff  }
0x49: {  	s6 =	sor.u32 s17, s0;
	v8 =	vld.idx.msk [tilespmem:v9+s3+$0x0], $0xffff;
	v9 =	vadd.s32 $0x410, v7  }
0x4a: {  	[tilespmem:s6+$0x0] =	vst v10;
	v10 =	vadd.s32 $0x410, v6  }
0x4b: {  	s0 =	sor.u32 s7, s0;
	v11 =	vld.idx.msk [tilespmem:v11+s3+$0x0], $0xffff  }
0x4c: {  	v13 =	vadd.s32 $0x410, v5;
	[tilespmem:s0+$0x0] =	vst v12  }
0x4d: {  	v3 =	vld.idx.msk [tilespmem:v3+s3+$0x0], $0xffff;
	[tilespmem:s4+$0x80] =	vst v4  }
0x4e: {  	v4 =	vadd.s32 $0x410, v2;
	[tilespmem:s5+$0x80] =	vst v8;
	v8 =	vld.idx.msk [tilespmem:v9+s3+$0x0], $0xffff  }
0x4f: {  	v9 =	vld.idx.msk [tilespmem:v10+s3+$0x0], $0xffff;
	v10 =	vadd.s32 $0x618, v7  }
0x50: {  	[tilespmem:s6+$0x80] =	vst v11;
	v11 =	vadd.s32 $0x618, v6  }
0x51: {  	v12 =	vld.idx.msk [tilespmem:v13+s3+$0x0], $0xffff  }
0x52: {  	v13 =	vadd.s32 $0x618, v5;
	[tilespmem:s0+$0x80] =	vst v3  }
0x53: {  	v3 =	vld.idx.msk [tilespmem:v4+s3+$0x0], $0xffff;
	[tilespmem:s4+$0x100] =	vst v8  }
0x54: {  	v4 =	vadd.s32 $0x618, v2;
	[tilespmem:s5+$0x100] =	vst v9;
	v8 =	vld.idx.msk [tilespmem:v10+s3+$0x0], $0xffff  }
0x55: {  	v9 =	vld.idx.msk [tilespmem:v11+s3+$0x0], $0xffff;
	v10 =	vadd.s32 $0x820, v7  }
0x56: {  	[tilespmem:s6+$0x100] =	vst v12;
	v11 =	vadd.s32 $0x820, v6  }
0x57: {  	v12 =	vld.idx.msk [tilespmem:v13+s3+$0x0], $0xffff  }
0x58: {  	v13 =	vadd.s32 $0x820, v5;
	[tilespmem:s0+$0x100] =	vst v3  }
0x59: {  	p1 =	por $0x0, $0x0;
	s1 =	simm.s32 $0x1;
	v3 =	vld.idx.msk [tilespmem:v4+s3+$0x0], $0xffff;
	[tilespmem:s4+$0x180] =	vst v8  }
0x5a: {  	s1 =	simm.s32 @!p1 $0x0;
	v4 =	vadd.s32 $0x820, v2;
	[tilespmem:s5+$0x180] =	vst v9;
	v8 =	vld.idx.msk [tilespmem:v10+s3+$0x0], $0xffff  }
0x5b: {  	s1 =	sshll.u32 s1, $0x6;
	v9 =	vld.idx.msk [tilespmem:v11+s3+$0x0], $0xffff;
	v10 =	vadd.s32 $0xA28, v7  }
0x5c: {  	s1 =	sadd.s32 $0x0, s1;
	[tilespmem:s6+$0x180] =	vst v12;
	v11 =	vadd.s32 $0xA28, v6  }
0x5d: {  	s8 =	sadd.s32 $0x30, s1;
	v12 =	vld.idx.msk [tilespmem:v13+s3+$0x0], $0xffff  }
0x5e: {  	s9 =	sadd.s32 $0x10, s1;
	s10 =	sor.u32 $0x200, s8;
	v13 =	vadd.s32 $0xA28, v5;
	[tilespmem:s0+$0x180] =	vst v3  }
0x5f: {  	s6 =	sor.u32 $0x200, s9;
	v3 =	vld.idx.msk [tilespmem:v4+s3+$0x0], $0xffff;
	[tilespmem:s10+$0x3080] =	vst v8  }
0x60: {  	s5 =	sadd.s32 $0x20, s1;
	v4 =	vadd.s32 $0xA28, v2;
	[tilespmem:s6+$0x3080] =	vst v9;
	v8 =	vld.idx.msk [tilespmem:v10+s3+$0x0], $0xffff  }
0x61: {  	s11 =	sor.u32 $0x200, s5;
	v9 =	vld.idx.msk [tilespmem:v11+s3+$0x0], $0xffff;
	v10 =	vadd.s32 $0xC30, v7  }
0x62: {  	[tilespmem:s11+$0x3080] =	vst v12;
	v11 =	vadd.s32 $0xC30, v6  }
0x63: {  	s12 =	sor.u32 $0x200, s1;
	v12 =	vld.idx.msk [tilespmem:v13+s3+$0x0], $0xffff  }
0x64: {  	s13 =	sor.u32 $0x280, s8;
	v13 =	vadd.s32 $0xC30, v5;
	[tilespmem:s12+$0x3080] =	vst v3  }
0x65: {  	s14 =	sor.u32 $0x280, s9;
	v3 =	vld.idx.msk [tilespmem:v4+s3+$0x0], $0xffff;
	[tilespmem:s13+$0x3080] =	vst v8  }
0x66: {  	v4 =	vadd.s32 $0xC30, v2;
	[tilespmem:s14+$0x3080] =	vst v9;
	v8 =	vld.idx.msk [tilespmem:v10+s3+$0x0], $0xffff  }
0x67: {  	s15 =	sor.u32 $0x280, s5;
	v9 =	vld.idx.msk [tilespmem:v11+s3+$0x0], $0xffff;
	v10 =	vadd.s32 $0xE38, v7  }
0x68: {  	[tilespmem:s15+$0x3080] =	vst v12;
	v11 =	vadd.s32 $0xE38, v6  }
0x69: {  	s20 =	sor.u32 $0x280, s1;
	v12 =	vld.idx.msk [tilespmem:v13+s3+$0x0], $0xffff  }
0x6a: {  	s21 =	sor.u32 $0x300, s8;
	v13 =	vadd.s32 $0xE38, v5;
	[tilespmem:s20+$0x3080] =	vst v3  }
0x6b: {  	s22 =	sor.u32 $0x300, s9;
	v4 =	vld.idx.msk [tilespmem:v4+s3+$0x0], $0xffff;
	[tilespmem:s21+$0x3080] =	vst v8  }
0x6c: {  	[tilespmem:s22+$0x3080] =	vst v9;
	v9 =	vld.idx.msk [tilespmem:v10+s3+$0x0], $0xffff  }
0x6d: {  	s23 =	sor.u32 $0x300, s5;
	v8 =	vadd.s32 $0xE38, v2;
	v10 =	vld.idx.msk [tilespmem:v11+s3+$0x0], $0xffff  }
0x6e: {  	[tilespmem:s23+$0x3080] =	vst v12;
	v11 =	vadd.s32 $0x1040, v7  }
0x6f: {  	s24 =	sor.u32 $0x300, s1;
	v12 =	vadd.s32 $0x1040, v6;
	v13 =	vld.idx.msk [tilespmem:v13+s3+$0x0], $0xffff  }
0x70: {  	s25 =	simm.s32 $0x20C0;
	v14 =	vadd.s32 $0x1040, v5;
	s2 =	sor.u32 $0x380, s8;
	[tilespmem:s24+$0x3080] =	vst v4  }
0x71: {  	s0 =	sor.u32 $0x380, s9;
	v3 =	vld [tilespmem:s25+$0x0];
	[tilespmem:s2+$0x3080] =	vst v9  }
0x72: {  	s26 =	simm.s32 $0x40;
	s31 =	sor.u32 $0x380, s5;
	s5 =	simm.s32 $0x40;
	v8 =	vld.idx.msk [tilespmem:v8+s3+$0x0], $0xffff;
	[tilespmem:s0+$0x3080] =	vst v10  }
0x73: {  	s6 =	sand.u32 $0x780, s26;
	s0 =	sand.u32 $0x40, s26;
	v9 =	vld.idx.msk [tilespmem:v11+s3+$0x0], $0xffff;
	[dreg:$0x9] =	wrdreg s5  }
0x74: {  	s4 =	sadd.s32 $0x2080, s6;
	s9 =	sor.u32 $0x30, s0;
	v11 =	vadd.s32 $0x1248, v7;
	v10 =	vld.idx.msk [tilespmem:v12+s3+$0x0], $0xffff;
	[tilespmem:s31+$0x3080] =	vst v13  }
0x75: {  	s10 =	sor.u32 $0x10, s0;
	s8 =	sor.u32 s9, s4;
	v12 =	vadd.s32 $0x1040, v2;
	v13 =	vld.idx.msk [tilespmem:v14+s3+$0x0], $0xffff  }
0x76: {  	s12 =	sadd.s32 $0x7080, s19;
	s14 =	sor.u32 $0x20, s0;
	s11 =	sor.u32 s10, s4;
	v14 =	vadd.s32 $0x1248, v6;
	v4 =	vld [tilespmem:s8+$0x0]  }
0x77: {  	s13 =	sor.u32 s16, s12;
	s4 =	sor.u32 s14, s4;
	v19 =	vld [tilespmem:s11+$0x0]  }
0x78: {  	v15 =	vadd.s32 $0x1248, v5;
	s1 =	sor.u32 $0x380, s1;
	v28 =	vld [tilespmem:s4+$0x0];
	[tilespmem:s13+$0x0] =	vst v9  }
0x79: {  	s15 =	sor.u32 s18, s12;
	[tilespmem:s1+$0x3080] =	vst v8;
	v8 =	vld.idx.msk [tilespmem:v11+s3+$0x0], $0xffff  }
0x7a: {  	[tilespmem:s15+$0x0] =	vst v10;
	v9 =	vld.idx.msk [tilespmem:v12+s3+$0x0], $0xffff  }
0x7b: {  	s20 =	sor.u32 s17, s12;
	v10 =	vld.idx.msk [tilespmem:v14+s3+$0x0], $0xffff  }
0x7c: {  	v11 =	vadd.s32 $0x1450, v7;
	[tilespmem:s20+$0x0] =	vst v13;
	v14 =	vld.idx.msk [tilespmem:v3+s3+$0x0], $0xffff  }
0x7d: {  	s8 =	sadd.s32 $0x7100, s19;
	v13 =	vadd.s32 $0x1248, v2;
	v12 =	vld.idx.msk [tilespmem:v15+s3+$0x0], $0xffff  }
0x7e: {  	s21 =	sor.u32 s16, s8;
	v15 =	vadd.s32 $0x1450, v6;
	v16 =	vld.idx.msk [tilespmem:v4+s3+$0x0], $0xffff  }
0x7f: {  	v17 =	vadd.s32 $0x1450, v5;
	s22 =	sor.u32 s7, s12;
	s11 =	simm.s32 $0x200;
	v18 =	vld.idx.msk [tilespmem:v19+s3+$0x0], $0xffff;
	[tilespmem:s21+$0x0] =	vst v8  }
0x80: {  	s23 =	sor.u32 s18, s8;
	s2 =	sand.u32 $0x3C00, s11;
	v8 =	vadd.s32 $0x208, v4;
	[tilespmem:s22+$0x0] =	vst v9;
	v9 =	vld.idx.msk [tilespmem:v28+s3+$0x0], $0xffff  }
0x81: {  	s24 =	sor.u32 s17, s8;
	s12 =	sadd.s32 $0x3080, s2;
	v20 =	vadd.s32 $0x208, v19;
	v11 =	vld.idx.msk [tilespmem:v11+s3+$0x0], $0xffff;
	[tilespmem:s23+$0x0] =	vst v10  }
0x82: {  	s6 =	sor.u32 s9, s12;
	v10 =	vld.idx.msk [tilespmem:v13+s3+$0x0], $0xffff;
	v13 =	vadd.s32 $0x1658, v7;
	[tilespmem:s24+$0x0] =	vst v12  }
0x83: {  	s5 =	sor.u32 s10, s12;
	v21 =	vadd.s32 $0x208, v28;
	v12 =	vld.idx.msk [tilespmem:v15+s3+$0x0], $0xffff;
	[tilespmem:s6+$0x0] =	vst v16  }
0x84: {  	s13 =	sadd.s32 $0x7180, s19;
	v15 =	vadd.s32 $0x208, v3;
	v16 =	vld.idx.msk [tilespmem:v17+s3+$0x0], $0xffff;
	[tilespmem:s5+$0x0] =	vst v18  }
0x85: {  	s25 =	sor.u32 s16, s13;
	v17 =	vadd.s32 $0x1450, v2;
	v8 =	vld.idx.msk [tilespmem:v8+s3+$0x0], $0xffff;
	[dreg:$0x7] =	wrdreg s14  }
0x86: {  	s4 =	sor.u32 s14, s12;
	v18 =	vadd.s32 $0x1658, v6;
	v20 =	vld.idx.msk [tilespmem:v20+s3+$0x0], $0xffff;
	[tilespmem:s25+$0x0] =	vst v11  }
0x87: {  	s1 =	sor.u32 s0, s12;
	[tilespmem:s4+$0x0] =	vst v9;
	v9 =	vadd.s32 $0x410, v4;
	v11 =	vld.idx.msk [tilespmem:v13+s3+$0x0], $0xffff  }
0x88: {  	s8 =	sor.u32 s7, s8;
	[tilespmem:s1+$0x0] =	vst v14;
	v13 =	vadd.s32 $0x410, v19;
	v14 =	vld.idx.msk [tilespmem:v21+s3+$0x0], $0xffff  }
0x89: {  	s26 =	sor.u32 s18, s13;
	[tilespmem:s8+$0x0] =	vst v10;
	v10 =	vadd.s32 $0x1860, v7;
	v15 =	vld.idx.msk [tilespmem:v15+s3+$0x0], $0xffff  }
0x8a: {  	v21 =	vadd.s32 $0x410, v28;
	[tilespmem:s26+$0x0] =	vst v12;
	v17 =	vld.idx.msk [tilespmem:v17+s3+$0x0], $0xffff  }
0x8b: {  	s31 =	sadd.s32 $0x7200, s19;
	v12 =	vadd.s32 $0x410, v3;
	[tilespmem:s6+$0x80] =	vst v8;
	v8 =	vld.idx.msk [tilespmem:v18+s3+$0x0], $0xffff  }
0x8c: {  	s15 =	sor.u32 s16, s31;
	v18 =	vadd.s32 $0x1658, v5;
	[tilespmem:s5+$0x80] =	vst v20;
	v9 =	vld.idx.msk [tilespmem:v9+s3+$0x0], $0xffff  }
0x8d: {  	v20 =	vadd.s32 $0x1658, v2;
	v13 =	vld.idx.msk [tilespmem:v13+s3+$0x0], $0xffff;
	[tilespmem:s15+$0x0] =	vst v11  }
0x8e: {  	[tilespmem:s4+$0x80] =	vst v14;
	v11 =	vadd.s32 $0x618, v4;
	v10 =	vld.idx.msk [tilespmem:v10+s3+$0x0], $0xffff  }
0x8f: {  	s20 =	sor.u32 s17, s13;
	v14 =	vadd.s32 $0x618, v19;
	[tilespmem:s1+$0x80] =	vst v15;
	v15 =	vld.idx.msk [tilespmem:v21+s3+$0x0], $0xffff  }
0x90: {  	s13 =	sor.u32 s7, s13;
	[tilespmem:s20+$0x0] =	vst v16;
	v16 =	vadd.s32 $0x1A68, v7;
	v12 =	vld.idx.msk [tilespmem:v12+s3+$0x0], $0xffff  }
0x91: {  	v21 =	vadd.s32 $0x618, v28;
	[tilespmem:s13+$0x0] =	vst v17;
	v17 =	vld.idx.msk [tilespmem:v18+s3+$0x0], $0xffff  }
0x92: {  	s21 =	sadd.s32 $0x7280, s19;
	v18 =	vadd.s32 $0x618, v3;
	[tilespmem:s6+$0x100] =	vst v9;
	v9 =	vld.idx.msk [tilespmem:v20+s3+$0x0], $0xffff  }
0x93: {  	s22 =	sor.u32 s16, s21;
	v20 =	vadd.s32 $0x1860, v6;
	[tilespmem:s5+$0x100] =	vst v13;
	v11 =	vld.idx.msk [tilespmem:v11+s3+$0x0], $0xffff  }
0x94: {  	v13 =	vadd.s32 $0x1860, v5;
	v14 =	vld.idx.msk [tilespmem:v14+s3+$0x0], $0xffff;
	[tilespmem:s22+$0x0] =	vst v10  }
0x95: {  	[tilespmem:s4+$0x100] =	vst v15;
	v10 =	vadd.s32 $0x820, v4;
	v15 =	vld.idx.msk [tilespmem:v16+s3+$0x0], $0xffff  }
0x96: {  	s23 =	sor.u32 s18, s31;
	[tilespmem:s1+$0x100] =	vst v12;
	v16 =	vadd.s32 $0x820, v19;
	v12 =	vld.idx.msk [tilespmem:v21+s3+$0x0], $0xffff  }
0x97: {  	s24 =	sor.u32 s17, s31;
	[tilespmem:s23+$0x0] =	vst v8;
	v8 =	vadd.s32 $0x1C70, v7;
	v18 =	vld.idx.msk [tilespmem:v18+s3+$0x0], $0xffff  }
0x98: {  	v21 =	vadd.s32 $0x820, v28;
	[tilespmem:s24+$0x0] =	vst v17;
	v20 =	vld.idx.msk [tilespmem:v20+s3+$0x0], $0xffff  }
0x99: {  	v17 =	vadd.s32 $0x820, v3;
	[tilespmem:s6+$0x180] =	vst v11;
	s6 =	sadd.s32 $0x7300, s19;
	v11 =	vld.idx.msk [tilespmem:v13+s3+$0x0], $0xffff  }
0x9a: {  	p1 =	por !p1, !p1;
	s12 =	simm.s32 $0x1;
	v13 =	vadd.s32 $0x1860, v2;
	[tilespmem:s5+$0x180] =	vst v14;
	v10 =	vld.idx.msk [tilespmem:v10+s3+$0x0], $0xffff;
	s25 =	sor.u32 s16, s6  }
0x9b: {  	s12 =	simm.s32 @!p1 $0x0;
	v14 =	vadd.s32 $0x1A68, v6;
	v16 =	vld.idx.msk [tilespmem:v16+s3+$0x0], $0xffff;
	[tilespmem:s25+$0x0] =	vst v15  }
0x9c: {  	s26 =	sshll.u32 s12, $0x6;
	[tilespmem:s4+$0x180] =	vst v12;
	v12 =	vadd.s32 $0xA28, v4;
	v15 =	vld.idx.msk [tilespmem:v8+s3+$0x0], $0xffff  }
0x9d: {  	v22 =	vadd.s32 $0xA28, v19;
	s31 =	sor.u32 s7, s31;
	s22 =	sadd.s32 $0x200, s26;
	[tilespmem:s1+$0x180] =	vst v18;
	v18 =	vld.idx.msk [tilespmem:v21+s3+$0x0], $0xffff  }
0x9e: {  	s15 =	sadd.s32 $0x30, s22;
	[tilespmem:s31+$0x0] =	vst v9;
	v9 =	vadd.s32 $0x1E78, v7;
	s5 =	sor.u32 s18, s21;
	v21 =	vld.idx.msk [tilespmem:v17+s3+$0x0], $0xffff  }
0x9f: {  	v24 =	vadd.s32 $0xA28, v28;
	s12 =	simm.s32 $0x4;
	s24 =	sadd.s32 $0x10, s22;
	s8 =	sor.u32 $0x200, s15;
	[tilespmem:s5+$0x0] =	vst v20;
	v13 =	vld.idx.msk [tilespmem:v13+s3+$0x0], $0xffff  }
0xa0: {  	v36 =	vadd.s32 $0xC30, v19;
	s13 =	sadd.s32 $0x7400, s19;
	s14 =	sor.u32 $0x200, s24;
	s4 =	sadd.s32 $0x7380, s19;
	v20 =	vadd.s32 $0xA28, v3;
	[tilespmem:s8+$0x3080] =	vst v10;
	v29 =	vld.idx.msk [tilespmem:v14+s3+$0x0], $0xffff  }
0xa1: {  	v27 =	vadd.s32 $0xC30, v28;
	v26 =	vadd.s32 $0xE38, v19;
	s29 =	sor.u32 $0x280, s22;
	s31 =	sadd.s32 $0x20, s22;
	s20 =	sor.u32 s16, s4;
	v10 =	vadd.s32 $0x1A68, v5;
	[tilespmem:s14+$0x3080] =	vst v16;
	v12 =	vld.idx.msk [tilespmem:v12+s3+$0x0], $0xffff  }
0xa2: {  	v35 =	vadd.s32 $0xC30, v4;
	v25 =	vadd.s32 $0xE38, v28;
	s26 =	sor.u32 $0x280, s24;
	s23 =	sor.u32 $0x200, s31;
	s30 =	sor.u32 $0x300, s31;
	v32 =	vld.idx.msk [tilespmem:v22+s3+$0x0], $0xffff;
	v22 =	vadd.s32 $0x1A68, v2;
	[tilespmem:s20+$0x0] =	vst v15  }
0xa3: {  	v23 =	vadd.s32 $0x1040, v19;
	v7 =	vadd.s32 $0x1C70, v6;
	v6 =	vadd.s32 $0x1E78, v6;
	s25 =	sor.u32 $0x200, s22;
	s19 =	sor.u32 s16, s13;
	s1 =	sor.u32 s7, s21;
	[tilespmem:s23+$0x3080] =	vst v18;
	v37 =	vld.idx.msk [tilespmem:v9+s3+$0x0], $0xffff  }
0xa4: {  	v8 =	vadd.s32 $0x1C70, v5;
	s28 =	sor.u32 s17, s4;
	s16 =	simm.s32 $0x2100;
	v17 =	vadd.s32 $0x1248, v19;
	s8 =	sor.u32 s17, s21;
	v5 =	vadd.s32 $0x1E78, v5;
	[tilespmem:s25+$0x3080] =	vst v21;
	v33 =	vld.idx.msk [tilespmem:v24+s3+$0x0], $0xffff  }
0xa5: {  	s5 =	sor.u32 s18, s13;
	s21 =	sor.u32 s7, s6;
	v14 =	vadd.s32 $0x1658, v19;
	s14 =	sor.u32 s18, s6;
	[tilespmem:s8+$0x0] =	vst v11;
	v16 =	vadd.s32 $0x1450, v28;
	v11 =	vadd.s32 $0x1860, v28;
	v34 =	vld.idx.msk [tilespmem:v20+s3+$0x0], $0xffff  }
0xa6: {  	s6 =	sor.u32 s17, s6;
	s23 =	sor.u32 s18, s4;
	v15 =	vadd.s32 $0x1450, v19;
	v18 =	vadd.s32 $0x1248, v28;
	s18 =	sor.u32 $0x280, s15;
	v21 =	vadd.s32 $0x1040, v28;
	[tilespmem:s1+$0x0] =	vst v13;
	v30 =	vld.idx.msk [tilespmem:v10+s3+$0x0], $0xffff  }
0xa7: {  	s8 =	sor.u32 $0x280, s31;
	s20 =	sor.u32 s7, s13;
	s25 =	sor.u32 s7, s4;
	v9 =	vadd.s32 $0x1A68, v19;
	v24 =	vadd.s32 $0x1C70, v19;
	v13 =	vadd.s32 $0x1658, v28;
	[tilespmem:s18+$0x3080] =	vst v12;
	v31 =	vld.idx.msk [tilespmem:v22+s3+$0x0], $0xffff  }
0xa8: {  	s4 =	sor.u32 $0x300, s24;
	s1 =	sor.u32 s17, s13;
	s13 =	sor.u32 $0x300, s22;
	v20 =	vadd.s32 $0x1E78, v19;
	v10 =	vadd.s32 $0x1A68, v28;
	v12 =	vadd.s32 $0x1860, v19;
	[tilespmem:s26+$0x3080] =	vst v32;
	v32 =	vld.idx.msk [tilespmem:v35+s3+$0x0], $0xffff  }
0xa9: {  	s22 =	sor.u32 $0x380, s22;
	v19 =	vadd.s32 $0x1E78, v28;
	v22 =	vadd.s32 $0x1C70, v28;
	s26 =	sor.u32 $0x380, s24;
	s24 =	sor.u32 $0x380, s31;
	v35 =	vadd.s32 $0xC30, v3;
	[tilespmem:s19+$0x0] =	vst v37;
	v28 =	vld.idx.msk [tilespmem:v36+s3+$0x0], $0xffff  }
.LBB2_6:
0xaa: {  	[tilespmem:s14+$0x0] =	vst v29  }
0xab: {  	v36 =	vld [tilespmem:s16+$0x0];
	v55 =	vadd.s32 $0xE38, v4;
	[tilespmem:s8+$0x3080] =	vst v33  }
0xac: {  	v29 =	vld.idx.msk [tilespmem:v7+s3+$0x0], $0xffff;
	[tilespmem:s29+$0x3080] =	vst v34  }
0xad: {  	v56 =	vadd.s32 $0x1C70, v2;
	s14 =	sor.u32 $0x300, s15;
	v27 =	vld.idx.msk [tilespmem:v27+s3+$0x0], $0xffff;
	[tilespmem:s6+$0x0] =	vst v30  }
0xae: {  	v34 =	vld.idx.msk [tilespmem:v35+s3+$0x0], $0xffff;
	[tilespmem:s14+$0x3080] =	vst v32  }
0xaf: {  	[tilespmem:s4+$0x3080] =	vst v28;
	v30 =	vld.idx.msk [tilespmem:v8+s3+$0x0], $0xffff  }
0xb0: {  	v7 =	vmov v24;
	v24 =	vadd.s32 $0xE38, v3;
	[tilespmem:s21+$0x0] =	vst v31;
	v8 =	vmov v22;
	v22 =	vld.idx.msk [tilespmem:v55+s3+$0x0], $0xffff  }
0xb1: {  	v26 =	vld.idx.msk [tilespmem:v26+s3+$0x0], $0xffff;
	[tilespmem:s23+$0x0] =	vst v29  }
0xb2: {  	v28 =	vld.idx.msk [tilespmem:v56+s3+$0x0], $0xffff;
	[tilespmem:s30+$0x3080] =	vst v27  }
0xb3: {  	v27 =	vadd.s32 $0x1040, v4;
	v57 =	vld.idx.msk [tilespmem:v6+s3+$0x0], $0xffff;
	[tilespmem:s13+$0x3080] =	vst v34  }
0xb4: {  	s15 =	sor.u32 $0x380, s15;
	s19 =	rddreg [dreg:$0x9];
	v25 =	vld.idx.msk [tilespmem:v25+s3+$0x0], $0xffff;
	[tilespmem:s28+$0x0] =	vst v30  }
0xb5: {  	v31 =	vadd.s32 $0x1E78, v2;
	s4 =	sadd.s32 $0x40, s19;
	v24 =	vld.idx.msk [tilespmem:v24+s3+$0x0], $0xffff;
	[tilespmem:s15+$0x3080] =	vst v22  }
0xb6: {  	s19 =	sand.u32 $0x40, s4;
	[dreg:$0x9] =	wrdreg s4;
	s4 =	sand.u32 $0x780, s4;
	v6 =	vmov v20;
	[tilespmem:s26+$0x3080] =	vst v26;
	v20 =	vld.idx.msk [tilespmem:v5+s3+$0x0], $0xffff  }
0xb7: {  	s4 =	sadd.s32 $0x2080, s4;
	s14 =	sor.u32 $0x30, s19;
	[tilespmem:s25+$0x0] =	vst v28;
	v22 =	vld.idx.msk [tilespmem:v23+s3+$0x0], $0xffff  }
0xb8: {  	s18 =	smov.u32 s10;
	s10 =	rddreg [dreg:$0x7];
	s21 =	sor.u32 s14, s4;
	v5 =	vmov v19;
	v19 =	vld.idx.msk [tilespmem:v27+s3+$0x0], $0xffff;
	[tilespmem:s5+$0x0] =	vst v57  }
0xb9: {  	s7 =	smov.u32 s10;
	v2 =	vmov v3;
	s10 =	sor.u32 $0x10, s19;
	v23 =	vadd.s32 $0x1248, v4;
	v29 =	vld [tilespmem:s21+$0x0];
	[tilespmem:s24+$0x3080] =	vst v25  }
0xba: {  	s23 =	sor.u32 s10, s4;
	v25 =	vld.idx.msk [tilespmem:v31+s3+$0x0], $0xffff;
	[tilespmem:s22+$0x3080] =	vst v24;
	v24 =	vadd.s32 $0x1040, v2  }
0xbb: {  	s17 =	smov.u32 s9;
	s9 =	sor.u32 $0x20, s19;
	s24 =	sadd.s32 $0x7080, s2;
	v38 =	vld [tilespmem:s23+$0x0]  }
0xbc: {  	s4 =	sor.u32 s9, s4;
	v21 =	vld.idx.msk [tilespmem:v21+s3+$0x0], $0xffff;
	s31 =	sor.u32 s17, s24;
	[tilespmem:s1+$0x0] =	vst v20  }
0xbd: {  	v39 =	vld [tilespmem:s4+$0x0];
	[tilespmem:s31+$0x0] =	vst v19  }
0xbe: {  	v3 =	vmov v36;
	s26 =	sor.u32 s18, s24;
	v19 =	vld.idx.msk [tilespmem:v23+s3+$0x0], $0xffff  }
0xbf: {  	[tilespmem:s26+$0x0] =	vst v22;
	v20 =	vld.idx.msk [tilespmem:v24+s3+$0x0], $0xffff  }
0xc0: {  	s6 =	sor.u32 s7, s24;
	v24 =	vld.idx.msk [tilespmem:v17+s3+$0x0], $0xffff;
	v17 =	vadd.s32 $0x1450, v4  }
0xc1: {  	[tilespmem:s6+$0x0] =	vst v21;
	v47 =	vld.idx.msk [tilespmem:v29+s3+$0x0], $0xffff  }
0xc2: {  	s15 =	sadd.s32 $0x7100, s2;
	v22 =	vadd.s32 $0x1248, v2;
	[tilespmem:s20+$0x0] =	vst v25;
	v58 =	vld.idx.msk [tilespmem:v18+s3+$0x0], $0xffff  }
0xc3: {  	s23 =	sor.u32 s17, s15;
	v44 =	vld.idx.msk [tilespmem:v3+s3+$0x0], $0xffff  }
0xc4: {  	v48 =	vld.idx.msk [tilespmem:v38+s3+$0x0], $0xffff;
	[tilespmem:s23+$0x0] =	vst v19  }
0xc5: {  	s11 =	sadd.s32 $0x200, s11;
	s25 =	sor.u32 s0, s24;
	v19 =	vadd.s32 $0x208, v29;
	v49 =	vld.idx.msk [tilespmem:v17+s3+$0x0], $0xffff  }
0xc6: {  	s22 =	sor.u32 s18, s15;
	s1 =	sand.u32 $0x3C00, s11;
	v42 =	vadd.s32 $0x208, v38;
	[tilespmem:s25+$0x0] =	vst v20;
	v50 =	vld.idx.msk [tilespmem:v39+s3+$0x0], $0xffff  }
0xc7: {  	v41 =	vadd.s32 $0x208, v3;
	s24 =	sor.u32 s7, s15;
	[tilespmem:s22+$0x0] =	vst v24;
	s25 =	sadd.s32 $0x3080, s1;
	v51 =	vld.idx.msk [tilespmem:v22+s3+$0x0], $0xffff  }
0xc8: {  	v52 =	vadd.s32 $0x1658, v4;
	[tilespmem:s24+$0x0] =	vst v58;
	s13 =	sor.u32 s14, s25;
	v55 =	vld.idx.msk [tilespmem:v15+s3+$0x0], $0xffff  }
0xc9: {  	v45 =	vadd.s32 $0x208, v39;
	s6 =	sor.u32 s10, s25;
	[tilespmem:s13+$0x0] =	vst v47;
	v47 =	vld.idx.msk [tilespmem:v16+s3+$0x0], $0xffff  }
0xca: {  	v40 =	vadd.s32 $0x1450, v2;
	s26 =	sadd.s32 $0x7180, s2;
	s5 =	sor.u32 s19, s25;
	[tilespmem:s6+$0x0] =	vst v48;
	v59 =	vld.idx.msk [tilespmem:v19+s3+$0x0], $0xffff  }
0xcb: {  	s22 =	sor.u32 s17, s26;
	[tilespmem:s5+$0x0] =	vst v44;
	v42 =	vld.idx.msk [tilespmem:v42+s3+$0x0], $0xffff  }
0xcc: {  	v63 =	vadd.s32 $0x1860, v4;
	v60 =	vadd.s32 $0x410, v29;
	v43 =	vadd.s32 $0x410, v38;
	s20 =	sor.u32 s0, s15;
	s15 =	sor.u32 s9, s25;
	v41 =	vld.idx.msk [tilespmem:v41+s3+$0x0], $0xffff;
	[tilespmem:s22+$0x0] =	vst v49  }
0xcd: {  	v37 =	vadd.s32 $0x618, v38;
	v34 =	vadd.s32 $0x820, v38;
	v31 =	vadd.s32 $0xA28, v38;
	[tilespmem:s15+$0x0] =	vst v50;
	v61 =	vld.idx.msk [tilespmem:v52+s3+$0x0], $0xffff  }
0xce: {  	[dreg:$0x7] =	wrdreg s9;
	v28 =	vadd.s32 $0xC30, v38;
	v26 =	vadd.s32 $0xE38, v38;
	s9 =	sor.u32 s18, s26;
	v62 =	vld.idx.msk [tilespmem:v45+s3+$0x0], $0xffff;
	[tilespmem:s20+$0x0] =	vst v51;
	v52 =	vadd.s32 $0x410, v3  }
0xcf: {  	v23 =	vadd.s32 $0x1040, v38;
	v53 =	vadd.s32 $0x1658, v38;
	v56 =	vadd.s32 $0x1860, v38;
	[tilespmem:s9+$0x0] =	vst v55;
	v40 =	vld.idx.msk [tilespmem:v40+s3+$0x0], $0xffff  }
0xd0: {  	v35 =	vadd.s32 $0x1A68, v38;
	v46 =	vadd.s32 $0x410, v39;
	v20 =	vadd.s32 $0x1450, v38;
	v48 =	vld.idx.msk [tilespmem:v14+s3+$0x0], $0xffff;
	[tilespmem:s13+$0x80] =	vst v59  }
0xd1: {  	s23 =	sadd.s32 $0x7200, s2;
	v17 =	vadd.s32 $0x1248, v38;
	v24 =	vadd.s32 $0x1C70, v38;
	v15 =	vmovc v20;
	v20 =	vadd.s32 $0x1E78, v38;
	[tilespmem:s6+$0x80] =	vst v42;
	v38 =	vld.idx.msk [tilespmem:v60+s3+$0x0], $0xffff  }
0xd2: {  	s25 =	sor.u32 s17, s23;
	v14 =	vmov v53;
	v53 =	vadd.s32 $0x1658, v2;
	[tilespmem:s5+$0x80] =	vst v41;
	v42 =	vld.idx.msk [tilespmem:v43+s3+$0x0], $0xffff  }
0xd3: {  	v55 =	vadd.s32 $0x618, v29;
	[tilespmem:s25+$0x0] =	vst v61;
	v60 =	vld.idx.msk [tilespmem:v52+s3+$0x0], $0xffff  }
0xd4: {  	s8 =	sor.u32 s7, s26;
	v36 =	vadd.s32 $0x618, v39;
	v33 =	vadd.s32 $0x820, v39;
	v30 =	vadd.s32 $0xA28, v39;
	[tilespmem:s15+$0x80] =	vst v62;
	v58 =	vld.idx.msk [tilespmem:v63+s3+$0x0], $0xffff  }
0xd5: {  	s31 =	sor.u32 s0, s26;
	v27 =	vadd.s32 $0xC30, v39;
	v25 =	vadd.s32 $0xE38, v39;
	v21 =	vadd.s32 $0x1040, v39;
	v59 =	vld.idx.msk [tilespmem:v46+s3+$0x0], $0xffff;
	[tilespmem:s8+$0x0] =	vst v47  }
0xd6: {  	v18 =	vadd.s32 $0x1248, v39;
	v54 =	vadd.s32 $0x1658, v39;
	[tilespmem:s31+$0x0] =	vst v40;
	v63 =	vadd.s32 $0x618, v3;
	v62 =	vld.idx.msk [tilespmem:v13+s3+$0x0], $0xffff  }
0xd7: {  	v57 =	vadd.s32 $0x1860, v39;
	v22 =	vadd.s32 $0x1450, v39;
	v61 =	vadd.s32 $0x1A68, v4;
	v49 =	vld.idx.msk [tilespmem:v53+s3+$0x0], $0xffff;
	[tilespmem:s13+$0x100] =	vst v38  }
0xd8: {  	v32 =	vadd.s32 $0x1A68, v39;
	s24 =	sor.u32 s18, s23;
	v16 =	vmovc v22;
	v22 =	vadd.s32 $0x1C70, v39;
	v19 =	vadd.s32 $0x1E78, v39;
	[tilespmem:s6+$0x100] =	vst v42;
	v39 =	vld.idx.msk [tilespmem:v55+s3+$0x0], $0xffff  }
0xd9: {  	s31 =	sadd.s32 $0x7280, s2;
	v37 =	vld.idx.msk [tilespmem:v37+s3+$0x0], $0xffff;
	[tilespmem:s24+$0x0] =	vst v48  }
0xda: {  	v50 =	vadd.s32 $0x820, v29;
	v13 =	vmov v54;
	s9 =	sor.u32 s17, s31;
	[tilespmem:s5+$0x100] =	vst v60;
	v54 =	vld.idx.msk [tilespmem:v12+s3+$0x0], $0xffff  }
0xdb: {  	[tilespmem:s9+$0x0] =	vst v58;
	v52 =	vld.idx.msk [tilespmem:v63+s3+$0x0], $0xffff  }
0xdc: {  	s26 =	sor.u32 s7, s23;
	[tilespmem:s15+$0x100] =	vst v59;
	v51 =	vld.idx.msk [tilespmem:v61+s3+$0x0], $0xffff  }
0xdd: {  	v55 =	vadd.s32 $0x820, v3;
	v36 =	vld.idx.msk [tilespmem:v36+s3+$0x0], $0xffff;
	[tilespmem:s26+$0x0] =	vst v62  }
0xde: {  	p1 =	por !p1, !p1;
	v53 =	vadd.s32 $0x1C70, v4;
	v12 =	vmov v56;
	v56 =	vld.idx.msk [tilespmem:v11+s3+$0x0], $0xffff;
	[tilespmem:s13+$0x180] =	vst v39  }
0xdf: {  	s4 =	sor.u32 s0, s23;
	s23 =	simm.s32 $0x1;
	s8 =	sor.u32 s18, s31;
	v11 =	vmov v57;
	[tilespmem:s6+$0x180] =	vst v37;
	v57 =	vld.idx.msk [tilespmem:v50+s3+$0x0], $0xffff  }
0xe0: {  	[dreg:$0x14] =	wrdreg s14;
	s23 =	simm.s32 @!p1 $0x0;
	s22 =	sadd.s32 $0x7300, s2;
	v58 =	vadd.s32 $0x1860, v2;
	v34 =	vld.idx.msk [tilespmem:v34+s3+$0x0], $0xffff;
	[tilespmem:s8+$0x0] =	vst v54  }
0xe1: {  	s21 =	sor.u32 s0, s22;
	s25 =	sshll.u32 s23, $0x6;
	s24 =	sor.u32 s17, s22;
	v60 =	vadd.s32 $0x1E78, v4;
	v4 =	vmov v29;
	v59 =	vadd.s32 $0xA28, v29;
	[tilespmem:s5+$0x180] =	vst v52;
	v29 =	vld.idx.msk [tilespmem:v9+s3+$0x0], $0xffff  }
0xe2: {  	s14 =	sor.u32 s18, s22;
	s6 =	sor.u32 s7, s22;
	s22 =	sadd.s32 s25, s11;
	[tilespmem:s24+$0x0] =	vst v51;
	v40 =	vld.idx.msk [tilespmem:v55+s3+$0x0], $0xffff  }
0xe3: {  	s12 =	sadd.s32 $0x4, s12;
	s16 =	sadd.s32 $0x40, s16;
	v61 =	vadd.s32 $0xA28, v3;
	[tilespmem:s15+$0x180] =	vst v36;
	s15 =	sadd.s32 $0x30, s22;
	v42 =	vld.idx.msk [tilespmem:v53+s3+$0x0], $0xffff  }
0xe4: {  	p2 =	slt.u32 s12, $0x7C;
	s5 =	sadd.s32 $0x10, s22;
	[tilespmem:s4+$0x0] =	vst v49;
	v33 =	vld.idx.msk [tilespmem:v33+s3+$0x0], $0xffff;
	s26 =	sor.u32 $0x200, s15  }
0xe5: {  	s28 =	sadd.s32 $0x7380, s2;
	s20 =	sor.u32 s0, s31;
	s4 =	sor.u32 $0x200, s5;
	v41 =	vld.idx.msk [tilespmem:v58+s3+$0x0], $0xffff;
	[tilespmem:s26+$0x3080] =	vst v57  }
0xe6: {  	s31 =	sor.u32 s7, s31;
	s23 =	sadd.s32 $0x20, s22;
	s25 =	sor.u32 $0x200, s22;
	[tilespmem:s4+$0x3080] =	vst v34;
	v36 =	vld.idx.msk [tilespmem:v59+s3+$0x0], $0xffff  }
0xe7: {  	s29 =	sor.u32 $0x280, s22;
	s13 =	sor.u32 $0x300, s22;
	s26 =	sor.u32 s17, s28;
	v62 =	vld.idx.msk [tilespmem:v31+s3+$0x0], $0xffff;
	v31 =	vadd.s32 $0x1A68, v2;
	[tilespmem:s25+$0x3080] =	vst v40  }
0xe8: {  	v63 =	vadd.s32 $0xC30, v4;
	s8 =	sor.u32 $0x280, s23;
	s30 =	sor.u32 $0x300, s23;
	s24 =	sor.u32 $0x200, s23;
	[tilespmem:s26+$0x0] =	vst v42;
	v34 =	vld.idx.msk [tilespmem:v61+s3+$0x0], $0xffff  }
0xe9: {  	s9 =	sor.u32 $0x280, s5;
	s22 =	sor.u32 $0x380, s22;
	s4 =	sor.u32 $0x300, s5;
	[tilespmem:s24+$0x3080] =	vst v33;
	v38 =	vld.idx.msk [tilespmem:v60+s3+$0x0], $0xffff  }
.Ltmp2:
0xea: {  	s25 =	sor.u32 s0, s28;
	s26 =	sor.u32 $0x380, s5;
	v33 =	vld.idx.msk [tilespmem:v30+s3+$0x0], $0xffff;
	[tilespmem:s31+$0x0] =	vst v56;
	(pc) =	sbr.rel @p2 .LBB2_6-.Ltmp2, $4  }
0xeb: {  	s24 =	sor.u32 $0x380, s23;
	s23 =	sor.u32 s18, s28;
	[tilespmem:s20+$0x0] =	vst v41;
	s31 =	sor.u32 $0x280, s15;
	v30 =	vld.idx.msk [tilespmem:v10+s3+$0x0], $0xffff  }
0xec: {  	s28 =	sor.u32 s7, s28;
	[tilespmem:s31+$0x3080] =	vst v36;
	v31 =	vld.idx.msk [tilespmem:v31+s3+$0x0], $0xffff;
	s31 =	sadd.s32 $0x7400, s2;
	s2 =	smov.u32 s1  }
0xed: {  	v10 =	vmov v32;
	[tilespmem:s9+$0x3080] =	vst v62;
	s9 =	rddreg [dreg:$0x14];
	v32 =	vld.idx.msk [tilespmem:v63+s3+$0x0], $0xffff;
	s5 =	sor.u32 s18, s31;
	s18 =	sor.u32 s17, s31  }
0xee: {  	v9 =	vmov v35;
	v35 =	vadd.s32 $0xC30, v3;
	s20 =	sor.u32 s0, s31;
	v28 =	vld.idx.msk [tilespmem:v28+s3+$0x0], $0xffff;
	s1 =	sor.u32 s7, s31;
	s0 =	smov.u32 s19;
	[tilespmem:s18+$0x0] =	vst v38  }
0xef: {  	_ =	sdelay $0x2  }
0xf0: {  	[tilespmem:s8+$0x3080] =	vst v33  }
0xf1: {  	v58 =	vadd.s32 $0xE38, v4;
	[tilespmem:s29+$0x3080] =	vst v34;
	v27 =	vld.idx.msk [tilespmem:v27+s3+$0x0], $0xffff  }
0xf2: {  	v34 =	vld.idx.msk [tilespmem:v35+s3+$0x0], $0xffff  }
0xf3: {  	s7 =	sor.u32 $0x300, s15;
	v59 =	vadd.s32 $0xE38, v3  }
0xf4: {  	[tilespmem:s7+$0x3080] =	vst v32  }
0xf5: {  	[tilespmem:s4+$0x3080] =	vst v28  }
0xf6: {  	v28 =	vld.idx.msk [tilespmem:v58+s3+$0x0], $0xffff;
	[tilespmem:s30+$0x3080] =	vst v27  }
0xf7: {  	v26 =	vld.idx.msk [tilespmem:v26+s3+$0x0], $0xffff;
	v27 =	vadd.s32 $0x1040, v4;
	[tilespmem:s13+$0x3080] =	vst v34  }
0xf8: {  	v60 =	vld.idx.msk [tilespmem:v59+s3+$0x0], $0xffff  }
0xf9: {  	v61 =	vadd.s32 $0x1040, v3;
	v25 =	vld.idx.msk [tilespmem:v25+s3+$0x0], $0xffff  }
0xfa: {  	s18 =	sor.u32 $0x380, s15  }
0xfb: {  	[tilespmem:s18+$0x3080] =	vst v28  }
0xfc: {  	[tilespmem:s26+$0x3080] =	vst v26;
	v26 =	vld.idx.msk [tilespmem:v27+s3+$0x0], $0xffff  }
0xfd: {  	v23 =	vld.idx.msk [tilespmem:v23+s3+$0x0], $0xffff;
	[tilespmem:s22+$0x3080] =	vst v60  }
0xfe: {  	[tilespmem:s24+$0x3080] =	vst v25;
	v25 =	vadd.s32 $0x1248, v4;
	v27 =	vld.idx.msk [tilespmem:v61+s3+$0x0], $0xffff  }
0xff: {  	s19 =	sadd.s32 $0x7080, s2;
	v21 =	vld.idx.msk [tilespmem:v21+s3+$0x0], $0xffff  }
0x100: {  	v28 =	vadd.s32 $0x1248, v3;
	s22 =	sor.u32 s9, s19  }
0x101: {  	s24 =	sor.u32 s10, s19;
	[tilespmem:s22+$0x0] =	vst v26  }
0x102: {  	s4 =	sor.u32 s0, s19;
	s11 =	rddreg [dreg:$0x7];
	[tilespmem:s24+$0x0] =	vst v23  }
0x103: {  	v23 =	vld.idx.msk [tilespmem:v25+s3+$0x0], $0xffff;
	s26 =	sor.u32 s11, s19;
	[tilespmem:s4+$0x0] =	vst v27  }
0x104: {  	v17 =	vld.idx.msk [tilespmem:v17+s3+$0x0], $0xffff;
	[tilespmem:s26+$0x0] =	vst v21;
	v21 =	vadd.s32 $0x1450, v4  }
0x105: {  	v25 =	vld.idx.msk [tilespmem:v28+s3+$0x0], $0xffff  }
0x106: {  	s30 =	sadd.s32 $0x7100, s2;
	v26 =	vadd.s32 $0x1450, v3;
	v18 =	vld.idx.msk [tilespmem:v18+s3+$0x0], $0xffff  }
0x107: {  	s12 =	sor.u32 s9, s30  }
0x108: {  	s13 =	sor.u32 s10, s30;
	[tilespmem:s12+$0x0] =	vst v23  }
0x109: {  	s4 =	sor.u32 s0, s30;
	[tilespmem:s13+$0x0] =	vst v17;
	v21 =	vld.idx.msk [tilespmem:v21+s3+$0x0], $0xffff  }
0x10a: {  	s15 =	sor.u32 s11, s30;
	v17 =	vadd.s32 $0x1658, v4;
	v15 =	vld.idx.msk [tilespmem:v15+s3+$0x0], $0xffff;
	[tilespmem:s4+$0x0] =	vst v25  }
0x10b: {  	[tilespmem:s15+$0x0] =	vst v18;
	v18 =	vld.idx.msk [tilespmem:v26+s3+$0x0], $0xffff  }
0x10c: {  	s16 =	sadd.s32 $0x7180, s2;
	v23 =	vadd.s32 $0x1658, v3;
	v16 =	vld.idx.msk [tilespmem:v16+s3+$0x0], $0xffff  }
0x10d: {  	s17 =	sor.u32 s9, s16  }
0x10e: {  	s18 =	sor.u32 s10, s16;
	[tilespmem:s17+$0x0] =	vst v21  }
0x10f: {  	s4 =	sor.u32 s0, s16;
	[tilespmem:s18+$0x0] =	vst v15;
	v17 =	vld.idx.msk [tilespmem:v17+s3+$0x0], $0xffff  }
0x110: {  	s19 =	sor.u32 s11, s16;
	v15 =	vadd.s32 $0x1860, v4;
	v14 =	vld.idx.msk [tilespmem:v14+s3+$0x0], $0xffff;
	[tilespmem:s4+$0x0] =	vst v18  }
0x111: {  	[tilespmem:s19+$0x0] =	vst v16;
	v16 =	vld.idx.msk [tilespmem:v23+s3+$0x0], $0xffff  }
0x112: {  	s22 =	sadd.s32 $0x7200, s2;
	v18 =	vadd.s32 $0x1860, v3;
	v13 =	vld.idx.msk [tilespmem:v13+s3+$0x0], $0xffff  }
0x113: {  	[tilespmem:s14+$0x0] =	vst v29;
	s24 =	sor.u32 s9, s22  }
0x114: {  	v7 =	vld.idx.msk [tilespmem:v7+s3+$0x0], $0xffff;
	s26 =	sor.u32 s10, s22;
	[tilespmem:s24+$0x0] =	vst v17  }
0x115: {  	s4 =	sor.u32 s0, s22;
	[tilespmem:s26+$0x0] =	vst v14;
	v15 =	vld.idx.msk [tilespmem:v15+s3+$0x0], $0xffff  }
0x116: {  	s30 =	sor.u32 s11, s22;
	v14 =	vadd.s32 $0x1A68, v4;
	v12 =	vld.idx.msk [tilespmem:v12+s3+$0x0], $0xffff;
	[tilespmem:s4+$0x0] =	vst v16  }
0x117: {  	[tilespmem:s30+$0x0] =	vst v13;
	v13 =	vld.idx.msk [tilespmem:v18+s3+$0x0], $0xffff  }
0x118: {  	[tilespmem:s6+$0x0] =	vst v30;
	s12 =	sadd.s32 $0x7280, s2;
	v16 =	vadd.s32 $0x1A68, v3;
	v11 =	vld.idx.msk [tilespmem:v11+s3+$0x0], $0xffff  }
0x119: {  	v8 =	vld.idx.msk [tilespmem:v8+s3+$0x0], $0xffff;
	s13 =	sor.u32 s9, s12;
	[tilespmem:s23+$0x0] =	vst v7  }
0x11a: {  	s14 =	sor.u32 s10, s12;
	[tilespmem:s13+$0x0] =	vst v15  }
0x11b: {  	v17 =	vadd.s32 $0x1C70, v2;
	s4 =	sor.u32 s0, s12;
	[tilespmem:s14+$0x0] =	vst v12;
	v14 =	vld.idx.msk [tilespmem:v14+s3+$0x0], $0xffff  }
0x11c: {  	s15 =	sor.u32 s11, s12;
	v12 =	vadd.s32 $0x1C70, v4;
	v9 =	vld.idx.msk [tilespmem:v9+s3+$0x0], $0xffff;
	[tilespmem:s4+$0x0] =	vst v13  }
0x11d: {  	[tilespmem:s15+$0x0] =	vst v11;
	v7 =	vld.idx.msk [tilespmem:v16+s3+$0x0], $0xffff  }
0x11e: {  	[tilespmem:s28+$0x0] =	vst v8;
	v8 =	vadd.s32 $0x1C70, v3;
	s16 =	sadd.s32 $0x7300, s2;
	v10 =	vld.idx.msk [tilespmem:v10+s3+$0x0], $0xffff  }
0x11f: {  	[tilespmem:s21+$0x0] =	vst v31;
	v6 =	vld.idx.msk [tilespmem:v6+s3+$0x0], $0xffff;
	s17 =	sor.u32 s9, s16  }
0x120: {  	s18 =	sor.u32 s10, s16;
	v11 =	vld.idx.msk [tilespmem:v17+s3+$0x0], $0xffff;
	[tilespmem:s17+$0x0] =	vst v14  }
0x121: {  	v2 =	vadd.s32 $0x1E78, v2;
	s4 =	sor.u32 s0, s16;
	[tilespmem:s18+$0x0] =	vst v9;
	v12 =	vld.idx.msk [tilespmem:v12+s3+$0x0], $0xffff  }
0x122: {  	s19 =	sor.u32 s11, s16;
	v4 =	vadd.s32 $0x1E78, v4;
	v9 =	vld.idx.msk [tilespmem:v24+s3+$0x0], $0xffff;
	[tilespmem:s4+$0x0] =	vst v7  }
0x123: {  	[tilespmem:s19+$0x0] =	vst v10;
	v7 =	vld.idx.msk [tilespmem:v8+s3+$0x0], $0xffff  }
0x124: {  	s21 =	sadd.s32 $0x7380, s2;
	[tilespmem:s5+$0x0] =	vst v6;
	v3 =	vadd.s32 $0x1E78, v3;
	v10 =	vld.idx.msk [tilespmem:v22+s3+$0x0], $0xffff  }
0x125: {  	v5 =	vld.idx.msk [tilespmem:v5+s3+$0x0], $0xffff;
	s22 =	sor.u32 s9, s21;
	[tilespmem:s25+$0x0] =	vst v11  }
0x126: {  	s23 =	sor.u32 s10, s21;
	v2 =	vld.idx.msk [tilespmem:v2+s3+$0x0], $0xffff;
	[tilespmem:s22+$0x0] =	vst v12  }
0x127: {  	s4 =	sor.u32 s0, s21;
	[tilespmem:s23+$0x0] =	vst v9;
	v4 =	vld.idx.msk [tilespmem:v4+s3+$0x0], $0xffff  }
0x128: {  	s24 =	sor.u32 s11, s21;
	v6 =	vld.idx.msk [tilespmem:v20+s3+$0x0], $0xffff;
	[tilespmem:s4+$0x0] =	vst v7  }
0x129: {  	[tilespmem:s24+$0x0] =	vst v10;
	v3 =	vld.idx.msk [tilespmem:v3+s3+$0x0], $0xffff  }
0x12a: {  	[tilespmem:s1+$0x0] =	vst v5;
	s25 =	sadd.s32 $0x7400, s2;
	v8 =	vld.idx.msk [tilespmem:v19+s3+$0x0], $0xffff  }
0x12b: {  	s2 =	sor.u32 s9, s25;
	[tilespmem:s20+$0x0] =	vst v2  }
0x12c: {  	s26 =	sor.u32 s10, s25;
	[tilespmem:s2+$0x0] =	vst v4  }
0x12d: {  	s1 =	sor.u32 s0, s25;
	[tilespmem:s26+$0x0] =	vst v6  }
0x12e: {  	s30 =	sor.u32 s11, s25;
	[tilespmem:s1+$0x0] =	vst v3  }
0x12f: {  	[tilespmem:s30+$0x0] =	vst v8  }
0x130: {  	s5 =	simm.s32 $0x3080;
	s0 =	rddreg [dreg:$0x1f]  }
0x131: {  	s4 =	simm.s32 $0x200000;
	s2 =	simm.s32 $0x4000;
	s8 =	sld [smem:$0x7F5]  }
0x132: {  	[hbm4b:s0+s2] =	stream.strided.scatter [tilespmem:s5], [sflag:$0x3], $0x8000, s4, s2, $0x38;
	[tilespmem:$0x13080] =	vst v63  }
0x133: {  	s6 =	simm.s32 $0x0;
	s9 =	simm.s32 $0x2080;
	s10 =	simm.s32 $0x2  }
0x134: {  	[tilespmem:s9], [sflag:$0x1] =	stream.linear.gather [hbm4b:s8+s6], $0x800, $0x38;
	[tilespmem:$0x13080] =	vst v63  }
0x135: {  	_ =	swait.ge [sflag:s10], $0x800  }
0x136: {  	[sflag:s10] =	ssyncset.done $0x0  }
0x137: {  	[sflag:s10] =	ssyncadd.s32 $0xFFFFF800  }
0x138: {  	v2 =	vld [tilespmem:$0x2880]  }
0x139: {  	v3 =	vld [tilespmem:$0x2A80]  }
0x13a: {  	v4 =	vld [tilespmem:$0x2C80]  }
0x13b: {  	v5 =	vld [tilespmem:$0x2E80]  }
0x13c: {  	vm0 =	veq.s32 v0, $0x0  }
0x13d: {  	v2 =	vsel vm0, $0x201, v2  }
0x13e: {  	[tilespmem:$0x2880] =	vst v2;
	v2 =	vsel vm0, $0x201, v3  }
0x13f: {  	s17 =	sand.u32 $0x40, s6;
	s11 =	sand.u32 $0x780, s6;
	[tilespmem:$0x2A80] =	vst v2;
	v2 =	vsel vm0, $0x201, v4  }
0x140: {  	s16 =	sor.u32 $0x30, s17;
	s1 =	sadd.s32 $0x2880, s11;
	[tilespmem:$0x2C80] =	vst v2;
	v2 =	vsel vm0, $0x201, v5  }
0x141: {  	s7 =	sor.u32 $0x10, s17;
	s12 =	sor.u32 s16, s1;
	[tilespmem:$0x2E80] =	vst v2  }
0x142: {  	s13 =	sor.u32 s7, s1;
	v7 =	vld [tilespmem:s12+$0x0]  }
0x143: {  	s18 =	sor.u32 $0x20, s17;
	v6 =	vld [tilespmem:s13+$0x0]  }
0x144: {  	s1 =	sor.u32 s18, s1  }
0x145: {  	v5 =	vld [tilespmem:s1+$0x0]  }
0x146: {  	s14 =	simm.s32 $0x2880  }
0x147: {  	v2 =	vld [tilespmem:s14+$0x0];
	_ =	sdelay $0x2  }
0x148: {  	v3 =	vld.idx.msk [tilespmem:v7+s3+$0x0], $0xffff  }
0x149: {  	v8 =	vadd.s32 $0x208, v7;
	v4 =	vld.idx.msk [tilespmem:v6+s3+$0x0], $0xffff  }
0x14a: {  	s19 =	sand.u32 $0x3C00, s6;
	v9 =	vadd.s32 $0x208, v6  }
0x14b: {  	s0 =	sadd.s32 $0xB080, s19;
	v10 =	vld.idx.msk [tilespmem:v5+s3+$0x0], $0xffff  }
0x14c: {  	s15 =	sor.u32 s16, s0;
	v11 =	vadd.s32 $0x208, v5  }
0x14d: {  	s20 =	sor.u32 s7, s0;
	v12 =	vld.idx.msk [tilespmem:v2+s3+$0x0], $0xffff;
	[tilespmem:s15+$0x0] =	vst v3  }
0x14e: {  	v3 =	vadd.s32 $0x208, v2;
	[tilespmem:s20+$0x0] =	vst v4;
	v4 =	vld.idx.msk [tilespmem:v8+s3+$0x0], $0xffff  }
0x14f: {  	s21 =	sor.u32 s18, s0;
	v8 =	vld.idx.msk [tilespmem:v9+s3+$0x0], $0xffff;
	v9 =	vadd.s32 $0x410, v7  }
0x150: {  	[tilespmem:s21+$0x0] =	vst v10;
	v10 =	vadd.s32 $0x410, v6  }
0x151: {  	s0 =	sor.u32 s17, s0;
	v11 =	vld.idx.msk [tilespmem:v11+s3+$0x0], $0xffff  }
0x152: {  	v13 =	vadd.s32 $0x410, v5;
	[tilespmem:s0+$0x0] =	vst v12  }
0x153: {  	v3 =	vld.idx.msk [tilespmem:v3+s3+$0x0], $0xffff;
	[tilespmem:s15+$0x80] =	vst v4  }
0x154: {  	v4 =	vadd.s32 $0x410, v2;
	[tilespmem:s20+$0x80] =	vst v8;
	v8 =	vld.idx.msk [tilespmem:v9+s3+$0x0], $0xffff  }
0x155: {  	v9 =	vld.idx.msk [tilespmem:v10+s3+$0x0], $0xffff;
	v10 =	vadd.s32 $0x618, v7  }
0x156: {  	[tilespmem:s21+$0x80] =	vst v11;
	v11 =	vadd.s32 $0x618, v6  }
0x157: {  	v12 =	vld.idx.msk [tilespmem:v13+s3+$0x0], $0xffff  }
0x158: {  	v13 =	vadd.s32 $0x618, v5;
	[tilespmem:s0+$0x80] =	vst v3  }
0x159: {  	v3 =	vld.idx.msk [tilespmem:v4+s3+$0x0], $0xffff;
	[tilespmem:s15+$0x100] =	vst v8  }
0x15a: {  	v4 =	vadd.s32 $0x618, v2;
	[tilespmem:s20+$0x100] =	vst v9;
	v8 =	vld.idx.msk [tilespmem:v10+s3+$0x0], $0xffff  }
0x15b: {  	v9 =	vld.idx.msk [tilespmem:v11+s3+$0x0], $0xffff;
	v10 =	vadd.s32 $0x820, v7  }
0x15c: {  	[tilespmem:s21+$0x100] =	vst v12;
	v11 =	vadd.s32 $0x820, v6  }
0x15d: {  	v12 =	vld.idx.msk [tilespmem:v13+s3+$0x0], $0xffff  }
0x15e: {  	v13 =	vadd.s32 $0x820, v5;
	[tilespmem:s0+$0x100] =	vst v3  }
0x15f: {  	p1 =	por $0x0, $0x0;
	s1 =	simm.s32 $0x1;
	v3 =	vld.idx.msk [tilespmem:v4+s3+$0x0], $0xffff;
	[tilespmem:s15+$0x180] =	vst v8  }
0x160: {  	s1 =	simm.s32 @!p1 $0x0;
	v4 =	vadd.s32 $0x820, v2;
	[tilespmem:s20+$0x180] =	vst v9;
	v8 =	vld.idx.msk [tilespmem:v10+s3+$0x0], $0xffff  }
0x161: {  	s1 =	sshll.u32 s1, $0x6;
	v9 =	vld.idx.msk [tilespmem:v11+s3+$0x0], $0xffff;
	v10 =	vadd.s32 $0xA28, v7  }
0x162: {  	s1 =	sadd.s32 $0x0, s1;
	[tilespmem:s21+$0x180] =	vst v12;
	v11 =	vadd.s32 $0xA28, v6  }
0x163: {  	s22 =	sadd.s32 $0x30, s1;
	v12 =	vld.idx.msk [tilespmem:v13+s3+$0x0], $0xffff  }
0x164: {  	s23 =	sadd.s32 $0x10, s1;
	s24 =	sor.u32 $0x200, s22;
	v13 =	vadd.s32 $0xA28, v5;
	[tilespmem:s0+$0x180] =	vst v3  }
0x165: {  	s26 =	sor.u32 $0x200, s23;
	v3 =	vld.idx.msk [tilespmem:v4+s3+$0x0], $0xffff;
	[tilespmem:s24+$0xB080] =	vst v8  }
0x166: {  	s25 =	sadd.s32 $0x20, s1;
	v4 =	vadd.s32 $0xA28, v2;
	[tilespmem:s26+$0xB080] =	vst v9;
	v8 =	vld.idx.msk [tilespmem:v10+s3+$0x0], $0xffff  }
0x167: {  	s30 =	sor.u32 $0x200, s25;
	v9 =	vld.idx.msk [tilespmem:v11+s3+$0x0], $0xffff;
	v10 =	vadd.s32 $0xC30, v7  }
0x168: {  	[tilespmem:s30+$0xB080] =	vst v12;
	v11 =	vadd.s32 $0xC30, v6  }
0x169: {  	s8 =	sor.u32 $0x200, s1;
	v12 =	vld.idx.msk [tilespmem:v13+s3+$0x0], $0xffff  }
0x16a: {  	s9 =	sor.u32 $0x280, s22;
	v13 =	vadd.s32 $0xC30, v5;
	[tilespmem:s8+$0xB080] =	vst v3  }
0x16b: {  	s10 =	sor.u32 $0x280, s23;
	v3 =	vld.idx.msk [tilespmem:v4+s3+$0x0], $0xffff;
	[tilespmem:s9+$0xB080] =	vst v8  }
0x16c: {  	v4 =	vadd.s32 $0xC30, v2;
	[tilespmem:s10+$0xB080] =	vst v9;
	v8 =	vld.idx.msk [tilespmem:v10+s3+$0x0], $0xffff  }
0x16d: {  	s11 =	sor.u32 $0x280, s25;
	v9 =	vld.idx.msk [tilespmem:v11+s3+$0x0], $0xffff;
	v10 =	vadd.s32 $0xE38, v7  }
0x16e: {  	[tilespmem:s11+$0xB080] =	vst v12;
	v11 =	vadd.s32 $0xE38, v6  }
0x16f: {  	s12 =	sor.u32 $0x280, s1;
	v12 =	vld.idx.msk [tilespmem:v13+s3+$0x0], $0xffff  }
0x170: {  	s13 =	sor.u32 $0x300, s22;
	v13 =	vadd.s32 $0xE38, v5;
	[tilespmem:s12+$0xB080] =	vst v3  }
0x171: {  	s14 =	sor.u32 $0x300, s23;
	v4 =	vld.idx.msk [tilespmem:v4+s3+$0x0], $0xffff;
	[tilespmem:s13+$0xB080] =	vst v8  }
0x172: {  	[tilespmem:s14+$0xB080] =	vst v9;
	v9 =	vld.idx.msk [tilespmem:v10+s3+$0x0], $0xffff  }
0x173: {  	s15 =	sor.u32 $0x300, s25;
	v8 =	vadd.s32 $0xE38, v2;
	v10 =	vld.idx.msk [tilespmem:v11+s3+$0x0], $0xffff  }
0x174: {  	[tilespmem:s15+$0xB080] =	vst v12;
	v11 =	vadd.s32 $0x1040, v7  }
0x175: {  	s20 =	sor.u32 $0x300, s1;
	v12 =	vadd.s32 $0x1040, v6;
	v13 =	vld.idx.msk [tilespmem:v13+s3+$0x0], $0xffff  }
0x176: {  	v14 =	vadd.s32 $0x1040, v5;
	s2 =	sor.u32 $0x380, s22;
	s21 =	simm.s32 $0x28C0;
	[tilespmem:s20+$0xB080] =	vst v4  }
0x177: {  	s0 =	sor.u32 $0x380, s23;
	v3 =	vld [tilespmem:s21+$0x0];
	[tilespmem:s2+$0xB080] =	vst v9  }
0x178: {  	s22 =	simm.s32 $0x40;
	s23 =	sor.u32 $0x380, s25;
	s24 =	simm.s32 $0x40;
	v8 =	vld.idx.msk [tilespmem:v8+s3+$0x0], $0xffff;
	[tilespmem:s0+$0xB080] =	vst v10  }
0x179: {  	s25 =	sand.u32 $0x780, s22;
	s0 =	sand.u32 $0x40, s22;
	v9 =	vld.idx.msk [tilespmem:v11+s3+$0x0], $0xffff;
	[dreg:$0xa] =	wrdreg s24  }
0x17a: {  	s4 =	sadd.s32 $0x2880, s25;
	s9 =	sor.u32 $0x30, s0;
	v11 =	vadd.s32 $0x1248, v7;
	v10 =	vld.idx.msk [tilespmem:v12+s3+$0x0], $0xffff;
	[tilespmem:s23+$0xB080] =	vst v13  }
0x17b: {  	s10 =	sor.u32 $0x10, s0;
	s26 =	sor.u32 s9, s4;
	v12 =	vadd.s32 $0x1040, v2;
	v13 =	vld.idx.msk [tilespmem:v14+s3+$0x0], $0xffff  }
0x17c: {  	s8 =	sadd.s32 $0xF080, s19;
	s30 =	sor.u32 $0x20, s0;
	s6 =	sor.u32 s10, s4;
	v14 =	vadd.s32 $0x1248, v6;
	v4 =	vld [tilespmem:s26+$0x0]  }
0x17d: {  	s11 =	sor.u32 s16, s8;
	s4 =	sor.u32 s30, s4;
	v19 =	vld [tilespmem:s6+$0x0]  }
0x17e: {  	v15 =	vadd.s32 $0x1248, v5;
	s1 =	sor.u32 $0x380, s1;
	v28 =	vld [tilespmem:s4+$0x0];
	[tilespmem:s11+$0x0] =	vst v9  }
0x17f: {  	s12 =	sor.u32 s7, s8;
	[tilespmem:s1+$0xB080] =	vst v8;
	v8 =	vld.idx.msk [tilespmem:v11+s3+$0x0], $0xffff  }
0x180: {  	[tilespmem:s12+$0x0] =	vst v10;
	v9 =	vld.idx.msk [tilespmem:v12+s3+$0x0], $0xffff  }
0x181: {  	s13 =	sor.u32 s18, s8;
	v10 =	vld.idx.msk [tilespmem:v14+s3+$0x0], $0xffff  }
0x182: {  	v11 =	vadd.s32 $0x1450, v7;
	[tilespmem:s13+$0x0] =	vst v13;
	v14 =	vld.idx.msk [tilespmem:v3+s3+$0x0], $0xffff  }
0x183: {  	s15 =	sadd.s32 $0xF100, s19;
	v13 =	vadd.s32 $0x1248, v2;
	v12 =	vld.idx.msk [tilespmem:v15+s3+$0x0], $0xffff  }
0x184: {  	s20 =	sor.u32 s16, s15;
	v15 =	vadd.s32 $0x1450, v6;
	v16 =	vld.idx.msk [tilespmem:v4+s3+$0x0], $0xffff  }
0x185: {  	v17 =	vadd.s32 $0x1450, v5;
	s21 =	sor.u32 s17, s8;
	s11 =	simm.s32 $0x200;
	v18 =	vld.idx.msk [tilespmem:v19+s3+$0x0], $0xffff;
	[tilespmem:s20+$0x0] =	vst v8  }
0x186: {  	s22 =	sor.u32 s7, s15;
	s2 =	sand.u32 $0x3C00, s11;
	v8 =	vadd.s32 $0x208, v4;
	[tilespmem:s21+$0x0] =	vst v9;
	v9 =	vld.idx.msk [tilespmem:v28+s3+$0x0], $0xffff  }
0x187: {  	s23 =	sor.u32 s18, s15;
	v20 =	vadd.s32 $0x208, v19;
	s12 =	sadd.s32 $0xB080, s2;
	v11 =	vld.idx.msk [tilespmem:v11+s3+$0x0], $0xffff;
	[tilespmem:s22+$0x0] =	vst v10  }
0x188: {  	s6 =	sor.u32 s9, s12;
	v10 =	vld.idx.msk [tilespmem:v13+s3+$0x0], $0xffff;
	v13 =	vadd.s32 $0x1658, v7;
	[tilespmem:s23+$0x0] =	vst v12  }
0x189: {  	v21 =	vadd.s32 $0x208, v28;
	s5 =	sor.u32 s10, s12;
	v12 =	vld.idx.msk [tilespmem:v15+s3+$0x0], $0xffff;
	[tilespmem:s6+$0x0] =	vst v16  }
0x18a: {  	s24 =	sadd.s32 $0xF180, s19;
	v15 =	vadd.s32 $0x208, v3;
	v16 =	vld.idx.msk [tilespmem:v17+s3+$0x0], $0xffff;
	[tilespmem:s5+$0x0] =	vst v18  }
0x18b: {  	s25 =	sor.u32 s16, s24;
	v17 =	vadd.s32 $0x1450, v2;
	v8 =	vld.idx.msk [tilespmem:v8+s3+$0x0], $0xffff;
	[dreg:$0x4] =	wrdreg s30  }
0x18c: {  	s4 =	sor.u32 s30, s12;
	v18 =	vadd.s32 $0x1658, v6;
	v20 =	vld.idx.msk [tilespmem:v20+s3+$0x0], $0xffff;
	[tilespmem:s25+$0x0] =	vst v11  }
0x18d: {  	s1 =	sor.u32 s0, s12;
	[tilespmem:s4+$0x0] =	vst v9;
	v9 =	vadd.s32 $0x410, v4;
	v11 =	vld.idx.msk [tilespmem:v13+s3+$0x0], $0xffff  }
0x18e: {  	s8 =	sor.u32 s17, s15;
	[tilespmem:s1+$0x0] =	vst v14;
	v13 =	vadd.s32 $0x410, v19;
	v14 =	vld.idx.msk [tilespmem:v21+s3+$0x0], $0xffff  }
0x18f: {  	s26 =	sor.u32 s7, s24;
	[tilespmem:s8+$0x0] =	vst v10;
	v10 =	vadd.s32 $0x1860, v7;
	v15 =	vld.idx.msk [tilespmem:v15+s3+$0x0], $0xffff  }
0x190: {  	v21 =	vadd.s32 $0x410, v28;
	[tilespmem:s26+$0x0] =	vst v12;
	v17 =	vld.idx.msk [tilespmem:v17+s3+$0x0], $0xffff  }
0x191: {  	s30 =	sadd.s32 $0xF200, s19;
	v12 =	vadd.s32 $0x410, v3;
	[tilespmem:s6+$0x80] =	vst v8;
	v8 =	vld.idx.msk [tilespmem:v18+s3+$0x0], $0xffff  }
0x192: {  	s15 =	sor.u32 s16, s30;
	v18 =	vadd.s32 $0x1658, v5;
	[tilespmem:s5+$0x80] =	vst v20;
	v9 =	vld.idx.msk [tilespmem:v9+s3+$0x0], $0xffff  }
0x193: {  	v20 =	vadd.s32 $0x1658, v2;
	v13 =	vld.idx.msk [tilespmem:v13+s3+$0x0], $0xffff;
	[tilespmem:s15+$0x0] =	vst v11  }
0x194: {  	[tilespmem:s4+$0x80] =	vst v14;
	v11 =	vadd.s32 $0x618, v4;
	v10 =	vld.idx.msk [tilespmem:v10+s3+$0x0], $0xffff  }
0x195: {  	s20 =	sor.u32 s18, s24;
	v14 =	vadd.s32 $0x618, v19;
	[tilespmem:s1+$0x80] =	vst v15;
	v15 =	vld.idx.msk [tilespmem:v21+s3+$0x0], $0xffff  }
0x196: {  	s13 =	sor.u32 s17, s24;
	[tilespmem:s20+$0x0] =	vst v16;
	v16 =	vadd.s32 $0x1A68, v7;
	v12 =	vld.idx.msk [tilespmem:v12+s3+$0x0], $0xffff  }
0x197: {  	v21 =	vadd.s32 $0x618, v28;
	[tilespmem:s13+$0x0] =	vst v17;
	v17 =	vld.idx.msk [tilespmem:v18+s3+$0x0], $0xffff  }
0x198: {  	s21 =	sadd.s32 $0xF280, s19;
	v18 =	vadd.s32 $0x618, v3;
	[tilespmem:s6+$0x100] =	vst v9;
	v9 =	vld.idx.msk [tilespmem:v20+s3+$0x0], $0xffff  }
0x199: {  	s22 =	sor.u32 s16, s21;
	v20 =	vadd.s32 $0x1860, v6;
	[tilespmem:s5+$0x100] =	vst v13;
	v11 =	vld.idx.msk [tilespmem:v11+s3+$0x0], $0xffff  }
0x19a: {  	v13 =	vadd.s32 $0x1860, v5;
	v14 =	vld.idx.msk [tilespmem:v14+s3+$0x0], $0xffff;
	[tilespmem:s22+$0x0] =	vst v10  }
0x19b: {  	[tilespmem:s4+$0x100] =	vst v15;
	v10 =	vadd.s32 $0x820, v4;
	v15 =	vld.idx.msk [tilespmem:v16+s3+$0x0], $0xffff  }
0x19c: {  	s23 =	sor.u32 s7, s30;
	[tilespmem:s1+$0x100] =	vst v12;
	v16 =	vadd.s32 $0x820, v19;
	v12 =	vld.idx.msk [tilespmem:v21+s3+$0x0], $0xffff  }
0x19d: {  	s24 =	sor.u32 s18, s30;
	[tilespmem:s23+$0x0] =	vst v8;
	v8 =	vadd.s32 $0x1C70, v7;
	v18 =	vld.idx.msk [tilespmem:v18+s3+$0x0], $0xffff  }
0x19e: {  	v21 =	vadd.s32 $0x820, v28;
	[tilespmem:s24+$0x0] =	vst v17;
	v20 =	vld.idx.msk [tilespmem:v20+s3+$0x0], $0xffff  }
0x19f: {  	v17 =	vadd.s32 $0x820, v3;
	[tilespmem:s6+$0x180] =	vst v11;
	s6 =	sadd.s32 $0xF300, s19;
	v11 =	vld.idx.msk [tilespmem:v13+s3+$0x0], $0xffff  }
0x1a0: {  	p1 =	por !p1, !p1;
	s12 =	simm.s32 $0x1;
	v13 =	vadd.s32 $0x1860, v2;
	[tilespmem:s5+$0x180] =	vst v14;
	v10 =	vld.idx.msk [tilespmem:v10+s3+$0x0], $0xffff;
	s25 =	sor.u32 s16, s6  }
0x1a1: {  	s12 =	simm.s32 @!p1 $0x0;
	v14 =	vadd.s32 $0x1A68, v6;
	v16 =	vld.idx.msk [tilespmem:v16+s3+$0x0], $0xffff;
	[tilespmem:s25+$0x0] =	vst v15  }
0x1a2: {  	s26 =	sshll.u32 s12, $0x6;
	[tilespmem:s4+$0x180] =	vst v12;
	v12 =	vadd.s32 $0xA28, v4;
	v15 =	vld.idx.msk [tilespmem:v8+s3+$0x0], $0xffff  }
0x1a3: {  	v22 =	vadd.s32 $0xA28, v19;
	s30 =	sor.u32 s17, s30;
	s22 =	sadd.s32 $0x200, s26;
	[tilespmem:s1+$0x180] =	vst v18;
	v18 =	vld.idx.msk [tilespmem:v21+s3+$0x0], $0xffff  }
0x1a4: {  	s15 =	sadd.s32 $0x30, s22;
	[tilespmem:s30+$0x0] =	vst v9;
	v9 =	vadd.s32 $0x1E78, v7;
	s5 =	sor.u32 s7, s21;
	v21 =	vld.idx.msk [tilespmem:v17+s3+$0x0], $0xffff  }
0x1a5: {  	v24 =	vadd.s32 $0xA28, v28;
	s12 =	simm.s32 $0x4;
	s24 =	sadd.s32 $0x10, s22;
	s8 =	sor.u32 $0x200, s15;
	[tilespmem:s5+$0x0] =	vst v20;
	v13 =	vld.idx.msk [tilespmem:v13+s3+$0x0], $0xffff  }
0x1a6: {  	v35 =	vadd.s32 $0xC30, v3;
	s13 =	sadd.s32 $0xF400, s19;
	s14 =	sor.u32 $0x200, s24;
	s4 =	sadd.s32 $0xF380, s19;
	v20 =	vadd.s32 $0xA28, v3;
	[tilespmem:s8+$0xB080] =	vst v10;
	v29 =	vld.idx.msk [tilespmem:v14+s3+$0x0], $0xffff  }
0x1a7: {  	v36 =	vadd.s32 $0xC30, v19;
	v27 =	vadd.s32 $0xC30, v28;
	s29 =	sor.u32 $0x280, s22;
	s30 =	sadd.s32 $0x20, s22;
	s20 =	sor.u32 s16, s4;
	v10 =	vadd.s32 $0x1A68, v5;
	[tilespmem:s14+$0xB080] =	vst v16;
	v12 =	vld.idx.msk [tilespmem:v12+s3+$0x0], $0xffff  }
0x1a8: {  	v26 =	vadd.s32 $0xE38, v19;
	v63 =	vadd.s32 $0xC30, v4;
	s26 =	sor.u32 $0x280, s24;
	s23 =	sor.u32 $0x200, s30;
	s31 =	sor.u32 $0x300, s30;
	v62 =	vld.idx.msk [tilespmem:v22+s3+$0x0], $0xffff;
	v22 =	vadd.s32 $0x1A68, v2;
	[tilespmem:s20+$0x0] =	vst v15  }
0x1a9: {  	v25 =	vadd.s32 $0xE38, v28;
	v23 =	vadd.s32 $0x1040, v19;
	v7 =	vadd.s32 $0x1C70, v6;
	s25 =	sor.u32 $0x200, s22;
	s19 =	sor.u32 s16, s13;
	s1 =	sor.u32 s17, s21;
	[tilespmem:s23+$0xB080] =	vst v18;
	v37 =	vld.idx.msk [tilespmem:v9+s3+$0x0], $0xffff  }
0x1aa: {  	v6 =	vadd.s32 $0x1E78, v6;
	v8 =	vadd.s32 $0x1C70, v5;
	s28 =	sor.u32 s18, s4;
	s16 =	simm.s32 $0x2900;
	v17 =	vadd.s32 $0x1248, v19;
	s8 =	sor.u32 s18, s21;
	[tilespmem:s25+$0xB080] =	vst v21;
	v33 =	vld.idx.msk [tilespmem:v24+s3+$0x0], $0xffff  }
0x1ab: {  	s5 =	sor.u32 s7, s13;
	v5 =	vadd.s32 $0x1E78, v5;
	s21 =	sor.u32 s17, s6;
	v14 =	vadd.s32 $0x1658, v28;
	s14 =	sor.u32 s7, s6;
	[tilespmem:s8+$0x0] =	vst v11;
	v16 =	vadd.s32 $0x1450, v28;
	v34 =	vld.idx.msk [tilespmem:v20+s3+$0x0], $0xffff  }
0x1ac: {  	v11 =	vadd.s32 $0x1860, v28;
	v15 =	vadd.s32 $0x1450, v19;
	v18 =	vadd.s32 $0x1248, v28;
	s20 =	sor.u32 s17, s13;
	s25 =	sor.u32 s17, s4;
	s17 =	sor.u32 $0x280, s15;
	[tilespmem:s1+$0x0] =	vst v13;
	v30 =	vld.idx.msk [tilespmem:v10+s3+$0x0], $0xffff  }
0x1ad: {  	s6 =	sor.u32 s18, s6;
	s8 =	sor.u32 $0x280, s30;
	s23 =	sor.u32 s7, s4;
	v21 =	vadd.s32 $0x1040, v28;
	v9 =	vadd.s32 $0x1A68, v19;
	v24 =	vadd.s32 $0x1C70, v19;
	[tilespmem:s17+$0xB080] =	vst v12;
	v31 =	vld.idx.msk [tilespmem:v22+s3+$0x0], $0xffff  }
0x1ae: {  	s4 =	sor.u32 $0x300, s24;
	v13 =	vadd.s32 $0x1658, v19;
	s1 =	sor.u32 s18, s13;
	s13 =	sor.u32 $0x300, s22;
	v20 =	vadd.s32 $0x1E78, v19;
	v10 =	vadd.s32 $0x1A68, v28;
	[tilespmem:s26+$0xB080] =	vst v62;
	v32 =	vld.idx.msk [tilespmem:v63+s3+$0x0], $0xffff  }
0x1af: {  	s22 =	sor.u32 $0x380, s22;
	v12 =	vadd.s32 $0x1860, v19;
	v19 =	vadd.s32 $0x1E78, v28;
	v22 =	vadd.s32 $0x1C70, v28;
	s26 =	sor.u32 $0x380, s24;
	s24 =	sor.u32 $0x380, s30;
	[tilespmem:s19+$0x0] =	vst v37;
	v28 =	vld.idx.msk [tilespmem:v36+s3+$0x0], $0xffff  }
.LBB2_8:
0x1b0: {  	[tilespmem:s14+$0x0] =	vst v29  }
0x1b1: {  	v36 =	vld [tilespmem:s16+$0x0];
	v55 =	vadd.s32 $0xE38, v4;
	[tilespmem:s8+$0xB080] =	vst v33  }
0x1b2: {  	v29 =	vld.idx.msk [tilespmem:v7+s3+$0x0], $0xffff;
	[tilespmem:s29+$0xB080] =	vst v34  }
0x1b3: {  	v56 =	vadd.s32 $0x1C70, v2;
	s14 =	sor.u32 $0x300, s15;
	v27 =	vld.idx.msk [tilespmem:v27+s3+$0x0], $0xffff;
	[tilespmem:s6+$0x0] =	vst v30  }
0x1b4: {  	v34 =	vld.idx.msk [tilespmem:v35+s3+$0x0], $0xffff;
	[tilespmem:s14+$0xB080] =	vst v32  }
0x1b5: {  	[tilespmem:s4+$0xB080] =	vst v28;
	v30 =	vld.idx.msk [tilespmem:v8+s3+$0x0], $0xffff  }
0x1b6: {  	v7 =	vmov v24;
	v24 =	vadd.s32 $0xE38, v3;
	[tilespmem:s21+$0x0] =	vst v31;
	v8 =	vmov v22;
	v22 =	vld.idx.msk [tilespmem:v55+s3+$0x0], $0xffff  }
0x1b7: {  	v26 =	vld.idx.msk [tilespmem:v26+s3+$0x0], $0xffff;
	[tilespmem:s23+$0x0] =	vst v29  }
0x1b8: {  	v28 =	vld.idx.msk [tilespmem:v56+s3+$0x0], $0xffff;
	[tilespmem:s31+$0xB080] =	vst v27  }
0x1b9: {  	v27 =	vadd.s32 $0x1040, v4;
	v57 =	vld.idx.msk [tilespmem:v6+s3+$0x0], $0xffff;
	[tilespmem:s13+$0xB080] =	vst v34  }
0x1ba: {  	s15 =	sor.u32 $0x380, s15;
	s19 =	rddreg [dreg:$0xa];
	v25 =	vld.idx.msk [tilespmem:v25+s3+$0x0], $0xffff;
	[tilespmem:s28+$0x0] =	vst v30  }
0x1bb: {  	v31 =	vadd.s32 $0x1E78, v2;
	s4 =	sadd.s32 $0x40, s19;
	v24 =	vld.idx.msk [tilespmem:v24+s3+$0x0], $0xffff;
	[tilespmem:s15+$0xB080] =	vst v22  }
0x1bc: {  	s19 =	sand.u32 $0x40, s4;
	[dreg:$0xa] =	wrdreg s4;
	s4 =	sand.u32 $0x780, s4;
	v6 =	vmov v20;
	[tilespmem:s26+$0xB080] =	vst v26;
	v20 =	vld.idx.msk [tilespmem:v5+s3+$0x0], $0xffff  }
0x1bd: {  	s4 =	sadd.s32 $0x2880, s4;
	s14 =	sor.u32 $0x30, s19;
	[tilespmem:s25+$0x0] =	vst v28;
	v22 =	vld.idx.msk [tilespmem:v23+s3+$0x0], $0xffff  }
0x1be: {  	s18 =	smov.u32 s10;
	s10 =	rddreg [dreg:$0x4];
	s21 =	sor.u32 s14, s4;
	v5 =	vmov v19;
	v19 =	vld.idx.msk [tilespmem:v27+s3+$0x0], $0xffff;
	[tilespmem:s5+$0x0] =	vst v57  }
0x1bf: {  	s7 =	smov.u32 s10;
	v2 =	vmov v3;
	s10 =	sor.u32 $0x10, s19;
	v23 =	vadd.s32 $0x1248, v4;
	v29 =	vld [tilespmem:s21+$0x0];
	[tilespmem:s24+$0xB080] =	vst v25  }
0x1c0: {  	s23 =	sor.u32 s10, s4;
	v25 =	vld.idx.msk [tilespmem:v31+s3+$0x0], $0xffff;
	[tilespmem:s22+$0xB080] =	vst v24;
	v24 =	vadd.s32 $0x1040, v2  }
0x1c1: {  	s17 =	smov.u32 s9;
	s9 =	sor.u32 $0x20, s19;
	s24 =	sadd.s32 $0xF080, s2;
	v38 =	vld [tilespmem:s23+$0x0]  }
0x1c2: {  	s4 =	sor.u32 s9, s4;
	v21 =	vld.idx.msk [tilespmem:v21+s3+$0x0], $0xffff;
	s30 =	sor.u32 s17, s24;
	[tilespmem:s1+$0x0] =	vst v20  }
0x1c3: {  	v39 =	vld [tilespmem:s4+$0x0];
	[tilespmem:s30+$0x0] =	vst v19  }
0x1c4: {  	v3 =	vmov v36;
	s26 =	sor.u32 s18, s24;
	v19 =	vld.idx.msk [tilespmem:v23+s3+$0x0], $0xffff  }
0x1c5: {  	[tilespmem:s26+$0x0] =	vst v22;
	v20 =	vld.idx.msk [tilespmem:v24+s3+$0x0], $0xffff  }
0x1c6: {  	s6 =	sor.u32 s7, s24;
	v24 =	vld.idx.msk [tilespmem:v17+s3+$0x0], $0xffff;
	v17 =	vadd.s32 $0x1450, v4  }
0x1c7: {  	[tilespmem:s6+$0x0] =	vst v21;
	v47 =	vld.idx.msk [tilespmem:v29+s3+$0x0], $0xffff  }
0x1c8: {  	s15 =	sadd.s32 $0xF100, s2;
	v22 =	vadd.s32 $0x1248, v2;
	[tilespmem:s20+$0x0] =	vst v25;
	v58 =	vld.idx.msk [tilespmem:v18+s3+$0x0], $0xffff  }
0x1c9: {  	s23 =	sor.u32 s17, s15;
	v44 =	vld.idx.msk [tilespmem:v3+s3+$0x0], $0xffff  }
0x1ca: {  	v48 =	vld.idx.msk [tilespmem:v38+s3+$0x0], $0xffff;
	[tilespmem:s23+$0x0] =	vst v19  }
0x1cb: {  	s11 =	sadd.s32 $0x200, s11;
	s25 =	sor.u32 s0, s24;
	v19 =	vadd.s32 $0x208, v29;
	v49 =	vld.idx.msk [tilespmem:v17+s3+$0x0], $0xffff  }
0x1cc: {  	s22 =	sor.u32 s18, s15;
	s1 =	sand.u32 $0x3C00, s11;
	v42 =	vadd.s32 $0x208, v38;
	[tilespmem:s25+$0x0] =	vst v20;
	v50 =	vld.idx.msk [tilespmem:v39+s3+$0x0], $0xffff  }
0x1cd: {  	v41 =	vadd.s32 $0x208, v3;
	s24 =	sor.u32 s7, s15;
	[tilespmem:s22+$0x0] =	vst v24;
	s25 =	sadd.s32 $0xB080, s1;
	v51 =	vld.idx.msk [tilespmem:v22+s3+$0x0], $0xffff  }
0x1ce: {  	v52 =	vadd.s32 $0x1658, v4;
	[tilespmem:s24+$0x0] =	vst v58;
	s13 =	sor.u32 s14, s25;
	v55 =	vld.idx.msk [tilespmem:v15+s3+$0x0], $0xffff  }
0x1cf: {  	v45 =	vadd.s32 $0x208, v39;
	s6 =	sor.u32 s10, s25;
	[tilespmem:s13+$0x0] =	vst v47;
	v47 =	vld.idx.msk [tilespmem:v16+s3+$0x0], $0xffff  }
0x1d0: {  	v40 =	vadd.s32 $0x1450, v2;
	s26 =	sadd.s32 $0xF180, s2;
	s5 =	sor.u32 s19, s25;
	[tilespmem:s6+$0x0] =	vst v48;
	v59 =	vld.idx.msk [tilespmem:v19+s3+$0x0], $0xffff  }
0x1d1: {  	s22 =	sor.u32 s17, s26;
	[tilespmem:s5+$0x0] =	vst v44;
	v42 =	vld.idx.msk [tilespmem:v42+s3+$0x0], $0xffff  }
0x1d2: {  	v63 =	vadd.s32 $0x1860, v4;
	v60 =	vadd.s32 $0x410, v29;
	v43 =	vadd.s32 $0x410, v38;
	s20 =	sor.u32 s0, s15;
	s15 =	sor.u32 s9, s25;
	v41 =	vld.idx.msk [tilespmem:v41+s3+$0x0], $0xffff;
	[tilespmem:s22+$0x0] =	vst v49  }
0x1d3: {  	v37 =	vadd.s32 $0x618, v38;
	v34 =	vadd.s32 $0x820, v38;
	v31 =	vadd.s32 $0xA28, v38;
	[tilespmem:s15+$0x0] =	vst v50;
	v61 =	vld.idx.msk [tilespmem:v52+s3+$0x0], $0xffff  }
0x1d4: {  	[dreg:$0x4] =	wrdreg s9;
	v28 =	vadd.s32 $0xC30, v38;
	v26 =	vadd.s32 $0xE38, v38;
	s9 =	sor.u32 s18, s26;
	v62 =	vld.idx.msk [tilespmem:v45+s3+$0x0], $0xffff;
	[tilespmem:s20+$0x0] =	vst v51;
	v52 =	vadd.s32 $0x410, v3  }
0x1d5: {  	v23 =	vadd.s32 $0x1040, v38;
	v53 =	vadd.s32 $0x1658, v38;
	v56 =	vadd.s32 $0x1860, v38;
	[tilespmem:s9+$0x0] =	vst v55;
	v40 =	vld.idx.msk [tilespmem:v40+s3+$0x0], $0xffff  }
0x1d6: {  	v35 =	vadd.s32 $0x1A68, v38;
	v46 =	vadd.s32 $0x410, v39;
	v20 =	vadd.s32 $0x1450, v38;
	v48 =	vld.idx.msk [tilespmem:v13+s3+$0x0], $0xffff;
	[tilespmem:s13+$0x80] =	vst v59  }
0x1d7: {  	s23 =	sadd.s32 $0xF200, s2;
	v17 =	vadd.s32 $0x1248, v38;
	v24 =	vadd.s32 $0x1C70, v38;
	v15 =	vmovc v20;
	v20 =	vadd.s32 $0x1E78, v38;
	[tilespmem:s6+$0x80] =	vst v42;
	v38 =	vld.idx.msk [tilespmem:v60+s3+$0x0], $0xffff  }
0x1d8: {  	s25 =	sor.u32 s17, s23;
	v13 =	vmov v53;
	v53 =	vadd.s32 $0x1658, v2;
	[tilespmem:s5+$0x80] =	vst v41;
	v42 =	vld.idx.msk [tilespmem:v43+s3+$0x0], $0xffff  }
0x1d9: {  	v55 =	vadd.s32 $0x618, v29;
	[tilespmem:s25+$0x0] =	vst v61;
	v60 =	vld.idx.msk [tilespmem:v52+s3+$0x0], $0xffff  }
0x1da: {  	s8 =	sor.u32 s7, s26;
	v36 =	vadd.s32 $0x618, v39;
	v33 =	vadd.s32 $0x820, v39;
	v30 =	vadd.s32 $0xA28, v39;
	[tilespmem:s15+$0x80] =	vst v62;
	v58 =	vld.idx.msk [tilespmem:v63+s3+$0x0], $0xffff  }
0x1db: {  	s30 =	sor.u32 s0, s26;
	v27 =	vadd.s32 $0xC30, v39;
	v25 =	vadd.s32 $0xE38, v39;
	v21 =	vadd.s32 $0x1040, v39;
	v59 =	vld.idx.msk [tilespmem:v46+s3+$0x0], $0xffff;
	[tilespmem:s8+$0x0] =	vst v47  }
0x1dc: {  	v18 =	vadd.s32 $0x1248, v39;
	v54 =	vadd.s32 $0x1658, v39;
	[tilespmem:s30+$0x0] =	vst v40;
	v63 =	vadd.s32 $0x618, v3;
	v62 =	vld.idx.msk [tilespmem:v14+s3+$0x0], $0xffff  }
0x1dd: {  	v57 =	vadd.s32 $0x1860, v39;
	v22 =	vadd.s32 $0x1450, v39;
	v61 =	vadd.s32 $0x1A68, v4;
	v49 =	vld.idx.msk [tilespmem:v53+s3+$0x0], $0xffff;
	[tilespmem:s13+$0x100] =	vst v38  }
0x1de: {  	v32 =	vadd.s32 $0x1A68, v39;
	s24 =	sor.u32 s18, s23;
	v16 =	vmovc v22;
	v22 =	vadd.s32 $0x1C70, v39;
	v19 =	vadd.s32 $0x1E78, v39;
	[tilespmem:s6+$0x100] =	vst v42;
	v39 =	vld.idx.msk [tilespmem:v55+s3+$0x0], $0xffff  }
0x1df: {  	s30 =	sadd.s32 $0xF280, s2;
	v37 =	vld.idx.msk [tilespmem:v37+s3+$0x0], $0xffff;
	[tilespmem:s24+$0x0] =	vst v48  }
0x1e0: {  	v50 =	vadd.s32 $0x820, v29;
	v14 =	vmov v54;
	s9 =	sor.u32 s17, s30;
	[tilespmem:s5+$0x100] =	vst v60;
	v54 =	vld.idx.msk [tilespmem:v12+s3+$0x0], $0xffff  }
0x1e1: {  	[tilespmem:s9+$0x0] =	vst v58;
	v52 =	vld.idx.msk [tilespmem:v63+s3+$0x0], $0xffff  }
0x1e2: {  	s26 =	sor.u32 s7, s23;
	[tilespmem:s15+$0x100] =	vst v59;
	v51 =	vld.idx.msk [tilespmem:v61+s3+$0x0], $0xffff  }
0x1e3: {  	v55 =	vadd.s32 $0x820, v3;
	v36 =	vld.idx.msk [tilespmem:v36+s3+$0x0], $0xffff;
	[tilespmem:s26+$0x0] =	vst v62  }
0x1e4: {  	p1 =	por !p1, !p1;
	v53 =	vadd.s32 $0x1C70, v4;
	v12 =	vmov v56;
	v56 =	vld.idx.msk [tilespmem:v11+s3+$0x0], $0xffff;
	[tilespmem:s13+$0x180] =	vst v39  }
0x1e5: {  	s4 =	sor.u32 s0, s23;
	s23 =	simm.s32 $0x1;
	s8 =	sor.u32 s18, s30;
	v11 =	vmov v57;
	[tilespmem:s6+$0x180] =	vst v37;
	v57 =	vld.idx.msk [tilespmem:v50+s3+$0x0], $0xffff  }
0x1e6: {  	[dreg:$0x15] =	wrdreg s14;
	s23 =	simm.s32 @!p1 $0x0;
	s22 =	sadd.s32 $0xF300, s2;
	v58 =	vadd.s32 $0x1860, v2;
	v34 =	vld.idx.msk [tilespmem:v34+s3+$0x0], $0xffff;
	[tilespmem:s8+$0x0] =	vst v54  }
0x1e7: {  	s21 =	sor.u32 s0, s22;
	s25 =	sshll.u32 s23, $0x6;
	s24 =	sor.u32 s17, s22;
	v60 =	vadd.s32 $0x1E78, v4;
	v4 =	vmov v29;
	v59 =	vadd.s32 $0xA28, v29;
	[tilespmem:s5+$0x180] =	vst v52;
	v29 =	vld.idx.msk [tilespmem:v9+s3+$0x0], $0xffff  }
0x1e8: {  	s14 =	sor.u32 s18, s22;
	s6 =	sor.u32 s7, s22;
	s22 =	sadd.s32 s25, s11;
	[tilespmem:s24+$0x0] =	vst v51;
	v40 =	vld.idx.msk [tilespmem:v55+s3+$0x0], $0xffff  }
0x1e9: {  	s12 =	sadd.s32 $0x4, s12;
	s16 =	sadd.s32 $0x40, s16;
	v61 =	vadd.s32 $0xA28, v3;
	[tilespmem:s15+$0x180] =	vst v36;
	s15 =	sadd.s32 $0x30, s22;
	v42 =	vld.idx.msk [tilespmem:v53+s3+$0x0], $0xffff  }
0x1ea: {  	p2 =	slt.u32 s12, $0x7C;
	s5 =	sadd.s32 $0x10, s22;
	[tilespmem:s4+$0x0] =	vst v49;
	v33 =	vld.idx.msk [tilespmem:v33+s3+$0x0], $0xffff;
	s26 =	sor.u32 $0x200, s15  }
0x1eb: {  	s28 =	sadd.s32 $0xF380, s2;
	s20 =	sor.u32 s0, s30;
	s4 =	sor.u32 $0x200, s5;
	v41 =	vld.idx.msk [tilespmem:v58+s3+$0x0], $0xffff;
	[tilespmem:s26+$0xB080] =	vst v57  }
0x1ec: {  	s30 =	sor.u32 s7, s30;
	s23 =	sadd.s32 $0x20, s22;
	s25 =	sor.u32 $0x200, s22;
	[tilespmem:s4+$0xB080] =	vst v34;
	v36 =	vld.idx.msk [tilespmem:v59+s3+$0x0], $0xffff  }
0x1ed: {  	s29 =	sor.u32 $0x280, s22;
	s13 =	sor.u32 $0x300, s22;
	s26 =	sor.u32 s17, s28;
	v62 =	vld.idx.msk [tilespmem:v31+s3+$0x0], $0xffff;
	v31 =	vadd.s32 $0x1A68, v2;
	[tilespmem:s25+$0xB080] =	vst v40  }
0x1ee: {  	v63 =	vadd.s32 $0xC30, v4;
	s8 =	sor.u32 $0x280, s23;
	s31 =	sor.u32 $0x300, s23;
	s24 =	sor.u32 $0x200, s23;
	[tilespmem:s26+$0x0] =	vst v42;
	v34 =	vld.idx.msk [tilespmem:v61+s3+$0x0], $0xffff  }
0x1ef: {  	s9 =	sor.u32 $0x280, s5;
	s22 =	sor.u32 $0x380, s22;
	s4 =	sor.u32 $0x300, s5;
	[tilespmem:s24+$0xB080] =	vst v33;
	v38 =	vld.idx.msk [tilespmem:v60+s3+$0x0], $0xffff  }
.Ltmp3:
0x1f0: {  	s25 =	sor.u32 s0, s28;
	s26 =	sor.u32 $0x380, s5;
	v33 =	vld.idx.msk [tilespmem:v30+s3+$0x0], $0xffff;
	[tilespmem:s30+$0x0] =	vst v56;
	(pc) =	sbr.rel @p2 .LBB2_8-.Ltmp3, $4  }
0x1f1: {  	s24 =	sor.u32 $0x380, s23;
	s23 =	sor.u32 s18, s28;
	[tilespmem:s20+$0x0] =	vst v41;
	s30 =	sor.u32 $0x280, s15;
	v30 =	vld.idx.msk [tilespmem:v10+s3+$0x0], $0xffff  }
0x1f2: {  	s28 =	sor.u32 s7, s28;
	[tilespmem:s30+$0xB080] =	vst v36;
	v31 =	vld.idx.msk [tilespmem:v31+s3+$0x0], $0xffff;
	s30 =	sadd.s32 $0xF400, s2;
	s2 =	smov.u32 s1  }
0x1f3: {  	v10 =	vmov v32;
	[tilespmem:s9+$0xB080] =	vst v62;
	s9 =	rddreg [dreg:$0x15];
	v32 =	vld.idx.msk [tilespmem:v63+s3+$0x0], $0xffff;
	s5 =	sor.u32 s18, s30;
	s18 =	sor.u32 s17, s30  }
0x1f4: {  	v9 =	vmov v35;
	v35 =	vadd.s32 $0xC30, v3;
	s20 =	sor.u32 s0, s30;
	v28 =	vld.idx.msk [tilespmem:v28+s3+$0x0], $0xffff;
	s1 =	sor.u32 s7, s30;
	s0 =	smov.u32 s19;
	[tilespmem:s18+$0x0] =	vst v38  }
0x1f5: {  	_ =	sdelay $0x1  }
0x1f6: {  	v57 =	vadd.s32 $0xE38, v4  }
0x1f7: {  	[tilespmem:s29+$0xB080] =	vst v34  }
0x1f8: {  	[tilespmem:s8+$0xB080] =	vst v33;
	v34 =	vld.idx.msk [tilespmem:v35+s3+$0x0], $0xffff  }
0x1f9: {  	s7 =	sor.u32 $0x300, s15;
	v58 =	vadd.s32 $0xE38, v3;
	v27 =	vld.idx.msk [tilespmem:v27+s3+$0x0], $0xffff  }
0x1fa: {  	[tilespmem:s7+$0xB080] =	vst v32  }
0x1fb: {  	[tilespmem:s4+$0xB080] =	vst v28;
	v59 =	vld.idx.msk [tilespmem:v57+s3+$0x0], $0xffff  }
0x1fc: {  	v60 =	vadd.s32 $0x1040, v4;
	v26 =	vld.idx.msk [tilespmem:v26+s3+$0x0], $0xffff  }
0x1fd: {  	[tilespmem:s13+$0xB080] =	vst v34  }
0x1fe: {  	[tilespmem:s31+$0xB080] =	vst v27;
	v61 =	vld.idx.msk [tilespmem:v58+s3+$0x0], $0xffff  }
0x1ff: {  	s19 =	sor.u32 $0x380, s15;
	v62 =	vadd.s32 $0x1040, v3;
	v25 =	vld.idx.msk [tilespmem:v25+s3+$0x0], $0xffff  }
0x200: {  	[tilespmem:s19+$0xB080] =	vst v59  }
0x201: {  	[tilespmem:s26+$0xB080] =	vst v26;
	v63 =	vld.idx.msk [tilespmem:v60+s3+$0x0], $0xffff  }
0x202: {  	v23 =	vld.idx.msk [tilespmem:v23+s3+$0x0], $0xffff  }
0x203: {  	v34 =	vadd.s32 $0x1248, v4;
	[tilespmem:s22+$0xB080] =	vst v61  }
0x204: {  	s26 =	sadd.s32 $0xF080, s2;
	[tilespmem:s24+$0xB080] =	vst v25;
	v35 =	vld.idx.msk [tilespmem:v62+s3+$0x0], $0xffff  }
0x205: {  	v36 =	vadd.s32 $0x1248, v3;
	s29 =	sor.u32 s9, s26;
	v21 =	vld.idx.msk [tilespmem:v21+s3+$0x0], $0xffff  }
0x206: {  	s30 =	sor.u32 s10, s26;
	[tilespmem:s29+$0x0] =	vst v63  }
0x207: {  	[tilespmem:s30+$0x0] =	vst v23  }
0x208: {  	s4 =	sor.u32 s0, s26;
	s8 =	rddreg [dreg:$0x4];
	v37 =	vld.idx.msk [tilespmem:v34+s3+$0x0], $0xffff  }
0x209: {  	v38 =	vadd.s32 $0x1450, v4;
	v17 =	vld.idx.msk [tilespmem:v17+s3+$0x0], $0xffff;
	s31 =	sor.u32 s8, s26;
	[tilespmem:s4+$0x0] =	vst v35  }
0x20a: {  	[tilespmem:s31+$0x0] =	vst v21;
	v39 =	vld.idx.msk [tilespmem:v36+s3+$0x0], $0xffff  }
0x20b: {  	s11 =	sadd.s32 $0xF100, s2;
	v40 =	vadd.s32 $0x1450, v3;
	v18 =	vld.idx.msk [tilespmem:v18+s3+$0x0], $0xffff  }
0x20c: {  	s12 =	sor.u32 s9, s11  }
0x20d: {  	s13 =	sor.u32 s10, s11;
	[tilespmem:s12+$0x0] =	vst v37  }
0x20e: {  	s4 =	sor.u32 s0, s11;
	[tilespmem:s13+$0x0] =	vst v17;
	v41 =	vld.idx.msk [tilespmem:v38+s3+$0x0], $0xffff  }
0x20f: {  	v42 =	vadd.s32 $0x1658, v4;
	s15 =	sor.u32 s8, s11;
	v15 =	vld.idx.msk [tilespmem:v15+s3+$0x0], $0xffff;
	[tilespmem:s4+$0x0] =	vst v39  }
0x210: {  	[tilespmem:s15+$0x0] =	vst v18;
	v43 =	vld.idx.msk [tilespmem:v40+s3+$0x0], $0xffff  }
0x211: {  	s16 =	sadd.s32 $0xF180, s2;
	v44 =	vadd.s32 $0x1658, v3;
	v16 =	vld.idx.msk [tilespmem:v16+s3+$0x0], $0xffff  }
0x212: {  	s17 =	sor.u32 s9, s16  }
0x213: {  	s18 =	sor.u32 s10, s16;
	[tilespmem:s17+$0x0] =	vst v41  }
0x214: {  	s4 =	sor.u32 s0, s16;
	[tilespmem:s18+$0x0] =	vst v15;
	v45 =	vld.idx.msk [tilespmem:v42+s3+$0x0], $0xffff  }
0x215: {  	v46 =	vadd.s32 $0x1860, v4;
	s19 =	sor.u32 s8, s16;
	v13 =	vld.idx.msk [tilespmem:v13+s3+$0x0], $0xffff;
	[tilespmem:s4+$0x0] =	vst v43  }
0x216: {  	[tilespmem:s19+$0x0] =	vst v16;
	v47 =	vld.idx.msk [tilespmem:v44+s3+$0x0], $0xffff  }
0x217: {  	v48 =	vadd.s32 $0x1860, v3;
	s22 =	sadd.s32 $0xF200, s2;
	v14 =	vld.idx.msk [tilespmem:v14+s3+$0x0], $0xffff  }
0x218: {  	s24 =	sor.u32 s9, s22;
	[tilespmem:s14+$0x0] =	vst v29  }
0x219: {  	s26 =	sor.u32 s10, s22;
	[tilespmem:s24+$0x0] =	vst v45  }
0x21a: {  	s4 =	sor.u32 s0, s22;
	[tilespmem:s26+$0x0] =	vst v13;
	v49 =	vld.idx.msk [tilespmem:v46+s3+$0x0], $0xffff  }
0x21b: {  	v50 =	vadd.s32 $0x1A68, v4;
	s29 =	sor.u32 s8, s22;
	v12 =	vld.idx.msk [tilespmem:v12+s3+$0x0], $0xffff;
	[tilespmem:s4+$0x0] =	vst v47  }
0x21c: {  	[tilespmem:s29+$0x0] =	vst v14;
	v51 =	vld.idx.msk [tilespmem:v48+s3+$0x0], $0xffff  }
0x21d: {  	v52 =	vadd.s32 $0x1A68, v3;
	s30 =	sadd.s32 $0xF280, s2;
	[tilespmem:s6+$0x0] =	vst v30;
	v11 =	vld.idx.msk [tilespmem:v11+s3+$0x0], $0xffff  }
0x21e: {  	[tilespmem:s21+$0x0] =	vst v31;
	v7 =	vld.idx.msk [tilespmem:v7+s3+$0x0], $0xffff;
	s31 =	sor.u32 s9, s30  }
0x21f: {  	v53 =	vadd.s32 $0x1C70, v2;
	s7 =	sor.u32 s10, s30;
	v8 =	vld.idx.msk [tilespmem:v8+s3+$0x0], $0xffff;
	[tilespmem:s31+$0x0] =	vst v49  }
0x220: {  	s4 =	sor.u32 s0, s30;
	[tilespmem:s7+$0x0] =	vst v12;
	v54 =	vld.idx.msk [tilespmem:v50+s3+$0x0], $0xffff  }
0x221: {  	v55 =	vadd.s32 $0x1C70, v4;
	s11 =	sor.u32 s8, s30;
	v9 =	vld.idx.msk [tilespmem:v9+s3+$0x0], $0xffff;
	[tilespmem:s4+$0x0] =	vst v51  }
0x222: {  	[tilespmem:s11+$0x0] =	vst v11;
	v56 =	vld.idx.msk [tilespmem:v52+s3+$0x0], $0xffff  }
0x223: {  	v58 =	vadd.s32 $0x1C70, v3;
	s12 =	sadd.s32 $0xF300, s2;
	[tilespmem:s23+$0x0] =	vst v7;
	v10 =	vld.idx.msk [tilespmem:v10+s3+$0x0], $0xffff  }
0x224: {  	v57 =	vld.idx.msk [tilespmem:v53+s3+$0x0], $0xffff;
	[tilespmem:s28+$0x0] =	vst v8;
	s13 =	sor.u32 s9, s12  }
0x225: {  	s14 =	sor.u32 s10, s12;
	v6 =	vld.idx.msk [tilespmem:v6+s3+$0x0], $0xffff;
	[tilespmem:s13+$0x0] =	vst v54  }
0x226: {  	v2 =	vadd.s32 $0x1E78, v2;
	s4 =	sor.u32 s0, s12;
	[tilespmem:s14+$0x0] =	vst v9;
	v59 =	vld.idx.msk [tilespmem:v55+s3+$0x0], $0xffff  }
0x227: {  	v60 =	vadd.s32 $0x1E78, v4;
	s15 =	sor.u32 s8, s12;
	v61 =	vld.idx.msk [tilespmem:v24+s3+$0x0], $0xffff;
	[tilespmem:s4+$0x0] =	vst v56  }
0x228: {  	[tilespmem:s15+$0x0] =	vst v10;
	v8 =	vld.idx.msk [tilespmem:v58+s3+$0x0], $0xffff  }
0x229: {  	v3 =	vadd.s32 $0x1E78, v3;
	[tilespmem:s25+$0x0] =	vst v57;
	s16 =	sadd.s32 $0xF380, s2;
	v62 =	vld.idx.msk [tilespmem:v22+s3+$0x0], $0xffff  }
0x22a: {  	v5 =	vld.idx.msk [tilespmem:v5+s3+$0x0], $0xffff;
	s17 =	sor.u32 s9, s16;
	[tilespmem:s5+$0x0] =	vst v6  }
0x22b: {  	v2 =	vld.idx.msk [tilespmem:v2+s3+$0x0], $0xffff;
	s18 =	sor.u32 s10, s16;
	[tilespmem:s17+$0x0] =	vst v59  }
0x22c: {  	s4 =	sor.u32 s0, s16;
	[tilespmem:s18+$0x0] =	vst v61;
	v4 =	vld.idx.msk [tilespmem:v60+s3+$0x0], $0xffff  }
0x22d: {  	s19 =	sor.u32 s8, s16;
	v63 =	vld.idx.msk [tilespmem:v20+s3+$0x0], $0xffff;
	[tilespmem:s4+$0x0] =	vst v8  }
0x22e: {  	[tilespmem:s19+$0x0] =	vst v62;
	v3 =	vld.idx.msk [tilespmem:v3+s3+$0x0], $0xffff  }
0x22f: {  	s21 =	sadd.s32 $0xF400, s2;
	[tilespmem:s1+$0x0] =	vst v5;
	v7 =	vld.idx.msk [tilespmem:v19+s3+$0x0], $0xffff  }
0x230: {  	s2 =	sor.u32 s9, s21;
	[tilespmem:s20+$0x0] =	vst v2  }
0x231: {  	s22 =	sor.u32 s10, s21;
	[tilespmem:s2+$0x0] =	vst v4  }
0x232: {  	s24 =	sor.u32 s0, s21;
	[tilespmem:s22+$0x0] =	vst v63  }
0x233: {  	s23 =	sor.u32 s8, s21;
	[tilespmem:s24+$0x0] =	vst v3  }
0x234: {  	[tilespmem:s23+$0x0] =	vst v7  }
0x235: {  	s0 =	sld [smem:$0x7F6]  }
0x236: {  	s25 =	simm.s32 $0x4000;
	s28 =	simm.s32 $0xB080  }
0x237: {  	s26 =	simm.s32 $0x200000;
	s31 =	simm.s32 $0x1;
	s29 =	sld [smem:$0x7F7]  }
0x238: {  	[hbm4b:s0+s25] =	stream.strided.scatter [tilespmem:s28], [sflag:$0x4], $0x8000, s26, s25, $0x38;
	[tilespmem:$0x13080] =	vst v63  }
0x239: {  	s30 =	simm.s32 $0x2880;
	[smem:$0x7F3] =	sst s31  }
0x23a: {  	[tilespmem:s30], [sflag:$0x2] =	stream.linear.gather [hbm4b:s29+s3], $0x800, $0x38;
	[tilespmem:$0x13080] =	vst v63  }
.LBB2_10:
0x23b: {  	s0 =	simm.s32 $0x1  }
0x23c: {  	_ =	swait.ge [sflag:s0], $0x800  }
0x23d: {  	[sflag:s0] =	ssyncset.done $0x0  }
0x23e: {  	s21 =	simm.s32 $0x3;
	[sflag:s0] =	ssyncadd.s32 $0xFFFFF800  }
0x23f: {  	_ =	swait.ge [sflag:s21], $0x8000  }
0x240: {  	[sflag:s21] =	ssyncset.done $0x0  }
0x241: {  	[sflag:s21] =	ssyncadd.s32 $0xFFFF8000  }
0x242: {  	v2 =	vld [tilespmem:$0x2080]  }
0x243: {  	v3 =	vld [tilespmem:$0x2280]  }
0x244: {  	v4 =	vld [tilespmem:$0x2480]  }
0x245: {  	v5 =	vld [tilespmem:$0x2680]  }
0x246: {  	vm0 =	veq.s32 v0, $0x0  }
0x247: {  	v2 =	vsel vm0, $0x201, v2  }
0x248: {  	s22 =	simm.s32 $0x0;
	[tilespmem:$0x2080] =	vst v2;
	v2 =	vsel vm0, $0x201, v3  }
0x249: {  	s18 =	sand.u32 $0x40, s22;
	s1 =	sand.u32 $0x780, s22;
	[tilespmem:$0x2280] =	vst v2;
	v2 =	vsel vm0, $0x201, v4  }
0x24a: {  	s1 =	sadd.s32 $0x2080, s1;
	s17 =	sor.u32 $0x30, s18;
	[tilespmem:$0x2480] =	vst v2;
	v2 =	vsel vm0, $0x201, v5  }
0x24b: {  	s19 =	sor.u32 $0x10, s18;
	s2 =	sor.u32 s17, s1;
	[tilespmem:$0x2680] =	vst v2  }
0x24c: {  	s4 =	sor.u32 s19, s1;
	v7 =	vld [tilespmem:s2+$0x0]  }
0x24d: {  	s7 =	sor.u32 $0x20, s18;
	v6 =	vld [tilespmem:s4+$0x0]  }
0x24e: {  	s1 =	sor.u32 s7, s1  }
0x24f: {  	v5 =	vld [tilespmem:s1+$0x0]  }
0x250: {  	s23 =	simm.s32 $0x2080  }
0x251: {  	v2 =	vld [tilespmem:s23+$0x0];
	_ =	sdelay $0x2  }
0x252: {  	v3 =	vld.idx.msk [tilespmem:v7+s3+$0x0], $0xffff  }
0x253: {  	v8 =	vadd.s32 $0x208, v7;
	v4 =	vld.idx.msk [tilespmem:v6+s3+$0x0], $0xffff  }
0x254: {  	s31 =	sand.u32 $0x3C00, s22;
	v9 =	vadd.s32 $0x208, v6  }
0x255: {  	s0 =	sadd.s32 $0x3080, s31;
	v10 =	vld.idx.msk [tilespmem:v5+s3+$0x0], $0xffff  }
0x256: {  	s24 =	sor.u32 s17, s0;
	v11 =	vadd.s32 $0x208, v5  }
0x257: {  	s25 =	sor.u32 s19, s0;
	v12 =	vld.idx.msk [tilespmem:v2+s3+$0x0], $0xffff;
	[tilespmem:s24+$0x0] =	vst v3  }
0x258: {  	v3 =	vadd.s32 $0x208, v2;
	[tilespmem:s25+$0x0] =	vst v4;
	v4 =	vld.idx.msk [tilespmem:v8+s3+$0x0], $0xffff  }
0x259: {  	s26 =	sor.u32 s7, s0;
	v8 =	vld.idx.msk [tilespmem:v9+s3+$0x0], $0xffff;
	v9 =	vadd.s32 $0x410, v7  }
0x25a: {  	[tilespmem:s26+$0x0] =	vst v10;
	v10 =	vadd.s32 $0x410, v6  }
0x25b: {  	s5 =	sor.u32 s18, s0;
	v11 =	vld.idx.msk [tilespmem:v11+s3+$0x0], $0xffff  }
0x25c: {  	[tilespmem:s5+$0x0] =	vst v12  }
0x25d: {  	v13 =	vadd.s32 $0x410, v5;
	v3 =	vld.idx.msk [tilespmem:v3+s3+$0x0], $0xffff;
	[tilespmem:s24+$0x80] =	vst v4  }
0x25e: {  	v4 =	vadd.s32 $0x410, v2;
	[tilespmem:s25+$0x80] =	vst v8;
	v8 =	vld.idx.msk [tilespmem:v9+s3+$0x0], $0xffff  }
0x25f: {  	v9 =	vld.idx.msk [tilespmem:v10+s3+$0x0], $0xffff;
	v10 =	vadd.s32 $0x618, v7  }
0x260: {  	[tilespmem:s26+$0x80] =	vst v11;
	v11 =	vadd.s32 $0x618, v6;
	_ =	sdelay $0x1  }
0x261: {  	v12 =	vld.idx.msk [tilespmem:v13+s3+$0x0], $0xffff;
	[tilespmem:s5+$0x80] =	vst v3  }
0x262: {  	v13 =	vadd.s32 $0x618, v5;
	v3 =	vld.idx.msk [tilespmem:v4+s3+$0x0], $0xffff;
	[tilespmem:s24+$0x100] =	vst v8  }
0x263: {  	v4 =	vadd.s32 $0x618, v2;
	[tilespmem:s25+$0x100] =	vst v9;
	v8 =	vld.idx.msk [tilespmem:v10+s3+$0x0], $0xffff  }
0x264: {  	v9 =	vld.idx.msk [tilespmem:v11+s3+$0x0], $0xffff;
	v10 =	vadd.s32 $0x820, v7  }
0x265: {  	v11 =	vadd.s32 $0x820, v6  }
0x266: {  	[tilespmem:s26+$0x100] =	vst v12  }
0x267: {  	v12 =	vld.idx.msk [tilespmem:v13+s3+$0x0], $0xffff;
	[tilespmem:s5+$0x100] =	vst v3  }
0x268: {  	p1 =	por $0x0, $0x0;
	s0 =	simm.s32 $0x1;
	v13 =	vadd.s32 $0x820, v5;
	v3 =	vld.idx.msk [tilespmem:v4+s3+$0x0], $0xffff;
	[tilespmem:s24+$0x180] =	vst v8  }
0x269: {  	s0 =	simm.s32 @!p1 $0x0;
	v4 =	vadd.s32 $0x820, v2;
	[tilespmem:s25+$0x180] =	vst v9;
	v8 =	vld.idx.msk [tilespmem:v10+s3+$0x0], $0xffff  }
0x26a: {  	s0 =	sshll.u32 s0, $0x6;
	v9 =	vld.idx.msk [tilespmem:v11+s3+$0x0], $0xffff;
	v10 =	vadd.s32 $0xA28, v7  }
0x26b: {  	s0 =	sadd.s32 $0x0, s0;
	v11 =	vadd.s32 $0xA28, v6  }
0x26c: {  	s2 =	sadd.s32 $0x30, s0;
	[tilespmem:s26+$0x180] =	vst v12  }
0x26d: {  	s8 =	sadd.s32 $0x10, s0;
	s9 =	sor.u32 $0x200, s2;
	v12 =	vld.idx.msk [tilespmem:v13+s3+$0x0], $0xffff;
	[tilespmem:s5+$0x180] =	vst v3  }
0x26e: {  	s6 =	sor.u32 $0x200, s8;
	v13 =	vadd.s32 $0xA28, v5;
	v3 =	vld.idx.msk [tilespmem:v4+s3+$0x0], $0xffff;
	[tilespmem:s9+$0x3080] =	vst v8  }
0x26f: {  	v4 =	vadd.s32 $0xA28, v2;
	[tilespmem:s6+$0x3080] =	vst v9;
	v8 =	vld.idx.msk [tilespmem:v10+s3+$0x0], $0xffff  }
0x270: {  	s10 =	sadd.s32 $0x20, s0;
	v9 =	vld.idx.msk [tilespmem:v11+s3+$0x0], $0xffff;
	v10 =	vadd.s32 $0xC30, v7  }
0x271: {  	s11 =	sor.u32 $0x200, s10;
	v11 =	vadd.s32 $0xC30, v6  }
0x272: {  	s12 =	sor.u32 $0x200, s0;
	[tilespmem:s11+$0x3080] =	vst v12  }
0x273: {  	s13 =	sor.u32 $0x280, s2;
	v12 =	vld.idx.msk [tilespmem:v13+s3+$0x0], $0xffff;
	[tilespmem:s12+$0x3080] =	vst v3  }
0x274: {  	s14 =	sor.u32 $0x280, s8;
	v13 =	vadd.s32 $0xC30, v5;
	v3 =	vld.idx.msk [tilespmem:v4+s3+$0x0], $0xffff;
	[tilespmem:s13+$0x3080] =	vst v8  }
0x275: {  	v4 =	vadd.s32 $0xC30, v2;
	[tilespmem:s14+$0x3080] =	vst v9;
	v8 =	vld.idx.msk [tilespmem:v10+s3+$0x0], $0xffff  }
0x276: {  	v9 =	vld.idx.msk [tilespmem:v11+s3+$0x0], $0xffff;
	v10 =	vadd.s32 $0xE38, v7  }
0x277: {  	s15 =	sor.u32 $0x280, s10;
	v11 =	vadd.s32 $0xE38, v6  }
0x278: {  	s16 =	sor.u32 $0x280, s0;
	[tilespmem:s15+$0x3080] =	vst v12  }
0x279: {  	s20 =	sor.u32 $0x300, s2;
	v12 =	vld.idx.msk [tilespmem:v13+s3+$0x0], $0xffff;
	[tilespmem:s16+$0x3080] =	vst v3  }
0x27a: {  	s21 =	sor.u32 $0x300, s8;
	v13 =	vadd.s32 $0xE38, v5;
	v4 =	vld.idx.msk [tilespmem:v4+s3+$0x0], $0xffff;
	[tilespmem:s20+$0x3080] =	vst v8  }
0x27b: {  	[tilespmem:s21+$0x3080] =	vst v9;
	v9 =	vld.idx.msk [tilespmem:v10+s3+$0x0], $0xffff  }
0x27c: {  	v8 =	vadd.s32 $0xE38, v2;
	v10 =	vld.idx.msk [tilespmem:v11+s3+$0x0], $0xffff  }
0x27d: {  	s22 =	sor.u32 $0x300, s10;
	v11 =	vadd.s32 $0x1040, v7  }
0x27e: {  	s23 =	sor.u32 $0x300, s0;
	[tilespmem:s22+$0x3080] =	vst v12;
	v12 =	vadd.s32 $0x1040, v6  }
0x27f: {  	s1 =	sor.u32 $0x380, s2;
	s24 =	simm.s32 $0x20C0;
	v13 =	vld.idx.msk [tilespmem:v13+s3+$0x0], $0xffff;
	[tilespmem:s23+$0x3080] =	vst v4  }
0x280: {  	s2 =	sor.u32 $0x380, s8;
	v14 =	vadd.s32 $0x1040, v5;
	s25 =	simm.s32 $0x40;
	s26 =	sor.u32 $0x380, s10;
	v3 =	vld [tilespmem:s24+$0x0];
	[tilespmem:s1+$0x3080] =	vst v9  }
0x281: {  	s4 =	sand.u32 $0x40, s25;
	s5 =	simm.s32 $0x40;
	s6 =	sand.u32 $0x780, s25;
	v8 =	vld.idx.msk [tilespmem:v8+s3+$0x0], $0xffff;
	[tilespmem:s2+$0x3080] =	vst v10  }
0x282: {  	s10 =	sor.u32 $0x30, s4;
	s2 =	sadd.s32 $0x2080, s6;
	v9 =	vld.idx.msk [tilespmem:v11+s3+$0x0], $0xffff;
	[dreg:$0xb] =	wrdreg s5  }
0x283: {  	v11 =	vadd.s32 $0x1248, v7;
	s8 =	sor.u32 s10, s2;
	v10 =	vld.idx.msk [tilespmem:v12+s3+$0x0], $0xffff  }
0x284: {  	s11 =	sor.u32 $0x10, s4;
	[tilespmem:s26+$0x3080] =	vst v13;
	v12 =	vadd.s32 $0x1040, v2;
	v4 =	vld [tilespmem:s8+$0x0]  }
0x285: {  	s12 =	sadd.s32 $0x7080, s31;
	s14 =	sor.u32 $0x20, s4;
	s9 =	sor.u32 s11, s2;
	v13 =	vld.idx.msk [tilespmem:v14+s3+$0x0], $0xffff;
	v14 =	vadd.s32 $0x1248, v6  }
0x286: {  	s13 =	sor.u32 s17, s12;
	s2 =	sor.u32 s14, s2;
	v19 =	vld [tilespmem:s9+$0x0]  }
0x287: {  	s0 =	sor.u32 $0x380, s0;
	v15 =	vadd.s32 $0x1248, v5;
	v28 =	vld [tilespmem:s2+$0x0];
	[tilespmem:s13+$0x0] =	vst v9  }
0x288: {  	s15 =	sor.u32 s19, s12;
	[tilespmem:s0+$0x3080] =	vst v8;
	v8 =	vld.idx.msk [tilespmem:v11+s3+$0x0], $0xffff  }
0x289: {  	[tilespmem:s15+$0x0] =	vst v10;
	v9 =	vld.idx.msk [tilespmem:v12+s3+$0x0], $0xffff  }
0x28a: {  	s16 =	sor.u32 s7, s12;
	v10 =	vld.idx.msk [tilespmem:v14+s3+$0x0], $0xffff  }
0x28b: {  	v11 =	vadd.s32 $0x1450, v7;
	[tilespmem:s16+$0x0] =	vst v13;
	v14 =	vld.idx.msk [tilespmem:v3+s3+$0x0], $0xffff  }
0x28c: {  	s8 =	sadd.s32 $0x7100, s31;
	v13 =	vadd.s32 $0x1248, v2;
	v12 =	vld.idx.msk [tilespmem:v15+s3+$0x0], $0xffff  }
0x28d: {  	s20 =	sor.u32 s17, s8;
	v15 =	vadd.s32 $0x1450, v6;
	v16 =	vld.idx.msk [tilespmem:v4+s3+$0x0], $0xffff  }
0x28e: {  	v17 =	vadd.s32 $0x1450, v5;
	s21 =	sor.u32 s18, s12;
	s12 =	simm.s32 $0x200;
	v18 =	vld.idx.msk [tilespmem:v19+s3+$0x0], $0xffff;
	[tilespmem:s20+$0x0] =	vst v8  }
0x28f: {  	s2 =	sand.u32 $0x3C00, s12;
	s22 =	sor.u32 s19, s8;
	v8 =	vadd.s32 $0x208, v4;
	[tilespmem:s21+$0x0] =	vst v9;
	v9 =	vld.idx.msk [tilespmem:v28+s3+$0x0], $0xffff  }
0x290: {  	s23 =	sor.u32 s7, s8;
	s9 =	sadd.s32 $0x3080, s2;
	v11 =	vld.idx.msk [tilespmem:v11+s3+$0x0], $0xffff;
	[tilespmem:s22+$0x0] =	vst v10  }
0x291: {  	s6 =	sor.u32 s10, s9;
	v20 =	vadd.s32 $0x208, v19;
	v10 =	vld.idx.msk [tilespmem:v13+s3+$0x0], $0xffff;
	[tilespmem:s23+$0x0] =	vst v12  }
0x292: {  	s5 =	sor.u32 s11, s9;
	v13 =	vadd.s32 $0x1658, v7;
	v12 =	vld.idx.msk [tilespmem:v15+s3+$0x0], $0xffff;
	[tilespmem:s6+$0x0] =	vst v16  }
0x293: {  	s13 =	sadd.s32 $0x7180, s31;
	v21 =	vadd.s32 $0x208, v28;
	v16 =	vld.idx.msk [tilespmem:v17+s3+$0x0], $0xffff;
	[tilespmem:s5+$0x0] =	vst v18  }
0x294: {  	s24 =	sor.u32 s17, s13;
	v15 =	vadd.s32 $0x208, v3;
	v8 =	vld.idx.msk [tilespmem:v8+s3+$0x0], $0xffff;
	[dreg:$0x5] =	wrdreg s14  }
0x295: {  	s1 =	sor.u32 s14, s9;
	v17 =	vadd.s32 $0x1450, v2;
	[tilespmem:s24+$0x0] =	vst v11  }
0x296: {  	s0 =	sor.u32 s4, s9;
	v18 =	vadd.s32 $0x1658, v6;
	v20 =	vld.idx.msk [tilespmem:v20+s3+$0x0], $0xffff;
	[tilespmem:s1+$0x0] =	vst v9  }
0x297: {  	s8 =	sor.u32 s18, s8;
	v9 =	vadd.s32 $0x410, v4;
	[tilespmem:s0+$0x0] =	vst v14;
	v11 =	vld.idx.msk [tilespmem:v13+s3+$0x0], $0xffff  }
0x298: {  	s25 =	sor.u32 s19, s13;
	[tilespmem:s8+$0x0] =	vst v10;
	v13 =	vadd.s32 $0x410, v19;
	v14 =	vld.idx.msk [tilespmem:v21+s3+$0x0], $0xffff  }
0x299: {  	s16 =	sor.u32 s7, s13;
	v10 =	vadd.s32 $0x1860, v7;
	v15 =	vld.idx.msk [tilespmem:v15+s3+$0x0], $0xffff;
	[tilespmem:s25+$0x0] =	vst v12  }
0x29a: {  	v21 =	vadd.s32 $0x410, v28;
	v17 =	vld.idx.msk [tilespmem:v17+s3+$0x0], $0xffff;
	[tilespmem:s16+$0x0] =	vst v16  }
0x29b: {  	s26 =	sadd.s32 $0x7200, s31;
	v12 =	vadd.s32 $0x410, v3;
	[tilespmem:s6+$0x80] =	vst v8;
	v8 =	vld.idx.msk [tilespmem:v18+s3+$0x0], $0xffff  }
0x29c: {  	s15 =	sor.u32 s17, s26;
	v18 =	vadd.s32 $0x1658, v5;
	[tilespmem:s5+$0x80] =	vst v20;
	v9 =	vld.idx.msk [tilespmem:v9+s3+$0x0], $0xffff  }
0x29d: {  	v20 =	vadd.s32 $0x1658, v2;
	v13 =	vld.idx.msk [tilespmem:v13+s3+$0x0], $0xffff;
	[tilespmem:s15+$0x0] =	vst v11  }
0x29e: {  	[tilespmem:s1+$0x80] =	vst v14;
	v11 =	vadd.s32 $0x618, v4;
	v10 =	vld.idx.msk [tilespmem:v10+s3+$0x0], $0xffff  }
0x29f: {  	s13 =	sor.u32 s18, s13;
	v14 =	vadd.s32 $0x618, v19;
	[tilespmem:s0+$0x80] =	vst v15;
	v15 =	vld.idx.msk [tilespmem:v21+s3+$0x0], $0xffff  }
0x2a0: {  	s22 =	sor.u32 s19, s26;
	v16 =	vadd.s32 $0x1A68, v7;
	v12 =	vld.idx.msk [tilespmem:v12+s3+$0x0], $0xffff;
	[tilespmem:s13+$0x0] =	vst v17  }
0x2a1: {  	v21 =	vadd.s32 $0x618, v28;
	v17 =	vld.idx.msk [tilespmem:v18+s3+$0x0], $0xffff;
	[tilespmem:s22+$0x0] =	vst v8  }
0x2a2: {  	s20 =	sadd.s32 $0x7280, s31;
	v18 =	vadd.s32 $0x618, v3;
	[tilespmem:s6+$0x100] =	vst v9;
	v9 =	vld.idx.msk [tilespmem:v20+s3+$0x0], $0xffff  }
0x2a3: {  	s21 =	sor.u32 s17, s20;
	v20 =	vadd.s32 $0x1860, v6;
	[tilespmem:s5+$0x100] =	vst v13;
	v11 =	vld.idx.msk [tilespmem:v11+s3+$0x0], $0xffff  }
0x2a4: {  	v13 =	vadd.s32 $0x1860, v5;
	v14 =	vld.idx.msk [tilespmem:v14+s3+$0x0], $0xffff;
	[tilespmem:s21+$0x0] =	vst v10  }
0x2a5: {  	[tilespmem:s1+$0x100] =	vst v15;
	v10 =	vadd.s32 $0x820, v4;
	v15 =	vld.idx.msk [tilespmem:v16+s3+$0x0], $0xffff  }
0x2a6: {  	s23 =	sor.u32 s7, s26;
	[tilespmem:s0+$0x100] =	vst v12;
	v16 =	vadd.s32 $0x820, v19;
	v12 =	vld.idx.msk [tilespmem:v21+s3+$0x0], $0xffff  }
0x2a7: {  	s26 =	sor.u32 s18, s26;
	v8 =	vadd.s32 $0x1C70, v7;
	v18 =	vld.idx.msk [tilespmem:v18+s3+$0x0], $0xffff;
	[tilespmem:s23+$0x0] =	vst v17  }
0x2a8: {  	v21 =	vadd.s32 $0x820, v28;
	v20 =	vld.idx.msk [tilespmem:v20+s3+$0x0], $0xffff;
	[tilespmem:s26+$0x0] =	vst v9  }
0x2a9: {  	v17 =	vadd.s32 $0x820, v3;
	[tilespmem:s6+$0x180] =	vst v11;
	s6 =	sadd.s32 $0x7300, s31;
	v11 =	vld.idx.msk [tilespmem:v13+s3+$0x0], $0xffff  }
0x2aa: {  	p1 =	por !p1, !p1;
	s13 =	simm.s32 $0x1;
	v13 =	vadd.s32 $0x1860, v2;
	[tilespmem:s5+$0x180] =	vst v14;
	v10 =	vld.idx.msk [tilespmem:v10+s3+$0x0], $0xffff;
	s24 =	sor.u32 s17, s6  }
0x2ab: {  	s13 =	simm.s32 @!p1 $0x0;
	v14 =	vadd.s32 $0x1A68, v6;
	v16 =	vld.idx.msk [tilespmem:v16+s3+$0x0], $0xffff;
	[tilespmem:s24+$0x0] =	vst v15  }
0x2ac: {  	s25 =	sshll.u32 s13, $0x6;
	[tilespmem:s1+$0x180] =	vst v12;
	v12 =	vadd.s32 $0xA28, v4;
	v15 =	vld.idx.msk [tilespmem:v8+s3+$0x0], $0xffff  }
0x2ad: {  	v22 =	vadd.s32 $0xA28, v19;
	s8 =	sor.u32 s19, s20;
	s22 =	sadd.s32 $0x200, s25;
	[tilespmem:s0+$0x180] =	vst v18;
	v18 =	vld.idx.msk [tilespmem:v21+s3+$0x0], $0xffff  }
0x2ae: {  	s9 =	sor.u32 s7, s20;
	s15 =	sadd.s32 $0x30, s22;
	v9 =	vadd.s32 $0x1E78, v7;
	v21 =	vld.idx.msk [tilespmem:v17+s3+$0x0], $0xffff;
	[tilespmem:s8+$0x0] =	vst v20  }
0x2af: {  	v24 =	vadd.s32 $0xA28, v28;
	s13 =	sor.u32 $0x200, s15;
	s0 =	sadd.s32 $0x10, s22;
	v13 =	vld.idx.msk [tilespmem:v13+s3+$0x0], $0xffff;
	[tilespmem:s9+$0x0] =	vst v11  }
0x2b0: {  	v36 =	vadd.s32 $0xC30, v19;
	s16 =	simm.s32 $0x4;
	s1 =	sadd.s32 $0x7380, s31;
	s14 =	sor.u32 $0x200, s0;
	v20 =	vadd.s32 $0xA28, v3;
	[tilespmem:s13+$0x3080] =	vst v10;
	v29 =	vld.idx.msk [tilespmem:v14+s3+$0x0], $0xffff  }
0x2b1: {  	v27 =	vadd.s32 $0xC30, v28;
	v26 =	vadd.s32 $0xE38, v19;
	s5 =	sor.u32 s18, s20;
	s24 =	sadd.s32 $0x20, s22;
	s20 =	sor.u32 s17, s1;
	v10 =	vadd.s32 $0x1A68, v5;
	[tilespmem:s14+$0x3080] =	vst v16;
	v12 =	vld.idx.msk [tilespmem:v12+s3+$0x0], $0xffff  }
0x2b2: {  	v35 =	vadd.s32 $0xC30, v4;
	v25 =	vadd.s32 $0xE38, v28;
	s25 =	sor.u32 $0x200, s22;
	s29 =	sor.u32 $0x280, s22;
	s23 =	sor.u32 $0x200, s24;
	v32 =	vld.idx.msk [tilespmem:v22+s3+$0x0], $0xffff;
	v22 =	vadd.s32 $0x1A68, v2;
	[tilespmem:s20+$0x0] =	vst v15  }
0x2b3: {  	v23 =	vadd.s32 $0x1040, v19;
	v7 =	vadd.s32 $0x1C70, v6;
	v6 =	vadd.s32 $0x1E78, v6;
	s21 =	sor.u32 s18, s6;
	s28 =	sor.u32 s7, s1;
	s30 =	sor.u32 $0x300, s24;
	[tilespmem:s23+$0x3080] =	vst v18;
	v37 =	vld.idx.msk [tilespmem:v9+s3+$0x0], $0xffff  }
0x2b4: {  	v8 =	vadd.s32 $0x1C70, v5;
	s26 =	sor.u32 $0x280, s0;
	v17 =	vadd.s32 $0x1248, v19;
	s8 =	sor.u32 $0x300, s0;
	s9 =	sor.u32 $0x280, s24;
	v11 =	vadd.s32 $0x1860, v28;
	[tilespmem:s25+$0x3080] =	vst v21;
	v33 =	vld.idx.msk [tilespmem:v24+s3+$0x0], $0xffff  }
0x2b5: {  	s24 =	sor.u32 $0x380, s24;
	v5 =	vadd.s32 $0x1E78, v5;
	s13 =	sadd.s32 $0x7400, s31;
	v14 =	vadd.s32 $0x1658, v19;
	s31 =	sor.u32 $0x280, s15;
	v16 =	vadd.s32 $0x1450, v28;
	v34 =	vld.idx.msk [tilespmem:v20+s3+$0x0], $0xffff  }
0x2b6: {  	s14 =	sor.u32 s19, s6;
	s6 =	sor.u32 s7, s6;
	s17 =	sor.u32 s17, s13;
	v15 =	vadd.s32 $0x1450, v19;
	v18 =	vadd.s32 $0x1248, v28;
	v21 =	vadd.s32 $0x1040, v28;
	[tilespmem:s5+$0x0] =	vst v13;
	v30 =	vld.idx.msk [tilespmem:v10+s3+$0x0], $0xffff  }
0x2b7: {  	s23 =	sor.u32 s19, s1;
	s20 =	sor.u32 s18, s13;
	s25 =	sor.u32 s18, s1;
	v9 =	vadd.s32 $0x1A68, v19;
	v24 =	vadd.s32 $0x1C70, v19;
	v13 =	vadd.s32 $0x1658, v28;
	[tilespmem:s31+$0x3080] =	vst v12;
	v31 =	vld.idx.msk [tilespmem:v22+s3+$0x0], $0xffff  }
0x2b8: {  	s1 =	sor.u32 s7, s13;
	s5 =	sor.u32 s19, s13;
	s13 =	sor.u32 $0x300, s22;
	v20 =	vadd.s32 $0x1E78, v19;
	v10 =	vadd.s32 $0x1A68, v28;
	v12 =	vadd.s32 $0x1860, v19;
	[tilespmem:s26+$0x3080] =	vst v32;
	v32 =	vld.idx.msk [tilespmem:v35+s3+$0x0], $0xffff  }
0x2b9: {  	s22 =	sor.u32 $0x380, s22;
	v19 =	vadd.s32 $0x1E78, v28;
	v22 =	vadd.s32 $0x1C70, v28;
	s26 =	sor.u32 $0x380, s0;
	v35 =	vadd.s32 $0xC30, v3;
	[tilespmem:s17+$0x0] =	vst v37;
	v28 =	vld.idx.msk [tilespmem:v36+s3+$0x0], $0xffff;
	s17 =	simm.s32 $0x2100  }
.LBB2_11:
0x2ba: {  	_ = 	snop  }
0x2bb: {  	v36 =	vld [tilespmem:s17+$0x0];
	v55 =	vadd.s32 $0xE38, v4;
	[tilespmem:s14+$0x0] =	vst v29  }
0x2bc: {  	v29 =	vld.idx.msk [tilespmem:v7+s3+$0x0], $0xffff;
	[tilespmem:s9+$0x3080] =	vst v33  }
0x2bd: {  	v56 =	vadd.s32 $0x1C70, v2;
	[tilespmem:s29+$0x3080] =	vst v34;
	v27 =	vld.idx.msk [tilespmem:v27+s3+$0x0], $0xffff  }
0x2be: {  	s31 =	sor.u32 $0x300, s15;
	v34 =	vld.idx.msk [tilespmem:v35+s3+$0x0], $0xffff;
	[tilespmem:s6+$0x0] =	vst v30  }
0x2bf: {  	[tilespmem:s31+$0x3080] =	vst v32;
	v30 =	vld.idx.msk [tilespmem:v8+s3+$0x0], $0xffff  }
0x2c0: {  	v7 =	vmov v24;
	v24 =	vadd.s32 $0xE38, v3;
	[tilespmem:s8+$0x3080] =	vst v28;
	v8 =	vmov v22;
	v22 =	vld.idx.msk [tilespmem:v55+s3+$0x0], $0xffff  }
0x2c1: {  	[tilespmem:s21+$0x0] =	vst v31;
	v26 =	vld.idx.msk [tilespmem:v26+s3+$0x0], $0xffff  }
0x2c2: {  	v28 =	vld.idx.msk [tilespmem:v56+s3+$0x0], $0xffff;
	[tilespmem:s23+$0x0] =	vst v29  }
0x2c3: {  	s0 =	rddreg [dreg:$0x5];
	v57 =	vld.idx.msk [tilespmem:v6+s3+$0x0], $0xffff;
	[tilespmem:s30+$0x3080] =	vst v27;
	v27 =	vadd.s32 $0x1040, v4  }
0x2c4: {  	s9 =	rddreg [dreg:$0xb];
	[tilespmem:s13+$0x3080] =	vst v34;
	v25 =	vld.idx.msk [tilespmem:v25+s3+$0x0], $0xffff  }
0x2c5: {  	s7 =	smov.u32 s0;
	s0 =	sadd.s32 $0x40, s9;
	v31 =	vadd.s32 $0x1E78, v2;
	s8 =	sor.u32 $0x380, s15;
	v24 =	vld.idx.msk [tilespmem:v24+s3+$0x0], $0xffff;
	[tilespmem:s28+$0x0] =	vst v30  }
0x2c6: {  	s31 =	sand.u32 $0x40, s0;
	[dreg:$0xb] =	wrdreg s0;
	s0 =	sand.u32 $0x780, s0;
	v6 =	vmov v20;
	[tilespmem:s26+$0x3080] =	vst v26;
	v20 =	vld.idx.msk [tilespmem:v5+s3+$0x0], $0xffff  }
0x2c7: {  	s18 =	smov.u32 s10;
	s0 =	sadd.s32 $0x2080, s0;
	s10 =	sor.u32 $0x30, s31;
	[tilespmem:s8+$0x3080] =	vst v22;
	v22 =	vld.idx.msk [tilespmem:v23+s3+$0x0], $0xffff  }
0x2c8: {  	s21 =	sor.u32 s10, s0;
	[tilespmem:s25+$0x0] =	vst v28;
	v5 =	vmov v19;
	v19 =	vld.idx.msk [tilespmem:v27+s3+$0x0], $0xffff  }
0x2c9: {  	v2 =	vmov v3;
	v23 =	vadd.s32 $0x1248, v4;
	v29 =	vld [tilespmem:s21+$0x0];
	[tilespmem:s24+$0x3080] =	vst v25  }
0x2ca: {  	s19 =	smov.u32 s11;
	s11 =	sor.u32 $0x10, s31;
	v25 =	vld.idx.msk [tilespmem:v31+s3+$0x0], $0xffff;
	[tilespmem:s22+$0x3080] =	vst v24;
	v24 =	vadd.s32 $0x1040, v2  }
0x2cb: {  	s15 =	sor.u32 $0x20, s31;
	s23 =	sadd.s32 $0x7080, s2;
	[tilespmem:s5+$0x0] =	vst v57;
	v21 =	vld.idx.msk [tilespmem:v21+s3+$0x0], $0xffff;
	s22 =	sor.u32 s11, s0  }
0x2cc: {  	s26 =	sor.u32 s18, s23;
	s0 =	sor.u32 s15, s0;
	v38 =	vld [tilespmem:s22+$0x0];
	[tilespmem:s1+$0x0] =	vst v20  }
0x2cd: {  	v39 =	vld [tilespmem:s0+$0x0];
	[tilespmem:s26+$0x0] =	vst v19  }
0x2ce: {  	v3 =	vmov v36;
	s25 =	sor.u32 s19, s23;
	v19 =	vld.idx.msk [tilespmem:v23+s3+$0x0], $0xffff  }
0x2cf: {  	[tilespmem:s25+$0x0] =	vst v22;
	v20 =	vld.idx.msk [tilespmem:v24+s3+$0x0], $0xffff  }
0x2d0: {  	s6 =	sor.u32 s7, s23;
	v24 =	vld.idx.msk [tilespmem:v17+s3+$0x0], $0xffff;
	v17 =	vadd.s32 $0x1450, v4  }
0x2d1: {  	v47 =	vld.idx.msk [tilespmem:v29+s3+$0x0], $0xffff;
	[tilespmem:s6+$0x0] =	vst v21  }
0x2d2: {  	s9 =	sadd.s32 $0x7100, s2;
	v22 =	vadd.s32 $0x1248, v2;
	[tilespmem:s20+$0x0] =	vst v25;
	v58 =	vld.idx.msk [tilespmem:v18+s3+$0x0], $0xffff  }
0x2d3: {  	s12 =	sadd.s32 $0x200, s12;
	s21 =	sor.u32 s18, s9;
	v44 =	vld.idx.msk [tilespmem:v3+s3+$0x0], $0xffff  }
0x2d4: {  	s24 =	sor.u32 s4, s23;
	s1 =	sand.u32 $0x3C00, s12;
	v48 =	vld.idx.msk [tilespmem:v38+s3+$0x0], $0xffff;
	[tilespmem:s21+$0x0] =	vst v19  }
0x2d5: {  	v41 =	vadd.s32 $0x208, v3;
	s23 =	sadd.s32 $0x3080, s1;
	s20 =	sor.u32 s19, s9;
	[tilespmem:s24+$0x0] =	vst v20;
	v49 =	vld.idx.msk [tilespmem:v17+s3+$0x0], $0xffff  }
0x2d6: {  	s13 =	sor.u32 s10, s23;
	v19 =	vadd.s32 $0x208, v29;
	v50 =	vld.idx.msk [tilespmem:v39+s3+$0x0], $0xffff;
	[tilespmem:s20+$0x0] =	vst v24  }
0x2d7: {  	s22 =	sor.u32 s7, s9;
	v42 =	vadd.s32 $0x208, v38;
	[tilespmem:s13+$0x0] =	vst v47;
	v51 =	vld.idx.msk [tilespmem:v22+s3+$0x0], $0xffff  }
0x2d8: {  	v52 =	vadd.s32 $0x1658, v4;
	s5 =	sor.u32 s31, s23;
	[tilespmem:s22+$0x0] =	vst v58;
	v55 =	vld.idx.msk [tilespmem:v15+s3+$0x0], $0xffff  }
0x2d9: {  	v45 =	vadd.s32 $0x208, v39;
	[tilespmem:s5+$0x0] =	vst v44;
	v47 =	vld.idx.msk [tilespmem:v16+s3+$0x0], $0xffff  }
0x2da: {  	v40 =	vadd.s32 $0x1450, v2;
	s6 =	sor.u32 s11, s23;
	s24 =	sadd.s32 $0x7180, s2;
	v41 =	vld.idx.msk [tilespmem:v41+s3+$0x0], $0xffff  }
0x2db: {  	s26 =	sor.u32 s18, s24;
	[tilespmem:s6+$0x0] =	vst v48;
	v59 =	vld.idx.msk [tilespmem:v19+s3+$0x0], $0xffff  }
0x2dc: {  	v63 =	vadd.s32 $0x1860, v4;
	[dreg:$0x5] =	wrdreg s15;
	v60 =	vadd.s32 $0x410, v29;
	s15 =	sor.u32 s15, s23;
	v43 =	vadd.s32 $0x410, v38;
	v42 =	vld.idx.msk [tilespmem:v42+s3+$0x0], $0xffff;
	[tilespmem:s26+$0x0] =	vst v49  }
0x2dd: {  	s14 =	sor.u32 s4, s9;
	v37 =	vadd.s32 $0x618, v38;
	v34 =	vadd.s32 $0x820, v38;
	v31 =	vadd.s32 $0xA28, v38;
	[tilespmem:s15+$0x0] =	vst v50;
	v61 =	vld.idx.msk [tilespmem:v52+s3+$0x0], $0xffff  }
0x2de: {  	v28 =	vadd.s32 $0xC30, v38;
	v26 =	vadd.s32 $0xE38, v38;
	s25 =	sor.u32 s19, s24;
	v62 =	vld.idx.msk [tilespmem:v45+s3+$0x0], $0xffff;
	[tilespmem:s14+$0x0] =	vst v51;
	v52 =	vadd.s32 $0x410, v3  }
0x2df: {  	v23 =	vadd.s32 $0x1040, v38;
	v53 =	vadd.s32 $0x1658, v38;
	v56 =	vadd.s32 $0x1860, v38;
	[tilespmem:s25+$0x0] =	vst v55;
	v40 =	vld.idx.msk [tilespmem:v40+s3+$0x0], $0xffff  }
0x2e0: {  	v35 =	vadd.s32 $0x1A68, v38;
	v46 =	vadd.s32 $0x410, v39;
	v20 =	vadd.s32 $0x1450, v38;
	v48 =	vld.idx.msk [tilespmem:v14+s3+$0x0], $0xffff;
	[tilespmem:s13+$0x80] =	vst v59  }
0x2e1: {  	[dreg:$0x16] =	wrdreg s10;
	v17 =	vadd.s32 $0x1248, v38;
	v24 =	vadd.s32 $0x1C70, v38;
	v15 =	vmovc v20;
	v20 =	vadd.s32 $0x1E78, v38;
	s22 =	sadd.s32 $0x7200, s2;
	[tilespmem:s6+$0x80] =	vst v42;
	v38 =	vld.idx.msk [tilespmem:v60+s3+$0x0], $0xffff  }
0x2e2: {  	s9 =	sor.u32 s4, s24;
	s10 =	sor.u32 s7, s24;
	s24 =	sor.u32 s18, s22;
	v14 =	vmov v53;
	v53 =	vadd.s32 $0x1658, v2;
	[tilespmem:s5+$0x80] =	vst v41;
	v42 =	vld.idx.msk [tilespmem:v43+s3+$0x0], $0xffff  }
0x2e3: {  	v55 =	vadd.s32 $0x618, v29;
	[tilespmem:s24+$0x0] =	vst v61;
	v60 =	vld.idx.msk [tilespmem:v52+s3+$0x0], $0xffff  }
0x2e4: {  	v36 =	vadd.s32 $0x618, v39;
	v33 =	vadd.s32 $0x820, v39;
	v30 =	vadd.s32 $0xA28, v39;
	[tilespmem:s15+$0x80] =	vst v62;
	v58 =	vld.idx.msk [tilespmem:v63+s3+$0x0], $0xffff  }
0x2e5: {  	v27 =	vadd.s32 $0xC30, v39;
	v25 =	vadd.s32 $0xE38, v39;
	v59 =	vld.idx.msk [tilespmem:v46+s3+$0x0], $0xffff;
	[tilespmem:s10+$0x0] =	vst v47;
	v63 =	vadd.s32 $0x618, v3  }
0x2e6: {  	v21 =	vadd.s32 $0x1040, v39;
	v18 =	vadd.s32 $0x1248, v39;
	v61 =	vadd.s32 $0x1A68, v4;
	[tilespmem:s9+$0x0] =	vst v40;
	v62 =	vld.idx.msk [tilespmem:v13+s3+$0x0], $0xffff  }
0x2e7: {  	v54 =	vadd.s32 $0x1658, v39;
	v57 =	vadd.s32 $0x1860, v39;
	v22 =	vadd.s32 $0x1450, v39;
	v49 =	vld.idx.msk [tilespmem:v53+s3+$0x0], $0xffff;
	[tilespmem:s13+$0x100] =	vst v38  }
0x2e8: {  	v32 =	vadd.s32 $0x1A68, v39;
	v16 =	vmovc v22;
	v22 =	vadd.s32 $0x1C70, v39;
	v19 =	vadd.s32 $0x1E78, v39;
	s26 =	sadd.s32 $0x7280, s2;
	[tilespmem:s6+$0x100] =	vst v42;
	v39 =	vld.idx.msk [tilespmem:v55+s3+$0x0], $0xffff  }
0x2e9: {  	s10 =	sor.u32 s18, s26;
	[tilespmem:s5+$0x100] =	vst v60;
	v37 =	vld.idx.msk [tilespmem:v37+s3+$0x0], $0xffff  }
0x2ea: {  	v50 =	vadd.s32 $0x820, v29;
	[tilespmem:s10+$0x0] =	vst v58;
	v52 =	vld.idx.msk [tilespmem:v63+s3+$0x0], $0xffff  }
0x2eb: {  	s23 =	sor.u32 s19, s22;
	[tilespmem:s15+$0x100] =	vst v59;
	v51 =	vld.idx.msk [tilespmem:v61+s3+$0x0], $0xffff  }
0x2ec: {  	s25 =	sor.u32 s7, s22;
	v55 =	vadd.s32 $0x820, v3;
	[tilespmem:s23+$0x0] =	vst v48;
	v36 =	vld.idx.msk [tilespmem:v36+s3+$0x0], $0xffff  }
0x2ed: {  	v13 =	vmov v54;
	v53 =	vadd.s32 $0x1C70, v4;
	v54 =	vld.idx.msk [tilespmem:v12+s3+$0x0], $0xffff;
	[tilespmem:s25+$0x0] =	vst v62  }
0x2ee: {  	p1 =	por !p1, !p1;
	v12 =	vmov v56;
	v56 =	vld.idx.msk [tilespmem:v11+s3+$0x0], $0xffff;
	[tilespmem:s13+$0x180] =	vst v39  }
0x2ef: {  	s8 =	sor.u32 s4, s22;
	s22 =	sadd.s32 $0x7300, s2;
	v58 =	vadd.s32 $0x1860, v2;
	s23 =	simm.s32 $0x1;
	v11 =	vmov v57;
	[tilespmem:s6+$0x180] =	vst v37;
	v57 =	vld.idx.msk [tilespmem:v50+s3+$0x0], $0xffff  }
0x2f0: {  	s24 =	sor.u32 s18, s22;
	s23 =	simm.s32 @!p1 $0x0;
	[tilespmem:s5+$0x180] =	vst v52;
	v34 =	vld.idx.msk [tilespmem:v34+s3+$0x0], $0xffff  }
0x2f1: {  	s16 =	sadd.s32 $0x4, s16;
	s21 =	sor.u32 s4, s22;
	v59 =	vadd.s32 $0xA28, v29;
	s25 =	sshll.u32 s23, $0x6;
	[tilespmem:s24+$0x0] =	vst v51;
	v40 =	vld.idx.msk [tilespmem:v55+s3+$0x0], $0xffff  }
0x2f2: {  	s14 =	sor.u32 s19, s22;
	s6 =	sor.u32 s7, s22;
	s22 =	sadd.s32 s25, s12;
	[tilespmem:s15+$0x180] =	vst v36;
	v42 =	vld.idx.msk [tilespmem:v53+s3+$0x0], $0xffff  }
0x2f3: {  	s20 =	sor.u32 s4, s26;
	s9 =	sor.u32 s19, s26;
	v61 =	vadd.s32 $0xA28, v3;
	s15 =	sadd.s32 $0x30, s22;
	[tilespmem:s8+$0x0] =	vst v49;
	v33 =	vld.idx.msk [tilespmem:v33+s3+$0x0], $0xffff  }
0x2f4: {  	s0 =	sor.u32 s7, s26;
	v60 =	vadd.s32 $0x1E78, v4;
	s5 =	sadd.s32 $0x10, s22;
	[tilespmem:s9+$0x0] =	vst v54;
	s26 =	sor.u32 $0x200, s15;
	v41 =	vld.idx.msk [tilespmem:v58+s3+$0x0], $0xffff  }
0x2f5: {  	s17 =	sadd.s32 $0x40, s17;
	p2 =	slt.u32 s16, $0x7C;
	v4 =	vmov v29;
	s8 =	sor.u32 $0x200, s5;
	v29 =	vld.idx.msk [tilespmem:v9+s3+$0x0], $0xffff;
	[tilespmem:s26+$0x3080] =	vst v57  }
0x2f6: {  	s28 =	sadd.s32 $0x7380, s2;
	s23 =	sadd.s32 $0x20, s22;
	s25 =	sor.u32 $0x200, s22;
	[tilespmem:s8+$0x3080] =	vst v34;
	v36 =	vld.idx.msk [tilespmem:v59+s3+$0x0], $0xffff  }
0x2f7: {  	s29 =	sor.u32 $0x280, s22;
	s13 =	sor.u32 $0x300, s22;
	s26 =	sor.u32 s18, s28;
	[tilespmem:s25+$0x3080] =	vst v40;
	v62 =	vld.idx.msk [tilespmem:v31+s3+$0x0], $0xffff;
	v31 =	vadd.s32 $0x1A68, v2  }
0x2f8: {  	v63 =	vadd.s32 $0xC30, v4;
	s22 =	sor.u32 $0x380, s22;
	s24 =	sor.u32 $0x200, s23;
	s10 =	sor.u32 $0x280, s5;
	[tilespmem:s26+$0x0] =	vst v42;
	v34 =	vld.idx.msk [tilespmem:v61+s3+$0x0], $0xffff  }
0x2f9: {  	s9 =	sor.u32 $0x280, s23;
	s30 =	sor.u32 $0x300, s23;
	s8 =	sor.u32 $0x300, s5;
	[tilespmem:s24+$0x3080] =	vst v33;
	v38 =	vld.idx.msk [tilespmem:v60+s3+$0x0], $0xffff  }
.Ltmp4:
0x2fa: {  	s25 =	sor.u32 s4, s28;
	s26 =	sor.u32 $0x380, s5;
	v33 =	vld.idx.msk [tilespmem:v30+s3+$0x0], $0xffff;
	[tilespmem:s0+$0x0] =	vst v56;
	(pc) =	sbr.rel @p2 .LBB2_11-.Ltmp4, $4  }
0x2fb: {  	s24 =	sor.u32 $0x380, s23;
	s23 =	sor.u32 s19, s28;
	s5 =	sor.u32 $0x280, s15;
	[tilespmem:s20+$0x0] =	vst v41;
	v30 =	vld.idx.msk [tilespmem:v10+s3+$0x0], $0xffff  }
0x2fc: {  	s28 =	sor.u32 s7, s28;
	s0 =	sadd.s32 $0x7400, s2;
	s2 =	smov.u32 s1;
	[tilespmem:s5+$0x3080] =	vst v36;
	v31 =	vld.idx.msk [tilespmem:v31+s3+$0x0], $0xffff  }
0x2fd: {  	v10 =	vmov v32;
	s20 =	sor.u32 s4, s0;
	s5 =	sor.u32 s19, s0;
	s19 =	sor.u32 s18, s0;
	[tilespmem:s10+$0x3080] =	vst v62;
	v32 =	vld.idx.msk [tilespmem:v63+s3+$0x0], $0xffff  }
0x2fe: {  	v9 =	vmov v35;
	v35 =	vadd.s32 $0xC30, v3;
	s1 =	sor.u32 s7, s0;
	s4 =	smov.u32 s31;
	s10 =	rddreg [dreg:$0x16];
	v28 =	vld.idx.msk [tilespmem:v28+s3+$0x0], $0xffff;
	[tilespmem:s19+$0x0] =	vst v38  }
0x2ff: {  	_ =	sdelay $0x2  }
0x300: {  	[tilespmem:s9+$0x3080] =	vst v33;
	v58 =	vadd.s32 $0xE38, v4  }
0x301: {  	v27 =	vld.idx.msk [tilespmem:v27+s3+$0x0], $0xffff  }
0x302: {  	[tilespmem:s29+$0x3080] =	vst v34  }
0x303: {  	s0 =	sor.u32 $0x300, s15;
	v34 =	vld.idx.msk [tilespmem:v35+s3+$0x0], $0xffff  }
0x304: {  	v59 =	vadd.s32 $0xE38, v3;
	[tilespmem:s0+$0x3080] =	vst v32  }
0x305: {  	[tilespmem:s8+$0x3080] =	vst v28;
	v28 =	vld.idx.msk [tilespmem:v58+s3+$0x0], $0xffff  }
0x306: {  	v26 =	vld.idx.msk [tilespmem:v26+s3+$0x0], $0xffff;
	[tilespmem:s30+$0x3080] =	vst v27;
	v27 =	vadd.s32 $0x1040, v4;
	_ =	sdelay $0x1  }
0x307: {  	[tilespmem:s13+$0x3080] =	vst v34;
	v25 =	vld.idx.msk [tilespmem:v25+s3+$0x0], $0xffff  }
0x308: {  	s19 =	sor.u32 $0x380, s15;
	v60 =	vld.idx.msk [tilespmem:v59+s3+$0x0], $0xffff  }
0x309: {  	v61 =	vadd.s32 $0x1040, v3;
	[tilespmem:s19+$0x3080] =	vst v28  }
0x30a: {  	[tilespmem:s26+$0x3080] =	vst v26;
	v26 =	vld.idx.msk [tilespmem:v27+s3+$0x0], $0xffff;
	_ =	sdelay $0x1  }
0x30b: {  	v23 =	vld.idx.msk [tilespmem:v23+s3+$0x0], $0xffff;
	[tilespmem:s24+$0x3080] =	vst v25;
	v25 =	vadd.s32 $0x1248, v4  }
0x30c: {  	[tilespmem:s22+$0x3080] =	vst v60;
	s22 =	sadd.s32 $0x7080, s2;
	v21 =	vld.idx.msk [tilespmem:v21+s3+$0x0], $0xffff  }
0x30d: {  	v27 =	vld.idx.msk [tilespmem:v61+s3+$0x0], $0xffff;
	s7 =	sor.u32 s10, s22  }
0x30e: {  	v28 =	vadd.s32 $0x1248, v3;
	[tilespmem:s7+$0x0] =	vst v26  }
0x30f: {  	s24 =	sor.u32 s11, s22;
	s9 =	rddreg [dreg:$0x5]  }
0x310: {  	[tilespmem:s24+$0x0] =	vst v23;
	v23 =	vld.idx.msk [tilespmem:v25+s3+$0x0], $0xffff;
	s26 =	sor.u32 s9, s22  }
0x311: {  	s0 =	sor.u32 s4, s22;
	v17 =	vld.idx.msk [tilespmem:v17+s3+$0x0], $0xffff;
	[tilespmem:s26+$0x0] =	vst v21;
	v21 =	vadd.s32 $0x1450, v4  }
0x312: {  	[tilespmem:s0+$0x0] =	vst v27;
	v18 =	vld.idx.msk [tilespmem:v18+s3+$0x0], $0xffff  }
0x313: {  	s31 =	sadd.s32 $0x7100, s2;
	v25 =	vld.idx.msk [tilespmem:v28+s3+$0x0], $0xffff  }
0x314: {  	s12 =	sor.u32 s10, s31;
	v26 =	vadd.s32 $0x1450, v3  }
0x315: {  	s13 =	sor.u32 s11, s31;
	[tilespmem:s12+$0x0] =	vst v23  }
0x316: {  	s15 =	sor.u32 s9, s31;
	[tilespmem:s13+$0x0] =	vst v17;
	v21 =	vld.idx.msk [tilespmem:v21+s3+$0x0], $0xffff  }
0x317: {  	s0 =	sor.u32 s4, s31;
	v17 =	vadd.s32 $0x1658, v4;
	v15 =	vld.idx.msk [tilespmem:v15+s3+$0x0], $0xffff;
	[tilespmem:s15+$0x0] =	vst v18  }
0x318: {  	[tilespmem:s0+$0x0] =	vst v25;
	v16 =	vld.idx.msk [tilespmem:v16+s3+$0x0], $0xffff  }
0x319: {  	s16 =	sadd.s32 $0x7180, s2;
	v18 =	vld.idx.msk [tilespmem:v26+s3+$0x0], $0xffff  }
0x31a: {  	s17 =	sor.u32 s10, s16;
	v23 =	vadd.s32 $0x1658, v3  }
0x31b: {  	s18 =	sor.u32 s11, s16;
	[tilespmem:s17+$0x0] =	vst v21  }
0x31c: {  	s19 =	sor.u32 s9, s16;
	[tilespmem:s18+$0x0] =	vst v15;
	v17 =	vld.idx.msk [tilespmem:v17+s3+$0x0], $0xffff  }
0x31d: {  	s0 =	sor.u32 s4, s16;
	v15 =	vadd.s32 $0x1860, v4;
	v14 =	vld.idx.msk [tilespmem:v14+s3+$0x0], $0xffff;
	[tilespmem:s19+$0x0] =	vst v16  }
0x31e: {  	[tilespmem:s0+$0x0] =	vst v18;
	v13 =	vld.idx.msk [tilespmem:v13+s3+$0x0], $0xffff  }
0x31f: {  	s22 =	sadd.s32 $0x7200, s2;
	v16 =	vld.idx.msk [tilespmem:v23+s3+$0x0], $0xffff  }
0x320: {  	[tilespmem:s14+$0x0] =	vst v29;
	s24 =	sor.u32 s10, s22;
	v18 =	vadd.s32 $0x1860, v3  }
0x321: {  	s26 =	sor.u32 s11, s22;
	[tilespmem:s24+$0x0] =	vst v17  }
0x322: {  	s31 =	sor.u32 s9, s22;
	[tilespmem:s26+$0x0] =	vst v14;
	v15 =	vld.idx.msk [tilespmem:v15+s3+$0x0], $0xffff  }
0x323: {  	s0 =	sor.u32 s4, s22;
	v14 =	vadd.s32 $0x1A68, v4;
	v12 =	vld.idx.msk [tilespmem:v12+s3+$0x0], $0xffff;
	[tilespmem:s31+$0x0] =	vst v13  }
0x324: {  	[tilespmem:s0+$0x0] =	vst v16;
	v11 =	vld.idx.msk [tilespmem:v11+s3+$0x0], $0xffff  }
0x325: {  	s8 =	sadd.s32 $0x7280, s2;
	[tilespmem:s6+$0x0] =	vst v30;
	v13 =	vld.idx.msk [tilespmem:v18+s3+$0x0], $0xffff  }
0x326: {  	[tilespmem:s21+$0x0] =	vst v31;
	v7 =	vld.idx.msk [tilespmem:v7+s3+$0x0], $0xffff;
	s12 =	sor.u32 s10, s8;
	v16 =	vadd.s32 $0x1A68, v3  }
0x327: {  	v8 =	vld.idx.msk [tilespmem:v8+s3+$0x0], $0xffff;
	s13 =	sor.u32 s11, s8;
	[tilespmem:s12+$0x0] =	vst v15  }
0x328: {  	s14 =	sor.u32 s9, s8;
	v17 =	vadd.s32 $0x1C70, v2;
	[tilespmem:s13+$0x0] =	vst v12;
	v14 =	vld.idx.msk [tilespmem:v14+s3+$0x0], $0xffff  }
0x329: {  	s0 =	sor.u32 s4, s8;
	v12 =	vadd.s32 $0x1C70, v4;
	v9 =	vld.idx.msk [tilespmem:v9+s3+$0x0], $0xffff;
	[tilespmem:s14+$0x0] =	vst v11  }
0x32a: {  	[tilespmem:s0+$0x0] =	vst v13;
	v10 =	vld.idx.msk [tilespmem:v10+s3+$0x0], $0xffff  }
0x32b: {  	[tilespmem:s23+$0x0] =	vst v7;
	s15 =	sadd.s32 $0x7300, s2;
	v7 =	vld.idx.msk [tilespmem:v16+s3+$0x0], $0xffff  }
0x32c: {  	[tilespmem:s28+$0x0] =	vst v8;
	v8 =	vadd.s32 $0x1C70, v3;
	v6 =	vld.idx.msk [tilespmem:v6+s3+$0x0], $0xffff;
	s16 =	sor.u32 s10, s15  }
0x32d: {  	s17 =	sor.u32 s11, s15;
	v11 =	vld.idx.msk [tilespmem:v17+s3+$0x0], $0xffff;
	[tilespmem:s16+$0x0] =	vst v14  }
0x32e: {  	s18 =	sor.u32 s9, s15;
	v2 =	vadd.s32 $0x1E78, v2;
	[tilespmem:s17+$0x0] =	vst v9;
	v12 =	vld.idx.msk [tilespmem:v12+s3+$0x0], $0xffff  }
0x32f: {  	v4 =	vadd.s32 $0x1E78, v4;
	s0 =	sor.u32 s4, s15;
	v9 =	vld.idx.msk [tilespmem:v24+s3+$0x0], $0xffff;
	[tilespmem:s18+$0x0] =	vst v10  }
0x330: {  	[tilespmem:s0+$0x0] =	vst v7;
	v10 =	vld.idx.msk [tilespmem:v22+s3+$0x0], $0xffff  }
0x331: {  	[tilespmem:s5+$0x0] =	vst v6;
	s19 =	sadd.s32 $0x7380, s2;
	v7 =	vld.idx.msk [tilespmem:v8+s3+$0x0], $0xffff  }
0x332: {  	v5 =	vld.idx.msk [tilespmem:v5+s3+$0x0], $0xffff;
	s21 =	sor.u32 s10, s19;
	v3 =	vadd.s32 $0x1E78, v3;
	[tilespmem:s25+$0x0] =	vst v11  }
0x333: {  	s22 =	sor.u32 s11, s19;
	v2 =	vld.idx.msk [tilespmem:v2+s3+$0x0], $0xffff;
	[tilespmem:s21+$0x0] =	vst v12  }
0x334: {  	s23 =	sor.u32 s9, s19;
	[tilespmem:s22+$0x0] =	vst v9;
	v4 =	vld.idx.msk [tilespmem:v4+s3+$0x0], $0xffff  }
0x335: {  	s0 =	sor.u32 s4, s19;
	v6 =	vld.idx.msk [tilespmem:v20+s3+$0x0], $0xffff;
	[tilespmem:s23+$0x0] =	vst v10  }
0x336: {  	[tilespmem:s0+$0x0] =	vst v7;
	v8 =	vld.idx.msk [tilespmem:v19+s3+$0x0], $0xffff  }
0x337: {  	[tilespmem:s1+$0x0] =	vst v5;
	s24 =	sadd.s32 $0x7400, s2;
	v3 =	vld.idx.msk [tilespmem:v3+s3+$0x0], $0xffff  }
0x338: {  	s25 =	sor.u32 s10, s24;
	[tilespmem:s20+$0x0] =	vst v2  }
0x339: {  	s2 =	sor.u32 s11, s24;
	[tilespmem:s25+$0x0] =	vst v4  }
0x33a: {  	s31 =	sor.u32 s9, s24;
	s1 =	sld [smem:$0x7F3];
	[tilespmem:s2+$0x0] =	vst v6  }
0x33b: {  	s0 =	sor.u32 s4, s24;
	s2 =	rddreg [dreg:$0x1c];
	[tilespmem:s31+$0x0] =	vst v8  }
0x33c: {  	[tilespmem:s0+$0x0] =	vst v3  }
0x33d: {  	s0 =	sld [smem:$0x7F8];
	s26 =	sshll.u32 s1, $0x1  }
0x33e: {  	s2 =	sadd.s32 s2, s26  }
0x33f: {  	s7 =	simm.s32 $0x200000;
	s9 =	sld [smem:$0x7F9];
	s4 =	sshll.u32 s2, $0xB  }
0x340: {  	s6 =	simm.s32 $0x4000;
	s8 =	simm.s32 $0x3080;
	s0 =	sadd.s32 s4, s0  }
0x341: {  	[hbm4b:s0+s6] =	stream.strided.scatter [tilespmem:s8], [sflag:$0x3], $0x8000, s7, s6, $0x38;
	[tilespmem:$0x13080] =	vst v63  }
0x342: {  	s0 =	sadd.s32 s26, s9  }
0x343: {  	s11 =	simm.s32 $0x0;
	s0 =	sshll.u32 s0, $0x8  }
0x344: {  	s12 =	simm.s32 $0x2080;
	s10 =	rddreg [dreg:$0x0];
	s0 =	sand.u32 $0x1FFFFE00, s0  }
0x345: {  	s13 =	simm.s32 $0x2;
	[smem:$0x7F2] =	sst s26;
	s0 =	sadd.s32 s10, s0  }
0x346: {  	[tilespmem:s12], [sflag:$0x1] =	stream.linear.gather [hbm4b:s0+s11], $0x800, $0x38;
	[tilespmem:$0x13080] =	vst v63  }
0x347: {  	_ =	swait.ge [sflag:s13], $0x800  }
0x348: {  	[sflag:s13] =	ssyncset.done $0x0  }
0x349: {  	s14 =	simm.s32 $0x4;
	[sflag:s13] =	ssyncadd.s32 $0xFFFFF800  }
0x34a: {  	_ =	swait.ge [sflag:s14], $0x8000  }
0x34b: {  	[sflag:s14] =	ssyncset.done $0x0  }
0x34c: {  	[sflag:s14] =	ssyncadd.s32 $0xFFFF8000  }
0x34d: {  	v2 =	vld [tilespmem:$0x2880]  }
0x34e: {  	v3 =	vld [tilespmem:$0x2A80]  }
0x34f: {  	v4 =	vld [tilespmem:$0x2C80]  }
0x350: {  	v5 =	vld [tilespmem:$0x2E80]  }
0x351: {  	vm0 =	veq.s32 v0, $0x0  }
0x352: {  	v2 =	vsel vm0, $0x201, v2  }
0x353: {  	[tilespmem:$0x2880] =	vst v2;
	v2 =	vsel vm0, $0x201, v3  }
0x354: {  	s15 =	sand.u32 $0x780, s11;
	s18 =	sand.u32 $0x40, s11;
	[tilespmem:$0x2A80] =	vst v2;
	v2 =	vsel vm0, $0x201, v4  }
0x355: {  	s17 =	sor.u32 $0x30, s18;
	s0 =	sadd.s32 $0x2880, s15;
	[tilespmem:$0x2C80] =	vst v2;
	v2 =	vsel vm0, $0x201, v5  }
0x356: {  	s19 =	sor.u32 $0x10, s18;
	s16 =	sor.u32 s17, s0;
	[tilespmem:$0x2E80] =	vst v2  }
0x357: {  	s20 =	sor.u32 s19, s0;
	v7 =	vld [tilespmem:s16+$0x0]  }
0x358: {  	s7 =	sor.u32 $0x20, s18;
	v6 =	vld [tilespmem:s20+$0x0]  }
0x359: {  	s0 =	sor.u32 s7, s0  }
0x35a: {  	v5 =	vld [tilespmem:s0+$0x0]  }
0x35b: {  	s21 =	simm.s32 $0x2880  }
0x35c: {  	v2 =	vld [tilespmem:s21+$0x0];
	_ =	sdelay $0x2  }
0x35d: {  	v3 =	vld.idx.msk [tilespmem:v7+s3+$0x0], $0xffff  }
0x35e: {  	v8 =	vadd.s32 $0x208, v7;
	v4 =	vld.idx.msk [tilespmem:v6+s3+$0x0], $0xffff  }
0x35f: {  	s31 =	sand.u32 $0x3C00, s11;
	v9 =	vadd.s32 $0x208, v6  }
0x360: {  	s22 =	sadd.s32 $0xB080, s31;
	v10 =	vld.idx.msk [tilespmem:v5+s3+$0x0], $0xffff  }
0x361: {  	s23 =	sor.u32 s17, s22;
	v11 =	vadd.s32 $0x208, v5  }
0x362: {  	s24 =	sor.u32 s19, s22;
	v12 =	vld.idx.msk [tilespmem:v2+s3+$0x0], $0xffff;
	[tilespmem:s23+$0x0] =	vst v3  }
0x363: {  	v3 =	vadd.s32 $0x208, v2;
	[tilespmem:s24+$0x0] =	vst v4;
	v4 =	vld.idx.msk [tilespmem:v8+s3+$0x0], $0xffff  }
0x364: {  	s25 =	sor.u32 s7, s22;
	v8 =	vld.idx.msk [tilespmem:v9+s3+$0x0], $0xffff;
	v9 =	vadd.s32 $0x410, v7  }
0x365: {  	[tilespmem:s25+$0x0] =	vst v10;
	v10 =	vadd.s32 $0x410, v6  }
0x366: {  	s26 =	sor.u32 s18, s22;
	v11 =	vld.idx.msk [tilespmem:v11+s3+$0x0], $0xffff  }
0x367: {  	[tilespmem:s26+$0x0] =	vst v12  }
0x368: {  	v13 =	vadd.s32 $0x410, v5;
	v3 =	vld.idx.msk [tilespmem:v3+s3+$0x0], $0xffff;
	[tilespmem:s23+$0x80] =	vst v4  }
0x369: {  	v4 =	vadd.s32 $0x410, v2;
	[tilespmem:s24+$0x80] =	vst v8;
	v8 =	vld.idx.msk [tilespmem:v9+s3+$0x0], $0xffff  }
0x36a: {  	v9 =	vld.idx.msk [tilespmem:v10+s3+$0x0], $0xffff;
	v10 =	vadd.s32 $0x618, v7  }
0x36b: {  	[tilespmem:s25+$0x80] =	vst v11;
	v11 =	vadd.s32 $0x618, v6;
	_ =	sdelay $0x1  }
0x36c: {  	v12 =	vld.idx.msk [tilespmem:v13+s3+$0x0], $0xffff;
	[tilespmem:s26+$0x80] =	vst v3  }
0x36d: {  	v13 =	vadd.s32 $0x618, v5;
	v3 =	vld.idx.msk [tilespmem:v4+s3+$0x0], $0xffff;
	[tilespmem:s23+$0x100] =	vst v8  }
0x36e: {  	v4 =	vadd.s32 $0x618, v2;
	[tilespmem:s24+$0x100] =	vst v9;
	v8 =	vld.idx.msk [tilespmem:v10+s3+$0x0], $0xffff  }
0x36f: {  	v9 =	vld.idx.msk [tilespmem:v11+s3+$0x0], $0xffff;
	v10 =	vadd.s32 $0x820, v7  }
0x370: {  	v11 =	vadd.s32 $0x820, v6  }
0x371: {  	[tilespmem:s25+$0x100] =	vst v12  }
0x372: {  	v12 =	vld.idx.msk [tilespmem:v13+s3+$0x0], $0xffff;
	[tilespmem:s26+$0x100] =	vst v3  }
0x373: {  	p1 =	por $0x0, $0x0;
	s0 =	simm.s32 $0x1;
	v13 =	vadd.s32 $0x820, v5;
	v3 =	vld.idx.msk [tilespmem:v4+s3+$0x0], $0xffff;
	[tilespmem:s23+$0x180] =	vst v8  }
0x374: {  	s0 =	simm.s32 @!p1 $0x0;
	v4 =	vadd.s32 $0x820, v2;
	[tilespmem:s24+$0x180] =	vst v9;
	v8 =	vld.idx.msk [tilespmem:v10+s3+$0x0], $0xffff  }
0x375: {  	s0 =	sshll.u32 s0, $0x6;
	v9 =	vld.idx.msk [tilespmem:v11+s3+$0x0], $0xffff;
	v10 =	vadd.s32 $0xA28, v7  }
0x376: {  	s0 =	sadd.s32 $0x0, s0;
	v11 =	vadd.s32 $0xA28, v6  }
0x377: {  	s2 =	sadd.s32 $0x30, s0;
	[tilespmem:s25+$0x180] =	vst v12  }
0x378: {  	s5 =	sadd.s32 $0x10, s0;
	s8 =	sor.u32 $0x200, s2;
	v12 =	vld.idx.msk [tilespmem:v13+s3+$0x0], $0xffff;
	[tilespmem:s26+$0x180] =	vst v3  }
0x379: {  	s10 =	sor.u32 $0x200, s5;
	v13 =	vadd.s32 $0xA28, v5;
	v3 =	vld.idx.msk [tilespmem:v4+s3+$0x0], $0xffff;
	[tilespmem:s8+$0xB080] =	vst v8  }
0x37a: {  	v4 =	vadd.s32 $0xA28, v2;
	[tilespmem:s10+$0xB080] =	vst v9;
	v8 =	vld.idx.msk [tilespmem:v10+s3+$0x0], $0xffff  }
0x37b: {  	s9 =	sadd.s32 $0x20, s0;
	v9 =	vld.idx.msk [tilespmem:v11+s3+$0x0], $0xffff;
	v10 =	vadd.s32 $0xC30, v7  }
0x37c: {  	s11 =	sor.u32 $0x200, s9;
	v11 =	vadd.s32 $0xC30, v6  }
0x37d: {  	s12 =	sor.u32 $0x200, s0;
	[tilespmem:s11+$0xB080] =	vst v12  }
0x37e: {  	s13 =	sor.u32 $0x280, s2;
	v12 =	vld.idx.msk [tilespmem:v13+s3+$0x0], $0xffff;
	[tilespmem:s12+$0xB080] =	vst v3  }
0x37f: {  	s14 =	sor.u32 $0x280, s5;
	v13 =	vadd.s32 $0xC30, v5;
	v3 =	vld.idx.msk [tilespmem:v4+s3+$0x0], $0xffff;
	[tilespmem:s13+$0xB080] =	vst v8  }
0x380: {  	v4 =	vadd.s32 $0xC30, v2;
	[tilespmem:s14+$0xB080] =	vst v9;
	v8 =	vld.idx.msk [tilespmem:v10+s3+$0x0], $0xffff  }
0x381: {  	v9 =	vld.idx.msk [tilespmem:v11+s3+$0x0], $0xffff;
	v10 =	vadd.s32 $0xE38, v7  }
0x382: {  	s15 =	sor.u32 $0x280, s9;
	v11 =	vadd.s32 $0xE38, v6  }
0x383: {  	s16 =	sor.u32 $0x280, s0;
	[tilespmem:s15+$0xB080] =	vst v12  }
0x384: {  	s20 =	sor.u32 $0x300, s2;
	v12 =	vld.idx.msk [tilespmem:v13+s3+$0x0], $0xffff;
	[tilespmem:s16+$0xB080] =	vst v3  }
0x385: {  	s21 =	sor.u32 $0x300, s5;
	v13 =	vadd.s32 $0xE38, v5;
	v4 =	vld.idx.msk [tilespmem:v4+s3+$0x0], $0xffff;
	[tilespmem:s20+$0xB080] =	vst v8  }
0x386: {  	[tilespmem:s21+$0xB080] =	vst v9;
	v9 =	vld.idx.msk [tilespmem:v10+s3+$0x0], $0xffff  }
0x387: {  	v8 =	vadd.s32 $0xE38, v2;
	v10 =	vld.idx.msk [tilespmem:v11+s3+$0x0], $0xffff  }
0x388: {  	s22 =	sor.u32 $0x300, s9;
	v11 =	vadd.s32 $0x1040, v7  }
0x389: {  	s23 =	sor.u32 $0x300, s0;
	[tilespmem:s22+$0xB080] =	vst v12;
	v12 =	vadd.s32 $0x1040, v6  }
0x38a: {  	s1 =	sor.u32 $0x380, s2;
	s24 =	simm.s32 $0x28C0;
	v13 =	vld.idx.msk [tilespmem:v13+s3+$0x0], $0xffff;
	[tilespmem:s23+$0xB080] =	vst v4  }
0x38b: {  	v14 =	vadd.s32 $0x1040, v5;
	s2 =	sor.u32 $0x380, s5;
	s25 =	simm.s32 $0x40;
	v3 =	vld [tilespmem:s24+$0x0];
	[tilespmem:s1+$0xB080] =	vst v9  }
0x38c: {  	s5 =	simm.s32 $0x40;
	s4 =	sand.u32 $0x40, s25;
	s6 =	sand.u32 $0x780, s25;
	v8 =	vld.idx.msk [tilespmem:v8+s3+$0x0], $0xffff;
	[tilespmem:s2+$0xB080] =	vst v10  }
0x38d: {  	s11 =	sor.u32 $0x30, s4;
	s2 =	sadd.s32 $0x2880, s6;
	v9 =	vld.idx.msk [tilespmem:v11+s3+$0x0], $0xffff;
	[dreg:$0xc] =	wrdreg s5  }
0x38e: {  	s26 =	sor.u32 $0x380, s9;
	v11 =	vadd.s32 $0x1248, v7;
	s8 =	sor.u32 s11, s2;
	v10 =	vld.idx.msk [tilespmem:v12+s3+$0x0], $0xffff  }
0x38f: {  	s12 =	sor.u32 $0x10, s4;
	[tilespmem:s26+$0xB080] =	vst v13;
	v12 =	vadd.s32 $0x1040, v2;
	v4 =	vld [tilespmem:s8+$0x0]  }
0x390: {  	s9 =	sor.u32 $0x20, s4;
	s22 =	sadd.s32 $0xF080, s31;
	s21 =	sor.u32 s12, s2;
	v13 =	vld.idx.msk [tilespmem:v14+s3+$0x0], $0xffff;
	v14 =	vadd.s32 $0x1248, v6  }
0x391: {  	s23 =	sor.u32 s17, s22;
	s2 =	sor.u32 s9, s2;
	v19 =	vld [tilespmem:s21+$0x0]  }
0x392: {  	v15 =	vadd.s32 $0x1248, v5;
	s0 =	sor.u32 $0x380, s0;
	v28 =	vld [tilespmem:s2+$0x0];
	[tilespmem:s23+$0x0] =	vst v9  }
0x393: {  	s24 =	sor.u32 s19, s22;
	[tilespmem:s0+$0xB080] =	vst v8;
	v8 =	vld.idx.msk [tilespmem:v11+s3+$0x0], $0xffff  }
0x394: {  	[tilespmem:s24+$0x0] =	vst v10;
	v9 =	vld.idx.msk [tilespmem:v12+s3+$0x0], $0xffff  }
0x395: {  	s25 =	sor.u32 s7, s22;
	v10 =	vld.idx.msk [tilespmem:v14+s3+$0x0], $0xffff  }
0x396: {  	v11 =	vadd.s32 $0x1450, v7;
	[tilespmem:s25+$0x0] =	vst v13;
	v14 =	vld.idx.msk [tilespmem:v3+s3+$0x0], $0xffff  }
0x397: {  	s26 =	sadd.s32 $0xF100, s31;
	v13 =	vadd.s32 $0x1248, v2;
	v12 =	vld.idx.msk [tilespmem:v15+s3+$0x0], $0xffff  }
0x398: {  	s10 =	sor.u32 s17, s26;
	v15 =	vadd.s32 $0x1450, v6;
	v16 =	vld.idx.msk [tilespmem:v4+s3+$0x0], $0xffff  }
0x399: {  	v17 =	vadd.s32 $0x1450, v5;
	s16 =	simm.s32 $0x200;
	s14 =	sor.u32 s18, s22;
	v18 =	vld.idx.msk [tilespmem:v19+s3+$0x0], $0xffff;
	[tilespmem:s10+$0x0] =	vst v8  }
0x39a: {  	s8 =	sand.u32 $0x3C00, s16;
	s15 =	sor.u32 s19, s26;
	v8 =	vadd.s32 $0x208, v4;
	[tilespmem:s14+$0x0] =	vst v9;
	v9 =	vld.idx.msk [tilespmem:v28+s3+$0x0], $0xffff  }
0x39b: {  	s20 =	sor.u32 s7, s26;
	s21 =	sadd.s32 $0xB080, s8;
	v20 =	vadd.s32 $0x208, v19;
	v11 =	vld.idx.msk [tilespmem:v11+s3+$0x0], $0xffff;
	[tilespmem:s15+$0x0] =	vst v10  }
0x39c: {  	s5 =	sor.u32 s11, s21;
	v10 =	vld.idx.msk [tilespmem:v13+s3+$0x0], $0xffff;
	v13 =	vadd.s32 $0x1658, v7;
	[tilespmem:s20+$0x0] =	vst v12  }
0x39d: {  	s2 =	sor.u32 s12, s21;
	v21 =	vadd.s32 $0x208, v28;
	v12 =	vld.idx.msk [tilespmem:v15+s3+$0x0], $0xffff;
	[tilespmem:s5+$0x0] =	vst v16  }
0x39e: {  	s22 =	sadd.s32 $0xF180, s31;
	v15 =	vadd.s32 $0x208, v3;
	v16 =	vld.idx.msk [tilespmem:v17+s3+$0x0], $0xffff;
	[tilespmem:s2+$0x0] =	vst v18  }
0x39f: {  	s23 =	sor.u32 s17, s22;
	v17 =	vadd.s32 $0x1450, v2;
	v8 =	vld.idx.msk [tilespmem:v8+s3+$0x0], $0xffff;
	[dreg:$0x3] =	wrdreg s9  }
0x3a0: {  	s1 =	sor.u32 s9, s21;
	v18 =	vadd.s32 $0x1658, v6;
	v20 =	vld.idx.msk [tilespmem:v20+s3+$0x0], $0xffff;
	[tilespmem:s23+$0x0] =	vst v11  }
0x3a1: {  	s0 =	sor.u32 s4, s21;
	[tilespmem:s1+$0x0] =	vst v9;
	v9 =	vadd.s32 $0x410, v4;
	v11 =	vld.idx.msk [tilespmem:v13+s3+$0x0], $0xffff  }
0x3a2: {  	s6 =	sor.u32 s18, s26;
	[tilespmem:s0+$0x0] =	vst v14;
	v13 =	vadd.s32 $0x410, v19;
	v14 =	vld.idx.msk [tilespmem:v21+s3+$0x0], $0xffff  }
0x3a3: {  	s24 =	sor.u32 s19, s22;
	[tilespmem:s6+$0x0] =	vst v10;
	v10 =	vadd.s32 $0x1860, v7;
	v15 =	vld.idx.msk [tilespmem:v15+s3+$0x0], $0xffff  }
0x3a4: {  	v21 =	vadd.s32 $0x410, v28;
	[tilespmem:s24+$0x0] =	vst v12;
	v17 =	vld.idx.msk [tilespmem:v17+s3+$0x0], $0xffff  }
0x3a5: {  	s25 =	sadd.s32 $0xF200, s31;
	v12 =	vadd.s32 $0x410, v3;
	[tilespmem:s5+$0x80] =	vst v8;
	v8 =	vld.idx.msk [tilespmem:v18+s3+$0x0], $0xffff  }
0x3a6: {  	s26 =	sor.u32 s17, s25;
	v18 =	vadd.s32 $0x1658, v5;
	[tilespmem:s2+$0x80] =	vst v20;
	v9 =	vld.idx.msk [tilespmem:v9+s3+$0x0], $0xffff  }
0x3a7: {  	v20 =	vadd.s32 $0x1658, v2;
	v13 =	vld.idx.msk [tilespmem:v13+s3+$0x0], $0xffff;
	[tilespmem:s26+$0x0] =	vst v11  }
0x3a8: {  	[tilespmem:s1+$0x80] =	vst v14;
	v11 =	vadd.s32 $0x618, v4;
	v10 =	vld.idx.msk [tilespmem:v10+s3+$0x0], $0xffff  }
0x3a9: {  	s13 =	sor.u32 s7, s22;
	v14 =	vadd.s32 $0x618, v19;
	[tilespmem:s0+$0x80] =	vst v15;
	v15 =	vld.idx.msk [tilespmem:v21+s3+$0x0], $0xffff  }
0x3aa: {  	s10 =	sor.u32 s18, s22;
	[tilespmem:s13+$0x0] =	vst v16;
	v16 =	vadd.s32 $0x1A68, v7;
	v12 =	vld.idx.msk [tilespmem:v12+s3+$0x0], $0xffff  }
0x3ab: {  	v21 =	vadd.s32 $0x618, v28;
	[tilespmem:s10+$0x0] =	vst v17;
	v17 =	vld.idx.msk [tilespmem:v18+s3+$0x0], $0xffff  }
0x3ac: {  	s14 =	sadd.s32 $0xF280, s31;
	v18 =	vadd.s32 $0x618, v3;
	[tilespmem:s5+$0x100] =	vst v9;
	v9 =	vld.idx.msk [tilespmem:v20+s3+$0x0], $0xffff  }
0x3ad: {  	s15 =	sor.u32 s17, s14;
	v20 =	vadd.s32 $0x1860, v6;
	[tilespmem:s2+$0x100] =	vst v13;
	v11 =	vld.idx.msk [tilespmem:v11+s3+$0x0], $0xffff  }
0x3ae: {  	v13 =	vadd.s32 $0x1860, v5;
	v14 =	vld.idx.msk [tilespmem:v14+s3+$0x0], $0xffff;
	[tilespmem:s15+$0x0] =	vst v10  }
0x3af: {  	[tilespmem:s1+$0x100] =	vst v15;
	v10 =	vadd.s32 $0x820, v4;
	v15 =	vld.idx.msk [tilespmem:v16+s3+$0x0], $0xffff  }
0x3b0: {  	s20 =	sor.u32 s19, s25;
	[tilespmem:s0+$0x100] =	vst v12;
	v16 =	vadd.s32 $0x820, v19;
	v12 =	vld.idx.msk [tilespmem:v21+s3+$0x0], $0xffff  }
0x3b1: {  	s21 =	sor.u32 s7, s25;
	[tilespmem:s20+$0x0] =	vst v8;
	v8 =	vadd.s32 $0x1C70, v7;
	v18 =	vld.idx.msk [tilespmem:v18+s3+$0x0], $0xffff  }
0x3b2: {  	v21 =	vadd.s32 $0x820, v28;
	[tilespmem:s21+$0x0] =	vst v17;
	v20 =	vld.idx.msk [tilespmem:v20+s3+$0x0], $0xffff  }
0x3b3: {  	v17 =	vadd.s32 $0x820, v3;
	[tilespmem:s5+$0x180] =	vst v11;
	s5 =	sadd.s32 $0xF300, s31;
	v11 =	vld.idx.msk [tilespmem:v13+s3+$0x0], $0xffff  }
0x3b4: {  	p1 =	por !p1, !p1;
	s9 =	simm.s32 $0x1;
	v13 =	vadd.s32 $0x1860, v2;
	[tilespmem:s2+$0x180] =	vst v14;
	v10 =	vld.idx.msk [tilespmem:v10+s3+$0x0], $0xffff;
	s22 =	sor.u32 s17, s5  }
0x3b5: {  	s9 =	simm.s32 @!p1 $0x0;
	v14 =	vadd.s32 $0x1A68, v6;
	v16 =	vld.idx.msk [tilespmem:v16+s3+$0x0], $0xffff;
	[tilespmem:s22+$0x0] =	vst v15  }
0x3b6: {  	s23 =	sshll.u32 s9, $0x6;
	[tilespmem:s1+$0x180] =	vst v12;
	v12 =	vadd.s32 $0xA28, v4;
	v15 =	vld.idx.msk [tilespmem:v8+s3+$0x0], $0xffff  }
0x3b7: {  	v22 =	vadd.s32 $0xA28, v19;
	s24 =	sor.u32 s18, s25;
	s2 =	sadd.s32 $0x200, s23;
	[tilespmem:s0+$0x180] =	vst v18;
	v18 =	vld.idx.msk [tilespmem:v21+s3+$0x0], $0xffff  }
0x3b8: {  	s25 =	sor.u32 s19, s14;
	[tilespmem:s24+$0x0] =	vst v9;
	v9 =	vadd.s32 $0x1E78, v7;
	s23 =	sadd.s32 $0x30, s2;
	v21 =	vld.idx.msk [tilespmem:v17+s3+$0x0], $0xffff  }
0x3b9: {  	v24 =	vadd.s32 $0xA28, v28;
	s21 =	sadd.s32 $0xF380, s31;
	s9 =	sadd.s32 $0x10, s2;
	s26 =	sor.u32 $0x200, s23;
	[tilespmem:s25+$0x0] =	vst v20;
	v13 =	vld.idx.msk [tilespmem:v13+s3+$0x0], $0xffff  }
0x3ba: {  	v30 =	vadd.s32 $0x1A68, v2;
	s13 =	sor.u32 s7, s14;
	s28 =	sor.u32 s18, s21;
	s15 =	sor.u32 $0x200, s9;
	v20 =	vadd.s32 $0xA28, v3;
	[tilespmem:s26+$0xB080] =	vst v10;
	v29 =	vld.idx.msk [tilespmem:v14+s3+$0x0], $0xffff  }
0x3bb: {  	v35 =	vadd.s32 $0xC30, v3;
	v36 =	vadd.s32 $0xC30, v19;
	s6 =	sor.u32 s7, s5;
	s20 =	sadd.s32 $0x20, s2;
	s22 =	sor.u32 s17, s21;
	v10 =	vadd.s32 $0x1A68, v5;
	[tilespmem:s15+$0xB080] =	vst v16;
	v12 =	vld.idx.msk [tilespmem:v12+s3+$0x0], $0xffff  }
0x3bc: {  	v27 =	vadd.s32 $0xC30, v28;
	v26 =	vadd.s32 $0xE38, v19;
	v62 =	vadd.s32 $0xC30, v4;
	s1 =	sor.u32 s18, s14;
	s14 =	sor.u32 s19, s5;
	s24 =	sor.u32 $0x200, s20;
	v22 =	vld.idx.msk [tilespmem:v22+s3+$0x0], $0xffff;
	[tilespmem:s22+$0x0] =	vst v15  }
0x3bd: {  	v25 =	vadd.s32 $0xE38, v28;
	v23 =	vadd.s32 $0x1040, v19;
	v7 =	vadd.s32 $0x1C70, v6;
	s30 =	sor.u32 $0x280, s2;
	s10 =	sor.u32 $0x280, s20;
	s26 =	sor.u32 $0x200, s2;
	[tilespmem:s24+$0xB080] =	vst v18;
	v63 =	vld.idx.msk [tilespmem:v9+s3+$0x0], $0xffff  }
0x3be: {  	v6 =	vadd.s32 $0x1E78, v6;
	v8 =	vadd.s32 $0x1C70, v5;
	s0 =	sor.u32 $0x300, s9;
	s29 =	sor.u32 $0x380, s9;
	s25 =	sor.u32 s18, s5;
	v17 =	vadd.s32 $0x1248, v19;
	[tilespmem:s26+$0xB080] =	vst v21;
	v33 =	vld.idx.msk [tilespmem:v24+s3+$0x0], $0xffff  }
0x3bf: {  	[tilespmem:s13+$0x0] =	vst v11;
	v11 =	vadd.s32 $0x1860, v28;
	s13 =	sor.u32 $0x300, s2;
	v5 =	vadd.s32 $0x1E78, v5;
	v14 =	vadd.s32 $0x1658, v28;
	s15 =	sor.u32 s7, s21;
	s22 =	sor.u32 $0x280, s9;
	v34 =	vld.idx.msk [tilespmem:v20+s3+$0x0], $0xffff  }
0x3c0: {  	v16 =	vadd.s32 $0x1450, v28;
	s24 =	sor.u32 s19, s21;
	v15 =	vadd.s32 $0x1450, v19;
	v18 =	vadd.s32 $0x1248, v28;
	s26 =	sadd.s32 $0xF400, s31;
	s31 =	sor.u32 $0x280, s23;
	[tilespmem:s1+$0x0] =	vst v13;
	v31 =	vld.idx.msk [tilespmem:v10+s3+$0x0], $0xffff  }
0x3c1: {  	s9 =	sor.u32 $0x300, s20;
	v21 =	vadd.s32 $0x1040, v28;
	v9 =	vadd.s32 $0x1A68, v19;
	v24 =	vadd.s32 $0x1C70, v19;
	s21 =	sor.u32 s18, s26;
	s5 =	sor.u32 s19, s26;
	v30 =	vld.idx.msk [tilespmem:v30+s3+$0x0], $0xffff;
	[tilespmem:s31+$0xB080] =	vst v12  }
0x3c2: {  	v13 =	vadd.s32 $0x1658, v19;
	s17 =	sor.u32 s17, s26;
	s1 =	sor.u32 s7, s26;
	v20 =	vadd.s32 $0x1E78, v19;
	s26 =	sor.u32 $0x380, s20;
	v10 =	vadd.s32 $0x1A68, v28;
	[tilespmem:s22+$0xB080] =	vst v22;
	v32 =	vld.idx.msk [tilespmem:v62+s3+$0x0], $0xffff  }
0x3c3: {  	s18 =	simm.s32 $0x2900;
	v12 =	vadd.s32 $0x1860, v19;
	v19 =	vadd.s32 $0x1E78, v28;
	v22 =	vadd.s32 $0x1C70, v28;
	s22 =	sor.u32 $0x380, s2;
	[tilespmem:s17+$0x0] =	vst v63;
	v28 =	vld.idx.msk [tilespmem:v36+s3+$0x0], $0xffff;
	s17 =	simm.s32 $0x4  }
.LBB2_13:
0x3c4: {  	_ = 	snop  }
0x3c5: {  	v36 =	vld [tilespmem:s18+$0x0];
	v54 =	vadd.s32 $0xE38, v4;
	[tilespmem:s14+$0x0] =	vst v29  }
0x3c6: {  	v29 =	vld.idx.msk [tilespmem:v7+s3+$0x0], $0xffff;
	[tilespmem:s10+$0xB080] =	vst v33  }
0x3c7: {  	v55 =	vadd.s32 $0x1C70, v2;
	[tilespmem:s30+$0xB080] =	vst v34;
	v27 =	vld.idx.msk [tilespmem:v27+s3+$0x0], $0xffff  }
0x3c8: {  	s31 =	smov.u32 s12;
	s12 =	sor.u32 $0x300, s23;
	v34 =	vld.idx.msk [tilespmem:v35+s3+$0x0], $0xffff;
	[tilespmem:s6+$0x0] =	vst v31  }
0x3c9: {  	[tilespmem:s12+$0xB080] =	vst v32;
	v31 =	vld.idx.msk [tilespmem:v8+s3+$0x0], $0xffff  }
0x3ca: {  	v7 =	vmov v24;
	v24 =	vadd.s32 $0xE38, v3;
	[tilespmem:s0+$0xB080] =	vst v28;
	v8 =	vmov v22;
	v22 =	vld.idx.msk [tilespmem:v54+s3+$0x0], $0xffff  }
0x3cb: {  	[tilespmem:s25+$0x0] =	vst v30;
	v26 =	vld.idx.msk [tilespmem:v26+s3+$0x0], $0xffff  }
0x3cc: {  	v28 =	vld.idx.msk [tilespmem:v55+s3+$0x0], $0xffff;
	[tilespmem:s24+$0x0] =	vst v29  }
0x3cd: {  	s14 =	rddreg [dreg:$0xc];
	v56 =	vld.idx.msk [tilespmem:v6+s3+$0x0], $0xffff;
	[tilespmem:s9+$0xB080] =	vst v27;
	v27 =	vadd.s32 $0x1040, v4  }
0x3ce: {  	s0 =	sadd.s32 $0x40, s14;
	[tilespmem:s13+$0xB080] =	vst v34;
	v25 =	vld.idx.msk [tilespmem:v25+s3+$0x0], $0xffff  }
0x3cf: {  	v30 =	vadd.s32 $0x1E78, v2;
	s20 =	sand.u32 $0x40, s0;
	v24 =	vld.idx.msk [tilespmem:v24+s3+$0x0], $0xffff;
	[tilespmem:s15+$0x0] =	vst v31  }
0x3d0: {  	[dreg:$0xc] =	wrdreg s0;
	s0 =	sand.u32 $0x780, s0;
	v6 =	vmov v20;
	s13 =	sor.u32 $0x380, s23;
	[tilespmem:s29+$0xB080] =	vst v26;
	v20 =	vld.idx.msk [tilespmem:v5+s3+$0x0], $0xffff  }
0x3d1: {  	s0 =	sadd.s32 $0x2880, s0;
	s12 =	sor.u32 $0x30, s20;
	[tilespmem:s13+$0xB080] =	vst v22;
	v22 =	vld.idx.msk [tilespmem:v23+s3+$0x0], $0xffff  }
0x3d2: {  	[tilespmem:s28+$0x0] =	vst v28;
	s15 =	sor.u32 s12, s0;
	v5 =	vmov v19;
	v19 =	vld.idx.msk [tilespmem:v27+s3+$0x0], $0xffff  }
0x3d3: {  	v2 =	vmov v3;
	v23 =	vadd.s32 $0x1248, v4;
	v29 =	vld [tilespmem:s15+$0x0];
	[tilespmem:s26+$0xB080] =	vst v25  }
0x3d4: {  	s19 =	smov.u32 s11;
	s11 =	sor.u32 $0x10, s20;
	v25 =	vld.idx.msk [tilespmem:v30+s3+$0x0], $0xffff;
	[tilespmem:s22+$0xB080] =	vst v24;
	v24 =	vadd.s32 $0x1040, v2  }
0x3d5: {  	s10 =	sor.u32 $0x20, s20;
	s23 =	sadd.s32 $0xF080, s8;
	[tilespmem:s5+$0x0] =	vst v56;
	s22 =	sor.u32 s11, s0;
	v21 =	vld.idx.msk [tilespmem:v21+s3+$0x0], $0xffff  }
0x3d6: {  	s0 =	sor.u32 s10, s0;
	s26 =	sor.u32 s19, s23;
	v38 =	vld [tilespmem:s22+$0x0];
	[tilespmem:s1+$0x0] =	vst v20  }
0x3d7: {  	v3 =	vmov v36;
	v39 =	vld [tilespmem:s0+$0x0];
	[tilespmem:s26+$0x0] =	vst v19  }
0x3d8: {  	s25 =	sor.u32 s31, s23;
	v19 =	vld.idx.msk [tilespmem:v23+s3+$0x0], $0xffff  }
0x3d9: {  	s2 =	rddreg [dreg:$0x3];
	[tilespmem:s25+$0x0] =	vst v22;
	v20 =	vld.idx.msk [tilespmem:v24+s3+$0x0], $0xffff  }
0x3da: {  	s7 =	smov.u32 s2;
	v24 =	vld.idx.msk [tilespmem:v17+s3+$0x0], $0xffff  }
0x3db: {  	s2 =	sor.u32 s7, s23;
	[tilespmem:s21+$0x0] =	vst v25;
	v17 =	vadd.s32 $0x1450, v4;
	v47 =	vld.idx.msk [tilespmem:v29+s3+$0x0], $0xffff  }
0x3dc: {  	v22 =	vadd.s32 $0x1248, v2;
	[tilespmem:s2+$0x0] =	vst v21;
	v44 =	vld.idx.msk [tilespmem:v3+s3+$0x0], $0xffff  }
0x3dd: {  	s13 =	sadd.s32 $0xF100, s8;
	v57 =	vld.idx.msk [tilespmem:v18+s3+$0x0], $0xffff  }
0x3de: {  	s16 =	sadd.s32 $0x200, s16;
	v41 =	vadd.s32 $0x208, v3;
	s15 =	sor.u32 s19, s13;
	v48 =	vld.idx.msk [tilespmem:v38+s3+$0x0], $0xffff  }
0x3df: {  	s24 =	sor.u32 s4, s23;
	s1 =	sand.u32 $0x3C00, s16;
	[tilespmem:s15+$0x0] =	vst v19;
	v50 =	vld.idx.msk [tilespmem:v39+s3+$0x0], $0xffff  }
0x3e0: {  	s14 =	sor.u32 s31, s13;
	s22 =	sadd.s32 $0xB080, s1;
	v19 =	vadd.s32 $0x208, v29;
	[tilespmem:s24+$0x0] =	vst v20;
	v49 =	vld.idx.msk [tilespmem:v17+s3+$0x0], $0xffff  }
0x3e1: {  	s5 =	sor.u32 s20, s22;
	v42 =	vadd.s32 $0x208, v38;
	[tilespmem:s14+$0x0] =	vst v24;
	v51 =	vld.idx.msk [tilespmem:v22+s3+$0x0], $0xffff  }
0x3e2: {  	s21 =	sor.u32 s7, s13;
	v45 =	vadd.s32 $0x208, v39;
	v55 =	vld.idx.msk [tilespmem:v15+s3+$0x0], $0xffff;
	[tilespmem:s5+$0x0] =	vst v44  }
0x3e3: {  	v52 =	vadd.s32 $0x1658, v4;
	s0 =	sor.u32 s4, s13;
	s13 =	sor.u32 s12, s22;
	[tilespmem:s21+$0x0] =	vst v57;
	v41 =	vld.idx.msk [tilespmem:v41+s3+$0x0], $0xffff  }
0x3e4: {  	v40 =	vadd.s32 $0x1450, v2;
	s6 =	sor.u32 s11, s22;
	[tilespmem:s13+$0x0] =	vst v47;
	v47 =	vld.idx.msk [tilespmem:v16+s3+$0x0], $0xffff  }
0x3e5: {  	s23 =	sadd.s32 $0xF180, s8;
	s15 =	sor.u32 s10, s22;
	[tilespmem:s6+$0x0] =	vst v48;
	v58 =	vld.idx.msk [tilespmem:v19+s3+$0x0], $0xffff  }
0x3e6: {  	v62 =	vadd.s32 $0x1860, v4;
	v63 =	vadd.s32 $0x410, v3;
	v59 =	vadd.s32 $0x410, v29;
	s26 =	sor.u32 s19, s23;
	v42 =	vld.idx.msk [tilespmem:v42+s3+$0x0], $0xffff;
	[tilespmem:s15+$0x0] =	vst v50  }
0x3e7: {  	v43 =	vadd.s32 $0x410, v38;
	v37 =	vadd.s32 $0x618, v38;
	v34 =	vadd.s32 $0x820, v38;
	[tilespmem:s26+$0x0] =	vst v49;
	v61 =	vld.idx.msk [tilespmem:v45+s3+$0x0], $0xffff  }
0x3e8: {  	s25 =	sor.u32 s31, s23;
	v31 =	vadd.s32 $0xA28, v38;
	v28 =	vadd.s32 $0xC30, v38;
	v26 =	vadd.s32 $0xE38, v38;
	[tilespmem:s0+$0x0] =	vst v51;
	v60 =	vld.idx.msk [tilespmem:v52+s3+$0x0], $0xffff  }
0x3e9: {  	v23 =	vadd.s32 $0x1040, v38;
	v53 =	vadd.s32 $0x1658, v38;
	v46 =	vadd.s32 $0x410, v39;
	[tilespmem:s25+$0x0] =	vst v55;
	v40 =	vld.idx.msk [tilespmem:v40+s3+$0x0], $0xffff  }
0x3ea: {  	v56 =	vadd.s32 $0x1860, v38;
	v35 =	vadd.s32 $0x1A68, v38;
	v20 =	vadd.s32 $0x1450, v38;
	v48 =	vld.idx.msk [tilespmem:v13+s3+$0x0], $0xffff;
	[tilespmem:s13+$0x80] =	vst v58  }
0x3eb: {  	v24 =	vadd.s32 $0x1C70, v38;
	v17 =	vadd.s32 $0x1248, v38;
	v15 =	vmovc v20;
	v20 =	vadd.s32 $0x1E78, v38;
	[tilespmem:s6+$0x80] =	vst v42;
	v38 =	vld.idx.msk [tilespmem:v59+s3+$0x0], $0xffff  }
0x3ec: {  	[dreg:$0x11] =	wrdreg s11;
	s11 =	sadd.s32 $0xF200, s8;
	v52 =	vadd.s32 $0x1658, v2;
	[tilespmem:s5+$0x80] =	vst v41;
	v42 =	vld.idx.msk [tilespmem:v43+s3+$0x0], $0xffff  }
0x3ed: {  	s2 =	sor.u32 s7, s23;
	s24 =	sor.u32 s4, s23;
	s23 =	sor.u32 s19, s11;
	v13 =	vmov v53;
	v53 =	vadd.s32 $0x618, v29;
	[tilespmem:s15+$0x80] =	vst v61;
	v59 =	vld.idx.msk [tilespmem:v63+s3+$0x0], $0xffff  }
0x3ee: {  	v36 =	vadd.s32 $0x618, v39;
	v33 =	vadd.s32 $0x820, v39;
	v30 =	vadd.s32 $0xA28, v39;
	[tilespmem:s23+$0x0] =	vst v60;
	v58 =	vld.idx.msk [tilespmem:v46+s3+$0x0], $0xffff  }
0x3ef: {  	v27 =	vadd.s32 $0xC30, v39;
	v25 =	vadd.s32 $0xE38, v39;
	v21 =	vadd.s32 $0x1040, v39;
	[tilespmem:s2+$0x0] =	vst v47;
	v55 =	vld.idx.msk [tilespmem:v62+s3+$0x0], $0xffff  }
0x3f0: {  	v18 =	vadd.s32 $0x1248, v39;
	v54 =	vadd.s32 $0x1658, v39;
	[tilespmem:s24+$0x0] =	vst v40;
	v61 =	vld.idx.msk [tilespmem:v14+s3+$0x0], $0xffff;
	v62 =	vadd.s32 $0x618, v3  }
0x3f1: {  	v32 =	vadd.s32 $0x1A68, v39;
	v22 =	vadd.s32 $0x1450, v39;
	v57 =	vadd.s32 $0x1860, v39;
	v63 =	vld.idx.msk [tilespmem:v52+s3+$0x0], $0xffff;
	[tilespmem:s13+$0x100] =	vst v38  }
0x3f2: {  	v16 =	vmovc v22;
	v22 =	vadd.s32 $0x1C70, v39;
	v19 =	vadd.s32 $0x1E78, v39;
	v60 =	vadd.s32 $0x1A68, v4;
	[tilespmem:s6+$0x100] =	vst v42;
	v39 =	vld.idx.msk [tilespmem:v53+s3+$0x0], $0xffff  }
0x3f3: {  	v37 =	vld.idx.msk [tilespmem:v37+s3+$0x0], $0xffff;
	[tilespmem:s15+$0x100] =	vst v58  }
0x3f4: {  	[dreg:$0x17] =	wrdreg s12;
	s12 =	sor.u32 s31, s11;
	v49 =	vadd.s32 $0x820, v29;
	s24 =	sadd.s32 $0xF280, s8;
	[tilespmem:s5+$0x100] =	vst v59;
	v36 =	vld.idx.msk [tilespmem:v36+s3+$0x0], $0xffff  }
0x3f5: {  	s25 =	sor.u32 s19, s24;
	[tilespmem:s12+$0x0] =	vst v48;
	v51 =	vld.idx.msk [tilespmem:v62+s3+$0x0], $0xffff  }
0x3f6: {  	[dreg:$0x3] =	wrdreg s10;
	s10 =	sor.u32 s7, s11;
	[tilespmem:s25+$0x0] =	vst v55;
	v53 =	vld.idx.msk [tilespmem:v12+s3+$0x0], $0xffff  }
0x3f7: {  	v14 =	vmov v54;
	v54 =	vadd.s32 $0x820, v3;
	[tilespmem:s10+$0x0] =	vst v61;
	v50 =	vld.idx.msk [tilespmem:v60+s3+$0x0], $0xffff  }
0x3f8: {  	s17 =	sadd.s32 $0x4, s17;
	p1 =	por !p1, !p1;
	s18 =	sadd.s32 $0x40, s18;
	v52 =	vadd.s32 $0x1C70, v4;
	v55 =	vld.idx.msk [tilespmem:v11+s3+$0x0], $0xffff;
	[tilespmem:s13+$0x180] =	vst v39  }
0x3f9: {  	p2 =	slt.u32 s17, $0x7C;
	s22 =	simm.s32 $0x1;
	s26 =	sadd.s32 $0xF300, s8;
	v12 =	vmov v56;
	[tilespmem:s6+$0x180] =	vst v37;
	v56 =	vld.idx.msk [tilespmem:v49+s3+$0x0], $0xffff  }
0x3fa: {  	s22 =	simm.s32 @!p1 $0x0;
	s0 =	sor.u32 s4, s11;
	s11 =	sor.u32 s19, s26;
	v11 =	vmov v57;
	v57 =	vadd.s32 $0x1860, v2;
	v34 =	vld.idx.msk [tilespmem:v34+s3+$0x0], $0xffff;
	[tilespmem:s15+$0x180] =	vst v36  }
0x3fb: {  	s14 =	sor.u32 s31, s26;
	s21 =	sor.u32 s4, s24;
	s12 =	sshll.u32 s22, $0x6;
	v58 =	vadd.s32 $0xA28, v29;
	[tilespmem:s5+$0x180] =	vst v51;
	v33 =	vld.idx.msk [tilespmem:v33+s3+$0x0], $0xffff  }
0x3fc: {  	s9 =	sor.u32 s31, s24;
	s2 =	sor.u32 s7, s24;
	s15 =	sadd.s32 s12, s16;
	[tilespmem:s11+$0x0] =	vst v50;
	v40 =	vld.idx.msk [tilespmem:v54+s3+$0x0], $0xffff  }
0x3fd: {  	s25 =	sor.u32 s4, s26;
	[tilespmem:s9+$0x0] =	vst v53;
	s12 =	simm.s32 $0x0;
	s23 =	sadd.s32 $0x30, s15;
	v42 =	vld.idx.msk [tilespmem:v52+s3+$0x0], $0xffff  }
0x3fe: {  	v59 =	vadd.s32 $0x1E78, v4;
	v4 =	vmov v29;
	s6 =	sor.u32 s7, s26;
	s5 =	sadd.s32 $0x10, s15;
	[tilespmem:s0+$0x0] =	vst v63;
	v29 =	vld.idx.msk [tilespmem:v9+s12+$0x0], $0xffff;
	s22 =	sor.u32 $0x200, s23  }
0x3ff: {  	v60 =	vadd.s32 $0xA28, v3;
	s24 =	sadd.s32 $0x20, s15;
	s28 =	sor.u32 $0x200, s15;
	s13 =	sor.u32 $0x200, s5;
	v41 =	vld.idx.msk [tilespmem:v57+s3+$0x0], $0xffff;
	[tilespmem:s22+$0xB080] =	vst v56  }
0x400: {  	s30 =	sor.u32 $0x280, s15;
	s26 =	sor.u32 $0x200, s24;
	s3 =	sadd.s32 $0xF380, s8;
	[tilespmem:s13+$0xB080] =	vst v34;
	v36 =	vld.idx.msk [tilespmem:v58+s12+$0x0], $0xffff  }
0x401: {  	v62 =	vadd.s32 $0x1A68, v2;
	s11 =	sor.u32 $0x280, s5;
	s10 =	sor.u32 $0x280, s24;
	s22 =	sor.u32 s19, s3;
	v61 =	vld.idx.msk [tilespmem:v31+s12+$0x0], $0xffff;
	[tilespmem:s26+$0xB080] =	vst v33  }
0x402: {  	v63 =	vadd.s32 $0xC30, v4;
	s0 =	sor.u32 $0x300, s5;
	s9 =	sor.u32 $0x300, s24;
	s29 =	sor.u32 $0x380, s5;
	[tilespmem:s22+$0x0] =	vst v42;
	v33 =	vld.idx.msk [tilespmem:v30+s12+$0x0], $0xffff  }
0x403: {  	s5 =	sor.u32 $0x280, s23;
	s13 =	sor.u32 $0x300, s15;
	s26 =	sor.u32 $0x380, s24;
	[tilespmem:s28+$0xB080] =	vst v40;
	v38 =	vld.idx.msk [tilespmem:v59+s12+$0x0], $0xffff  }
.Ltmp5:
0x404: {  	s28 =	sor.u32 s4, s3;
	s24 =	sor.u32 s31, s3;
	v34 =	vld.idx.msk [tilespmem:v60+s12+$0x0], $0xffff;
	[tilespmem:s2+$0x0] =	vst v55;
	(pc) =	sbr.rel @p2 .LBB2_13-.Ltmp5, $4  }
0x405: {  	s22 =	sor.u32 $0x380, s15;
	s15 =	sor.u32 s7, s3;
	[tilespmem:s21+$0x0] =	vst v41;
	s3 =	sadd.s32 $0xF400, s8;
	v31 =	vld.idx.msk [tilespmem:v10+s12+$0x0], $0xffff  }
0x406: {  	s8 =	smov.u32 s1;
	v30 =	vld.idx.msk [tilespmem:v62+s12+$0x0], $0xffff;
	s21 =	sor.u32 s4, s3;
	s1 =	sor.u32 s7, s3;
	[tilespmem:s5+$0xB080] =	vst v36  }
0x407: {  	v10 =	vmov v32;
	[tilespmem:s11+$0xB080] =	vst v61;
	s11 =	rddreg [dreg:$0x17];
	s5 =	sor.u32 s31, s3;
	s31 =	sor.u32 s19, s3;
	v32 =	vld.idx.msk [tilespmem:v63+s12+$0x0], $0xffff  }
0x408: {  	v9 =	vmov v35;
	v35 =	vadd.s32 $0xC30, v3;
	s4 =	smov.u32 s20;
	s3 =	simm.s32 $0x0;
	v28 =	vld.idx.msk [tilespmem:v28+s12+$0x0], $0xffff;
	s12 =	rddreg [dreg:$0x11];
	[tilespmem:s31+$0x0] =	vst v38  }
0x409: {  	_ =	sdelay $0x1  }
0x40a: {  	v57 =	vadd.s32 $0xE38, v4  }
0x40b: {  	[tilespmem:s30+$0xB080] =	vst v34  }
0x40c: {  	[tilespmem:s10+$0xB080] =	vst v33;
	v34 =	vld.idx.msk [tilespmem:v35+s3+$0x0], $0xffff  }
0x40d: {  	s2 =	sor.u32 $0x300, s23;
	v58 =	vadd.s32 $0xE38, v3;
	v27 =	vld.idx.msk [tilespmem:v27+s3+$0x0], $0xffff  }
0x40e: {  	[tilespmem:s2+$0xB080] =	vst v32  }
0x40f: {  	[tilespmem:s0+$0xB080] =	vst v28;
	v59 =	vld.idx.msk [tilespmem:v57+s3+$0x0], $0xffff  }
0x410: {  	v60 =	vadd.s32 $0x1040, v4;
	v26 =	vld.idx.msk [tilespmem:v26+s3+$0x0], $0xffff  }
0x411: {  	[tilespmem:s13+$0xB080] =	vst v34  }
0x412: {  	[tilespmem:s9+$0xB080] =	vst v27;
	v61 =	vld.idx.msk [tilespmem:v58+s3+$0x0], $0xffff  }
0x413: {  	s20 =	sor.u32 $0x380, s23;
	v62 =	vadd.s32 $0x1040, v3;
	v25 =	vld.idx.msk [tilespmem:v25+s3+$0x0], $0xffff  }
0x414: {  	[tilespmem:s20+$0xB080] =	vst v59  }
0x415: {  	[tilespmem:s29+$0xB080] =	vst v26;
	v63 =	vld.idx.msk [tilespmem:v60+s3+$0x0], $0xffff  }
0x416: {  	v23 =	vld.idx.msk [tilespmem:v23+s3+$0x0], $0xffff  }
0x417: {  	v34 =	vadd.s32 $0x1248, v4;
	[tilespmem:s22+$0xB080] =	vst v61  }
0x418: {  	s23 =	sadd.s32 $0xF080, s8;
	[tilespmem:s26+$0xB080] =	vst v25;
	v35 =	vld.idx.msk [tilespmem:v62+s3+$0x0], $0xffff  }
0x419: {  	v36 =	vadd.s32 $0x1248, v3;
	s26 =	sor.u32 s11, s23;
	v21 =	vld.idx.msk [tilespmem:v21+s3+$0x0], $0xffff  }
0x41a: {  	s29 =	sor.u32 s12, s23;
	[tilespmem:s26+$0x0] =	vst v63  }
0x41b: {  	[tilespmem:s29+$0x0] =	vst v23  }
0x41c: {  	s0 =	sor.u32 s4, s23;
	s7 =	rddreg [dreg:$0x3];
	v37 =	vld.idx.msk [tilespmem:v34+s3+$0x0], $0xffff  }
0x41d: {  	v38 =	vadd.s32 $0x1450, v4;
	v17 =	vld.idx.msk [tilespmem:v17+s3+$0x0], $0xffff;
	s30 =	sor.u32 s7, s23;
	[tilespmem:s0+$0x0] =	vst v35  }
0x41e: {  	[tilespmem:s30+$0x0] =	vst v21;
	v39 =	vld.idx.msk [tilespmem:v36+s3+$0x0], $0xffff  }
0x41f: {  	s31 =	sadd.s32 $0xF100, s8;
	v40 =	vadd.s32 $0x1450, v3;
	v18 =	vld.idx.msk [tilespmem:v18+s3+$0x0], $0xffff  }
0x420: {  	s9 =	sor.u32 s11, s31  }
0x421: {  	s10 =	sor.u32 s12, s31;
	[tilespmem:s9+$0x0] =	vst v37  }
0x422: {  	s0 =	sor.u32 s4, s31;
	[tilespmem:s10+$0x0] =	vst v17;
	v41 =	vld.idx.msk [tilespmem:v38+s3+$0x0], $0xffff  }
0x423: {  	v42 =	vadd.s32 $0x1658, v4;
	s13 =	sor.u32 s7, s31;
	v15 =	vld.idx.msk [tilespmem:v15+s3+$0x0], $0xffff;
	[tilespmem:s0+$0x0] =	vst v39  }
0x424: {  	[tilespmem:s13+$0x0] =	vst v18;
	v43 =	vld.idx.msk [tilespmem:v40+s3+$0x0], $0xffff  }
0x425: {  	s16 =	sadd.s32 $0xF180, s8;
	v44 =	vadd.s32 $0x1658, v3;
	v16 =	vld.idx.msk [tilespmem:v16+s3+$0x0], $0xffff  }
0x426: {  	s17 =	sor.u32 s11, s16  }
0x427: {  	s18 =	sor.u32 s12, s16;
	[tilespmem:s17+$0x0] =	vst v41  }
0x428: {  	s0 =	sor.u32 s4, s16;
	[tilespmem:s18+$0x0] =	vst v15;
	v45 =	vld.idx.msk [tilespmem:v42+s3+$0x0], $0xffff  }
0x429: {  	v46 =	vadd.s32 $0x1860, v4;
	s19 =	sor.u32 s7, s16;
	v13 =	vld.idx.msk [tilespmem:v13+s3+$0x0], $0xffff;
	[tilespmem:s0+$0x0] =	vst v43  }
0x42a: {  	[tilespmem:s19+$0x0] =	vst v16;
	v47 =	vld.idx.msk [tilespmem:v44+s3+$0x0], $0xffff  }
0x42b: {  	v48 =	vadd.s32 $0x1860, v3;
	s20 =	sadd.s32 $0xF200, s8;
	[tilespmem:s14+$0x0] =	vst v29;
	v14 =	vld.idx.msk [tilespmem:v14+s3+$0x0], $0xffff  }
0x42c: {  	s22 =	sor.u32 s11, s20;
	[tilespmem:s6+$0x0] =	vst v31  }
0x42d: {  	s23 =	sor.u32 s12, s20;
	v7 =	vld.idx.msk [tilespmem:v7+s3+$0x0], $0xffff;
	[tilespmem:s22+$0x0] =	vst v45  }
0x42e: {  	v53 =	vadd.s32 $0x1C70, v2;
	s0 =	sor.u32 s4, s20;
	[tilespmem:s23+$0x0] =	vst v13;
	v49 =	vld.idx.msk [tilespmem:v46+s3+$0x0], $0xffff  }
0x42f: {  	v50 =	vadd.s32 $0x1A68, v4;
	s26 =	sor.u32 s7, s20;
	v12 =	vld.idx.msk [tilespmem:v12+s3+$0x0], $0xffff;
	[tilespmem:s0+$0x0] =	vst v47  }
0x430: {  	[tilespmem:s26+$0x0] =	vst v14;
	v51 =	vld.idx.msk [tilespmem:v48+s3+$0x0], $0xffff  }
0x431: {  	v52 =	vadd.s32 $0x1A68, v3;
	s29 =	sadd.s32 $0xF280, s8;
	[tilespmem:s25+$0x0] =	vst v30;
	v11 =	vld.idx.msk [tilespmem:v11+s3+$0x0], $0xffff  }
0x432: {  	v8 =	vld.idx.msk [tilespmem:v8+s3+$0x0], $0xffff;
	s30 =	sor.u32 s11, s29;
	[tilespmem:s24+$0x0] =	vst v7  }
0x433: {  	s31 =	sor.u32 s12, s29;
	v57 =	vld.idx.msk [tilespmem:v53+s3+$0x0], $0xffff;
	[tilespmem:s30+$0x0] =	vst v49  }
0x434: {  	s0 =	sor.u32 s4, s29;
	[tilespmem:s31+$0x0] =	vst v12;
	v54 =	vld.idx.msk [tilespmem:v50+s3+$0x0], $0xffff  }
0x435: {  	v55 =	vadd.s32 $0x1C70, v4;
	s6 =	sor.u32 s7, s29;
	v9 =	vld.idx.msk [tilespmem:v9+s3+$0x0], $0xffff;
	[tilespmem:s0+$0x0] =	vst v51  }
0x436: {  	[tilespmem:s6+$0x0] =	vst v11;
	v56 =	vld.idx.msk [tilespmem:v52+s3+$0x0], $0xffff  }
0x437: {  	v58 =	vadd.s32 $0x1C70, v3;
	s9 =	sadd.s32 $0xF300, s8;
	[tilespmem:s15+$0x0] =	vst v8;
	v10 =	vld.idx.msk [tilespmem:v10+s3+$0x0], $0xffff  }
0x438: {  	s10 =	sor.u32 s11, s9;
	[tilespmem:s28+$0x0] =	vst v57;
	v6 =	vld.idx.msk [tilespmem:v6+s3+$0x0], $0xffff  }
0x439: {  	v2 =	vadd.s32 $0x1E78, v2;
	v5 =	vld.idx.msk [tilespmem:v5+s3+$0x0], $0xffff;
	s13 =	sor.u32 s12, s9;
	[tilespmem:s10+$0x0] =	vst v54  }
0x43a: {  	s0 =	sor.u32 s4, s9;
	[tilespmem:s13+$0x0] =	vst v9;
	v59 =	vld.idx.msk [tilespmem:v55+s3+$0x0], $0xffff  }
0x43b: {  	v60 =	vadd.s32 $0x1E78, v4;
	s14 =	sor.u32 s7, s9;
	v61 =	vld.idx.msk [tilespmem:v24+s3+$0x0], $0xffff;
	[tilespmem:s0+$0x0] =	vst v56  }
0x43c: {  	[tilespmem:s14+$0x0] =	vst v10;
	v8 =	vld.idx.msk [tilespmem:v58+s3+$0x0], $0xffff  }
0x43d: {  	v3 =	vadd.s32 $0x1E78, v3;
	s15 =	sadd.s32 $0xF380, s8;
	[tilespmem:s5+$0x0] =	vst v6;
	v62 =	vld.idx.msk [tilespmem:v22+s3+$0x0], $0xffff  }
0x43e: {  	s16 =	sor.u32 s11, s15;
	v2 =	vld.idx.msk [tilespmem:v2+s3+$0x0], $0xffff;
	[tilespmem:s1+$0x0] =	vst v5  }
0x43f: {  	s17 =	sor.u32 s12, s15;
	[tilespmem:s16+$0x0] =	vst v59  }
0x440: {  	s0 =	sor.u32 s4, s15;
	[tilespmem:s17+$0x0] =	vst v61;
	v4 =	vld.idx.msk [tilespmem:v60+s3+$0x0], $0xffff  }
0x441: {  	s18 =	sor.u32 s7, s15;
	v63 =	vld.idx.msk [tilespmem:v20+s3+$0x0], $0xffff;
	[tilespmem:s0+$0x0] =	vst v8  }
0x442: {  	[tilespmem:s18+$0x0] =	vst v62;
	v3 =	vld.idx.msk [tilespmem:v3+s3+$0x0], $0xffff  }
0x443: {  	[tilespmem:s21+$0x0] =	vst v2;
	s19 =	sadd.s32 $0xF400, s8;
	v7 =	vld.idx.msk [tilespmem:v19+s3+$0x0], $0xffff  }
0x444: {  	s20 =	sor.u32 s11, s19;
	s2 =	rddreg [dreg:$0x1b]  }
0x445: {  	s21 =	sor.u32 s12, s19;
	s5 =	sld [smem:$0x7F2];
	[tilespmem:s20+$0x0] =	vst v4  }
0x446: {  	s0 =	sor.u32 s4, s19;
	[tilespmem:s21+$0x0] =	vst v63  }
0x447: {  	s22 =	sor.u32 s7, s19;
	[tilespmem:s0+$0x0] =	vst v3  }
0x448: {  	s2 =	sadd.s32 s5, s2;
	[tilespmem:s22+$0x0] =	vst v7  }
0x449: {  	s2 =	sshll.u32 s2, $0xB;
	s0 =	sld [smem:$0x7F8]  }
0x44a: {  	s2 =	sadd.s32 $0x800, s2  }
0x44b: {  	s25 =	simm.s32 $0x200000;
	s23 =	sand.u32 $0x3F800, s2;
	s28 =	sld [smem:$0x7FA]  }
0x44c: {  	s24 =	simm.s32 $0x4000;
	s26 =	simm.s32 $0xB080;
	s0 =	sadd.s32 s23, s0  }
0x44d: {  	[hbm4b:s0+s24] =	stream.strided.scatter [tilespmem:s26], [sflag:$0x4], $0x8000, s25, s24, $0x38;
	[tilespmem:$0x13080] =	vst v63  }
0x44e: {  	s0 =	sadd.s32 s5, s28  }
0x44f: {  	s29 =	rddreg [dreg:$0x0];
	s0 =	sshll.u32 s0, $0x8  }
0x450: {  	s31 =	sld [smem:$0x7F3];
	s0 =	sand.u32 $0x1FFFFF00, s0  }
0x451: {  	s30 =	simm.s32 $0x2880;
	s0 =	sadd.s32 s29, s0  }
0x452: {  	[tilespmem:s30], [sflag:$0x2] =	stream.linear.gather [hbm4b:s0+s3], $0x800, $0x38;
	[tilespmem:$0x13080] =	vst v63  }
0x453: {  	s0 =	sadd.s32 $0x1, s31  }
0x454: {  	p1 =	sne.s32 s0, $0xF  }
.Ltmp6:
0x455: {  	_ = 	snop;
	(pc) =	sbr.rel @p1 .LBB2_10-.Ltmp6, $2  }
0x456: {  	_ =	sdelay $0x2  }
0x457: {  	[smem:$0x7F3] =	sst s0  }
0x458: {  	s0 =	simm.s32 $0x1  }
0x459: {  	_ =	swait.ge [sflag:s0], $0x800  }
0x45a: {  	[sflag:s0] =	ssyncset.done $0x0  }
0x45b: {  	s18 =	simm.s32 $0x3;
	[sflag:s0] =	ssyncadd.s32 $0xFFFFF800  }
0x45c: {  	_ =	swait.ge [sflag:s18], $0x8000  }
0x45d: {  	[sflag:s18] =	ssyncset.done $0x0  }
0x45e: {  	[sflag:s18] =	ssyncadd.s32 $0xFFFF8000  }
0x45f: {  	v2 =	vld [tilespmem:$0x2080]  }
0x460: {  	v3 =	vld [tilespmem:$0x2280]  }
0x461: {  	v4 =	vld [tilespmem:$0x2480]  }
0x462: {  	v5 =	vld [tilespmem:$0x2680]  }
0x463: {  	vm0 =	veq.s32 v0, $0x0  }
0x464: {  	v2 =	vsel vm0, $0x201, v2  }
0x465: {  	s19 =	simm.s32 $0x0;
	[tilespmem:$0x2080] =	vst v2;
	v2 =	vsel vm0, $0x201, v3  }
0x466: {  	s17 =	sand.u32 $0x40, s19;
	s1 =	sand.u32 $0x780, s19;
	[tilespmem:$0x2280] =	vst v2;
	v2 =	vsel vm0, $0x201, v4  }
0x467: {  	s1 =	sadd.s32 $0x2080, s1;
	s16 =	sor.u32 $0x30, s17;
	[tilespmem:$0x2480] =	vst v2;
	v2 =	vsel vm0, $0x201, v5  }
0x468: {  	s2 =	sor.u32 s16, s1;
	s18 =	sor.u32 $0x10, s17;
	[tilespmem:$0x2680] =	vst v2  }
0x469: {  	s3 =	sor.u32 s18, s1;
	v7 =	vld [tilespmem:s2+$0x0]  }
0x46a: {  	s7 =	sor.u32 $0x20, s17;
	v6 =	vld [tilespmem:s3+$0x0]  }
0x46b: {  	s1 =	sor.u32 s7, s1  }
0x46c: {  	v5 =	vld [tilespmem:s1+$0x0]  }
0x46d: {  	s20 =	simm.s32 $0x2080  }
0x46e: {  	v2 =	vld [tilespmem:s20+$0x0];
	_ =	sdelay $0x1  }
0x46f: {  	s9 =	simm.s32 $0x0  }
0x470: {  	v3 =	vld.idx.msk [tilespmem:v7+s9+$0x0], $0xffff  }
0x471: {  	v8 =	vadd.s32 $0x208, v7;
	v4 =	vld.idx.msk [tilespmem:v6+s9+$0x0], $0xffff  }
0x472: {  	s19 =	sand.u32 $0x3C00, s19;
	v9 =	vadd.s32 $0x208, v6  }
0x473: {  	s0 =	sadd.s32 $0x3080, s19;
	v10 =	vld.idx.msk [tilespmem:v5+s9+$0x0], $0xffff  }
0x474: {  	s21 =	sor.u32 s16, s0;
	v11 =	vadd.s32 $0x208, v5  }
0x475: {  	s22 =	sor.u32 s18, s0;
	v12 =	vld.idx.msk [tilespmem:v2+s9+$0x0], $0xffff;
	[tilespmem:s21+$0x0] =	vst v3  }
0x476: {  	v3 =	vadd.s32 $0x208, v2;
	[tilespmem:s22+$0x0] =	vst v4;
	v4 =	vld.idx.msk [tilespmem:v8+s9+$0x0], $0xffff  }
0x477: {  	s23 =	sor.u32 s7, s0;
	v8 =	vld.idx.msk [tilespmem:v9+s9+$0x0], $0xffff;
	v9 =	vadd.s32 $0x410, v7  }
0x478: {  	[tilespmem:s23+$0x0] =	vst v10;
	v10 =	vadd.s32 $0x410, v6  }
0x479: {  	s0 =	sor.u32 s17, s0;
	v11 =	vld.idx.msk [tilespmem:v11+s9+$0x0], $0xffff  }
0x47a: {  	v13 =	vadd.s32 $0x410, v5;
	[tilespmem:s0+$0x0] =	vst v12  }
0x47b: {  	v3 =	vld.idx.msk [tilespmem:v3+s9+$0x0], $0xffff;
	[tilespmem:s21+$0x80] =	vst v4  }
0x47c: {  	v4 =	vadd.s32 $0x410, v2;
	[tilespmem:s22+$0x80] =	vst v8;
	v8 =	vld.idx.msk [tilespmem:v9+s9+$0x0], $0xffff  }
0x47d: {  	v9 =	vld.idx.msk [tilespmem:v10+s9+$0x0], $0xffff;
	v10 =	vadd.s32 $0x618, v7  }
0x47e: {  	[tilespmem:s23+$0x80] =	vst v11;
	v11 =	vadd.s32 $0x618, v6  }
0x47f: {  	v12 =	vld.idx.msk [tilespmem:v13+s9+$0x0], $0xffff  }
0x480: {  	v13 =	vadd.s32 $0x618, v5;
	[tilespmem:s0+$0x80] =	vst v3  }
0x481: {  	v3 =	vld.idx.msk [tilespmem:v4+s9+$0x0], $0xffff;
	[tilespmem:s21+$0x100] =	vst v8  }
0x482: {  	v4 =	vadd.s32 $0x618, v2;
	[tilespmem:s22+$0x100] =	vst v9;
	v8 =	vld.idx.msk [tilespmem:v10+s9+$0x0], $0xffff  }
0x483: {  	v9 =	vld.idx.msk [tilespmem:v11+s9+$0x0], $0xffff;
	v10 =	vadd.s32 $0x820, v7  }
0x484: {  	[tilespmem:s23+$0x100] =	vst v12;
	v11 =	vadd.s32 $0x820, v6  }
0x485: {  	v12 =	vld.idx.msk [tilespmem:v13+s9+$0x0], $0xffff  }
0x486: {  	v13 =	vadd.s32 $0x820, v5;
	[tilespmem:s0+$0x100] =	vst v3  }
0x487: {  	p1 =	por $0x0, $0x0;
	s1 =	simm.s32 $0x1;
	v3 =	vld.idx.msk [tilespmem:v4+s9+$0x0], $0xffff;
	[tilespmem:s21+$0x180] =	vst v8  }
0x488: {  	s1 =	simm.s32 @!p1 $0x0;
	v4 =	vadd.s32 $0x820, v2;
	[tilespmem:s22+$0x180] =	vst v9;
	v8 =	vld.idx.msk [tilespmem:v10+s9+$0x0], $0xffff  }
0x489: {  	s1 =	sshll.u32 s1, $0x6;
	v9 =	vld.idx.msk [tilespmem:v11+s9+$0x0], $0xffff;
	v10 =	vadd.s32 $0xA28, v7  }
0x48a: {  	s1 =	sadd.s32 $0x0, s1;
	[tilespmem:s23+$0x180] =	vst v12;
	v11 =	vadd.s32 $0xA28, v6  }
0x48b: {  	s24 =	sadd.s32 $0x30, s1;
	v12 =	vld.idx.msk [tilespmem:v13+s9+$0x0], $0xffff  }
0x48c: {  	s25 =	sadd.s32 $0x10, s1;
	s26 =	sor.u32 $0x200, s24;
	v13 =	vadd.s32 $0xA28, v5;
	[tilespmem:s0+$0x180] =	vst v3  }
0x48d: {  	s5 =	sor.u32 $0x200, s25;
	v3 =	vld.idx.msk [tilespmem:v4+s9+$0x0], $0xffff;
	[tilespmem:s26+$0x3080] =	vst v8  }
0x48e: {  	s4 =	sadd.s32 $0x20, s1;
	v4 =	vadd.s32 $0xA28, v2;
	[tilespmem:s5+$0x3080] =	vst v9;
	v8 =	vld.idx.msk [tilespmem:v10+s9+$0x0], $0xffff  }
0x48f: {  	s31 =	sor.u32 $0x200, s4;
	v9 =	vld.idx.msk [tilespmem:v11+s9+$0x0], $0xffff;
	v10 =	vadd.s32 $0xC30, v7  }
0x490: {  	[tilespmem:s31+$0x3080] =	vst v12;
	v11 =	vadd.s32 $0xC30, v6  }
0x491: {  	s6 =	sor.u32 $0x200, s1;
	v12 =	vld.idx.msk [tilespmem:v13+s9+$0x0], $0xffff  }
0x492: {  	s8 =	sor.u32 $0x280, s24;
	v13 =	vadd.s32 $0xC30, v5;
	[tilespmem:s6+$0x3080] =	vst v3  }
0x493: {  	s10 =	sor.u32 $0x280, s25;
	v3 =	vld.idx.msk [tilespmem:v4+s9+$0x0], $0xffff;
	[tilespmem:s8+$0x3080] =	vst v8  }
0x494: {  	v4 =	vadd.s32 $0xC30, v2;
	[tilespmem:s10+$0x3080] =	vst v9;
	v8 =	vld.idx.msk [tilespmem:v10+s9+$0x0], $0xffff  }
0x495: {  	s11 =	sor.u32 $0x280, s4;
	v9 =	vld.idx.msk [tilespmem:v11+s9+$0x0], $0xffff;
	v10 =	vadd.s32 $0xE38, v7  }
0x496: {  	[tilespmem:s11+$0x3080] =	vst v12;
	v11 =	vadd.s32 $0xE38, v6  }
0x497: {  	s12 =	sor.u32 $0x280, s1;
	v12 =	vld.idx.msk [tilespmem:v13+s9+$0x0], $0xffff  }
0x498: {  	s13 =	sor.u32 $0x300, s24;
	v13 =	vadd.s32 $0xE38, v5;
	[tilespmem:s12+$0x3080] =	vst v3  }
0x499: {  	s14 =	sor.u32 $0x300, s25;
	v4 =	vld.idx.msk [tilespmem:v4+s9+$0x0], $0xffff;
	[tilespmem:s13+$0x3080] =	vst v8  }
0x49a: {  	[tilespmem:s14+$0x3080] =	vst v9;
	v9 =	vld.idx.msk [tilespmem:v10+s9+$0x0], $0xffff  }
0x49b: {  	s15 =	sor.u32 $0x300, s4;
	v8 =	vadd.s32 $0xE38, v2;
	v10 =	vld.idx.msk [tilespmem:v11+s9+$0x0], $0xffff  }
0x49c: {  	[tilespmem:s15+$0x3080] =	vst v12;
	v11 =	vadd.s32 $0x1040, v7  }
0x49d: {  	s20 =	sor.u32 $0x300, s1;
	v12 =	vadd.s32 $0x1040, v6;
	v13 =	vld.idx.msk [tilespmem:v13+s9+$0x0], $0xffff  }
0x49e: {  	v14 =	vadd.s32 $0x1040, v5;
	s2 =	sor.u32 $0x380, s24;
	s21 =	simm.s32 $0x20C0;
	[tilespmem:s20+$0x3080] =	vst v4  }
0x49f: {  	s0 =	sor.u32 $0x380, s25;
	v3 =	vld [tilespmem:s21+$0x0];
	[tilespmem:s2+$0x3080] =	vst v9  }
0x4a0: {  	s24 =	simm.s32 $0x40;
	s22 =	simm.s32 $0x40;
	s23 =	sor.u32 $0x380, s4;
	v8 =	vld.idx.msk [tilespmem:v8+s9+$0x0], $0xffff;
	[tilespmem:s0+$0x3080] =	vst v10  }
0x4a1: {  	s25 =	sand.u32 $0x780, s22;
	s0 =	sand.u32 $0x40, s22;
	v9 =	vld.idx.msk [tilespmem:v11+s9+$0x0], $0xffff;
	[dreg:$0xd] =	wrdreg s24  }
0x4a2: {  	s3 =	sadd.s32 $0x2080, s25;
	s10 =	sor.u32 $0x30, s0;
	v11 =	vadd.s32 $0x1248, v7;
	v10 =	vld.idx.msk [tilespmem:v12+s9+$0x0], $0xffff;
	[tilespmem:s23+$0x3080] =	vst v13  }
0x4a3: {  	s11 =	sor.u32 $0x10, s0;
	s26 =	sor.u32 s10, s3;
	v12 =	vadd.s32 $0x1040, v2;
	v13 =	vld.idx.msk [tilespmem:v14+s9+$0x0], $0xffff  }
0x4a4: {  	s5 =	sadd.s32 $0x7080, s19;
	s13 =	sor.u32 $0x20, s0;
	s31 =	sor.u32 s11, s3;
	v14 =	vadd.s32 $0x1248, v6;
	v4 =	vld [tilespmem:s26+$0x0]  }
0x4a5: {  	s6 =	sor.u32 s16, s5;
	s3 =	sor.u32 s13, s3;
	v19 =	vld [tilespmem:s31+$0x0]  }
0x4a6: {  	s1 =	sor.u32 $0x380, s1;
	v15 =	vadd.s32 $0x1248, v5;
	v28 =	vld [tilespmem:s3+$0x0];
	[tilespmem:s6+$0x0] =	vst v9  }
0x4a7: {  	s8 =	sor.u32 s18, s5;
	[tilespmem:s1+$0x3080] =	vst v8;
	v8 =	vld.idx.msk [tilespmem:v11+s9+$0x0], $0xffff  }
0x4a8: {  	[tilespmem:s8+$0x0] =	vst v10;
	v9 =	vld.idx.msk [tilespmem:v12+s9+$0x0], $0xffff  }
0x4a9: {  	s12 =	sor.u32 s7, s5;
	v11 =	vadd.s32 $0x1450, v7;
	v10 =	vld.idx.msk [tilespmem:v14+s9+$0x0], $0xffff  }
0x4aa: {  	s14 =	sadd.s32 $0x7100, s19;
	[tilespmem:s12+$0x0] =	vst v13;
	v14 =	vld.idx.msk [tilespmem:v3+s9+$0x0], $0xffff  }
0x4ab: {  	s15 =	sor.u32 s16, s14;
	v13 =	vadd.s32 $0x1248, v2;
	v12 =	vld.idx.msk [tilespmem:v15+s9+$0x0], $0xffff  }
0x4ac: {  	s20 =	sor.u32 s17, s5;
	v15 =	vadd.s32 $0x1450, v6;
	v16 =	vld.idx.msk [tilespmem:v4+s9+$0x0], $0xffff;
	[tilespmem:s15+$0x0] =	vst v8  }
0x4ad: {  	v17 =	vadd.s32 $0x1450, v5;
	s21 =	simm.s32 $0x200;
	s23 =	simm.s32 $0x200;
	v18 =	vld.idx.msk [tilespmem:v19+s9+$0x0], $0xffff;
	[tilespmem:s20+$0x0] =	vst v9  }
0x4ae: {  	s22 =	sor.u32 s18, s14;
	s2 =	sand.u32 $0x3C00, s21;
	v8 =	vadd.s32 $0x208, v4;
	v11 =	vld.idx.msk [tilespmem:v11+s9+$0x0], $0xffff;
	[dreg:$0xf] =	wrdreg s23  }
0x4af: {  	s24 =	sor.u32 s7, s14;
	s8 =	sadd.s32 $0x3080, s2;
	v9 =	vld.idx.msk [tilespmem:v28+s9+$0x0], $0xffff;
	[tilespmem:s22+$0x0] =	vst v10  }
0x4b0: {  	v20 =	vadd.s32 $0x208, v19;
	s6 =	sor.u32 s10, s8;
	v10 =	vld.idx.msk [tilespmem:v13+s9+$0x0], $0xffff;
	[tilespmem:s24+$0x0] =	vst v12  }
0x4b1: {  	s25 =	sor.u32 s11, s8;
	v13 =	vadd.s32 $0x1658, v7;
	v12 =	vld.idx.msk [tilespmem:v15+s9+$0x0], $0xffff;
	[tilespmem:s6+$0x0] =	vst v16  }
0x4b2: {  	v21 =	vadd.s32 $0x208, v28;
	s12 =	sadd.s32 $0x7180, s19;
	v16 =	vld.idx.msk [tilespmem:v17+s9+$0x0], $0xffff;
	[tilespmem:s25+$0x0] =	vst v18  }
0x4b3: {  	s26 =	sor.u32 s16, s12;
	v15 =	vadd.s32 $0x208, v3;
	v8 =	vld.idx.msk [tilespmem:v8+s9+$0x0], $0xffff;
	[dreg:$0x8] =	wrdreg s13  }
0x4b4: {  	s1 =	sor.u32 s0, s8;
	v17 =	vadd.s32 $0x1450, v2;
	[tilespmem:s26+$0x0] =	vst v11  }
0x4b5: {  	s31 =	sor.u32 s13, s8;
	v18 =	vadd.s32 $0x1658, v6;
	v20 =	vld.idx.msk [tilespmem:v20+s9+$0x0], $0xffff;
	[tilespmem:s1+$0x0] =	vst v14  }
0x4b6: {  	s3 =	sor.u32 s17, s14;
	[tilespmem:s31+$0x0] =	vst v9;
	v9 =	vadd.s32 $0x410, v4;
	v11 =	vld.idx.msk [tilespmem:v13+s9+$0x0], $0xffff  }
0x4b7: {  	s13 =	sor.u32 s18, s12;
	v13 =	vadd.s32 $0x410, v19;
	[tilespmem:s3+$0x0] =	vst v10;
	v14 =	vld.idx.msk [tilespmem:v21+s9+$0x0], $0xffff  }
0x4b8: {  	s20 =	sor.u32 s7, s12;
	v10 =	vadd.s32 $0x1860, v7;
	v15 =	vld.idx.msk [tilespmem:v15+s9+$0x0], $0xffff;
	[tilespmem:s13+$0x0] =	vst v12  }
0x4b9: {  	v21 =	vadd.s32 $0x410, v28;
	v17 =	vld.idx.msk [tilespmem:v17+s9+$0x0], $0xffff;
	[tilespmem:s20+$0x0] =	vst v16  }
0x4ba: {  	s14 =	sadd.s32 $0x7200, s19;
	v12 =	vadd.s32 $0x410, v3;
	[tilespmem:s6+$0x80] =	vst v8;
	v8 =	vld.idx.msk [tilespmem:v18+s9+$0x0], $0xffff  }
0x4bb: {  	s15 =	sor.u32 s16, s14;
	v18 =	vadd.s32 $0x1658, v5;
	[tilespmem:s25+$0x80] =	vst v20;
	v9 =	vld.idx.msk [tilespmem:v9+s9+$0x0], $0xffff  }
0x4bc: {  	v20 =	vadd.s32 $0x1658, v2;
	v13 =	vld.idx.msk [tilespmem:v13+s9+$0x0], $0xffff;
	[tilespmem:s15+$0x0] =	vst v11  }
0x4bd: {  	v11 =	vadd.s32 $0x618, v4;
	[tilespmem:s31+$0x80] =	vst v14;
	v10 =	vld.idx.msk [tilespmem:v10+s9+$0x0], $0xffff  }
0x4be: {  	s12 =	sor.u32 s17, s12;
	v14 =	vadd.s32 $0x618, v19;
	[tilespmem:s1+$0x80] =	vst v15;
	v15 =	vld.idx.msk [tilespmem:v21+s9+$0x0], $0xffff  }
0x4bf: {  	s23 =	sor.u32 s18, s14;
	v16 =	vadd.s32 $0x1A68, v7;
	v12 =	vld.idx.msk [tilespmem:v12+s9+$0x0], $0xffff;
	[tilespmem:s12+$0x0] =	vst v17  }
0x4c0: {  	v21 =	vadd.s32 $0x618, v28;
	v17 =	vld.idx.msk [tilespmem:v18+s9+$0x0], $0xffff;
	[tilespmem:s23+$0x0] =	vst v8  }
0x4c1: {  	s21 =	sadd.s32 $0x7280, s19;
	v18 =	vadd.s32 $0x618, v3;
	[tilespmem:s6+$0x100] =	vst v9;
	v9 =	vld.idx.msk [tilespmem:v20+s9+$0x0], $0xffff  }
0x4c2: {  	s22 =	sor.u32 s16, s21;
	v20 =	vadd.s32 $0x1860, v6;
	[tilespmem:s25+$0x100] =	vst v13;
	v11 =	vld.idx.msk [tilespmem:v11+s9+$0x0], $0xffff  }
0x4c3: {  	v13 =	vadd.s32 $0x1860, v5;
	v14 =	vld.idx.msk [tilespmem:v14+s9+$0x0], $0xffff;
	[tilespmem:s22+$0x0] =	vst v10  }
0x4c4: {  	v10 =	vadd.s32 $0x820, v4;
	[tilespmem:s31+$0x100] =	vst v15;
	v15 =	vld.idx.msk [tilespmem:v16+s9+$0x0], $0xffff  }
0x4c5: {  	s24 =	sor.u32 s7, s14;
	v16 =	vadd.s32 $0x820, v19;
	[tilespmem:s1+$0x100] =	vst v12;
	v12 =	vld.idx.msk [tilespmem:v21+s9+$0x0], $0xffff  }
0x4c6: {  	v8 =	vadd.s32 $0x1C70, v7;
	v18 =	vld.idx.msk [tilespmem:v18+s9+$0x0], $0xffff;
	[tilespmem:s24+$0x0] =	vst v17  }
0x4c7: {  	s3 =	sadd.s32 $0x7300, s19;
	v21 =	vadd.s32 $0x820, v28;
	v20 =	vld.idx.msk [tilespmem:v20+s9+$0x0], $0xffff;
	[tilespmem:s6+$0x180] =	vst v11  }
0x4c8: {  	v17 =	vadd.s32 $0x820, v3;
	v11 =	vld.idx.msk [tilespmem:v13+s9+$0x0], $0xffff;
	[tilespmem:s25+$0x180] =	vst v14;
	s25 =	sor.u32 s16, s3  }
0x4c9: {  	p1 =	por !p1, !p1;
	v13 =	vadd.s32 $0x1860, v2;
	s6 =	simm.s32 $0x1;
	v10 =	vld.idx.msk [tilespmem:v10+s9+$0x0], $0xffff;
	[tilespmem:s25+$0x0] =	vst v15  }
0x4ca: {  	v14 =	vadd.s32 $0x1A68, v6;
	s6 =	simm.s32 @!p1 $0x0;
	v16 =	vld.idx.msk [tilespmem:v16+s9+$0x0], $0xffff;
	[tilespmem:s31+$0x180] =	vst v12  }
0x4cb: {  	s26 =	sshll.u32 s6, $0x6;
	v12 =	vadd.s32 $0xA28, v4;
	v15 =	vld.idx.msk [tilespmem:v8+s9+$0x0], $0xffff;
	s31 =	sor.u32 s17, s14;
	[tilespmem:s1+$0x180] =	vst v18  }
0x4cc: {  	v22 =	vadd.s32 $0xA28, v19;
	s6 =	sor.u32 s18, s21;
	s22 =	sadd.s32 $0x200, s26;
	v18 =	vld.idx.msk [tilespmem:v21+s9+$0x0], $0xffff;
	[tilespmem:s31+$0x0] =	vst v9  }
0x4cd: {  	s20 =	sor.u32 s7, s21;
	v21 =	vld.idx.msk [tilespmem:v17+s9+$0x0], $0xffff;
	v9 =	vadd.s32 $0x1E78, v7;
	s23 =	sadd.s32 $0x30, s22;
	[tilespmem:s6+$0x0] =	vst v20  }
0x4ce: {  	v24 =	vadd.s32 $0xA28, v28;
	s13 =	sadd.s32 $0x7400, s19;
	s26 =	sadd.s32 $0x10, s22;
	s8 =	sor.u32 $0x200, s23;
	v13 =	vld.idx.msk [tilespmem:v13+s9+$0x0], $0xffff;
	[tilespmem:s20+$0x0] =	vst v11  }
0x4cf: {  	v36 =	vadd.s32 $0xC30, v19;
	s15 =	sadd.s32 $0x7380, s19;
	s12 =	simm.s32 $0x4;
	v20 =	vadd.s32 $0xA28, v3;
	s14 =	sor.u32 $0x200, s26;
	v29 =	vld.idx.msk [tilespmem:v14+s9+$0x0], $0xffff;
	[tilespmem:s8+$0x3080] =	vst v10  }
0x4d0: {  	v27 =	vadd.s32 $0xC30, v28;
	v26 =	vadd.s32 $0xE38, v19;
	s24 =	sor.u32 s16, s15;
	s16 =	sor.u32 s16, s13;
	s31 =	sadd.s32 $0x20, s22;
	v10 =	vadd.s32 $0x1A68, v5;
	[tilespmem:s14+$0x3080] =	vst v16;
	v12 =	vld.idx.msk [tilespmem:v12+s9+$0x0], $0xffff  }
0x4d1: {  	v35 =	vadd.s32 $0xC30, v4;
	v25 =	vadd.s32 $0xE38, v28;
	s1 =	sor.u32 s17, s21;
	s21 =	sor.u32 s17, s3;
	s25 =	sor.u32 $0x200, s31;
	v32 =	vld.idx.msk [tilespmem:v22+s9+$0x0], $0xffff;
	v22 =	vadd.s32 $0x1A68, v2;
	[tilespmem:s24+$0x0] =	vst v15  }
0x4d2: {  	v23 =	vadd.s32 $0x1040, v19;
	v8 =	vadd.s32 $0x1C70, v5;
	v7 =	vadd.s32 $0x1C70, v6;
	s6 =	sor.u32 s7, s3;
	s5 =	sor.u32 $0x200, s22;
	s29 =	sor.u32 $0x280, s22;
	[tilespmem:s25+$0x3080] =	vst v18;
	v37 =	vld.idx.msk [tilespmem:v9+s9+$0x0], $0xffff  }
0x4d3: {  	v6 =	vadd.s32 $0x1E78, v6;
	v17 =	vadd.s32 $0x1248, v19;
	s28 =	sor.u32 $0x280, s26;
	v14 =	vadd.s32 $0x1658, v19;
	s20 =	sor.u32 s17, s13;
	s19 =	sor.u32 $0x280, s23;
	[tilespmem:s5+$0x3080] =	vst v21;
	v33 =	vld.idx.msk [tilespmem:v24+s9+$0x0], $0xffff  }
0x4d4: {  	v11 =	vadd.s32 $0x1860, v28;
	s4 =	sor.u32 $0x300, s26;
	s30 =	sor.u32 $0x300, s31;
	v5 =	vadd.s32 $0x1E78, v5;
	s14 =	sor.u32 s18, s3;
	v16 =	vadd.s32 $0x1450, v28;
	v34 =	vld.idx.msk [tilespmem:v20+s9+$0x0], $0xffff  }
0x4d5: {  	s8 =	sor.u32 $0x280, s31;
	s3 =	simm.s32 $0x0;
	s24 =	sor.u32 s18, s15;
	v15 =	vadd.s32 $0x1450, v19;
	v21 =	vadd.s32 $0x1040, v28;
	v18 =	vadd.s32 $0x1248, v28;
	[tilespmem:s1+$0x0] =	vst v13;
	v30 =	vld.idx.msk [tilespmem:v10+s9+$0x0], $0xffff  }
0x4d6: {  	s25 =	sor.u32 s17, s15;
	s15 =	sor.u32 s7, s15;
	s5 =	sor.u32 s18, s13;
	v9 =	vadd.s32 $0x1A68, v19;
	v24 =	vadd.s32 $0x1C70, v19;
	v20 =	vadd.s32 $0x1E78, v19;
	[tilespmem:s19+$0x3080] =	vst v12;
	v31 =	vld.idx.msk [tilespmem:v22+s3+$0x0], $0xffff  }
0x4d7: {  	v13 =	vadd.s32 $0x1658, v28;
	s1 =	sor.u32 s7, s13;
	s13 =	sor.u32 $0x300, s22;
	s22 =	sor.u32 $0x380, s22;
	v10 =	vadd.s32 $0x1A68, v28;
	v12 =	vadd.s32 $0x1860, v19;
	[tilespmem:s28+$0x3080] =	vst v32;
	v32 =	vld.idx.msk [tilespmem:v35+s3+$0x0], $0xffff  }
0x4d8: {  	v22 =	vadd.s32 $0x1C70, v28;
	v19 =	vadd.s32 $0x1E78, v28;
	s28 =	sor.u32 $0x380, s26;
	s26 =	sor.u32 $0x380, s31;
	[tilespmem:s16+$0x0] =	vst v37;
	v35 =	vadd.s32 $0xC30, v3;
	v28 =	vld.idx.msk [tilespmem:v36+s3+$0x0], $0xffff;
	s16 =	simm.s32 $0x2100  }
.LBB2_16:
0x4d9: {  	s18 =	smov.u32 s11;
	s11 =	rddreg [dreg:$0x8];
	[tilespmem:s14+$0x0] =	vst v29  }
0x4da: {  	v36 =	vld [tilespmem:s16+$0x0];
	v55 =	vadd.s32 $0xE38, v4;
	s7 =	smov.u32 s11;
	s11 =	simm.s32 $0x0;
	[tilespmem:s8+$0x3080] =	vst v33  }
0x4db: {  	v29 =	vld.idx.msk [tilespmem:v7+s11+$0x0], $0xffff;
	[tilespmem:s29+$0x3080] =	vst v34  }
0x4dc: {  	v56 =	vadd.s32 $0x1C70, v2;
	s19 =	sor.u32 $0x300, s23;
	v27 =	vld.idx.msk [tilespmem:v27+s3+$0x0], $0xffff;
	[tilespmem:s6+$0x0] =	vst v30  }
0x4dd: {  	v34 =	vld.idx.msk [tilespmem:v35+s3+$0x0], $0xffff;
	[tilespmem:s19+$0x3080] =	vst v32  }
0x4de: {  	[tilespmem:s4+$0x3080] =	vst v28;
	v30 =	vld.idx.msk [tilespmem:v8+s11+$0x0], $0xffff  }
0x4df: {  	v7 =	vmov v24;
	v24 =	vadd.s32 $0xE38, v3;
	[tilespmem:s21+$0x0] =	vst v31;
	v8 =	vmov v22;
	v22 =	vld.idx.msk [tilespmem:v55+s11+$0x0], $0xffff  }
0x4e0: {  	v26 =	vld.idx.msk [tilespmem:v26+s11+$0x0], $0xffff;
	[tilespmem:s24+$0x0] =	vst v29  }
0x4e1: {  	v28 =	vld.idx.msk [tilespmem:v56+s11+$0x0], $0xffff;
	[tilespmem:s30+$0x3080] =	vst v27  }
0x4e2: {  	v57 =	vld.idx.msk [tilespmem:v6+s11+$0x0], $0xffff;
	v27 =	vadd.s32 $0x1040, v4;
	[tilespmem:s13+$0x3080] =	vst v34  }
0x4e3: {  	s23 =	sor.u32 $0x380, s23;
	s24 =	rddreg [dreg:$0xd];
	v25 =	vld.idx.msk [tilespmem:v25+s11+$0x0], $0xffff;
	[tilespmem:s15+$0x0] =	vst v30  }
0x4e4: {  	v31 =	vadd.s32 $0x1E78, v2;
	s3 =	sadd.s32 $0x40, s24;
	v24 =	vld.idx.msk [tilespmem:v24+s11+$0x0], $0xffff;
	[tilespmem:s23+$0x3080] =	vst v22  }
0x4e5: {  	v6 =	vmov v20;
	s19 =	sand.u32 $0x40, s3;
	[dreg:$0xd] =	wrdreg s3;
	s3 =	sand.u32 $0x780, s3;
	[tilespmem:s28+$0x3080] =	vst v26;
	v20 =	vld.idx.msk [tilespmem:v5+s11+$0x0], $0xffff  }
0x4e6: {  	[tilespmem:s25+$0x0] =	vst v28;
	s3 =	sadd.s32 $0x2080, s3;
	s13 =	sor.u32 $0x10, s19;
	v22 =	vld.idx.msk [tilespmem:v23+s11+$0x0], $0xffff  }
0x4e7: {  	v5 =	vmov v19;
	s31 =	sor.u32 s13, s3;
	[tilespmem:s5+$0x0] =	vst v57;
	v19 =	vld.idx.msk [tilespmem:v27+s11+$0x0], $0xffff  }
0x4e8: {  	v2 =	vmov v3;
	v23 =	vadd.s32 $0x1248, v4;
	v38 =	vld [tilespmem:s31+$0x0];
	[tilespmem:s26+$0x3080] =	vst v25  }
0x4e9: {  	s17 =	smov.u32 s10;
	s14 =	sor.u32 $0x30, s19;
	v25 =	vld.idx.msk [tilespmem:v31+s11+$0x0], $0xffff;
	[tilespmem:s22+$0x3080] =	vst v24;
	v24 =	vadd.s32 $0x1040, v2  }
0x4ea: {  	s8 =	sadd.s32 $0x7080, s2;
	s9 =	sor.u32 $0x20, s19;
	s26 =	sor.u32 s14, s3;
	v21 =	vld.idx.msk [tilespmem:v21+s11+$0x0], $0xffff  }
0x4eb: {  	s21 =	sor.u32 s17, s8;
	v3 =	vmov v36;
	s3 =	sor.u32 s9, s3;
	v29 =	vld [tilespmem:s26+$0x0];
	[tilespmem:s1+$0x0] =	vst v20  }
0x4ec: {  	v39 =	vld [tilespmem:s3+$0x0];
	[tilespmem:s21+$0x0] =	vst v19  }
0x4ed: {  	s15 =	sor.u32 s18, s8;
	v19 =	vld.idx.msk [tilespmem:v23+s11+$0x0], $0xffff  }
0x4ee: {  	[tilespmem:s15+$0x0] =	vst v22;
	v20 =	vld.idx.msk [tilespmem:v24+s11+$0x0], $0xffff  }
0x4ef: {  	s22 =	sor.u32 s7, s8;
	[tilespmem:s20+$0x0] =	vst v25;
	v24 =	vld.idx.msk [tilespmem:v17+s11+$0x0], $0xffff  }
0x4f0: {  	v17 =	vadd.s32 $0x1450, v4;
	[tilespmem:s22+$0x0] =	vst v21;
	v44 =	vld.idx.msk [tilespmem:v3+s11+$0x0], $0xffff  }
0x4f1: {  	s23 =	sadd.s32 $0x7100, s2;
	v22 =	vadd.s32 $0x1248, v2;
	v58 =	vld.idx.msk [tilespmem:v18+s11+$0x0], $0xffff  }
0x4f2: {  	s26 =	sor.u32 s17, s23;
	v48 =	vld.idx.msk [tilespmem:v38+s11+$0x0], $0xffff  }
0x4f3: {  	s10 =	sor.u32 s0, s8;
	s6 =	rddreg [dreg:$0xf];
	v47 =	vld.idx.msk [tilespmem:v29+s11+$0x0], $0xffff;
	[tilespmem:s26+$0x0] =	vst v19  }
0x4f4: {  	v19 =	vadd.s32 $0x208, v29;
	[tilespmem:s10+$0x0] =	vst v20;
	s10 =	sadd.s32 $0x200, s6;
	v50 =	vld.idx.msk [tilespmem:v39+s11+$0x0], $0xffff  }
0x4f5: {  	s25 =	sor.u32 s18, s23;
	v42 =	vadd.s32 $0x208, v38;
	v49 =	vld.idx.msk [tilespmem:v17+s11+$0x0], $0xffff;
	s1 =	sand.u32 $0x3C00, s10  }
0x4f6: {  	v41 =	vadd.s32 $0x208, v3;
	s31 =	sor.u32 s7, s23;
	[tilespmem:s25+$0x0] =	vst v24;
	v51 =	vld.idx.msk [tilespmem:v22+s11+$0x0], $0xffff;
	s15 =	sadd.s32 $0x3080, s1  }
0x4f7: {  	[dreg:$0x13] =	wrdreg s13;
	v45 =	vadd.s32 $0x208, v39;
	v55 =	vld.idx.msk [tilespmem:v15+s11+$0x0], $0xffff;
	[tilespmem:s31+$0x0] =	vst v58;
	s6 =	sor.u32 s13, s15;
	s13 =	sor.u32 s14, s15  }
0x4f8: {  	v52 =	vadd.s32 $0x1658, v4;
	[tilespmem:s13+$0x0] =	vst v47;
	v47 =	vld.idx.msk [tilespmem:v16+s11+$0x0], $0xffff  }
0x4f9: {  	v40 =	vadd.s32 $0x1450, v2;
	s5 =	sor.u32 s19, s15;
	[tilespmem:s6+$0x0] =	vst v48;
	v59 =	vld.idx.msk [tilespmem:v19+s11+$0x0], $0xffff  }
0x4fa: {  	s20 =	sadd.s32 $0x7180, s2;
	s15 =	sor.u32 s9, s15;
	[tilespmem:s5+$0x0] =	vst v44;
	v42 =	vld.idx.msk [tilespmem:v42+s11+$0x0], $0xffff  }
0x4fb: {  	v63 =	vadd.s32 $0x1860, v4;
	s24 =	sor.u32 s0, s23;
	v43 =	vadd.s32 $0x410, v38;
	s23 =	sor.u32 s17, s20;
	v60 =	vadd.s32 $0x410, v29;
	[tilespmem:s15+$0x0] =	vst v50;
	v41 =	vld.idx.msk [tilespmem:v41+s11+$0x0], $0xffff  }
0x4fc: {  	v37 =	vadd.s32 $0x618, v38;
	v34 =	vadd.s32 $0x820, v38;
	v31 =	vadd.s32 $0xA28, v38;
	[tilespmem:s23+$0x0] =	vst v49;
	v62 =	vld.idx.msk [tilespmem:v45+s11+$0x0], $0xffff  }
0x4fd: {  	v28 =	vadd.s32 $0xC30, v38;
	v26 =	vadd.s32 $0xE38, v38;
	s22 =	sor.u32 s18, s20;
	v46 =	vadd.s32 $0x410, v39;
	[tilespmem:s24+$0x0] =	vst v51;
	v61 =	vld.idx.msk [tilespmem:v52+s11+$0x0], $0xffff  }
0x4fe: {  	v53 =	vadd.s32 $0x1658, v38;
	v56 =	vadd.s32 $0x1860, v38;
	[tilespmem:s22+$0x0] =	vst v55;
	v40 =	vld.idx.msk [tilespmem:v40+s11+$0x0], $0xffff;
	v52 =	vadd.s32 $0x410, v3  }
0x4ff: {  	v35 =	vadd.s32 $0x1A68, v38;
	v23 =	vadd.s32 $0x1040, v38;
	v20 =	vadd.s32 $0x1450, v38;
	v48 =	vld.idx.msk [tilespmem:v14+s11+$0x0], $0xffff;
	[tilespmem:s13+$0x80] =	vst v59  }
0x500: {  	v24 =	vadd.s32 $0x1C70, v38;
	v17 =	vadd.s32 $0x1248, v38;
	v15 =	vmovc v20;
	v20 =	vadd.s32 $0x1E78, v38;
	[tilespmem:s6+$0x80] =	vst v42;
	v38 =	vld.idx.msk [tilespmem:v60+s11+$0x0], $0xffff  }
0x501: {  	s24 =	sadd.s32 $0x7200, s2;
	v14 =	vmov v53;
	v53 =	vadd.s32 $0x1658, v2;
	v42 =	vld.idx.msk [tilespmem:v43+s11+$0x0], $0xffff;
	[tilespmem:s15+$0x80] =	vst v62  }
0x502: {  	v55 =	vadd.s32 $0x618, v29;
	s26 =	sor.u32 s17, s24;
	[tilespmem:s5+$0x80] =	vst v41;
	v59 =	vld.idx.msk [tilespmem:v46+s11+$0x0], $0xffff  }
0x503: {  	s3 =	sor.u32 s7, s20;
	v36 =	vadd.s32 $0x618, v39;
	v33 =	vadd.s32 $0x820, v39;
	v30 =	vadd.s32 $0xA28, v39;
	[tilespmem:s26+$0x0] =	vst v61;
	v60 =	vld.idx.msk [tilespmem:v52+s11+$0x0], $0xffff  }
0x504: {  	s21 =	sor.u32 s0, s20;
	v27 =	vadd.s32 $0xC30, v39;
	v25 =	vadd.s32 $0xE38, v39;
	v21 =	vadd.s32 $0x1040, v39;
	[tilespmem:s3+$0x0] =	vst v47;
	v58 =	vld.idx.msk [tilespmem:v63+s11+$0x0], $0xffff  }
0x505: {  	v18 =	vadd.s32 $0x1248, v39;
	v54 =	vadd.s32 $0x1658, v39;
	[tilespmem:s21+$0x0] =	vst v40;
	v62 =	vld.idx.msk [tilespmem:v13+s11+$0x0], $0xffff;
	v63 =	vadd.s32 $0x618, v3  }
0x506: {  	v57 =	vadd.s32 $0x1860, v39;
	v32 =	vadd.s32 $0x1A68, v39;
	v22 =	vadd.s32 $0x1450, v39;
	v49 =	vld.idx.msk [tilespmem:v53+s11+$0x0], $0xffff;
	[tilespmem:s13+$0x100] =	vst v38  }
0x507: {  	v16 =	vmovc v22;
	v22 =	vadd.s32 $0x1C70, v39;
	v19 =	vadd.s32 $0x1E78, v39;
	v61 =	vadd.s32 $0x1A68, v4;
	[tilespmem:s6+$0x100] =	vst v42;
	v39 =	vld.idx.msk [tilespmem:v55+s11+$0x0], $0xffff  }
0x508: {  	v37 =	vld.idx.msk [tilespmem:v37+s11+$0x0], $0xffff;
	[tilespmem:s15+$0x100] =	vst v59  }
0x509: {  	s31 =	sadd.s32 $0x7280, s2;
	v50 =	vadd.s32 $0x820, v29;
	s25 =	sor.u32 s18, s24;
	[tilespmem:s5+$0x100] =	vst v60;
	v36 =	vld.idx.msk [tilespmem:v36+s11+$0x0], $0xffff  }
0x50a: {  	[dreg:$0x8] =	wrdreg s9;
	s9 =	sor.u32 s17, s31;
	[tilespmem:s25+$0x0] =	vst v48;
	v52 =	vld.idx.msk [tilespmem:v63+s11+$0x0], $0xffff  }
0x50b: {  	[dreg:$0x18] =	wrdreg s14;
	s14 =	sor.u32 s7, s24;
	v13 =	vmov v54;
	[tilespmem:s9+$0x0] =	vst v58;
	v54 =	vld.idx.msk [tilespmem:v12+s11+$0x0], $0xffff  }
0x50c: {  	v55 =	vadd.s32 $0x820, v3;
	[tilespmem:s14+$0x0] =	vst v62;
	v51 =	vld.idx.msk [tilespmem:v61+s11+$0x0], $0xffff  }
0x50d: {  	s12 =	sadd.s32 $0x4, s12;
	p1 =	por !p1, !p1;
	s16 =	sadd.s32 $0x40, s16;
	v53 =	vadd.s32 $0x1C70, v4;
	v12 =	vmov v56;
	v56 =	vld.idx.msk [tilespmem:v11+s11+$0x0], $0xffff;
	[tilespmem:s13+$0x180] =	vst v39  }
0x50e: {  	p2 =	slt.u32 s12, $0x7C;
	[dreg:$0xf] =	wrdreg s10;
	s22 =	simm.s32 $0x1;
	v11 =	vmov v57;
	[tilespmem:s6+$0x180] =	vst v37;
	v57 =	vld.idx.msk [tilespmem:v50+s11+$0x0], $0xffff  }
0x50f: {  	s20 =	sor.u32 s0, s31;
	s23 =	sadd.s32 $0x7300, s2;
	s22 =	simm.s32 @!p1 $0x0;
	v58 =	vadd.s32 $0x1860, v2;
	v34 =	vld.idx.msk [tilespmem:v34+s11+$0x0], $0xffff;
	[tilespmem:s15+$0x180] =	vst v36  }
0x510: {  	s4 =	sor.u32 s0, s24;
	s24 =	sor.u32 s17, s23;
	s25 =	sshll.u32 s22, $0x6;
	v59 =	vadd.s32 $0xA28, v29;
	[tilespmem:s5+$0x180] =	vst v52;
	v33 =	vld.idx.msk [tilespmem:v33+s11+$0x0], $0xffff  }
0x511: {  	s8 =	sor.u32 s18, s31;
	s21 =	sor.u32 s0, s23;
	s3 =	sadd.s32 s25, s10;
	[tilespmem:s24+$0x0] =	vst v51;
	v40 =	vld.idx.msk [tilespmem:v55+s11+$0x0], $0xffff  }
0x512: {  	s14 =	sor.u32 s18, s23;
	s6 =	sor.u32 s7, s23;
	s23 =	sadd.s32 $0x30, s3;
	[tilespmem:s8+$0x0] =	vst v54;
	v42 =	vld.idx.msk [tilespmem:v53+s11+$0x0], $0xffff  }
0x513: {  	s31 =	sor.u32 s7, s31;
	v60 =	vadd.s32 $0x1E78, v4;
	v4 =	vmov v29;
	s5 =	sadd.s32 $0x10, s3;
	s22 =	sor.u32 $0x200, s23;
	[tilespmem:s4+$0x0] =	vst v49;
	v29 =	vld.idx.msk [tilespmem:v9+s11+$0x0], $0xffff  }
0x514: {  	s10 =	sadd.s32 $0x7380, s2;
	v61 =	vadd.s32 $0xA28, v3;
	s15 =	sadd.s32 $0x20, s3;
	s26 =	sor.u32 $0x200, s5;
	v41 =	vld.idx.msk [tilespmem:v58+s11+$0x0], $0xffff;
	[tilespmem:s22+$0x3080] =	vst v57  }
0x515: {  	s25 =	sor.u32 $0x200, s3;
	s29 =	sor.u32 $0x280, s3;
	s24 =	sor.u32 $0x200, s15;
	[tilespmem:s26+$0x3080] =	vst v34;
	v36 =	vld.idx.msk [tilespmem:v59+s11+$0x0], $0xffff  }
0x516: {  	s13 =	sor.u32 $0x300, s3;
	s9 =	sor.u32 $0x280, s5;
	s26 =	sor.u32 s17, s10;
	v62 =	vld.idx.msk [tilespmem:v31+s11+$0x0], $0xffff;
	v31 =	vadd.s32 $0x1A68, v2;
	[tilespmem:s24+$0x3080] =	vst v33  }
0x517: {  	v63 =	vadd.s32 $0xC30, v4;
	s8 =	sor.u32 $0x280, s15;
	s4 =	sor.u32 $0x300, s5;
	s30 =	sor.u32 $0x300, s15;
	[tilespmem:s26+$0x0] =	vst v42;
	v33 =	vld.idx.msk [tilespmem:v30+s11+$0x0], $0xffff  }
0x518: {  	s28 =	sor.u32 $0x380, s5;
	s5 =	sor.u32 $0x280, s23;
	s22 =	sor.u32 $0x380, s3;
	[tilespmem:s25+$0x3080] =	vst v40;
	v38 =	vld.idx.msk [tilespmem:v60+s11+$0x0], $0xffff  }
.Ltmp7:
0x519: {  	s3 =	sadd.s32 $0x7400, s2;
	s2 =	smov.u32 s1;
	v34 =	vld.idx.msk [tilespmem:v61+s11+$0x0], $0xffff;
	[tilespmem:s31+$0x0] =	vst v56;
	(pc) =	sbr.rel @p2 .LBB2_16-.Ltmp7, $4  }
0x51a: {  	s25 =	sor.u32 s0, s10;
	s24 =	sor.u32 s18, s10;
	s1 =	sor.u32 s7, s3;
	[tilespmem:s20+$0x0] =	vst v41;
	v30 =	vld.idx.msk [tilespmem:v10+s11+$0x0], $0xffff  }
0x51b: {  	s26 =	sor.u32 $0x380, s15;
	s15 =	sor.u32 s7, s10;
	s10 =	rddreg [dreg:$0x18];
	[tilespmem:s5+$0x3080] =	vst v36;
	v31 =	vld.idx.msk [tilespmem:v31+s11+$0x0], $0xffff  }
0x51c: {  	s20 =	sor.u32 s0, s3;
	s31 =	sor.u32 s17, s3;
	s0 =	smov.u32 s19;
	v10 =	vmov v32;
	[tilespmem:s9+$0x3080] =	vst v62;
	v32 =	vld.idx.msk [tilespmem:v63+s11+$0x0], $0xffff  }
0x51d: {  	v9 =	vmov v35;
	v35 =	vadd.s32 $0xC30, v3;
	s5 =	sor.u32 s18, s3;
	s3 =	simm.s32 $0x0;
	v28 =	vld.idx.msk [tilespmem:v28+s11+$0x0], $0xffff;
	s11 =	rddreg [dreg:$0x13];
	[tilespmem:s31+$0x0] =	vst v38  }
0x51e: {  	_ =	sdelay $0x2  }
0x51f: {  	[tilespmem:s8+$0x3080] =	vst v33  }
0x520: {  	v58 =	vadd.s32 $0xE38, v4;
	[tilespmem:s29+$0x3080] =	vst v34;
	v27 =	vld.idx.msk [tilespmem:v27+s3+$0x0], $0xffff  }
0x521: {  	v34 =	vld.idx.msk [tilespmem:v35+s3+$0x0], $0xffff  }
0x522: {  	s19 =	sor.u32 $0x300, s23;
	v59 =	vadd.s32 $0xE38, v3  }
0x523: {  	[tilespmem:s19+$0x3080] =	vst v32  }
0x524: {  	s9 =	simm.s32 $0x0;
	[tilespmem:s4+$0x3080] =	vst v28  }
0x525: {  	v28 =	vld.idx.msk [tilespmem:v58+s9+$0x0], $0xffff;
	[tilespmem:s30+$0x3080] =	vst v27  }
0x526: {  	v26 =	vld.idx.msk [tilespmem:v26+s9+$0x0], $0xffff;
	v27 =	vadd.s32 $0x1040, v4;
	[tilespmem:s13+$0x3080] =	vst v34  }
0x527: {  	v60 =	vld.idx.msk [tilespmem:v59+s9+$0x0], $0xffff  }
0x528: {  	v61 =	vadd.s32 $0x1040, v3;
	v25 =	vld.idx.msk [tilespmem:v25+s9+$0x0], $0xffff  }
0x529: {  	s23 =	sor.u32 $0x380, s23  }
0x52a: {  	[tilespmem:s23+$0x3080] =	vst v28  }
0x52b: {  	[tilespmem:s28+$0x3080] =	vst v26;
	v26 =	vld.idx.msk [tilespmem:v27+s9+$0x0], $0xffff  }
0x52c: {  	v23 =	vld.idx.msk [tilespmem:v23+s9+$0x0], $0xffff;
	[tilespmem:s22+$0x3080] =	vst v60  }
0x52d: {  	[tilespmem:s26+$0x3080] =	vst v25;
	v25 =	vadd.s32 $0x1248, v4;
	v27 =	vld.idx.msk [tilespmem:v61+s9+$0x0], $0xffff  }
0x52e: {  	s30 =	sadd.s32 $0x7080, s2;
	v21 =	vld.idx.msk [tilespmem:v21+s9+$0x0], $0xffff  }
0x52f: {  	s8 =	sor.u32 s10, s30;
	v28 =	vadd.s32 $0x1248, v3  }
0x530: {  	s7 =	sor.u32 s11, s30;
	[tilespmem:s8+$0x0] =	vst v26  }
0x531: {  	s3 =	sor.u32 s0, s30;
	s8 =	rddreg [dreg:$0x8];
	[tilespmem:s7+$0x0] =	vst v23  }
0x532: {  	v23 =	vld.idx.msk [tilespmem:v25+s9+$0x0], $0xffff;
	s12 =	sor.u32 s8, s30;
	[tilespmem:s3+$0x0] =	vst v27  }
0x533: {  	v17 =	vld.idx.msk [tilespmem:v17+s9+$0x0], $0xffff;
	[tilespmem:s12+$0x0] =	vst v21;
	v21 =	vadd.s32 $0x1450, v4  }
0x534: {  	v25 =	vld.idx.msk [tilespmem:v28+s9+$0x0], $0xffff  }
0x535: {  	s13 =	sadd.s32 $0x7100, s2;
	v26 =	vadd.s32 $0x1450, v3;
	v18 =	vld.idx.msk [tilespmem:v18+s9+$0x0], $0xffff  }
0x536: {  	s16 =	sor.u32 s10, s13  }
0x537: {  	s17 =	sor.u32 s11, s13;
	[tilespmem:s16+$0x0] =	vst v23  }
0x538: {  	s3 =	sor.u32 s0, s13;
	[tilespmem:s17+$0x0] =	vst v17;
	v21 =	vld.idx.msk [tilespmem:v21+s9+$0x0], $0xffff  }
0x539: {  	s18 =	sor.u32 s8, s13;
	v17 =	vadd.s32 $0x1658, v4;
	v15 =	vld.idx.msk [tilespmem:v15+s9+$0x0], $0xffff;
	[tilespmem:s3+$0x0] =	vst v25  }
0x53a: {  	[tilespmem:s18+$0x0] =	vst v18;
	v18 =	vld.idx.msk [tilespmem:v26+s9+$0x0], $0xffff  }
0x53b: {  	s19 =	sadd.s32 $0x7180, s2;
	v23 =	vadd.s32 $0x1658, v3;
	v16 =	vld.idx.msk [tilespmem:v16+s9+$0x0], $0xffff  }
0x53c: {  	s22 =	sor.u32 s10, s19  }
0x53d: {  	s23 =	sor.u32 s11, s19;
	[tilespmem:s22+$0x0] =	vst v21  }
0x53e: {  	s3 =	sor.u32 s0, s19;
	[tilespmem:s23+$0x0] =	vst v15;
	v17 =	vld.idx.msk [tilespmem:v17+s9+$0x0], $0xffff  }
0x53f: {  	s26 =	sor.u32 s8, s19;
	v15 =	vadd.s32 $0x1860, v4;
	v14 =	vld.idx.msk [tilespmem:v14+s9+$0x0], $0xffff;
	[tilespmem:s3+$0x0] =	vst v18  }
0x540: {  	[tilespmem:s26+$0x0] =	vst v16;
	v16 =	vld.idx.msk [tilespmem:v23+s9+$0x0], $0xffff  }
0x541: {  	[tilespmem:s14+$0x0] =	vst v29;
	s30 =	sadd.s32 $0x7200, s2;
	v18 =	vadd.s32 $0x1860, v3;
	v13 =	vld.idx.msk [tilespmem:v13+s9+$0x0], $0xffff  }
0x542: {  	[tilespmem:s6+$0x0] =	vst v30;
	s12 =	sor.u32 s10, s30  }
0x543: {  	v7 =	vld.idx.msk [tilespmem:v7+s9+$0x0], $0xffff;
	s13 =	sor.u32 s11, s30;
	[tilespmem:s12+$0x0] =	vst v17  }
0x544: {  	s3 =	sor.u32 s0, s30;
	[tilespmem:s13+$0x0] =	vst v14;
	v15 =	vld.idx.msk [tilespmem:v15+s9+$0x0], $0xffff  }
0x545: {  	s14 =	sor.u32 s8, s30;
	v14 =	vadd.s32 $0x1A68, v4;
	v12 =	vld.idx.msk [tilespmem:v12+s9+$0x0], $0xffff;
	[tilespmem:s3+$0x0] =	vst v16  }
0x546: {  	[tilespmem:s14+$0x0] =	vst v13;
	v13 =	vld.idx.msk [tilespmem:v18+s9+$0x0], $0xffff  }
0x547: {  	[tilespmem:s21+$0x0] =	vst v31;
	s16 =	sadd.s32 $0x7280, s2;
	v16 =	vadd.s32 $0x1A68, v3;
	v11 =	vld.idx.msk [tilespmem:v11+s9+$0x0], $0xffff  }
0x548: {  	v8 =	vld.idx.msk [tilespmem:v8+s9+$0x0], $0xffff;
	s17 =	sor.u32 s10, s16;
	[tilespmem:s24+$0x0] =	vst v7  }
0x549: {  	s18 =	sor.u32 s11, s16;
	[tilespmem:s17+$0x0] =	vst v15  }
0x54a: {  	v17 =	vadd.s32 $0x1C70, v2;
	s3 =	sor.u32 s0, s16;
	[tilespmem:s18+$0x0] =	vst v12;
	v14 =	vld.idx.msk [tilespmem:v14+s9+$0x0], $0xffff  }
0x54b: {  	s19 =	sor.u32 s8, s16;
	v12 =	vadd.s32 $0x1C70, v4;
	v9 =	vld.idx.msk [tilespmem:v9+s9+$0x0], $0xffff;
	[tilespmem:s3+$0x0] =	vst v13  }
0x54c: {  	[tilespmem:s19+$0x0] =	vst v11;
	v7 =	vld.idx.msk [tilespmem:v16+s9+$0x0], $0xffff  }
0x54d: {  	s21 =	sadd.s32 $0x7300, s2;
	[tilespmem:s15+$0x0] =	vst v8;
	v8 =	vadd.s32 $0x1C70, v3;
	v10 =	vld.idx.msk [tilespmem:v10+s9+$0x0], $0xffff  }
0x54e: {  	v6 =	vld.idx.msk [tilespmem:v6+s9+$0x0], $0xffff;
	s22 =	sor.u32 s10, s21  }
0x54f: {  	s23 =	sor.u32 s11, s21;
	v11 =	vld.idx.msk [tilespmem:v17+s9+$0x0], $0xffff;
	[tilespmem:s22+$0x0] =	vst v14  }
0x550: {  	v2 =	vadd.s32 $0x1E78, v2;
	s3 =	sor.u32 s0, s21;
	[tilespmem:s23+$0x0] =	vst v9;
	v12 =	vld.idx.msk [tilespmem:v12+s9+$0x0], $0xffff  }
0x551: {  	s24 =	sor.u32 s8, s21;
	v4 =	vadd.s32 $0x1E78, v4;
	v9 =	vld.idx.msk [tilespmem:v24+s9+$0x0], $0xffff;
	[tilespmem:s3+$0x0] =	vst v7  }
0x552: {  	[tilespmem:s24+$0x0] =	vst v10;
	v7 =	vld.idx.msk [tilespmem:v8+s9+$0x0], $0xffff  }
0x553: {  	[tilespmem:s5+$0x0] =	vst v6;
	s26 =	sadd.s32 $0x7380, s2;
	v3 =	vadd.s32 $0x1E78, v3;
	v10 =	vld.idx.msk [tilespmem:v22+s9+$0x0], $0xffff  }
0x554: {  	v5 =	vld.idx.msk [tilespmem:v5+s9+$0x0], $0xffff;
	s30 =	sor.u32 s10, s26;
	[tilespmem:s25+$0x0] =	vst v11  }
0x555: {  	s5 =	sor.u32 s11, s26;
	v2 =	vld.idx.msk [tilespmem:v2+s9+$0x0], $0xffff;
	[tilespmem:s30+$0x0] =	vst v12  }
0x556: {  	s3 =	sor.u32 s0, s26;
	[tilespmem:s5+$0x0] =	vst v9;
	v4 =	vld.idx.msk [tilespmem:v4+s9+$0x0], $0xffff  }
0x557: {  	s6 =	sor.u32 s8, s26;
	v6 =	vld.idx.msk [tilespmem:v20+s9+$0x0], $0xffff;
	[tilespmem:s3+$0x0] =	vst v7  }
0x558: {  	[tilespmem:s6+$0x0] =	vst v10;
	v3 =	vld.idx.msk [tilespmem:v3+s9+$0x0], $0xffff  }
0x559: {  	s7 =	sadd.s32 $0x7400, s2;
	[tilespmem:s1+$0x0] =	vst v5;
	v8 =	vld.idx.msk [tilespmem:v19+s9+$0x0], $0xffff  }
0x55a: {  	s2 =	sor.u32 s10, s7;
	[tilespmem:s20+$0x0] =	vst v2  }
0x55b: {  	s11 =	sor.u32 s11, s7;
	[tilespmem:s2+$0x0] =	vst v4  }
0x55c: {  	s13 =	sor.u32 s0, s7;
	[tilespmem:s11+$0x0] =	vst v6  }
0x55d: {  	s12 =	sor.u32 s8, s7;
	[tilespmem:s13+$0x0] =	vst v3  }
0x55e: {  	[tilespmem:s12+$0x0] =	vst v8  }
0x55f: {  	s0 =	sld [smem:$0x7FB]  }
0x560: {  	s15 =	simm.s32 $0x200000  }
0x561: {  	s16 =	simm.s32 $0x3080;
	s14 =	simm.s32 $0x4000;
	s17 =	simm.s32 $0x2  }
0x562: {  	[hbm4b:s0+s14] =	stream.strided.scatter [tilespmem:s16], [sflag:$0x3], $0x8000, s15, s14, $0x38;
	[tilespmem:$0x13080] =	vst v63  }
0x563: {  	_ =	swait.ge [sflag:s17], $0x800  }
0x564: {  	[sflag:s17] =	ssyncset.done $0x0  }
0x565: {  	s18 =	simm.s32 $0x4;
	[sflag:s17] =	ssyncadd.s32 $0xFFFFF800  }
0x566: {  	_ =	swait.ge [sflag:s18], $0x8000  }
0x567: {  	[sflag:s18] =	ssyncset.done $0x0  }
0x568: {  	[sflag:s18] =	ssyncadd.s32 $0xFFFF8000  }
0x569: {  	v2 =	vld [tilespmem:$0x2880]  }
0x56a: {  	v3 =	vld [tilespmem:$0x2A80]  }
0x56b: {  	v4 =	vld [tilespmem:$0x2C80]  }
0x56c: {  	v5 =	vld [tilespmem:$0x2E80]  }
0x56d: {  	vm0 =	veq.s32 v0, $0x0  }
0x56e: {  	v2 =	vsel vm0, $0x201, v2  }
0x56f: {  	s19 =	simm.s32 $0x0;
	[tilespmem:$0x2880] =	vst v2;
	v2 =	vsel vm0, $0x201, v3  }
0x570: {  	s20 =	sand.u32 $0x780, s19;
	s17 =	sand.u32 $0x40, s19;
	[tilespmem:$0x2A80] =	vst v2;
	v2 =	vsel vm0, $0x201, v4  }
0x571: {  	s1 =	sadd.s32 $0x2880, s20;
	s16 =	sor.u32 $0x30, s17;
	[tilespmem:$0x2C80] =	vst v2;
	v2 =	vsel vm0, $0x201, v5  }
0x572: {  	s21 =	sor.u32 s16, s1;
	s18 =	sor.u32 $0x10, s17;
	[tilespmem:$0x2E80] =	vst v2  }
0x573: {  	s22 =	sor.u32 s18, s1;
	v7 =	vld [tilespmem:s21+$0x0]  }
0x574: {  	s7 =	sor.u32 $0x20, s17;
	v6 =	vld [tilespmem:s22+$0x0]  }
0x575: {  	s1 =	sor.u32 s7, s1  }
0x576: {  	v5 =	vld [tilespmem:s1+$0x0]  }
0x577: {  	s23 =	simm.s32 $0x2880  }
0x578: {  	v2 =	vld [tilespmem:s23+$0x0];
	_ =	sdelay $0x2  }
0x579: {  	v3 =	vld.idx.msk [tilespmem:v7+s9+$0x0], $0xffff  }
0x57a: {  	v8 =	vadd.s32 $0x208, v7;
	v4 =	vld.idx.msk [tilespmem:v6+s9+$0x0], $0xffff  }
0x57b: {  	s19 =	sand.u32 $0x3C00, s19;
	v9 =	vadd.s32 $0x208, v6  }
0x57c: {  	s0 =	sadd.s32 $0xB080, s19;
	v10 =	vld.idx.msk [tilespmem:v5+s9+$0x0], $0xffff  }
0x57d: {  	s24 =	sor.u32 s16, s0;
	v11 =	vadd.s32 $0x208, v5  }
0x57e: {  	s25 =	sor.u32 s18, s0;
	v12 =	vld.idx.msk [tilespmem:v2+s9+$0x0], $0xffff;
	[tilespmem:s24+$0x0] =	vst v3  }
0x57f: {  	v3 =	vadd.s32 $0x208, v2;
	[tilespmem:s25+$0x0] =	vst v4;
	v4 =	vld.idx.msk [tilespmem:v8+s9+$0x0], $0xffff  }
0x580: {  	s26 =	sor.u32 s7, s0;
	v8 =	vld.idx.msk [tilespmem:v9+s9+$0x0], $0xffff;
	v9 =	vadd.s32 $0x410, v7  }
0x581: {  	[tilespmem:s26+$0x0] =	vst v10;
	v10 =	vadd.s32 $0x410, v6  }
0x582: {  	s0 =	sor.u32 s17, s0;
	v11 =	vld.idx.msk [tilespmem:v11+s9+$0x0], $0xffff  }
0x583: {  	v13 =	vadd.s32 $0x410, v5;
	[tilespmem:s0+$0x0] =	vst v12  }
0x584: {  	v3 =	vld.idx.msk [tilespmem:v3+s9+$0x0], $0xffff;
	[tilespmem:s24+$0x80] =	vst v4  }
0x585: {  	v4 =	vadd.s32 $0x410, v2;
	[tilespmem:s25+$0x80] =	vst v8;
	v8 =	vld.idx.msk [tilespmem:v9+s9+$0x0], $0xffff  }
0x586: {  	v9 =	vld.idx.msk [tilespmem:v10+s9+$0x0], $0xffff;
	v10 =	vadd.s32 $0x618, v7  }
0x587: {  	[tilespmem:s26+$0x80] =	vst v11;
	v11 =	vadd.s32 $0x618, v6  }
0x588: {  	v12 =	vld.idx.msk [tilespmem:v13+s9+$0x0], $0xffff  }
0x589: {  	v13 =	vadd.s32 $0x618, v5;
	[tilespmem:s0+$0x80] =	vst v3  }
0x58a: {  	v3 =	vld.idx.msk [tilespmem:v4+s9+$0x0], $0xffff;
	[tilespmem:s24+$0x100] =	vst v8  }
0x58b: {  	v4 =	vadd.s32 $0x618, v2;
	[tilespmem:s25+$0x100] =	vst v9;
	v8 =	vld.idx.msk [tilespmem:v10+s9+$0x0], $0xffff  }
0x58c: {  	v9 =	vld.idx.msk [tilespmem:v11+s9+$0x0], $0xffff;
	v10 =	vadd.s32 $0x820, v7  }
0x58d: {  	[tilespmem:s26+$0x100] =	vst v12;
	v11 =	vadd.s32 $0x820, v6  }
0x58e: {  	v12 =	vld.idx.msk [tilespmem:v13+s9+$0x0], $0xffff  }
0x58f: {  	v13 =	vadd.s32 $0x820, v5;
	[tilespmem:s0+$0x100] =	vst v3  }
0x590: {  	p1 =	por $0x0, $0x0;
	s1 =	simm.s32 $0x1;
	v3 =	vld.idx.msk [tilespmem:v4+s9+$0x0], $0xffff;
	[tilespmem:s24+$0x180] =	vst v8  }
0x591: {  	s1 =	simm.s32 @!p1 $0x0;
	v4 =	vadd.s32 $0x820, v2;
	[tilespmem:s25+$0x180] =	vst v9;
	v8 =	vld.idx.msk [tilespmem:v10+s9+$0x0], $0xffff  }
0x592: {  	s1 =	sshll.u32 s1, $0x6;
	v9 =	vld.idx.msk [tilespmem:v11+s9+$0x0], $0xffff;
	v10 =	vadd.s32 $0xA28, v7  }
0x593: {  	s1 =	sadd.s32 $0x0, s1;
	[tilespmem:s26+$0x180] =	vst v12;
	v11 =	vadd.s32 $0xA28, v6  }
0x594: {  	s30 =	sadd.s32 $0x30, s1;
	v12 =	vld.idx.msk [tilespmem:v13+s9+$0x0], $0xffff  }
0x595: {  	s4 =	sadd.s32 $0x10, s1;
	s5 =	sor.u32 $0x200, s30;
	v13 =	vadd.s32 $0xA28, v5;
	[tilespmem:s0+$0x180] =	vst v3  }
0x596: {  	s8 =	sor.u32 $0x200, s4;
	v3 =	vld.idx.msk [tilespmem:v4+s9+$0x0], $0xffff;
	[tilespmem:s5+$0xB080] =	vst v8  }
0x597: {  	s6 =	sadd.s32 $0x20, s1;
	v4 =	vadd.s32 $0xA28, v2;
	[tilespmem:s8+$0xB080] =	vst v9;
	v8 =	vld.idx.msk [tilespmem:v10+s9+$0x0], $0xffff  }
0x598: {  	s10 =	sor.u32 $0x200, s6;
	v9 =	vld.idx.msk [tilespmem:v11+s9+$0x0], $0xffff;
	v10 =	vadd.s32 $0xC30, v7  }
0x599: {  	[tilespmem:s10+$0xB080] =	vst v12;
	v11 =	vadd.s32 $0xC30, v6  }
0x59a: {  	s11 =	sor.u32 $0x200, s1;
	v12 =	vld.idx.msk [tilespmem:v13+s9+$0x0], $0xffff  }
0x59b: {  	s12 =	sor.u32 $0x280, s30;
	v13 =	vadd.s32 $0xC30, v5;
	[tilespmem:s11+$0xB080] =	vst v3  }
0x59c: {  	s13 =	sor.u32 $0x280, s4;
	v3 =	vld.idx.msk [tilespmem:v4+s9+$0x0], $0xffff;
	[tilespmem:s12+$0xB080] =	vst v8  }
0x59d: {  	v4 =	vadd.s32 $0xC30, v2;
	[tilespmem:s13+$0xB080] =	vst v9;
	v8 =	vld.idx.msk [tilespmem:v10+s9+$0x0], $0xffff  }
0x59e: {  	s14 =	sor.u32 $0x280, s6;
	v9 =	vld.idx.msk [tilespmem:v11+s9+$0x0], $0xffff;
	v10 =	vadd.s32 $0xE38, v7  }
0x59f: {  	[tilespmem:s14+$0xB080] =	vst v12;
	v11 =	vadd.s32 $0xE38, v6  }
0x5a0: {  	s15 =	sor.u32 $0x280, s1;
	v12 =	vld.idx.msk [tilespmem:v13+s9+$0x0], $0xffff  }
0x5a1: {  	s20 =	sor.u32 $0x300, s30;
	v13 =	vadd.s32 $0xE38, v5;
	[tilespmem:s15+$0xB080] =	vst v3  }
0x5a2: {  	s21 =	sor.u32 $0x300, s4;
	v4 =	vld.idx.msk [tilespmem:v4+s9+$0x0], $0xffff;
	[tilespmem:s20+$0xB080] =	vst v8  }
0x5a3: {  	[tilespmem:s21+$0xB080] =	vst v9;
	v9 =	vld.idx.msk [tilespmem:v10+s9+$0x0], $0xffff  }
0x5a4: {  	s22 =	sor.u32 $0x300, s6;
	v8 =	vadd.s32 $0xE38, v2;
	v10 =	vld.idx.msk [tilespmem:v11+s9+$0x0], $0xffff  }
0x5a5: {  	[tilespmem:s22+$0xB080] =	vst v12;
	v11 =	vadd.s32 $0x1040, v7  }
0x5a6: {  	s23 =	sor.u32 $0x300, s1;
	v12 =	vadd.s32 $0x1040, v6;
	v13 =	vld.idx.msk [tilespmem:v13+s9+$0x0], $0xffff  }
0x5a7: {  	v14 =	vadd.s32 $0x1040, v5;
	s2 =	sor.u32 $0x380, s30;
	s24 =	simm.s32 $0x28C0;
	[tilespmem:s23+$0xB080] =	vst v4  }
0x5a8: {  	s0 =	sor.u32 $0x380, s4;
	v3 =	vld [tilespmem:s24+$0x0];
	[tilespmem:s2+$0xB080] =	vst v9  }
0x5a9: {  	s30 =	simm.s32 $0x40;
	s25 =	simm.s32 $0x40;
	s26 =	sor.u32 $0x380, s6;
	v8 =	vld.idx.msk [tilespmem:v8+s9+$0x0], $0xffff;
	[tilespmem:s0+$0xB080] =	vst v10  }
0x5aa: {  	s4 =	sand.u32 $0x780, s25;
	s0 =	sand.u32 $0x40, s25;
	v9 =	vld.idx.msk [tilespmem:v11+s9+$0x0], $0xffff;
	[dreg:$0xe] =	wrdreg s30  }
0x5ab: {  	s3 =	sadd.s32 $0x2880, s4;
	s10 =	sor.u32 $0x30, s0;
	v11 =	vadd.s32 $0x1248, v7;
	v10 =	vld.idx.msk [tilespmem:v12+s9+$0x0], $0xffff;
	[tilespmem:s26+$0xB080] =	vst v13  }
0x5ac: {  	s11 =	sor.u32 $0x10, s0;
	s5 =	sor.u32 s10, s3;
	v12 =	vadd.s32 $0x1040, v2;
	v13 =	vld.idx.msk [tilespmem:v14+s9+$0x0], $0xffff  }
0x5ad: {  	s12 =	sadd.s32 $0xF080, s19;
	s6 =	sor.u32 $0x20, s0;
	s8 =	sor.u32 s11, s3;
	v14 =	vadd.s32 $0x1248, v6;
	v4 =	vld [tilespmem:s5+$0x0]  }
0x5ae: {  	s14 =	sor.u32 s16, s12;
	s3 =	sor.u32 s6, s3;
	v19 =	vld [tilespmem:s8+$0x0]  }
0x5af: {  	s1 =	sor.u32 $0x380, s1;
	v15 =	vadd.s32 $0x1248, v5;
	v28 =	vld [tilespmem:s3+$0x0];
	[tilespmem:s14+$0x0] =	vst v9  }
0x5b0: {  	s15 =	sor.u32 s18, s12;
	[tilespmem:s1+$0xB080] =	vst v8;
	v8 =	vld.idx.msk [tilespmem:v11+s9+$0x0], $0xffff  }
0x5b1: {  	[tilespmem:s15+$0x0] =	vst v10;
	v9 =	vld.idx.msk [tilespmem:v12+s9+$0x0], $0xffff  }
0x5b2: {  	s20 =	sor.u32 s7, s12;
	v11 =	vadd.s32 $0x1450, v7;
	v10 =	vld.idx.msk [tilespmem:v14+s9+$0x0], $0xffff  }
0x5b3: {  	s21 =	sadd.s32 $0xF100, s19;
	[tilespmem:s20+$0x0] =	vst v13;
	v14 =	vld.idx.msk [tilespmem:v3+s9+$0x0], $0xffff  }
0x5b4: {  	s22 =	sor.u32 s16, s21;
	v13 =	vadd.s32 $0x1248, v2;
	v12 =	vld.idx.msk [tilespmem:v15+s9+$0x0], $0xffff  }
0x5b5: {  	s23 =	sor.u32 s17, s12;
	v15 =	vadd.s32 $0x1450, v6;
	v16 =	vld.idx.msk [tilespmem:v4+s9+$0x0], $0xffff;
	[tilespmem:s22+$0x0] =	vst v8  }
0x5b6: {  	v17 =	vadd.s32 $0x1450, v5;
	s24 =	simm.s32 $0x200;
	s26 =	simm.s32 $0x200;
	v18 =	vld.idx.msk [tilespmem:v19+s9+$0x0], $0xffff;
	[tilespmem:s23+$0x0] =	vst v9  }
0x5b7: {  	s25 =	sor.u32 s18, s21;
	s2 =	sand.u32 $0x3C00, s24;
	v8 =	vadd.s32 $0x208, v4;
	v11 =	vld.idx.msk [tilespmem:v11+s9+$0x0], $0xffff;
	[dreg:$0x10] =	wrdreg s26  }
0x5b8: {  	s30 =	sor.u32 s7, s21;
	s4 =	sadd.s32 $0xB080, s2;
	v20 =	vadd.s32 $0x208, v19;
	v9 =	vld.idx.msk [tilespmem:v28+s9+$0x0], $0xffff;
	[tilespmem:s25+$0x0] =	vst v10  }
0x5b9: {  	s5 =	sor.u32 s10, s4;
	v10 =	vld.idx.msk [tilespmem:v13+s9+$0x0], $0xffff;
	v13 =	vadd.s32 $0x1658, v7;
	[tilespmem:s30+$0x0] =	vst v12  }
0x5ba: {  	v21 =	vadd.s32 $0x208, v28;
	s25 =	sor.u32 s11, s4;
	v12 =	vld.idx.msk [tilespmem:v15+s9+$0x0], $0xffff;
	[tilespmem:s5+$0x0] =	vst v16  }
0x5bb: {  	s12 =	sadd.s32 $0xF180, s19;
	v15 =	vadd.s32 $0x208, v3;
	v16 =	vld.idx.msk [tilespmem:v17+s9+$0x0], $0xffff;
	[tilespmem:s25+$0x0] =	vst v18  }
0x5bc: {  	s26 =	sor.u32 s16, s12;
	v17 =	vadd.s32 $0x1450, v2;
	v8 =	vld.idx.msk [tilespmem:v8+s9+$0x0], $0xffff;
	[dreg:$0x6] =	wrdreg s6  }
0x5bd: {  	s30 =	sor.u32 s6, s4;
	v18 =	vadd.s32 $0x1658, v6;
	v20 =	vld.idx.msk [tilespmem:v20+s9+$0x0], $0xffff;
	[tilespmem:s26+$0x0] =	vst v11  }
0x5be: {  	s1 =	sor.u32 s0, s4;
	[tilespmem:s30+$0x0] =	vst v9;
	v9 =	vadd.s32 $0x410, v4;
	v11 =	vld.idx.msk [tilespmem:v13+s9+$0x0], $0xffff  }
0x5bf: {  	s3 =	sor.u32 s17, s21;
	[tilespmem:s1+$0x0] =	vst v14;
	v13 =	vadd.s32 $0x410, v19;
	v14 =	vld.idx.msk [tilespmem:v21+s9+$0x0], $0xffff  }
0x5c0: {  	s13 =	sor.u32 s18, s12;
	[tilespmem:s3+$0x0] =	vst v10;
	v10 =	vadd.s32 $0x1860, v7;
	v15 =	vld.idx.msk [tilespmem:v15+s9+$0x0], $0xffff  }
0x5c1: {  	v21 =	vadd.s32 $0x410, v28;
	[tilespmem:s13+$0x0] =	vst v12;
	v17 =	vld.idx.msk [tilespmem:v17+s9+$0x0], $0xffff  }
0x5c2: {  	s14 =	sadd.s32 $0xF200, s19;
	v12 =	vadd.s32 $0x410, v3;
	[tilespmem:s5+$0x80] =	vst v8;
	v8 =	vld.idx.msk [tilespmem:v18+s9+$0x0], $0xffff  }
0x5c3: {  	s15 =	sor.u32 s16, s14;
	v18 =	vadd.s32 $0x1658, v5;
	[tilespmem:s25+$0x80] =	vst v20;
	v9 =	vld.idx.msk [tilespmem:v9+s9+$0x0], $0xffff  }
0x5c4: {  	v20 =	vadd.s32 $0x1658, v2;
	v13 =	vld.idx.msk [tilespmem:v13+s9+$0x0], $0xffff;
	[tilespmem:s15+$0x0] =	vst v11  }
0x5c5: {  	v11 =	vadd.s32 $0x618, v4;
	[tilespmem:s30+$0x80] =	vst v14;
	v10 =	vld.idx.msk [tilespmem:v10+s9+$0x0], $0xffff  }
0x5c6: {  	s20 =	sor.u32 s7, s12;
	v14 =	vadd.s32 $0x618, v19;
	[tilespmem:s1+$0x80] =	vst v15;
	v15 =	vld.idx.msk [tilespmem:v21+s9+$0x0], $0xffff  }
0x5c7: {  	s12 =	sor.u32 s17, s12;
	[tilespmem:s20+$0x0] =	vst v16;
	v16 =	vadd.s32 $0x1A68, v7;
	v12 =	vld.idx.msk [tilespmem:v12+s9+$0x0], $0xffff  }
0x5c8: {  	v21 =	vadd.s32 $0x618, v28;
	[tilespmem:s12+$0x0] =	vst v17;
	v17 =	vld.idx.msk [tilespmem:v18+s9+$0x0], $0xffff  }
0x5c9: {  	s21 =	sadd.s32 $0xF280, s19;
	v18 =	vadd.s32 $0x618, v3;
	[tilespmem:s5+$0x100] =	vst v9;
	v9 =	vld.idx.msk [tilespmem:v20+s9+$0x0], $0xffff  }
0x5ca: {  	s22 =	sor.u32 s16, s21;
	v20 =	vadd.s32 $0x1860, v6;
	[tilespmem:s25+$0x100] =	vst v13;
	v11 =	vld.idx.msk [tilespmem:v11+s9+$0x0], $0xffff  }
0x5cb: {  	v13 =	vadd.s32 $0x1860, v5;
	v14 =	vld.idx.msk [tilespmem:v14+s9+$0x0], $0xffff;
	[tilespmem:s22+$0x0] =	vst v10  }
0x5cc: {  	v10 =	vadd.s32 $0x820, v4;
	[tilespmem:s30+$0x100] =	vst v15;
	v15 =	vld.idx.msk [tilespmem:v16+s9+$0x0], $0xffff  }
0x5cd: {  	s23 =	sor.u32 s18, s14;
	v16 =	vadd.s32 $0x820, v19;
	[tilespmem:s1+$0x100] =	vst v12;
	v12 =	vld.idx.msk [tilespmem:v21+s9+$0x0], $0xffff  }
0x5ce: {  	s24 =	sor.u32 s7, s14;
	[tilespmem:s23+$0x0] =	vst v8;
	v8 =	vadd.s32 $0x1C70, v7;
	v18 =	vld.idx.msk [tilespmem:v18+s9+$0x0], $0xffff  }
0x5cf: {  	v21 =	vadd.s32 $0x820, v28;
	[tilespmem:s24+$0x0] =	vst v17;
	v20 =	vld.idx.msk [tilespmem:v20+s9+$0x0], $0xffff  }
0x5d0: {  	s3 =	sadd.s32 $0xF300, s19;
	v17 =	vadd.s32 $0x820, v3;
	[tilespmem:s5+$0x180] =	vst v11;
	v11 =	vld.idx.msk [tilespmem:v13+s9+$0x0], $0xffff  }
0x5d1: {  	p1 =	por !p1, !p1;
	s6 =	simm.s32 $0x1;
	[tilespmem:s25+$0x180] =	vst v14;
	v13 =	vadd.s32 $0x1860, v2;
	s25 =	sor.u32 s16, s3;
	v10 =	vld.idx.msk [tilespmem:v10+s9+$0x0], $0xffff  }
0x5d2: {  	s6 =	simm.s32 @!p1 $0x0;
	v14 =	vadd.s32 $0x1A68, v6;
	v16 =	vld.idx.msk [tilespmem:v16+s9+$0x0], $0xffff;
	[tilespmem:s25+$0x0] =	vst v15  }
0x5d3: {  	s26 =	sshll.u32 s6, $0x6;
	[tilespmem:s30+$0x180] =	vst v12;
	v12 =	vadd.s32 $0xA28, v4;
	v15 =	vld.idx.msk [tilespmem:v8+s9+$0x0], $0xffff  }
0x5d4: {  	v22 =	vadd.s32 $0xA28, v19;
	s22 =	sadd.s32 $0x200, s26;
	s30 =	sor.u32 s17, s14;
	[tilespmem:s1+$0x180] =	vst v18;
	v18 =	vld.idx.msk [tilespmem:v21+s9+$0x0], $0xffff  }
0x5d5: {  	s6 =	sor.u32 s18, s21;
	s13 =	sadd.s32 $0xF400, s19;
	s23 =	sadd.s32 $0x30, s22;
	v21 =	vld.idx.msk [tilespmem:v17+s9+$0x0], $0xffff;
	[tilespmem:s30+$0x0] =	vst v9;
	v9 =	vadd.s32 $0x1E78, v7  }
0x5d6: {  	v24 =	vadd.s32 $0xA28, v28;
	s20 =	sor.u32 s7, s21;
	s26 =	sadd.s32 $0x10, s22;
	s8 =	sor.u32 $0x200, s23;
	[tilespmem:s6+$0x0] =	vst v20;
	v13 =	vld.idx.msk [tilespmem:v13+s9+$0x0], $0xffff  }
0x5d7: {  	v35 =	vadd.s32 $0xC30, v3;
	s15 =	sadd.s32 $0xF380, s19;
	s12 =	simm.s32 $0x4;
	s14 =	sor.u32 $0x200, s26;
	v20 =	vadd.s32 $0xA28, v3;
	v29 =	vld.idx.msk [tilespmem:v14+s9+$0x0], $0xffff;
	[tilespmem:s8+$0xB080] =	vst v10  }
0x5d8: {  	v36 =	vadd.s32 $0xC30, v19;
	v27 =	vadd.s32 $0xC30, v28;
	s29 =	sor.u32 $0x280, s22;
	s24 =	sor.u32 s16, s15;
	s30 =	sadd.s32 $0x20, s22;
	v10 =	vadd.s32 $0x1A68, v5;
	[tilespmem:s14+$0xB080] =	vst v16;
	v12 =	vld.idx.msk [tilespmem:v12+s9+$0x0], $0xffff  }
0x5d9: {  	v26 =	vadd.s32 $0xE38, v19;
	v63 =	vadd.s32 $0xC30, v4;
	s28 =	sor.u32 $0x280, s26;
	s19 =	sor.u32 $0x280, s23;
	s25 =	sor.u32 $0x200, s30;
	v62 =	vld.idx.msk [tilespmem:v22+s9+$0x0], $0xffff;
	v22 =	vadd.s32 $0x1A68, v2;
	[tilespmem:s24+$0x0] =	vst v15  }
0x5da: {  	v25 =	vadd.s32 $0xE38, v28;
	v23 =	vadd.s32 $0x1040, v19;
	s4 =	sor.u32 $0x300, s26;
	s5 =	sor.u32 $0x200, s22;
	s16 =	sor.u32 s16, s13;
	v8 =	vadd.s32 $0x1C70, v5;
	[tilespmem:s25+$0xB080] =	vst v18;
	v37 =	vld.idx.msk [tilespmem:v9+s9+$0x0], $0xffff  }
0x5db: {  	s1 =	sor.u32 s17, s21;
	s21 =	sor.u32 s17, s3;
	v7 =	vadd.s32 $0x1C70, v6;
	v6 =	vadd.s32 $0x1E78, v6;
	v17 =	vadd.s32 $0x1248, v19;
	s6 =	sor.u32 s7, s3;
	[tilespmem:s5+$0xB080] =	vst v21;
	v33 =	vld.idx.msk [tilespmem:v24+s9+$0x0], $0xffff  }
0x5dc: {  	s31 =	sor.u32 $0x300, s30;
	[tilespmem:s20+$0x0] =	vst v11;
	v14 =	vadd.s32 $0x1658, v28;
	s20 =	sor.u32 s17, s13;
	v11 =	vadd.s32 $0x1860, v28;
	v5 =	vadd.s32 $0x1E78, v5;
	s14 =	sor.u32 s18, s3;
	v34 =	vld.idx.msk [tilespmem:v20+s9+$0x0], $0xffff  }
0x5dd: {  	s8 =	sor.u32 $0x280, s30;
	v16 =	vadd.s32 $0x1450, v28;
	s3 =	simm.s32 $0x0;
	s24 =	sor.u32 s18, s15;
	v15 =	vadd.s32 $0x1450, v19;
	v21 =	vadd.s32 $0x1040, v28;
	[tilespmem:s1+$0x0] =	vst v13;
	v30 =	vld.idx.msk [tilespmem:v10+s9+$0x0], $0xffff  }
0x5de: {  	s25 =	sor.u32 s17, s15;
	v18 =	vadd.s32 $0x1248, v28;
	s15 =	sor.u32 s7, s15;
	s5 =	sor.u32 s18, s13;
	v9 =	vadd.s32 $0x1A68, v19;
	v24 =	vadd.s32 $0x1C70, v19;
	[tilespmem:s19+$0xB080] =	vst v12;
	v31 =	vld.idx.msk [tilespmem:v22+s3+$0x0], $0xffff  }
0x5df: {  	v20 =	vadd.s32 $0x1E78, v19;
	v13 =	vadd.s32 $0x1658, v19;
	s1 =	sor.u32 s7, s13;
	s13 =	sor.u32 $0x300, s22;
	s22 =	sor.u32 $0x380, s22;
	v10 =	vadd.s32 $0x1A68, v28;
	[tilespmem:s28+$0xB080] =	vst v62;
	v32 =	vld.idx.msk [tilespmem:v63+s3+$0x0], $0xffff  }
0x5e0: {  	v12 =	vadd.s32 $0x1860, v19;
	v22 =	vadd.s32 $0x1C70, v28;
	v19 =	vadd.s32 $0x1E78, v28;
	s28 =	sor.u32 $0x380, s26;
	s26 =	sor.u32 $0x380, s30;
	[tilespmem:s16+$0x0] =	vst v37;
	v28 =	vld.idx.msk [tilespmem:v36+s3+$0x0], $0xffff;
	s16 =	simm.s32 $0x2900  }
.LBB2_18:
0x5e1: {  	s18 =	smov.u32 s11;
	s11 =	rddreg [dreg:$0x6];
	[tilespmem:s14+$0x0] =	vst v29  }
0x5e2: {  	v36 =	vld [tilespmem:s16+$0x0];
	v55 =	vadd.s32 $0xE38, v4;
	s7 =	smov.u32 s11;
	s11 =	simm.s32 $0x0;
	[tilespmem:s8+$0xB080] =	vst v33  }
0x5e3: {  	v29 =	vld.idx.msk [tilespmem:v7+s11+$0x0], $0xffff;
	[tilespmem:s29+$0xB080] =	vst v34  }
0x5e4: {  	v56 =	vadd.s32 $0x1C70, v2;
	s19 =	sor.u32 $0x300, s23;
	v27 =	vld.idx.msk [tilespmem:v27+s3+$0x0], $0xffff;
	[tilespmem:s6+$0x0] =	vst v30  }
0x5e5: {  	v34 =	vld.idx.msk [tilespmem:v35+s3+$0x0], $0xffff;
	[tilespmem:s19+$0xB080] =	vst v32  }
0x5e6: {  	[tilespmem:s4+$0xB080] =	vst v28;
	v30 =	vld.idx.msk [tilespmem:v8+s11+$0x0], $0xffff  }
0x5e7: {  	v7 =	vmov v24;
	v24 =	vadd.s32 $0xE38, v3;
	[tilespmem:s21+$0x0] =	vst v31;
	v8 =	vmov v22;
	v22 =	vld.idx.msk [tilespmem:v55+s11+$0x0], $0xffff  }
0x5e8: {  	v26 =	vld.idx.msk [tilespmem:v26+s11+$0x0], $0xffff;
	[tilespmem:s24+$0x0] =	vst v29  }
0x5e9: {  	v28 =	vld.idx.msk [tilespmem:v56+s11+$0x0], $0xffff;
	[tilespmem:s31+$0xB080] =	vst v27  }
0x5ea: {  	v57 =	vld.idx.msk [tilespmem:v6+s11+$0x0], $0xffff;
	v27 =	vadd.s32 $0x1040, v4;
	[tilespmem:s13+$0xB080] =	vst v34  }
0x5eb: {  	s23 =	sor.u32 $0x380, s23;
	s24 =	rddreg [dreg:$0xe];
	v25 =	vld.idx.msk [tilespmem:v25+s11+$0x0], $0xffff;
	[tilespmem:s15+$0x0] =	vst v30  }
0x5ec: {  	v31 =	vadd.s32 $0x1E78, v2;
	s3 =	sadd.s32 $0x40, s24;
	v24 =	vld.idx.msk [tilespmem:v24+s11+$0x0], $0xffff;
	[tilespmem:s23+$0xB080] =	vst v22  }
0x5ed: {  	v6 =	vmov v20;
	s19 =	sand.u32 $0x40, s3;
	[dreg:$0xe] =	wrdreg s3;
	s3 =	sand.u32 $0x780, s3;
	[tilespmem:s28+$0xB080] =	vst v26;
	v20 =	vld.idx.msk [tilespmem:v5+s11+$0x0], $0xffff  }
0x5ee: {  	[tilespmem:s25+$0x0] =	vst v28;
	s3 =	sadd.s32 $0x2880, s3;
	s13 =	sor.u32 $0x10, s19;
	v22 =	vld.idx.msk [tilespmem:v23+s11+$0x0], $0xffff  }
0x5ef: {  	v5 =	vmov v19;
	s30 =	sor.u32 s13, s3;
	[tilespmem:s5+$0x0] =	vst v57;
	v19 =	vld.idx.msk [tilespmem:v27+s11+$0x0], $0xffff  }
0x5f0: {  	v2 =	vmov v3;
	v23 =	vadd.s32 $0x1248, v4;
	v38 =	vld [tilespmem:s30+$0x0];
	[tilespmem:s26+$0xB080] =	vst v25  }
0x5f1: {  	s17 =	smov.u32 s10;
	s14 =	sor.u32 $0x30, s19;
	v25 =	vld.idx.msk [tilespmem:v31+s11+$0x0], $0xffff;
	[tilespmem:s22+$0xB080] =	vst v24;
	v24 =	vadd.s32 $0x1040, v2  }
0x5f2: {  	s8 =	sadd.s32 $0xF080, s2;
	s9 =	sor.u32 $0x20, s19;
	s26 =	sor.u32 s14, s3;
	v21 =	vld.idx.msk [tilespmem:v21+s11+$0x0], $0xffff  }
0x5f3: {  	s21 =	sor.u32 s17, s8;
	v3 =	vmov v36;
	s3 =	sor.u32 s9, s3;
	v29 =	vld [tilespmem:s26+$0x0];
	[tilespmem:s1+$0x0] =	vst v20  }
0x5f4: {  	v39 =	vld [tilespmem:s3+$0x0];
	[tilespmem:s21+$0x0] =	vst v19  }
0x5f5: {  	s15 =	sor.u32 s18, s8;
	v19 =	vld.idx.msk [tilespmem:v23+s11+$0x0], $0xffff  }
0x5f6: {  	[tilespmem:s15+$0x0] =	vst v22;
	v20 =	vld.idx.msk [tilespmem:v24+s11+$0x0], $0xffff  }
0x5f7: {  	s22 =	sor.u32 s7, s8;
	[tilespmem:s20+$0x0] =	vst v25;
	v24 =	vld.idx.msk [tilespmem:v17+s11+$0x0], $0xffff  }
0x5f8: {  	v17 =	vadd.s32 $0x1450, v4;
	[tilespmem:s22+$0x0] =	vst v21;
	v44 =	vld.idx.msk [tilespmem:v3+s11+$0x0], $0xffff  }
0x5f9: {  	s23 =	sadd.s32 $0xF100, s2;
	v22 =	vadd.s32 $0x1248, v2;
	v58 =	vld.idx.msk [tilespmem:v18+s11+$0x0], $0xffff  }
0x5fa: {  	s26 =	sor.u32 s17, s23;
	v48 =	vld.idx.msk [tilespmem:v38+s11+$0x0], $0xffff  }
0x5fb: {  	s10 =	sor.u32 s0, s8;
	s6 =	rddreg [dreg:$0x10];
	v47 =	vld.idx.msk [tilespmem:v29+s11+$0x0], $0xffff;
	[tilespmem:s26+$0x0] =	vst v19  }
0x5fc: {  	v19 =	vadd.s32 $0x208, v29;
	[tilespmem:s10+$0x0] =	vst v20;
	s10 =	sadd.s32 $0x200, s6;
	v50 =	vld.idx.msk [tilespmem:v39+s11+$0x0], $0xffff  }
0x5fd: {  	s25 =	sor.u32 s18, s23;
	v42 =	vadd.s32 $0x208, v38;
	v49 =	vld.idx.msk [tilespmem:v17+s11+$0x0], $0xffff;
	s1 =	sand.u32 $0x3C00, s10  }
0x5fe: {  	v41 =	vadd.s32 $0x208, v3;
	s30 =	sor.u32 s7, s23;
	[tilespmem:s25+$0x0] =	vst v24;
	v51 =	vld.idx.msk [tilespmem:v22+s11+$0x0], $0xffff;
	s15 =	sadd.s32 $0xB080, s1  }
0x5ff: {  	[dreg:$0x12] =	wrdreg s13;
	v45 =	vadd.s32 $0x208, v39;
	v55 =	vld.idx.msk [tilespmem:v15+s11+$0x0], $0xffff;
	[tilespmem:s30+$0x0] =	vst v58;
	s6 =	sor.u32 s13, s15;
	s13 =	sor.u32 s14, s15  }
0x600: {  	v52 =	vadd.s32 $0x1658, v4;
	[tilespmem:s13+$0x0] =	vst v47;
	v47 =	vld.idx.msk [tilespmem:v16+s11+$0x0], $0xffff  }
0x601: {  	v40 =	vadd.s32 $0x1450, v2;
	s5 =	sor.u32 s19, s15;
	[tilespmem:s6+$0x0] =	vst v48;
	v59 =	vld.idx.msk [tilespmem:v19+s11+$0x0], $0xffff  }
0x602: {  	s20 =	sadd.s32 $0xF180, s2;
	s15 =	sor.u32 s9, s15;
	[tilespmem:s5+$0x0] =	vst v44;
	v42 =	vld.idx.msk [tilespmem:v42+s11+$0x0], $0xffff  }
0x603: {  	v63 =	vadd.s32 $0x1860, v4;
	s24 =	sor.u32 s0, s23;
	v43 =	vadd.s32 $0x410, v38;
	s23 =	sor.u32 s17, s20;
	v60 =	vadd.s32 $0x410, v29;
	[tilespmem:s15+$0x0] =	vst v50;
	v41 =	vld.idx.msk [tilespmem:v41+s11+$0x0], $0xffff  }
0x604: {  	v37 =	vadd.s32 $0x618, v38;
	v34 =	vadd.s32 $0x820, v38;
	v31 =	vadd.s32 $0xA28, v38;
	[tilespmem:s23+$0x0] =	vst v49;
	v62 =	vld.idx.msk [tilespmem:v45+s11+$0x0], $0xffff  }
0x605: {  	v28 =	vadd.s32 $0xC30, v38;
	v26 =	vadd.s32 $0xE38, v38;
	s22 =	sor.u32 s18, s20;
	v46 =	vadd.s32 $0x410, v39;
	[tilespmem:s24+$0x0] =	vst v51;
	v61 =	vld.idx.msk [tilespmem:v52+s11+$0x0], $0xffff  }
0x606: {  	v53 =	vadd.s32 $0x1658, v38;
	v56 =	vadd.s32 $0x1860, v38;
	[tilespmem:s22+$0x0] =	vst v55;
	v40 =	vld.idx.msk [tilespmem:v40+s11+$0x0], $0xffff;
	v52 =	vadd.s32 $0x410, v3  }
0x607: {  	v35 =	vadd.s32 $0x1A68, v38;
	v23 =	vadd.s32 $0x1040, v38;
	v20 =	vadd.s32 $0x1450, v38;
	v48 =	vld.idx.msk [tilespmem:v13+s11+$0x0], $0xffff;
	[tilespmem:s13+$0x80] =	vst v59  }
0x608: {  	v24 =	vadd.s32 $0x1C70, v38;
	v17 =	vadd.s32 $0x1248, v38;
	v15 =	vmovc v20;
	v20 =	vadd.s32 $0x1E78, v38;
	[tilespmem:s6+$0x80] =	vst v42;
	v38 =	vld.idx.msk [tilespmem:v60+s11+$0x0], $0xffff  }
0x609: {  	s24 =	sadd.s32 $0xF200, s2;
	v13 =	vmov v53;
	v53 =	vadd.s32 $0x1658, v2;
	v42 =	vld.idx.msk [tilespmem:v43+s11+$0x0], $0xffff;
	[tilespmem:s15+$0x80] =	vst v62  }
0x60a: {  	v55 =	vadd.s32 $0x618, v29;
	s26 =	sor.u32 s17, s24;
	[tilespmem:s5+$0x80] =	vst v41;
	v59 =	vld.idx.msk [tilespmem:v46+s11+$0x0], $0xffff  }
0x60b: {  	s3 =	sor.u32 s7, s20;
	v36 =	vadd.s32 $0x618, v39;
	v33 =	vadd.s32 $0x820, v39;
	v30 =	vadd.s32 $0xA28, v39;
	[tilespmem:s26+$0x0] =	vst v61;
	v60 =	vld.idx.msk [tilespmem:v52+s11+$0x0], $0xffff  }
0x60c: {  	s21 =	sor.u32 s0, s20;
	v27 =	vadd.s32 $0xC30, v39;
	v25 =	vadd.s32 $0xE38, v39;
	v21 =	vadd.s32 $0x1040, v39;
	[tilespmem:s3+$0x0] =	vst v47;
	v58 =	vld.idx.msk [tilespmem:v63+s11+$0x0], $0xffff  }
0x60d: {  	v18 =	vadd.s32 $0x1248, v39;
	v54 =	vadd.s32 $0x1658, v39;
	[tilespmem:s21+$0x0] =	vst v40;
	v62 =	vld.idx.msk [tilespmem:v14+s11+$0x0], $0xffff;
	v63 =	vadd.s32 $0x618, v3  }
0x60e: {  	v57 =	vadd.s32 $0x1860, v39;
	v32 =	vadd.s32 $0x1A68, v39;
	v22 =	vadd.s32 $0x1450, v39;
	v49 =	vld.idx.msk [tilespmem:v53+s11+$0x0], $0xffff;
	[tilespmem:s13+$0x100] =	vst v38  }
0x60f: {  	v16 =	vmovc v22;
	v22 =	vadd.s32 $0x1C70, v39;
	v19 =	vadd.s32 $0x1E78, v39;
	v61 =	vadd.s32 $0x1A68, v4;
	[tilespmem:s6+$0x100] =	vst v42;
	v39 =	vld.idx.msk [tilespmem:v55+s11+$0x0], $0xffff  }
0x610: {  	v37 =	vld.idx.msk [tilespmem:v37+s11+$0x0], $0xffff;
	[tilespmem:s15+$0x100] =	vst v59  }
0x611: {  	s30 =	sadd.s32 $0xF280, s2;
	v50 =	vadd.s32 $0x820, v29;
	s25 =	sor.u32 s18, s24;
	[tilespmem:s5+$0x100] =	vst v60;
	v36 =	vld.idx.msk [tilespmem:v36+s11+$0x0], $0xffff  }
0x612: {  	[dreg:$0x6] =	wrdreg s9;
	s9 =	sor.u32 s17, s30;
	[tilespmem:s25+$0x0] =	vst v48;
	v52 =	vld.idx.msk [tilespmem:v63+s11+$0x0], $0xffff  }
0x613: {  	[dreg:$0x19] =	wrdreg s14;
	s14 =	sor.u32 s7, s24;
	v14 =	vmov v54;
	[tilespmem:s9+$0x0] =	vst v58;
	v54 =	vld.idx.msk [tilespmem:v12+s11+$0x0], $0xffff  }
0x614: {  	v55 =	vadd.s32 $0x820, v3;
	[tilespmem:s14+$0x0] =	vst v62;
	v51 =	vld.idx.msk [tilespmem:v61+s11+$0x0], $0xffff  }
0x615: {  	s12 =	sadd.s32 $0x4, s12;
	p1 =	por !p1, !p1;
	s16 =	sadd.s32 $0x40, s16;
	v53 =	vadd.s32 $0x1C70, v4;
	v12 =	vmov v56;
	v56 =	vld.idx.msk [tilespmem:v11+s11+$0x0], $0xffff;
	[tilespmem:s13+$0x180] =	vst v39  }
0x616: {  	p2 =	slt.u32 s12, $0x7C;
	[dreg:$0x10] =	wrdreg s10;
	s22 =	simm.s32 $0x1;
	v11 =	vmov v57;
	[tilespmem:s6+$0x180] =	vst v37;
	v57 =	vld.idx.msk [tilespmem:v50+s11+$0x0], $0xffff  }
0x617: {  	s20 =	sor.u32 s0, s30;
	s23 =	sadd.s32 $0xF300, s2;
	s22 =	simm.s32 @!p1 $0x0;
	v58 =	vadd.s32 $0x1860, v2;
	v34 =	vld.idx.msk [tilespmem:v34+s11+$0x0], $0xffff;
	[tilespmem:s15+$0x180] =	vst v36  }
0x618: {  	s4 =	sor.u32 s0, s24;
	s24 =	sor.u32 s17, s23;
	s25 =	sshll.u32 s22, $0x6;
	v59 =	vadd.s32 $0xA28, v29;
	[tilespmem:s5+$0x180] =	vst v52;
	v33 =	vld.idx.msk [tilespmem:v33+s11+$0x0], $0xffff  }
0x619: {  	s8 =	sor.u32 s18, s30;
	s21 =	sor.u32 s0, s23;
	s3 =	sadd.s32 s25, s10;
	[tilespmem:s24+$0x0] =	vst v51;
	v40 =	vld.idx.msk [tilespmem:v55+s11+$0x0], $0xffff  }
0x61a: {  	s14 =	sor.u32 s18, s23;
	s6 =	sor.u32 s7, s23;
	s23 =	sadd.s32 $0x30, s3;
	[tilespmem:s8+$0x0] =	vst v54;
	v42 =	vld.idx.msk [tilespmem:v53+s11+$0x0], $0xffff  }
0x61b: {  	s30 =	sor.u32 s7, s30;
	v60 =	vadd.s32 $0x1E78, v4;
	v4 =	vmov v29;
	s5 =	sadd.s32 $0x10, s3;
	s22 =	sor.u32 $0x200, s23;
	[tilespmem:s4+$0x0] =	vst v49;
	v29 =	vld.idx.msk [tilespmem:v9+s11+$0x0], $0xffff  }
0x61c: {  	s10 =	sadd.s32 $0xF380, s2;
	v61 =	vadd.s32 $0xA28, v3;
	s15 =	sadd.s32 $0x20, s3;
	s26 =	sor.u32 $0x200, s5;
	v41 =	vld.idx.msk [tilespmem:v58+s11+$0x0], $0xffff;
	[tilespmem:s22+$0xB080] =	vst v57  }
0x61d: {  	s25 =	sor.u32 $0x200, s3;
	s29 =	sor.u32 $0x280, s3;
	s24 =	sor.u32 $0x200, s15;
	[tilespmem:s26+$0xB080] =	vst v34;
	v36 =	vld.idx.msk [tilespmem:v59+s11+$0x0], $0xffff  }
0x61e: {  	s13 =	sor.u32 $0x300, s3;
	s9 =	sor.u32 $0x280, s5;
	s26 =	sor.u32 s17, s10;
	v62 =	vld.idx.msk [tilespmem:v31+s11+$0x0], $0xffff;
	v31 =	vadd.s32 $0x1A68, v2;
	[tilespmem:s24+$0xB080] =	vst v33  }
0x61f: {  	v63 =	vadd.s32 $0xC30, v4;
	s8 =	sor.u32 $0x280, s15;
	s4 =	sor.u32 $0x300, s5;
	s31 =	sor.u32 $0x300, s15;
	[tilespmem:s26+$0x0] =	vst v42;
	v33 =	vld.idx.msk [tilespmem:v30+s11+$0x0], $0xffff  }
0x620: {  	s28 =	sor.u32 $0x380, s5;
	s5 =	sor.u32 $0x280, s23;
	s22 =	sor.u32 $0x380, s3;
	[tilespmem:s25+$0xB080] =	vst v40;
	v38 =	vld.idx.msk [tilespmem:v60+s11+$0x0], $0xffff  }
.Ltmp8:
0x621: {  	s3 =	sadd.s32 $0xF400, s2;
	s2 =	smov.u32 s1;
	v34 =	vld.idx.msk [tilespmem:v61+s11+$0x0], $0xffff;
	[tilespmem:s30+$0x0] =	vst v56;
	(pc) =	sbr.rel @p2 .LBB2_18-.Ltmp8, $4  }
0x622: {  	s25 =	sor.u32 s0, s10;
	s24 =	sor.u32 s18, s10;
	s1 =	sor.u32 s7, s3;
	[tilespmem:s20+$0x0] =	vst v41;
	v30 =	vld.idx.msk [tilespmem:v10+s11+$0x0], $0xffff  }
0x623: {  	s26 =	sor.u32 $0x380, s15;
	s15 =	sor.u32 s7, s10;
	s10 =	rddreg [dreg:$0x19];
	[tilespmem:s5+$0xB080] =	vst v36;
	v31 =	vld.idx.msk [tilespmem:v31+s11+$0x0], $0xffff  }
0x624: {  	s20 =	sor.u32 s0, s3;
	s30 =	sor.u32 s17, s3;
	s0 =	smov.u32 s19;
	v10 =	vmov v32;
	[tilespmem:s9+$0xB080] =	vst v62;
	v32 =	vld.idx.msk [tilespmem:v63+s11+$0x0], $0xffff  }
0x625: {  	v9 =	vmov v35;
	v35 =	vadd.s32 $0xC30, v3;
	s5 =	sor.u32 s18, s3;
	s3 =	simm.s32 $0x0;
	v28 =	vld.idx.msk [tilespmem:v28+s11+$0x0], $0xffff;
	s11 =	rddreg [dreg:$0x12];
	[tilespmem:s30+$0x0] =	vst v38  }
0x626: {  	_ =	sdelay $0x1  }
0x627: {  	v57 =	vadd.s32 $0xE38, v4  }
0x628: {  	[tilespmem:s29+$0xB080] =	vst v34  }
0x629: {  	[tilespmem:s8+$0xB080] =	vst v33;
	v34 =	vld.idx.msk [tilespmem:v35+s3+$0x0], $0xffff  }
0x62a: {  	s19 =	sor.u32 $0x300, s23;
	v58 =	vadd.s32 $0xE38, v3;
	v27 =	vld.idx.msk [tilespmem:v27+s3+$0x0], $0xffff  }
0x62b: {  	s7 =	simm.s32 $0x0;
	[tilespmem:s19+$0xB080] =	vst v32  }
0x62c: {  	[tilespmem:s4+$0xB080] =	vst v28;
	v59 =	vld.idx.msk [tilespmem:v57+s7+$0x0], $0xffff  }
0x62d: {  	v60 =	vadd.s32 $0x1040, v4;
	v26 =	vld.idx.msk [tilespmem:v26+s7+$0x0], $0xffff  }
0x62e: {  	[tilespmem:s13+$0xB080] =	vst v34  }
0x62f: {  	[tilespmem:s31+$0xB080] =	vst v27;
	v61 =	vld.idx.msk [tilespmem:v58+s7+$0x0], $0xffff  }
0x630: {  	s23 =	sor.u32 $0x380, s23;
	v62 =	vadd.s32 $0x1040, v3;
	v25 =	vld.idx.msk [tilespmem:v25+s7+$0x0], $0xffff  }
0x631: {  	[tilespmem:s23+$0xB080] =	vst v59  }
0x632: {  	[tilespmem:s28+$0xB080] =	vst v26;
	v63 =	vld.idx.msk [tilespmem:v60+s7+$0x0], $0xffff  }
0x633: {  	v23 =	vld.idx.msk [tilespmem:v23+s7+$0x0], $0xffff  }
0x634: {  	v34 =	vadd.s32 $0x1248, v4;
	[tilespmem:s22+$0xB080] =	vst v61  }
0x635: {  	[tilespmem:s26+$0xB080] =	vst v25;
	s26 =	sadd.s32 $0xF080, s2;
	v35 =	vld.idx.msk [tilespmem:v62+s7+$0x0], $0xffff  }
0x636: {  	v36 =	vadd.s32 $0x1248, v3;
	v21 =	vld.idx.msk [tilespmem:v21+s7+$0x0], $0xffff;
	s28 =	sor.u32 s10, s26  }
0x637: {  	s29 =	sor.u32 s11, s26;
	[tilespmem:s28+$0x0] =	vst v63  }
0x638: {  	[tilespmem:s29+$0x0] =	vst v23  }
0x639: {  	s3 =	sor.u32 s0, s26;
	s8 =	rddreg [dreg:$0x6];
	v37 =	vld.idx.msk [tilespmem:v34+s7+$0x0], $0xffff  }
0x63a: {  	v38 =	vadd.s32 $0x1450, v4;
	v17 =	vld.idx.msk [tilespmem:v17+s7+$0x0], $0xffff;
	s30 =	sor.u32 s8, s26;
	[tilespmem:s3+$0x0] =	vst v35  }
0x63b: {  	[tilespmem:s30+$0x0] =	vst v21;
	v39 =	vld.idx.msk [tilespmem:v36+s7+$0x0], $0xffff  }
0x63c: {  	v40 =	vadd.s32 $0x1450, v3;
	s31 =	sadd.s32 $0xF100, s2;
	v18 =	vld.idx.msk [tilespmem:v18+s7+$0x0], $0xffff  }
0x63d: {  	s9 =	sor.u32 s10, s31  }
0x63e: {  	s12 =	sor.u32 s11, s31;
	[tilespmem:s9+$0x0] =	vst v37  }
0x63f: {  	s3 =	sor.u32 s0, s31;
	[tilespmem:s12+$0x0] =	vst v17;
	v41 =	vld.idx.msk [tilespmem:v38+s7+$0x0], $0xffff  }
0x640: {  	v42 =	vadd.s32 $0x1658, v4;
	s13 =	sor.u32 s8, s31;
	v15 =	vld.idx.msk [tilespmem:v15+s7+$0x0], $0xffff;
	[tilespmem:s3+$0x0] =	vst v39  }
0x641: {  	[tilespmem:s13+$0x0] =	vst v18;
	v43 =	vld.idx.msk [tilespmem:v40+s7+$0x0], $0xffff  }
0x642: {  	s16 =	sadd.s32 $0xF180, s2;
	v44 =	vadd.s32 $0x1658, v3;
	v16 =	vld.idx.msk [tilespmem:v16+s7+$0x0], $0xffff  }
0x643: {  	s17 =	sor.u32 s10, s16  }
0x644: {  	s18 =	sor.u32 s11, s16;
	[tilespmem:s17+$0x0] =	vst v41  }
0x645: {  	s3 =	sor.u32 s0, s16;
	[tilespmem:s18+$0x0] =	vst v15;
	v45 =	vld.idx.msk [tilespmem:v42+s7+$0x0], $0xffff  }
0x646: {  	v46 =	vadd.s32 $0x1860, v4;
	s19 =	sor.u32 s8, s16;
	v13 =	vld.idx.msk [tilespmem:v13+s7+$0x0], $0xffff;
	[tilespmem:s3+$0x0] =	vst v43  }
0x647: {  	[tilespmem:s19+$0x0] =	vst v16;
	v47 =	vld.idx.msk [tilespmem:v44+s7+$0x0], $0xffff  }
0x648: {  	v48 =	vadd.s32 $0x1860, v3;
	s22 =	sadd.s32 $0xF200, s2;
	v14 =	vld.idx.msk [tilespmem:v14+s7+$0x0], $0xffff  }
0x649: {  	s23 =	sor.u32 s10, s22;
	[tilespmem:s14+$0x0] =	vst v29  }
0x64a: {  	s26 =	sor.u32 s11, s22;
	[tilespmem:s23+$0x0] =	vst v45  }
0x64b: {  	s3 =	sor.u32 s0, s22;
	[tilespmem:s26+$0x0] =	vst v13;
	v49 =	vld.idx.msk [tilespmem:v46+s7+$0x0], $0xffff  }
0x64c: {  	v50 =	vadd.s32 $0x1A68, v4;
	s28 =	sor.u32 s8, s22;
	v12 =	vld.idx.msk [tilespmem:v12+s7+$0x0], $0xffff;
	[tilespmem:s3+$0x0] =	vst v47  }
0x64d: {  	[tilespmem:s28+$0x0] =	vst v14;
	v51 =	vld.idx.msk [tilespmem:v48+s7+$0x0], $0xffff  }
0x64e: {  	v52 =	vadd.s32 $0x1A68, v3;
	s29 =	sadd.s32 $0xF280, s2;
	[tilespmem:s6+$0x0] =	vst v30;
	v11 =	vld.idx.msk [tilespmem:v11+s7+$0x0], $0xffff  }
0x64f: {  	[tilespmem:s21+$0x0] =	vst v31;
	v7 =	vld.idx.msk [tilespmem:v7+s7+$0x0], $0xffff;
	s30 =	sor.u32 s10, s29  }
0x650: {  	v53 =	vadd.s32 $0x1C70, v2;
	v8 =	vld.idx.msk [tilespmem:v8+s7+$0x0], $0xffff;
	s31 =	sor.u32 s11, s29;
	[tilespmem:s30+$0x0] =	vst v49  }
0x651: {  	s3 =	sor.u32 s0, s29;
	[tilespmem:s31+$0x0] =	vst v12;
	v54 =	vld.idx.msk [tilespmem:v50+s7+$0x0], $0xffff  }
0x652: {  	v55 =	vadd.s32 $0x1C70, v4;
	s6 =	sor.u32 s8, s29;
	v9 =	vld.idx.msk [tilespmem:v9+s7+$0x0], $0xffff;
	[tilespmem:s3+$0x0] =	vst v51  }
0x653: {  	[tilespmem:s6+$0x0] =	vst v11;
	v56 =	vld.idx.msk [tilespmem:v52+s7+$0x0], $0xffff  }
0x654: {  	v58 =	vadd.s32 $0x1C70, v3;
	s9 =	sadd.s32 $0xF300, s2;
	[tilespmem:s24+$0x0] =	vst v7;
	v10 =	vld.idx.msk [tilespmem:v10+s7+$0x0], $0xffff  }
0x655: {  	v57 =	vld.idx.msk [tilespmem:v53+s7+$0x0], $0xffff;
	[tilespmem:s15+$0x0] =	vst v8;
	s12 =	sor.u32 s10, s9  }
0x656: {  	v6 =	vld.idx.msk [tilespmem:v6+s7+$0x0], $0xffff;
	s13 =	sor.u32 s11, s9;
	[tilespmem:s12+$0x0] =	vst v54  }
0x657: {  	v2 =	vadd.s32 $0x1E78, v2;
	s3 =	sor.u32 s0, s9;
	[tilespmem:s13+$0x0] =	vst v9;
	v59 =	vld.idx.msk [tilespmem:v55+s7+$0x0], $0xffff  }
0x658: {  	v60 =	vadd.s32 $0x1E78, v4;
	s14 =	sor.u32 s8, s9;
	v61 =	vld.idx.msk [tilespmem:v24+s7+$0x0], $0xffff;
	[tilespmem:s3+$0x0] =	vst v56  }
0x659: {  	[tilespmem:s14+$0x0] =	vst v10;
	v8 =	vld.idx.msk [tilespmem:v58+s7+$0x0], $0xffff  }
0x65a: {  	v3 =	vadd.s32 $0x1E78, v3;
	[tilespmem:s25+$0x0] =	vst v57;
	s15 =	sadd.s32 $0xF380, s2;
	v62 =	vld.idx.msk [tilespmem:v22+s7+$0x0], $0xffff  }
0x65b: {  	v5 =	vld.idx.msk [tilespmem:v5+s7+$0x0], $0xffff;
	s16 =	sor.u32 s10, s15;
	[tilespmem:s5+$0x0] =	vst v6  }
0x65c: {  	v2 =	vld.idx.msk [tilespmem:v2+s7+$0x0], $0xffff;
	s17 =	sor.u32 s11, s15;
	[tilespmem:s16+$0x0] =	vst v59  }
0x65d: {  	s3 =	sor.u32 s0, s15;
	[tilespmem:s17+$0x0] =	vst v61;
	v4 =	vld.idx.msk [tilespmem:v60+s7+$0x0], $0xffff  }
0x65e: {  	s18 =	sor.u32 s8, s15;
	v63 =	vld.idx.msk [tilespmem:v20+s7+$0x0], $0xffff;
	[tilespmem:s3+$0x0] =	vst v8;
	s3 =	simm.s32 $0x0  }
0x65f: {  	[tilespmem:s18+$0x0] =	vst v62;
	v3 =	vld.idx.msk [tilespmem:v3+s3+$0x0], $0xffff  }
0x660: {  	[tilespmem:s1+$0x0] =	vst v5;
	s19 =	sadd.s32 $0xF400, s2;
	v7 =	vld.idx.msk [tilespmem:v19+s3+$0x0], $0xffff  }
0x661: {  	[tilespmem:s20+$0x0] =	vst v2;
	s2 =	sor.u32 s10, s19  }
0x662: {  	s21 =	sor.u32 s11, s19;
	[tilespmem:s2+$0x0] =	vst v4  }
0x663: {  	s23 =	sor.u32 s0, s19;
	[tilespmem:s21+$0x0] =	vst v63  }
0x664: {  	s22 =	sor.u32 s8, s19;
	[tilespmem:s23+$0x0] =	vst v3  }
0x665: {  	[tilespmem:s22+$0x0] =	vst v7  }
0x666: {  	s0 =	sld [smem:$0x7FC]  }
0x667: {  	s24 =	simm.s32 $0x4000  }
0x668: {  	s25 =	simm.s32 $0x200000;
	s26 =	simm.s32 $0xB080;
	s28 =	simm.s32 $0x3  }
0x669: {  	[hbm4b:s0+s24] =	stream.strided.scatter [tilespmem:s26], [sflag:$0x4], $0x8000, s25, s24, $0x38;
	[tilespmem:$0x13080] =	vst v63  }
0x66a: {  	_ =	swait.ge [sflag:s28], $0x8000  }
0x66b: {  	[sflag:s28] =	ssyncset.done $0x0  }
0x66c: {  	s29 =	simm.s32 $0x4;
	[sflag:s28] =	ssyncadd.s32 $0xFFFF8000  }
0x66d: {  	_ =	swait.ge [sflag:s29], $0x8000  }
0x66e: {  	s30 =	sld [smem:$0x7F4]  }
0x66f: {  	s31 =	sld [smem:$0x7FD];
	_ =	sdelay $0x1  }
0x670: {  	s2 =	sadd.s32 $0x1, s30  }
0x671: {  	p1 =	sne.s32 s2, s31  }
.Ltmp9:
0x672: {  	_ = 	snop;
	(pc) =	sbr.rel @p1 .LBB2_1-.Ltmp9, $3  }
0x673: {  	_ =	sdelay $0x1  }
0x674: {  	[sflag:s29] =	ssyncset.done $0x0  }
0x675: {  	[sflag:s29] =	ssyncadd.s32 $0xFFFF8000  }
0x676: {  	_ =	sfence.sel $0x180000  }
0x677: {  	[bflag:$0x0] =	sbarrier.arrive $0xFFFF  }
0x678: {  	_ =	strace $0x90000047  }
0x679: {  	s0 =	stileid.u32;
	[bflag:$0x2] =	sbarrier.arrive $0xFFFF  }
0x67a: {  	p0 =	sne.s32 s0, $0x0;
	s0 =	rddreg [dreg:$0x2]  }
0x67b: {  	s0 =	sadd.s32 @!p0 $0x100000, s0  }
0x67c: {  	[sflag:s0] =	ssyncadd.tile.s32 @!p0 $0x1;
	_ =	shalt  }
.Lfunc_end2:
_tile_overlayer_lowered:
.L_overlay_start_2:
0x67d: {  	(tag) =	ssettag $0x2  }
0x67e: {  	s0 =	rddreg [dreg:$0x0];
	s2 =	stileid.u32  }
0x67f: {  	s1 =	rddreg [dreg:$0x1];
	p0 =	sne.s32 s2, $0x0  }
0x680: {  	s3 =	rddreg [dreg:$0x2];
	[bflag:$0x3] =	sbarrier.arrive $0xFFFF;
	s2 =	simm.s32 @!p0 $0x1C05  }
0x681: {  	[timem:s3], [sflag:s2] =	dma.local @!p0 [hbm:s0], s1  }
0x682: {  	s0 =	simm.s32 @!p0 $0x5  }
0x683: {  	_ =	swait.ge @!p0 [sflag:s0], s1  }
0x684: {  	s1 =	ssub.s32 @!p0 $0x0, s1;
	[sflag:s0] =	ssyncset.done @!p0 $0x0  }
0x685: {  	[sflag:s0] =	ssyncadd.s32 @!p0 s1  }
0x686: {  	[bflag:$0x3] =	sbarrier.arrive $0xFFFF  }
0x687: {  	_ =	shalt  }

// kernel: sparse-core-data-format-call.cloned.1.call-start
scs
called_computation_lowered:
.L_overlay_start_0:
0x0: {  	s2 =	sld [smem:$0x3FD9]  }
0x1: {  	s3 =	sld [smem:$0x3FFE];
	_ =	sdelay $0x1  }
0x2: {  	s1 =	srdreg.scid  }
0x3: {  	s0 =	sand.u32 $0x1, s1  }
0x4: {  	s18 =	sshll.u32 s0, $0xA;
	s2 =	sadd.s32 s3, s2  }
0x5: {  	s2 =	sadd.s32 s2, s18  }
0x6: {  	[smem:$0x3FC6] =	sst s2  }
0x7: {  	_ = 	snop  }
0x8: {  	s2 =	sld [smem:$0x3FD0];
	(tm) =	ssettm $0x1  }
0x9: {  	s19 =	sld [smem:$0x3FFB];
	_ =	sdelay $0x3  }
0xa: {  	_ =	strace s19  }
0xb: {  	s3 =	sld [smem:$0x3FFC];
	_ =	sdelay $0x3  }
0xc: {  	_ =	strace s3  }
0xd: {  	s3 =	sld [smem:$0x3FFD];
	_ =	sdelay $0x3  }
0xe: {  	_ =	strace s3  }
0xf: {  	_ =	strace $0x8FFFFFFF  }
0x10: {  	s20 =	sld [smem:$0x3FDB];
	_ =	sdelay $0x1  }
0x11: {  	s4 =	simm.s32 $_scs_section_size  }
0x12: {  	s5 =	simm.s32 $_size__tile_overlayer_lowered;
	s6 =	simm.s32 $_tile_overlayer_lowered  }
0x13: {  	s23 =	simm.s32 $0x1BFF;
	s22 =	sshll.u32 s6, $0x1;
	s3 =	sadd.s32 s4, s20  }
0x14: {  	s7 =	simm.s32 $0x0;
	s21 =	sshll.u32 s5, $0x1;
	s5 =	sadd.s32 s22, s3  }
0x15: {  	[timem:s7], [sflag:s23] =	dma.local [hbm:s5], s21  }
0x16: {  	_ =	swait.ge [sflag:s23], s21  }
0x17: {  	s4 =	ssub.s32 $0x0, s21;
	[sflag:s23] =	ssyncset.done $0x0  }
0x18: {  	[sflag:s23] =	ssyncadd.s32 s4;
	_ =	sdelay $0x1  }
0x19: {  	s24 =	simm.s32 $0x1B8B  }
0x1a: {  	_ =	swait.ge [sflag:s24], $0x1  }
0x1b: {  	[sflag:s24] =	ssyncset.done $0x0  }
0x1c: {  	s26 =	simm.s32 $0x1B8E;
	s25 =	sld [smem:$0x3FFE];
	[sflag:s24] =	ssyncadd.s32 $0xFFFFFFFF  }
0x1d: {  	s27 =	simm.s32 $execute0_lowered;
	[smem:$0x3FD2] =	sst s26  }
0x1e: {  	s5 =	sshll.u32 s27, $0x1;
	_ =	strace $0x80000049;
	[dreg:$0x1] =	wrdreg $0xFFFFFFFF  }
0x1f: {  	s28 =	simm.s32 $_size_execute0_lowered;
	s3 =	sadd.s32 s3, s5;
	[dreg:$0x0] =	wrdreg $0x0  }
0x20: {  	s5 =	sshll.u32 s28, $0x1;
	[dreg:$0x2] =	wrdreg s3  }
0x21: {  	[dreg:$0x3] =	wrdreg s5  }
0x22: {  	[dreg:$0x4] =	wrdreg $0xC0  }
0x23: {  	_ =	task [dreg:s7], $0x5FFFF  }
0x24: {  	[dreg:$0x1] =	wrdreg $0xFFFFFFFF  }
0x25: {  	[dreg:$0x0] =	wrdreg $0x60  }
0x26: {  	[dreg:$0x2] =	wrdreg s25  }
0x27: {  	[dreg:$0x3] =	wrdreg s2  }
0x28: {  	[dreg:$0x4] =	wrdreg $0x9  }
0x29: {  	_ =	task.clear_ibuf [dreg:s7], $0x5FFFF;
	_ =	strace $0x90000049  }
0x2a: {  	s29 =	simm.s32 $0x9;
	_ =	strace $0x8000004B  }
0x2b: {  	_ =	swait.ge [sflag:s29], $0x1  }
0x2c: {  	[sflag:s29] =	ssyncadd.s32 $0xFFFFFFFF  }
0x2d: {  	_ =	strace $0x9000004B  }
0x2e: {  	_ =	sfence  }
0x2f: {  	s30 =	sld [smem:$0x0];
	_ =	sdelay $0x2  }
0x30: {  	s31 =	sshll.u32 s1, $0xD;
	s1 =	sshrl.u32 s1, $0x2  }
0x31: {  	s3 =	sand.u32 $0x4000, s31;
	s1 =	sadd.s32 s1, s30  }
0x32: {  	s0 =	sor.u32 s3, s0;
	s1 =	sshll.u32 s1, $0x11  }
0x33: {  	s0 =	sor.u32 s1, s0  }
0x34: {  	s0 =	sadd.s32 $0x8F2B, s0  }
0x35: {  	[sflag:s0] =	ssyncadd.remote.s32 $0x1  }
0x36: {  	_ =	sfence.sel $0xFFFF  }
0x37: {  	[dreg:$0x0] =	wrdreg $0xFFFFFFFF;
	(pc) =	sbr.abs _section_cstart, $3  }
0x38: {  	[dreg:$0x1] =	wrdreg $0xFFFFFFFF  }
0x39: {  	_ =	task.clear_ibuf [dreg:s7], $0x2FFFF;
	_ =	strace $0x9FFFFFFF  }
0x3a: {  	(tm) =	ssettm $0x7FFFFFFF  }
0x3b: {  	_ =	shalt  }
tec
execute0_lowered:
.L_overlay_start_1:
0x0: {  	(tag) =	ssettag $0x1  }
0x1: {  	s0 =	rddreg [dreg:$0x0];
	s2 =	srdreg.scid  }
0x2: {  	s1 =	rddreg [dreg:$0x1];
	_ =	strace $0x8000004A;
	s4 =	simm.s32 $0x1  }
0x3: {  	s6 =	simm.s32 $0x2;
	s15 =	simm.s32 $0x0;
	s8 =	simm.s32 $0x40000  }
0x4: {  	s9 =	simm.s32 $0x0;
	s16 =	simm.s32 $0x0;
	s18 =	simm.s32 $0x0  }
0x5: {  	s17 =	simm.s32 $0x0;
	s10 =	simm.s32 $0x0;
	s2 =	sshll.u32 s2, $0x3  }
0x6: {  	s11 =	simm.s32 $0x0;
	s13 =	stileid.u32;
	s2 =	sand.u32 $0x8, s2  }
.Ltmp0:
0x7: {  	s14 =	simm.s32 $0x0;
	s3 =	ssub.s32 $0x200, s2;
	(pc) =	sbr.rel .LBB1_1-.Ltmp0, $4  }
0x8: {  	s24 =	simm.s32 $0x0;
	s5 =	sadd.s32 $0xA00, s0;
	s31 =	sshrl.u32 s3, $0x3  }
0x9: {  	[sflag:s4] =	ssyncpa.u1 $0x0;
	s7 =	sshrl.u32 s3, $0x4;
	s0 =	sand.u32 $0x1, s31  }
0xa: {  	[sflag:s6] =	ssyncpa.u1 $0x0;
	s12 =	smov.u32 s2;
	s0 =	sadd.s32 s7, s0  }
0xb: {  	s3 =	stileid.u32;
	s6 =	sshll.u32 s0, $0x1;
	s7 =	sshllo.u32 s0, $0x1  }
.LBB1_7:
0xc: {  	s0 =	sadd.s32 $0x100, s10  }
0xd: {  	s15 =	sadd.s32 $0x8, s11;
	s19 =	smov.u32 s11;
	p1 =	sgt.s32 s0, $0x1FF  }
0xe: {  	s19 =	smov.u32 @p1 s15  }
0xf: {  	s20 =	smov.u32 s12;
	s15 =	sadd.s32 $0x10, s12;
	p2 =	sgt.s32 s19, $0x7  }
0x10: {  	s20 =	smov.u32 @p2 s15  }
0x11: {  	s21 =	smov.u32 s13;
	s15 =	sadd.s32 $0x10, s13;
	p3 =	sgt.s32 s20, $0x1FF  }
0x12: {  	p0 =	slt.u32 s14, $0x2;
	s21 =	smov.u32 @p3 s15  }
0x13: {  	s16 =	smov.u32 s11;
	s0 =	simm.s32 @p1 $0x0;
	p1 =	sgt.s32 s21, $0xF  }
0x14: {  	s22 =	simm.s32 @!p0 $0x2;
	s21 =	smov.u32 @p1 s3;
	p1 =	sne.s32 s14, s7  }
.Ltmp1:
0x15: {  	s18 =	smov.u32 s12;
	_ =	swait.ge @!p0 [sflag:s22], $0x4000;
	(pc) =	sbr.rel @!p1 .LBB1_8-.Ltmp1, $4  }
0x16: {  	s17 =	smov.u32 s13;
	[sflag:s22] =	ssyncset.done @!p0 $0x0;
	s19 =	simm.s32 @p2 $0x0  }
0x17: {  	s9 =	sadd.s32 $0x4000, s9;
	[sflag:s22] =	ssyncadd.s32 @!p0 $0xFFFFC000;
	s11 =	smov.u32 s19  }
0x18: {  	s20 =	smov.u32 @p3 s2;
	s15 =	smov.u32 s10;
	s10 =	smov.u32 s0  }
0x19: {  	s12 =	smov.u32 s20;
	s14 =	sadd.s32 $0x1, s14;
	s13 =	smov.u32 s21  }
.LBB1_1:
0x1a: {  	p0 =	sge.u32 s14, s6  }
0x1b: {  	s31 =	sadd.s32 $0xFFFFFFFF, s14;
	s0 =	sxor.u32 @!p0 $0xFFFFFFFF, s14;
	s19 =	sshll.u32 @!p0 s10, $0x3  }
0x1c: {  	s20 =	sshll.u32 @!p0 s11, $0x7;
	s21 =	sand.u32 @!p0 $0x78, s10;
	s22 =	sshll.u32 @!p0 s13, $0x12  }
0x1d: {  	s23 =	sshll.u32 @!p0 s12, $0x9;
	s0 =	sshll.u32 @!p0 s0, $0xE;
	s20 =	sand.u32 @!p0 $0x380, s20  }
0x1e: {  	s19 =	sand.u32 @!p0 $0xC00, s19;
	s0 =	sand.u32 @!p0 $0x4000, s0;
	s20 =	sor.u32 @!p0 s21, s20  }
0x1f: {  	s21 =	sand.u32 @!p0 $0x7, s10;
	s19 =	sor.u32 @!p0 s19, s20;
	s20 =	sadd.s32 @!p0 s5, s22  }
0x20: {  	s21 =	sshll.u32 @!p0 s21, $0x12;
	s19 =	sshrl.u32 @!p0 s19, $0x3;
	s20 =	sadd.s32 @!p0 s23, s20  }
0x21: {  	s19 =	sadd.s32 @!p0 s19, s20;
	s20 =	sor.u32 @!p0 $0x800, s21;
	s21 =	simm.s32 @!p0 $0x1000  }
0x22: {  	[tilespmem:s0], [sflag:$0x1] =	stream.strided.gather @!p0 [hbm4b:s19+s20], $0x4000, s21, s20, $0x38;
	[tilespmem:$0x10000] =	vst v63  }
0x23: {  	p0 =	sge.u32 s31, s6  }
.Ltmp2:
0x24: {  	_ = 	snop;
	(pc) =	sbr.rel @p0 .LBB1_7-.Ltmp2, $1  }
0x25: {  	_ =	sdelay $0x3  }
0x26: {  	s0 =	sshll.u32 s9, $0x2;
	_ =	swait.ge [sflag:s4], $0x4000;
	s19 =	sshll.u32 s14, $0xE  }
0x27: {  	p0 =	por $0x0, $0x0;
	s25 =	simm.s32 $0x0;
	s26 =	simm.s32 $0x0  }
0x28: {  	s0 =	sand.u32 $0x10000, s0;
	[sflag:s4] =	ssyncset.done $0x0;
	s22 =	sand.u32 $0x4000, s19  }
0x29: {  	s0 =	sshrl.u32 s0, $0x2;
	[sflag:s4] =	ssyncadd.s32 $0xFFFFC000;
	s19 =	sor.u32 $0x8000, s22  }
0x2a: {  	s20 =	sor.u32 $0x40, s0;
	s21 =	sor.u32 $0x8410, s0;
	s23 =	sadd.s32 $0x8400, s0  }
.LBB1_3:
0x2b: {  	v1 =	vld [tilespmem:s20+$0xFFFFFFD0]  }
0x2c: {  	v2 =	vld [tilespmem:s20+$0x430]  }
0x2d: {  	s0 =	sshll.u32 s26, $0xB;
	v4 =	vld [tilespmem:s20+$0xFFFFFFE0]  }
0x2e: {  	v7 =	vld [tilespmem:s20+$0xFFFFFFF0];
	v0 =	vmov s0  }
0x2f: {  	v8 =	vld [tilespmem:s20+$0x0]  }
0x30: {  	v9 =	vld [tilespmem:s20+$0x10];
	s0 =	sand.u32 $0x300, s24  }
0x31: {  	s27 =	sand.u32 $0x80, s24;
	v10 =	vld [tilespmem:s20+$0x20];
	s0 =	sadd.s32 s0, s22  }
0x32: {  	v11 =	vld [tilespmem:s20+$0x30];
	s0 =	sadd.s32 s27, s0;
	s27 =	simm.s32 $0x1;
	[tilespmem:s21+$0x60] =	vst v2  }
0x33: {  	s27 =	simm.s32 @!p0 $0x0;
	[tilespmem:s21+$0xFFFFFC00] =	vst v1;
	v3 =	vld.idx.msk [tilespmem:v0+s0+$0x400 ss:$0x1], $0xffff;
	s0 =	sshll.u32 s25, $0x2  }
0x34: {  	v6 =	vld [tilespmem:s20+$0x3D0];
	s27 =	sshll.u32 s27, $0x9;
	[tilespmem:s21+$0xFFFFFC10] =	vst v4;
	s0 =	sand.u32 $0xFFFFFC00, s0  }
0x35: {  	v5 =	vld [tilespmem:s20+$0x3E0];
	[tilespmem:s21+$0xFFFFFC20] =	vst v7;
	s0 =	sor.u32 s27, s0  }
0x36: {  	[tilespmem:s21+$0xFFFFFC30] =	vst v8;
	v4 =	vld [tilespmem:s20+$0x400];
	s0 =	sshrl.u32 s0, $0x2  }
0x37: {  	[tilespmem:s21+$0xFFFFFC40] =	vst v9;
	v1 =	vld [tilespmem:s20+$0x410];
	s27 =	sadd.s32 s0, s23  }
0x38: {  	[tilespmem:s27+$0x0] =	vst v3;
	v3 =	vld [tilespmem:s20+$0x3F0]  }
0x39: {  	s31 =	simm.s32 $0x80;
	s30 =	simm.s32 $0x100;
	[tilespmem:s21+$0xFFFFFC50] =	vst v10;
	v2 =	vld [tilespmem:s20+$0x420]  }
0x3a: {  	s28 =	sadd.s32 $0x80, s20;
	s29 =	smov.u32 s21;
	v7 =	vld [tilespmem:s20+$0xFFFFFFC0];
	[tilespmem:s21+$0xFFFFFC60] =	vst v11;
	s0 =	sand.u32 $0x300, s31  }
.LBB1_4:
0x3b: {  	p1 =	sne.s32 s30, $0x380;
	v8 =	vld [tilespmem:s28+$0xFFFFFFD0];
	s31 =	sand.u32 $0x80, s31;
	s0 =	sadd.s32 s0, s22;
	[tilespmem:s29+$0x0] =	vst v6  }
0x3c: {  	s0 =	sadd.s32 s31, s0;
	v6 =	vld [tilespmem:s28+$0x430];
	[tilespmem:s29+$0x10] =	vst v5;
	s31 =	smov.u32 s30  }
0x3d: {  	v5 =	vld.idx.msk [tilespmem:v0+s0+$0x400 ss:$0x1], $0xffff;
	[tilespmem:s29+$0x20] =	vst v3  }
0x3e: {  	v3 =	vld [tilespmem:s28+$0xFFFFFFE0];
	[tilespmem:s29+$0x30] =	vst v4  }
0x3f: {  	v4 =	vld [tilespmem:s28+$0xFFFFFFF0];
	[tilespmem:s29+$0xFFFFFBF0] =	vst v7  }
0x40: {  	v7 =	vld [tilespmem:s28+$0x0];
	[tilespmem:s29+$0x40] =	vst v1  }
0x41: {  	v1 =	vld [tilespmem:s28+$0x10];
	[tilespmem:s29+$0x50] =	vst v2;
	s29 =	sadd.s32 $0x800, s29  }
0x42: {  	s27 =	sadd.s32 $0x800, s27;
	v2 =	vld [tilespmem:s28+$0x20];
	[tilespmem:s29+$0x60] =	vst v6  }
0x43: {  	v9 =	vld [tilespmem:s28+$0x30];
	[tilespmem:s27+$0x0] =	vst v5  }
0x44: {  	[tilespmem:s29+$0xFFFFFC00] =	vst v8;
	v6 =	vld [tilespmem:s28+$0x3D0]  }
0x45: {  	[tilespmem:s29+$0xFFFFFC10] =	vst v3;
	v5 =	vld [tilespmem:s28+$0x3E0]  }
.Ltmp3:
0x46: {  	[tilespmem:s29+$0xFFFFFC20] =	vst v4;
	v3 =	vld [tilespmem:s28+$0x3F0];
	(pc) =	sbr.rel @p1 .LBB1_4-.Ltmp3, $4  }
0x47: {  	[tilespmem:s29+$0xFFFFFC30] =	vst v7;
	v4 =	vld [tilespmem:s28+$0x400]  }
0x48: {  	[tilespmem:s29+$0xFFFFFC40] =	vst v1;
	v1 =	vld [tilespmem:s28+$0x410]  }
0x49: {  	[tilespmem:s29+$0xFFFFFC50] =	vst v2;
	v2 =	vld [tilespmem:s28+$0x420]  }
0x4a: {  	s30 =	sadd.s32 $0x80, s30;
	s0 =	sand.u32 $0x300, s31;
	v7 =	vld [tilespmem:s28+$0xFFFFFFC0];
	[tilespmem:s29+$0xFFFFFC60] =	vst v9;
	s28 =	sadd.s32 $0x80, s28  }
0x4b: {  	[tilespmem:s29+$0x0] =	vst v6  }
0x4c: {  	[tilespmem:s29+$0x10] =	vst v5  }
0x4d: {  	v49 =	vld [tilespmem:s28+$0x430];
	[tilespmem:s29+$0x20] =	vst v3  }
0x4e: {  	v50 =	vld [tilespmem:s28+$0xFFFFFFD0];
	[tilespmem:s29+$0x30] =	vst v4  }
0x4f: {  	v51 =	vld [tilespmem:s28+$0xFFFFFFE0];
	[tilespmem:s29+$0x40] =	vst v1  }
0x50: {  	v52 =	vld [tilespmem:s28+$0xFFFFFFF0];
	[tilespmem:s29+$0x50] =	vst v2  }
0x51: {  	s30 =	sand.u32 $0x80, s31;
	s31 =	sadd.s32 $0x800, s29;
	v53 =	vld [tilespmem:s28+$0x0];
	[tilespmem:s29+$0xFFFFFBF0] =	vst v7  }
0x52: {  	v54 =	vld [tilespmem:s28+$0x10];
	[tilespmem:s31+$0x60] =	vst v49  }
0x53: {  	v55 =	vld [tilespmem:s28+$0x20];
	[tilespmem:s31+$0xFFFFFC00] =	vst v50  }
0x54: {  	v56 =	vld [tilespmem:s28+$0x30];
	[tilespmem:s31+$0xFFFFFC10] =	vst v51  }
0x55: {  	v57 =	vld [tilespmem:s28+$0x3D0];
	[tilespmem:s31+$0xFFFFFC20] =	vst v52  }
0x56: {  	v58 =	vld [tilespmem:s28+$0x3E0];
	[tilespmem:s31+$0xFFFFFC30] =	vst v53  }
0x57: {  	v59 =	vld [tilespmem:s28+$0x3F0];
	[tilespmem:s31+$0xFFFFFC40] =	vst v54  }
0x58: {  	v60 =	vld [tilespmem:s28+$0x400];
	[tilespmem:s31+$0xFFFFFC50] =	vst v55  }
0x59: {  	v61 =	vld [tilespmem:s28+$0xFFFFFFC0];
	[tilespmem:s31+$0xFFFFFC60] =	vst v56  }
0x5a: {  	s0 =	sadd.s32 s0, s22;
	v62 =	vld [tilespmem:s28+$0x410];
	[tilespmem:s31+$0x0] =	vst v57  }
0x5b: {  	v63 =	vld [tilespmem:s28+$0x420];
	s26 =	sadd.s32 $0x1, s26;
	s0 =	sadd.s32 s30, s0;
	[tilespmem:s31+$0x10] =	vst v58  }
0x5c: {  	p1 =	sne.s32 s26, $0x8;
	v0 =	vld.idx.msk [tilespmem:v0+s0+$0x400 ss:$0x1], $0xffff;
	[tilespmem:s31+$0x20] =	vst v59  }
.Ltmp4:
0x5d: {  	[tilespmem:s31+$0x30] =	vst v60;
	(pc) =	sbr.rel @p1 .LBB1_3-.Ltmp4, $4  }
0x5e: {  	[tilespmem:s31+$0xFFFFFBF0] =	vst v61  }
0x5f: {  	[tilespmem:s31+$0x40] =	vst v62  }
0x60: {  	s27 =	sadd.s32 $0x800, s27;
	s20 =	sadd.s32 $0x800, s20;
	[tilespmem:s31+$0x50] =	vst v63  }
0x61: {  	s25 =	sadd.s32 $0x80, s25;
	p0 =	por !p0, !p0;
	s21 =	sadd.s32 $0x80, s21;
	[tilespmem:s27+$0x0] =	vst v0  }
0x62: {  	s0 =	sand.u32 $0x78, s15  }
0x63: {  	s20 =	sshll.u32 s18, $0x9;
	s21 =	sshll.u32 s15, $0x3;
	s27 =	sshll.u32 s18, $0x7  }
0x64: {  	s17 =	sshll.u32 s17, $0x12;
	s16 =	sshll.u32 s16, $0xF;
	s30 =	sand.u32 $0x7, s15  }
0x65: {  	s20 =	sand.u32 $0x3F000, s20;
	s21 =	sand.u32 $0x3FC00, s21;
	s28 =	sand.u32 $0x200, s27  }
0x66: {  	s18 =	sand.u32 $0x180, s27;
	s17 =	sadd.s32 s1, s17;
	s20 =	sadd.s32 s20, s21  }
.Ltmp5:
0x67: {  	s0 =	sor.u32 s18, s0;
	s20 =	sor.u32 s28, s20;
	(pc) =	sbr.rel .LBB1_7-.Ltmp5, $4  }
0x68: {  	s16 =	sadd.s32 s16, s17;
	s0 =	sshrl.u32 s0, $0x3;
	s29 =	sshrl.u32 s20, $0x3  }
0x69: {  	s15 =	sshll.u32 s30, $0x12;
	s0 =	sadd.s32 s0, s16;
	s31 =	sand.u32 $0x7FC0, s29  }
0x6a: {  	s15 =	sor.u32 $0x800, s15;
	s0 =	sadd.s32 s31, s0  }
0x6b: {  	[hbm4b:s0+s15] =	stream.strided.scatter [tilespmem:s19], [sflag:$0x2], $0x4000, s8, s15, $0x38;
	[tilespmem:$0x10000] =	vst v63  }
.LBB1_8:
0x6c: {  	_ =	sfence.sel $0x180000  }
0x6d: {  	s0 =	simm.s32 $0x1;
	[bflag:$0x0] =	sbarrier.arrive $0xFFFF  }
0x6e: {  	s31 =	simm.s32 $0x2;
	[sflag:s0] =	ssyncpa.u1 $0x1  }
0x6f: {  	[sflag:s31] =	ssyncpa.u1 $0x1  }
0x70: {  	_ =	strace $0x9000004A  }
0x71: {  	[bflag:$0x2] =	sbarrier.arrive $0xFFFF  }
0x72: {  	p0 =	sne.s32 s3, $0x0;
	s0 =	rddreg [dreg:$0x2]  }
0x73: {  	s0 =	sadd.s32 @!p0 $0x100000, s0  }
0x74: {  	[sflag:s0] =	ssyncadd.tile.s32 @!p0 $0x1;
	_ =	shalt  }
.Lfunc_end1:
_tile_overlayer_lowered:
.L_overlay_start_2:
0x75: {  	(tag) =	ssettag $0x2  }
0x76: {  	s0 =	rddreg [dreg:$0x0];
	s2 =	stileid.u32  }
0x77: {  	s1 =	rddreg [dreg:$0x1];
	p0 =	sne.s32 s2, $0x0  }
0x78: {  	s3 =	rddreg [dreg:$0x2];
	[bflag:$0x3] =	sbarrier.arrive $0xFFFF;
	s2 =	simm.s32 @!p0 $0x1C01  }
0x79: {  	[timem:s3], [sflag:s2] =	dma.local @!p0 [hbm:s0], s1  }
0x7a: {  	s0 =	simm.s32 @!p0 $0x1  }
0x7b: {  	_ =	swait.ge @!p0 [sflag:s0], s1  }
0x7c: {  	s1 =	ssub.s32 @!p0 $0x0, s1;
	[sflag:s0] =	ssyncset.done @!p0 $0x0  }
0x7d: {  	[sflag:s0] =	ssyncadd.s32 @!p0 s1  }
0x7e: {  	[bflag:$0x3] =	sbarrier.arrive $0xFFFF  }
0x7f: {  	_ =	shalt  }

</sc_bundles>
